<compile_context>
chip_gen: v7x
topology: tpu7x:2x2x1
jax: 0.10.2.dev20260603
libtpu: 0.0.44.dev20260713+nightly
codegen_flags: <defaults>
</compile_context>

<pallas_src>
import jax
import jax.numpy as jnp
from jax import lax
from jax.experimental import pallas as pl
from jax.experimental.pallas import tpu as pltpu
from jax.experimental.pallas import tpu_sc as plsc

_NC = 2
_NS = 16
_NW = _NC * _NS
_L = 16

_B = 800


def _softplus_terms(d2, bias):
    d2c = jnp.maximum(d2, 1e-24)
    bits = plsc.bitcast(d2c, jnp.int32)
    r = plsc.bitcast(jnp.int32(0x5F3759DF) - (bits >> 1), jnp.float32)
    for _ in range(3):
        r = r * (1.5 - 0.5 * d2c * r * r)
    dist = d2c * r
    x = 10.0 * (bias - (dist + 1e-8))
    u = jnp.exp(-jnp.abs(x))
    s = u / (2.0 + u)
    s2 = s * s
    lnv = 2.0 * s * (1.0 + s2 * (1.0 / 3.0 + s2 * (0.2 + s2 * (1.0 / 7.0))))
    return (jnp.maximum(x, 0.0) + lnv) * 0.1


def _sc_likelihood(z_hbm, w_hbm, ai_hbm, aj_hbm, bias_hbm, out_hbm,
                   ii0, jj0, zr0, wr0, ii1, jj1, zr1, wr1, ii2, jj2, zr2, wr2,
                   accv, biasv, sin0, sin1, sin2, six):
    E = ai_hbm.shape[0]
    epw = E // _NW
    nblk = epw // _B
    assert nblk % 3 == 2
    bufs = ((ii0, jj0, zr0, wr0, sin0), (ii1, jj1, zr1, wr1, sin1),
            (ii2, jj2, zr2, wr2, sin2))

    wid = lax.axis_index("s") * _NC + lax.axis_index("c")
    base = wid * epw

    lane = lax.iota(jnp.int32, _L)
    pltpu.sync_copy(bias_hbm, biasv)
    bias = biasv[...]

    def fire_gathers(buf):
        ii, jj, zr, wr, sin = buf
        pltpu.async_copy(z_hbm.at[ii], zr, sin)
        pltpu.async_copy(w_hbm.at[jj], wr, sin)

    def drain_in(buf):
        ii, jj, zr, wr, sin = buf
        pltpu.make_async_copy(z_hbm.at[ii], zr, sin).wait()
        pltpu.make_async_copy(w_hbm.at[jj], wr, sin).wait()

    def compute(buf, acc_in):
        ii, jj, zr, wr, sin = buf

        def group_body(g, acc):
            e16 = g * _L + lane
            d2 = jnp.zeros((_L,), jnp.float32)
            for d in range(16):
                dvec = jnp.bitwise_and(lane + d, _L - 1)
                zc = plsc.load_gather(zr, [e16, dvec])
                wc = plsc.load_gather(wr, [e16, dvec])
                t = zc - wc
                d2 = d2 + t * t
            return acc + _softplus_terms(d2, bias)

        return lax.fori_loop(0, _B // _L, group_body, acc_in, unroll=False)

    def stage_and_fire(b, buf):
        ii, jj, zr, wr, sin = buf
        off = base + b * _B
        a = pltpu.async_copy(ai_hbm.at[pl.ds(off, _B)], ii, six)
        c = pltpu.async_copy(aj_hbm.at[pl.ds(off, _B)], jj, six)
        a.wait()
        c.wait()
        fire_gathers(buf)

    stage_and_fire(0, bufs[0])
    stage_and_fire(1, bufs[1])
    acc0 = jnp.zeros((_L,), jnp.float32)

    def super_body(sstep, acc):
        for third in range(3):
            b = 3 * sstep + third
            stage_and_fire(b + 2, bufs[(third + 2) % 3])
            drain_in(bufs[third])
            acc = compute(bufs[third], acc)
        return acc

    acc = lax.fori_loop(0, nblk // 3, super_body, acc0, unroll=False)

    for b in (nblk - 2, nblk - 1):
        drain_in(bufs[b % 3])
        acc = compute(bufs[b % 3], acc)

    accv[...] = acc
    pltpu.sync_copy(accv, out_hbm.at[wid])


def _tc_reduce_body(part_ref, out_ref):
    out_ref[0, 0] = jnp.sum(part_ref[...])


def kernel(latent_z, latent_w, bias, analytical_i, analytical_j):
    sc_call = pl.kernel(
        _sc_likelihood,
        out_type=jax.ShapeDtypeStruct((_NW, _L), jnp.float32),
        mesh=plsc.VectorSubcoreMesh(core_axis_name="c", subcore_axis_name="s"),
        scratch_types=[
            pltpu.VMEM((_B,), jnp.int32),
            pltpu.VMEM((_B,), jnp.int32),
            pltpu.VMEM((_B, 16), jnp.float32),
            pltpu.VMEM((_B, 16), jnp.float32),
            pltpu.VMEM((_B,), jnp.int32),
            pltpu.VMEM((_B,), jnp.int32),
            pltpu.VMEM((_B, 16), jnp.float32),
            pltpu.VMEM((_B, 16), jnp.float32),
            pltpu.VMEM((_B,), jnp.int32),
            pltpu.VMEM((_B,), jnp.int32),
            pltpu.VMEM((_B, 16), jnp.float32),
            pltpu.VMEM((_B, 16), jnp.float32),
            pltpu.VMEM((_L,), jnp.float32),
            pltpu.VMEM((_L,), jnp.float32),
            pltpu.SemaphoreType.DMA,
            pltpu.SemaphoreType.DMA,
            pltpu.SemaphoreType.DMA,
            pltpu.SemaphoreType.DMA,
        ],
        compiler_params=pltpu.CompilerParams(
            needs_layout_passes=False, use_tc_tiling_on_sc=False),
    )
    partials = sc_call(latent_z, latent_w, analytical_i, analytical_j,
                       jnp.broadcast_to(bias, (_L,)))

    out = pl.pallas_call(
        _tc_reduce_body,
        out_shape=jax.ShapeDtypeStruct((1, 1), jnp.float32),
        out_specs=pl.BlockSpec(memory_space=pltpu.SMEM),
    )(partials)
    return out[0, 0]

# --- scband reference (transcript-rebuilt; emitter-appended) ---
"""Pipeline reference for scband-lsm-15805479649635 (READ-ONLY COPY).

The authoritative reference and input builder live on the scoring server;
editing this copy changes nothing except your own understanding.
"""

import jax, jax.numpy as jnp
import numpy as np

N1 = 100000
N2 = 100000
D = 16
E = 3200000


def setup_inputs(seed: int = 0) -> dict:
    key = jax.random.key(seed)
    k1, k2, k3, k4, k5 = jax.random.split(key, 5)
    analytical_i = jax.random.randint(k1, (E,), 0, N1, dtype=jnp.int32)
    analytical_j = jax.random.randint(k2, (E,), 0, N2, dtype=jnp.int32)
    latent_z = jax.random.normal(k3, (N1, D), dtype=jnp.float32)
    latent_w = jax.random.normal(k4, (N2, D), dtype=jnp.float32)
    bias = jax.random.uniform(k5, (1,), dtype=jnp.float32)
    return {
        "latent_z": latent_z,
        "latent_w": latent_w,
        "bias": bias,
        "analytical_i": analytical_i,
        "analytical_j": analytical_j,
    }


def reference(latent_z, latent_w, bias, analytical_i, analytical_j):
    # local_likelihood with SOFTPLUS link (nn.Softplus(beta=10))
    zi = jnp.take(latent_z, analytical_i, axis=0)
    wj = jnp.take(latent_w, analytical_j, axis=0)
    # nn.PairwiseDistance(p=2, eps=0): ||zi - wj||_2, then + 1e-8 per original code
    block_pdist = jnp.sqrt(jnp.sum((zi - wj) ** 2, axis=-1)) + 1e-08
    lambda_block = -block_pdist + bias[0]
    # softplus with beta=10: (1/10) * log(1 + exp(10 * x))
    an_lik = jnp.sum(jax.nn.softplus(10.0 * lambda_block) / 10.0)
    return an_lik

if __name__ == "__main__":
    import jax
    _d = setup_inputs()
    print(jax.jit(kernel)(*tuple(_d.values())))

</pallas_src>

<mosaic_0001>
#map = affine_map<(d0, d1) -> (0, 0)>
#map1 = affine_map<(d0, d1) -> (0)>
module attributes {stable_mosaic.version = 14 : i64} {
  func.func @_sc_likelihood(%arg0: i32, %arg1: i32, %arg2: memref<100000x16xf32, #tpu.memory_space<hbm>>, %arg3: memref<100000x16xf32, #tpu.memory_space<hbm>>, %arg4: memref<3200000xi32, #tpu.memory_space<hbm>>, %arg5: memref<3200000xi32, #tpu.memory_space<hbm>>, %arg6: memref<16xf32, #tpu.memory_space<hbm>>, %arg7: memref<32x16xf32, #tpu.memory_space<hbm>>, %arg8: memref<800xi32, #tpu.memory_space<vmem>>, %arg9: memref<800xi32, #tpu.memory_space<vmem>>, %arg10: memref<800x16xf32, #tpu.memory_space<vmem>>, %arg11: memref<800x16xf32, #tpu.memory_space<vmem>>, %arg12: memref<800xi32, #tpu.memory_space<vmem>>, %arg13: memref<800xi32, #tpu.memory_space<vmem>>, %arg14: memref<800x16xf32, #tpu.memory_space<vmem>>, %arg15: memref<800x16xf32, #tpu.memory_space<vmem>>, %arg16: memref<800xi32, #tpu.memory_space<vmem>>, %arg17: memref<800xi32, #tpu.memory_space<vmem>>, %arg18: memref<800x16xf32, #tpu.memory_space<vmem>>, %arg19: memref<800x16xf32, #tpu.memory_space<vmem>>, %arg20: memref<16xf32, #tpu.memory_space<vmem>>, %arg21: memref<16xf32, #tpu.memory_space<vmem>>, %arg22: memref<!tpu.dma_semaphore, #tpu.memory_space<semaphore_mem>>, %arg23: memref<!tpu.dma_semaphore, #tpu.memory_space<semaphore_mem>>, %arg24: memref<!tpu.dma_semaphore, #tpu.memory_space<semaphore_mem>>, %arg25: memref<!tpu.dma_semaphore, #tpu.memory_space<semaphore_mem>>) attributes {dimension_semantics = [#tpu.dimension_semantics<core_parallel>, #tpu.dimension_semantics<subcore_parallel>], iteration_bounds = array<i64: 2, 16>, scalar_prefetch = 0 : i64, scratch_operands = 18 : i64, tpu.core_type = #tpu.core_type<sc_vector_subcore>, window_params = [{transform_indices = #map}, {transform_indices = #map}, {transform_indices = #map1}, {transform_indices = #map1}, {transform_indices = #map1}, {transform_indices = #map}]} {
    %mul3A = arith.constant 2 : i32
    %mul3A_0 = arith.muli %arg1, %mul3A : i32
    %add3A = arith.addi %mul3A_0, %arg0 : i32
    %mul3A_1 = arith.constant 100000 : i32
    %mul3A_2 = arith.muli %add3A, %mul3A_1 : i32
    %iota3A = tpu.iota {dimensions = array<i32: 0>} : vector<16xi32>
    "tpu.region"() ({
      %run_scoped3A = tpu.sem_alloc : memref<!tpu.dma_semaphore, #tpu.memory_space<semaphore_mem>>
      tpu.enqueue_dma source(%arg6 : memref<16xf32, #tpu.memory_space<hbm>>) target(%arg21 : memref<16xf32, #tpu.memory_space<vmem>>) target_semaphore(%run_scoped3A : memref<!tpu.dma_semaphore, #tpu.memory_space<semaphore_mem>>)
      tpu.wait_dma2 semaphore(%run_scoped3A : memref<!tpu.dma_semaphore, #tpu.memory_space<semaphore_mem>>) src(%arg6 : memref<16xf32, #tpu.memory_space<hbm>>) dst(%arg21 : memref<16xf32, #tpu.memory_space<vmem>>)
      tpu.yield
    }) : () -> ()
    %get3A = arith.constant 0 : index
    %get3A_3 = tpu.vector_load %arg21[%get3A] {strides = array<i32>} : memref<16xf32, #tpu.memory_space<vmem>>, vector<16xf32>,
    %add3A_4 = arith.constant 0 : i32
    %add3A_5 = arith.addi %mul3A_2, %add3A_4 : i32
    %dma_start3A = tpu.memref_slice %arg4[%add3A_5] : memref<3200000xi32, #tpu.memory_space<hbm>> -> memref<800xi32, #tpu.memory_space<hbm>>
    %dma_start3A_6 = tpu.memref_slice %arg4[%add3A_5] : memref<3200000xi32, #tpu.memory_space<hbm>> -> memref<800xi32, #tpu.memory_space<hbm>>
    tpu.enqueue_dma source(%dma_start3A_6 : memref<800xi32, #tpu.memory_space<hbm>>) target(%arg8 : memref<800xi32, #tpu.memory_space<vmem>>) target_semaphore(%arg25 : memref<!tpu.dma_semaphore, #tpu.memory_space<semaphore_mem>>)
    %dma_start3A_7 = tpu.memref_slice %arg5[%add3A_5] : memref<3200000xi32, #tpu.memory_space<hbm>> -> memref<800xi32, #tpu.memory_space<hbm>>
    %dma_start3A_8 = tpu.memref_slice %arg5[%add3A_5] : memref<3200000xi32, #tpu.memory_space<hbm>> -> memref<800xi32, #tpu.memory_space<hbm>>
    tpu.enqueue_dma source(%dma_start3A_8 : memref<800xi32, #tpu.memory_space<hbm>>) target(%arg9 : memref<800xi32, #tpu.memory_space<vmem>>) target_semaphore(%arg25 : memref<!tpu.dma_semaphore, #tpu.memory_space<semaphore_mem>>)
    %dma_wait3A = tpu.memref_slice %arg4[%add3A_5] : memref<3200000xi32, #tpu.memory_space<hbm>> -> memref<800xi32, #tpu.memory_space<hbm>>
    %dma_wait3A_9 = tpu.memref_slice %arg4[%add3A_5] : memref<3200000xi32, #tpu.memory_space<hbm>> -> memref<800xi32, #tpu.memory_space<hbm>>
    tpu.wait_dma2 semaphore(%arg25 : memref<!tpu.dma_semaphore, #tpu.memory_space<semaphore_mem>>) src(%dma_wait3A_9 : memref<800xi32, #tpu.memory_space<hbm>>) dst(%arg8 : memref<800xi32, #tpu.memory_space<vmem>>)
    %dma_wait3A_10 = tpu.memref_slice %arg5[%add3A_5] : memref<3200000xi32, #tpu.memory_space<hbm>> -> memref<800xi32, #tpu.memory_space<hbm>>
    %dma_wait3A_11 = tpu.memref_slice %arg5[%add3A_5] : memref<3200000xi32, #tpu.memory_space<hbm>> -> memref<800xi32, #tpu.memory_space<hbm>>
    tpu.wait_dma2 semaphore(%arg25 : memref<!tpu.dma_semaphore, #tpu.memory_space<semaphore_mem>>) src(%dma_wait3A_11 : memref<800xi32, #tpu.memory_space<hbm>>) dst(%arg9 : memref<800xi32, #tpu.memory_space<vmem>>)
    %dma_start3A_12 = arith.constant 0 : i32
    %dma_start3A_13 = arith.constant 0 : i32
    %dma_start3A_14 = tpu.memref_slice %arg2[%dma_start3A_12, %dma_start3A_13] : memref<100000x16xf32, #tpu.memory_space<hbm>> -> memref<100000x16xf32, #tpu.memory_space<hbm>>
    tpu.enqueue_indirect_dma source(%dma_start3A_14 : memref<100000x16xf32, #tpu.memory_space<hbm>>) target(%arg10 : memref<800x16xf32, #tpu.memory_space<vmem>>) offsets(%arg8 : memref<800xi32, #tpu.memory_space<vmem>>) semaphore(%arg22 : memref<!tpu.dma_semaphore, #tpu.memory_space<semaphore_mem>>)
    %dma_start3A_15 = arith.constant 0 : i32
    %dma_start3A_16 = arith.constant 0 : i32
    %dma_start3A_17 = tpu.memref_slice %arg3[%dma_start3A_15, %dma_start3A_16] : memref<100000x16xf32, #tpu.memory_space<hbm>> -> memref<100000x16xf32, #tpu.memory_space<hbm>>
    tpu.enqueue_indirect_dma source(%dma_start3A_17 : memref<100000x16xf32, #tpu.memory_space<hbm>>) target(%arg11 : memref<800x16xf32, #tpu.memory_space<vmem>>) offsets(%arg9 : memref<800xi32, #tpu.memory_space<vmem>>) semaphore(%arg22 : memref<!tpu.dma_semaphore, #tpu.memory_space<semaphore_mem>>)
    %add3A_18 = arith.constant 800 : i32
    %add3A_19 = arith.addi %mul3A_2, %add3A_18 : i32
    %dma_start3A_20 = tpu.memref_slice %arg4[%add3A_19] : memref<3200000xi32, #tpu.memory_space<hbm>> -> memref<800xi32, #tpu.memory_space<hbm>>
    %dma_start3A_21 = tpu.memref_slice %arg4[%add3A_19] : memref<3200000xi32, #tpu.memory_space<hbm>> -> memref<800xi32, #tpu.memory_space<hbm>>
    tpu.enqueue_dma source(%dma_start3A_21 : memref<800xi32, #tpu.memory_space<hbm>>) target(%arg12 : memref<800xi32, #tpu.memory_space<vmem>>) target_semaphore(%arg25 : memref<!tpu.dma_semaphore, #tpu.memory_space<semaphore_mem>>)
    %dma_start3A_22 = tpu.memref_slice %arg5[%add3A_19] : memref<3200000xi32, #tpu.memory_space<hbm>> -> memref<800xi32, #tpu.memory_space<hbm>>
    %dma_start3A_23 = tpu.memref_slice %arg5[%add3A_19] : memref<3200000xi32, #tpu.memory_space<hbm>> -> memref<800xi32, #tpu.memory_space<hbm>>
    tpu.enqueue_dma source(%dma_start3A_23 : memref<800xi32, #tpu.memory_space<hbm>>) target(%arg13 : memref<800xi32, #tpu.memory_space<vmem>>) target_semaphore(%arg25 : memref<!tpu.dma_semaphore, #tpu.memory_space<semaphore_mem>>)
    %dma_wait3A_24 = tpu.memref_slice %arg4[%add3A_19] : memref<3200000xi32, #tpu.memory_space<hbm>> -> memref<800xi32, #tpu.memory_space<hbm>>
    %dma_wait3A_25 = tpu.memref_slice %arg4[%add3A_19] : memref<3200000xi32, #tpu.memory_space<hbm>> -> memref<800xi32, #tpu.memory_space<hbm>>
    tpu.wait_dma2 semaphore(%arg25 : memref<!tpu.dma_semaphore, #tpu.memory_space<semaphore_mem>>) src(%dma_wait3A_25 : memref<800xi32, #tpu.memory_space<hbm>>) dst(%arg12 : memref<800xi32, #tpu.memory_space<vmem>>)
    %dma_wait3A_26 = tpu.memref_slice %arg5[%add3A_19] : memref<3200000xi32, #tpu.memory_space<hbm>> -> memref<800xi32, #tpu.memory_space<hbm>>
    %dma_wait3A_27 = tpu.memref_slice %arg5[%add3A_19] : memref<3200000xi32, #tpu.memory_space<hbm>> -> memref<800xi32, #tpu.memory_space<hbm>>
    tpu.wait_dma2 semaphore(%arg25 : memref<!tpu.dma_semaphore, #tpu.memory_space<semaphore_mem>>) src(%dma_wait3A_27 : memref<800xi32, #tpu.memory_space<hbm>>) dst(%arg13 : memref<800xi32, #tpu.memory_space<vmem>>)
    %dma_start3A_28 = arith.constant 0 : i32
    %dma_start3A_29 = arith.constant 0 : i32
    %dma_start3A_30 = tpu.memref_slice %arg2[%dma_start3A_28, %dma_start3A_29] : memref<100000x16xf32, #tpu.memory_space<hbm>> -> memref<100000x16xf32, #tpu.memory_space<hbm>>
    tpu.enqueue_indirect_dma source(%dma_start3A_30 : memref<100000x16xf32, #tpu.memory_space<hbm>>) target(%arg14 : memref<800x16xf32, #tpu.memory_space<vmem>>) offsets(%arg12 : memref<800xi32, #tpu.memory_space<vmem>>) semaphore(%arg23 : memref<!tpu.dma_semaphore, #tpu.memory_space<semaphore_mem>>)
    %dma_start3A_31 = arith.constant 0 : i32
    %dma_start3A_32 = arith.constant 0 : i32
    %dma_start3A_33 = tpu.memref_slice %arg3[%dma_start3A_31, %dma_start3A_32] : memref<100000x16xf32, #tpu.memory_space<hbm>> -> memref<100000x16xf32, #tpu.memory_space<hbm>>
    tpu.enqueue_indirect_dma source(%dma_start3A_33 : memref<100000x16xf32, #tpu.memory_space<hbm>>) target(%arg15 : memref<800x16xf32, #tpu.memory_space<vmem>>) offsets(%arg13 : memref<800xi32, #tpu.memory_space<vmem>>) semaphore(%arg23 : memref<!tpu.dma_semaphore, #tpu.memory_space<semaphore_mem>>)
    %broadcast_in_dim3A = arith.constant 0.000000e+00 : f32
    %broadcast_in_dim3A_34 = vector.broadcast %broadcast_in_dim3A : f32 to vector<16xf32>
    %scan3A = arith.constant 0 : i32
    %scan3A_35 = arith.constant 41 : i32
    %scan3A_36 = arith.addi %scan3A, %scan3A_35 : i32
    %scan3A_37 = arith.constant 1 : i32
    %scan3A_38 = scf.for %scan3A_65 = %scan3A to %scan3A_36 step %scan3A_37 iter_args(%scan3A_66 = %broadcast_in_dim3A_34) -> (vector<16xf32>)  : i32 {
      %mul3A_67 = arith.constant 3 : i32
      %mul3A_68 = arith.muli %mul3A_67, %scan3A_65 : i32
      %add3A_69 = arith.constant 0 : i32
      %add3A_70 = arith.addi %mul3A_68, %add3A_69 : i32
      %add3A_71 = arith.constant 2 : i32
      %add3A_72 = arith.addi %add3A_70, %add3A_71 : i32
      %mul3A_73 = arith.constant 800 : i32
      %mul3A_74 = arith.muli %add3A_72, %mul3A_73 : i32
      %add3A_75 = arith.addi %mul3A_2, %mul3A_74 : i32
      %dma_start3A_76 = tpu.memref_slice %arg4[%add3A_75] : memref<3200000xi32, #tpu.memory_space<hbm>> -> memref<800xi32, #tpu.memory_space<hbm>>
      %dma_start3A_77 = tpu.memref_slice %arg4[%add3A_75] : memref<3200000xi32, #tpu.memory_space<hbm>> -> memref<800xi32, #tpu.memory_space<hbm>>
      tpu.enqueue_dma source(%dma_start3A_77 : memref<800xi32, #tpu.memory_space<hbm>>) target(%arg16 : memref<800xi32, #tpu.memory_space<vmem>>) target_semaphore(%arg25 : memref<!tpu.dma_semaphore, #tpu.memory_space<semaphore_mem>>)
      %dma_start3A_78 = tpu.memref_slice %arg5[%add3A_75] : memref<3200000xi32, #tpu.memory_space<hbm>> -> memref<800xi32, #tpu.memory_space<hbm>>
      %dma_start3A_79 = tpu.memref_slice %arg5[%add3A_75] : memref<3200000xi32, #tpu.memory_space<hbm>> -> memref<800xi32, #tpu.memory_space<hbm>>
      tpu.enqueue_dma source(%dma_start3A_79 : memref<800xi32, #tpu.memory_space<hbm>>) target(%arg17 : memref<800xi32, #tpu.memory_space<vmem>>) target_semaphore(%arg25 : memref<!tpu.dma_semaphore, #tpu.memory_space<semaphore_mem>>)
      %dma_wait3A_80 = tpu.memref_slice %arg4[%add3A_75] : memref<3200000xi32, #tpu.memory_space<hbm>> -> memref<800xi32, #tpu.memory_space<hbm>>
      %dma_wait3A_81 = tpu.memref_slice %arg4[%add3A_75] : memref<3200000xi32, #tpu.memory_space<hbm>> -> memref<800xi32, #tpu.memory_space<hbm>>
      tpu.wait_dma2 semaphore(%arg25 : memref<!tpu.dma_semaphore, #tpu.memory_space<semaphore_mem>>) src(%dma_wait3A_81 : memref<800xi32, #tpu.memory_space<hbm>>) dst(%arg16 : memref<800xi32, #tpu.memory_space<vmem>>)
      %dma_wait3A_82 = tpu.memref_slice %arg5[%add3A_75] : memref<3200000xi32, #tpu.memory_space<hbm>> -> memref<800xi32, #tpu.memory_space<hbm>>
      %dma_wait3A_83 = tpu.memref_slice %arg5[%add3A_75] : memref<3200000xi32, #tpu.memory_space<hbm>> -> memref<800xi32, #tpu.memory_space<hbm>>
      tpu.wait_dma2 semaphore(%arg25 : memref<!tpu.dma_semaphore, #tpu.memory_space<semaphore_mem>>) src(%dma_wait3A_83 : memref<800xi32, #tpu.memory_space<hbm>>) dst(%arg17 : memref<800xi32, #tpu.memory_space<vmem>>)
      %dma_start3A_84 = arith.constant 0 : i32
      %dma_start3A_85 = arith.constant 0 : i32
      %dma_start3A_86 = tpu.memref_slice %arg2[%dma_start3A_84, %dma_start3A_85] : memref<100000x16xf32, #tpu.memory_space<hbm>> -> memref<100000x16xf32, #tpu.memory_space<hbm>>
      tpu.enqueue_indirect_dma source(%dma_start3A_86 : memref<100000x16xf32, #tpu.memory_space<hbm>>) target(%arg18 : memref<800x16xf32, #tpu.memory_space<vmem>>) offsets(%arg16 : memref<800xi32, #tpu.memory_space<vmem>>) semaphore(%arg24 : memref<!tpu.dma_semaphore, #tpu.memory_space<semaphore_mem>>)
      %dma_start3A_87 = arith.constant 0 : i32
      %dma_start3A_88 = arith.constant 0 : i32
      %dma_start3A_89 = tpu.memref_slice %arg3[%dma_start3A_87, %dma_start3A_88] : memref<100000x16xf32, #tpu.memory_space<hbm>> -> memref<100000x16xf32, #tpu.memory_space<hbm>>
      tpu.enqueue_indirect_dma source(%dma_start3A_89 : memref<100000x16xf32, #tpu.memory_space<hbm>>) target(%arg19 : memref<800x16xf32, #tpu.memory_space<vmem>>) offsets(%arg17 : memref<800xi32, #tpu.memory_space<vmem>>) semaphore(%arg24 : memref<!tpu.dma_semaphore, #tpu.memory_space<semaphore_mem>>)
      %dma_wait3A_90 = arith.constant 0 : i32
      %dma_wait3A_91 = arith.constant 0 : i32
      %dma_wait3A_92 = tpu.memref_slice %arg2[%dma_wait3A_90, %dma_wait3A_91] : memref<100000x16xf32, #tpu.memory_space<hbm>> -> memref<100000x16xf32, #tpu.memory_space<hbm>>
      tpu.wait_indirect_dma semaphore(%arg22 : memref<!tpu.dma_semaphore, #tpu.memory_space<semaphore_mem>>) src(%dma_wait3A_92 : memref<100000x16xf32, #tpu.memory_space<hbm>>) dst(%arg10 : memref<800x16xf32, #tpu.memory_space<vmem>>)
      %dma_wait3A_93 = arith.constant 0 : i32
      %dma_wait3A_94 = arith.constant 0 : i32
      %dma_wait3A_95 = tpu.memref_slice %arg3[%dma_wait3A_93, %dma_wait3A_94] : memref<100000x16xf32, #tpu.memory_space<hbm>> -> memref<100000x16xf32, #tpu.memory_space<hbm>>
      tpu.wait_indirect_dma semaphore(%arg22 : memref<!tpu.dma_semaphore, #tpu.memory_space<semaphore_mem>>) src(%dma_wait3A_95 : memref<100000x16xf32, #tpu.memory_space<hbm>>) dst(%arg11 : memref<800x16xf32, #tpu.memory_space<vmem>>)
      %scan3A_96 = arith.constant 0 : i32
      %scan3A_97 = arith.constant 50 : i32
      %scan3A_98 = arith.addi %scan3A_96, %scan3A_97 : i32
      %scan3A_99 = arith.constant 1 : i32
      %scan3A_100 = scf.for %scan3A_172 = %scan3A_96 to %scan3A_98 step %scan3A_99 iter_args(%scan3A_173 = %scan3A_66) -> (vector<16xf32>)  : i32 {
        %mul3A_174 = arith.constant 16 : i32
        %mul3A_175 = arith.muli %scan3A_172, %mul3A_174 : i32
        %add3A_176 = vector.broadcast %mul3A_175 : i32 to vector<16xi32>
        %add3A_177 = arith.addi %add3A_176, %iota3A : vector<16xi32>
        %broadcast_in_dim3A_178 = arith.constant 0.000000e+00 : f32
        %broadcast_in_dim3A_179 = vector.broadcast %broadcast_in_dim3A_178 : f32 to vector<16xf32>
        %add3A_180 = arith.constant 0 : i32
        %add3A_181 = vector.broadcast %add3A_180 : i32 to vector<16xi32>
        %add3A_182 = arith.addi %iota3A, %add3A_181 : vector<16xi32>
        %and3A = arith.constant 15 : i32
        %and3A_183 = vector.broadcast %and3A : i32 to vector<16xi32>
        %and3A_184 = arith.andi %add3A_182, %and3A_183 : vector<16xi32>
        %gather3A = tpu.vector_load_idx %arg10[%add3A_177, %and3A_184] : memref<800x16xf32, #tpu.memory_space<vmem>>[vector<16xi32>, vector<16xi32>], vector<16xf32>,
        %gather3A_185 = tpu.vector_load_idx %arg11[%add3A_177, %and3A_184] : memref<800x16xf32, #tpu.memory_space<vmem>>[vector<16xi32>, vector<16xi32>], vector<16xf32>,
        %sub3A = arith.subf %gather3A, %gather3A_185 : vector<16xf32>
        %mul3A_186 = arith.mulf %sub3A, %sub3A : vector<16xf32>
        %add3A_187 = arith.addf %broadcast_in_dim3A_179, %mul3A_186 : vector<16xf32>
        %add3A_188 = arith.constant 1 : i32
        %add3A_189 = vector.broadcast %add3A_188 : i32 to vector<16xi32>
        %add3A_190 = arith.addi %iota3A, %add3A_189 : vector<16xi32>
        %and3A_191 = arith.constant 15 : i32
        %and3A_192 = vector.broadcast %and3A_191 : i32 to vector<16xi32>
        %and3A_193 = arith.andi %add3A_190, %and3A_192 : vector<16xi32>
        %gather3A_194 = tpu.vector_load_idx %arg10[%add3A_177, %and3A_193] : memref<800x16xf32, #tpu.memory_space<vmem>>[vector<16xi32>, vector<16xi32>], vector<16xf32>,
        %gather3A_195 = tpu.vector_load_idx %arg11[%add3A_177, %and3A_193] : memref<800x16xf32, #tpu.memory_space<vmem>>[vector<16xi32>, vector<16xi32>], vector<16xf32>,
        %sub3A_196 = arith.subf %gather3A_194, %gather3A_195 : vector<16xf32>
        %mul3A_197 = arith.mulf %sub3A_196, %sub3A_196 : vector<16xf32>
        %add3A_198 = arith.addf %add3A_187, %mul3A_197 : vector<16xf32>
        %add3A_199 = arith.constant 2 : i32
        %add3A_200 = vector.broadcast %add3A_199 : i32 to vector<16xi32>
        %add3A_201 = arith.addi %iota3A, %add3A_200 : vector<16xi32>
        %and3A_202 = arith.constant 15 : i32
        %and3A_203 = vector.broadcast %and3A_202 : i32 to vector<16xi32>
        %and3A_204 = arith.andi %add3A_201, %and3A_203 : vector<16xi32>
        %gather3A_205 = tpu.vector_load_idx %arg10[%add3A_177, %and3A_204] : memref<800x16xf32, #tpu.memory_space<vmem>>[vector<16xi32>, vector<16xi32>], vector<16xf32>,
        %gather3A_206 = tpu.vector_load_idx %arg11[%add3A_177, %and3A_204] : memref<800x16xf32, #tpu.memory_space<vmem>>[vector<16xi32>, vector<16xi32>], vector<16xf32>,
        %sub3A_207 = arith.subf %gather3A_205, %gather3A_206 : vector<16xf32>
        %mul3A_208 = arith.mulf %sub3A_207, %sub3A_207 : vector<16xf32>
        %add3A_209 = arith.addf %add3A_198, %mul3A_208 : vector<16xf32>
        %add3A_210 = arith.constant 3 : i32
        %add3A_211 = vector.broadcast %add3A_210 : i32 to vector<16xi32>
        %add3A_212 = arith.addi %iota3A, %add3A_211 : vector<16xi32>
        %and3A_213 = arith.constant 15 : i32
        %and3A_214 = vector.broadcast %and3A_213 : i32 to vector<16xi32>
        %and3A_215 = arith.andi %add3A_212, %and3A_214 : vector<16xi32>
        %gather3A_216 = tpu.vector_load_idx %arg10[%add3A_177, %and3A_215] : memref<800x16xf32, #tpu.memory_space<vmem>>[vector<16xi32>, vector<16xi32>], vector<16xf32>,
        %gather3A_217 = tpu.vector_load_idx %arg11[%add3A_177, %and3A_215] : memref<800x16xf32, #tpu.memory_space<vmem>>[vector<16xi32>, vector<16xi32>], vector<16xf32>,
        %sub3A_218 = arith.subf %gather3A_216, %gather3A_217 : vector<16xf32>
        %mul3A_219 = arith.mulf %sub3A_218, %sub3A_218 : vector<16xf32>
        %add3A_220 = arith.addf %add3A_209, %mul3A_219 : vector<16xf32>
        %add3A_221 = arith.constant 4 : i32
        %add3A_222 = vector.broadcast %add3A_221 : i32 to vector<16xi32>
        %add3A_223 = arith.addi %iota3A, %add3A_222 : vector<16xi32>
        %and3A_224 = arith.constant 15 : i32
        %and3A_225 = vector.broadcast %and3A_224 : i32 to vector<16xi32>
        %and3A_226 = arith.andi %add3A_223, %and3A_225 : vector<16xi32>
        %gather3A_227 = tpu.vector_load_idx %arg10[%add3A_177, %and3A_226] : memref<800x16xf32, #tpu.memory_space<vmem>>[vector<16xi32>, vector<16xi32>], vector<16xf32>,
        %gather3A_228 = tpu.vector_load_idx %arg11[%add3A_177, %and3A_226] : memref<800x16xf32, #tpu.memory_space<vmem>>[vector<16xi32>, vector<16xi32>], vector<16xf32>,
        %sub3A_229 = arith.subf %gather3A_227, %gather3A_228 : vector<16xf32>
        %mul3A_230 = arith.mulf %sub3A_229, %sub3A_229 : vector<16xf32>
        %add3A_231 = arith.addf %add3A_220, %mul3A_230 : vector<16xf32>
        %add3A_232 = arith.constant 5 : i32
        %add3A_233 = vector.broadcast %add3A_232 : i32 to vector<16xi32>
        %add3A_234 = arith.addi %iota3A, %add3A_233 : vector<16xi32>
        %and3A_235 = arith.constant 15 : i32
        %and3A_236 = vector.broadcast %and3A_235 : i32 to vector<16xi32>
        %and3A_237 = arith.andi %add3A_234, %and3A_236 : vector<16xi32>
        %gather3A_238 = tpu.vector_load_idx %arg10[%add3A_177, %and3A_237] : memref<800x16xf32, #tpu.memory_space<vmem>>[vector<16xi32>, vector<16xi32>], vector<16xf32>,
        %gather3A_239 = tpu.vector_load_idx %arg11[%add3A_177, %and3A_237] : memref<800x16xf32, #tpu.memory_space<vmem>>[vector<16xi32>, vector<16xi32>], vector<16xf32>,
        %sub3A_240 = arith.subf %gather3A_238, %gather3A_239 : vector<16xf32>
        %mul3A_241 = arith.mulf %sub3A_240, %sub3A_240 : vector<16xf32>
        %add3A_242 = arith.addf %add3A_231, %mul3A_241 : vector<16xf32>
        %add3A_243 = arith.constant 6 : i32
        %add3A_244 = vector.broadcast %add3A_243 : i32 to vector<16xi32>
        %add3A_245 = arith.addi %iota3A, %add3A_244 : vector<16xi32>
        %and3A_246 = arith.constant 15 : i32
        %and3A_247 = vector.broadcast %and3A_246 : i32 to vector<16xi32>
        %and3A_248 = arith.andi %add3A_245, %and3A_247 : vector<16xi32>
        %gather3A_249 = tpu.vector_load_idx %arg10[%add3A_177, %and3A_248] : memref<800x16xf32, #tpu.memory_space<vmem>>[vector<16xi32>, vector<16xi32>], vector<16xf32>,
        %gather3A_250 = tpu.vector_load_idx %arg11[%add3A_177, %and3A_248] : memref<800x16xf32, #tpu.memory_space<vmem>>[vector<16xi32>, vector<16xi32>], vector<16xf32>,
        %sub3A_251 = arith.subf %gather3A_249, %gather3A_250 : vector<16xf32>
        %mul3A_252 = arith.mulf %sub3A_251, %sub3A_251 : vector<16xf32>
        %add3A_253 = arith.addf %add3A_242, %mul3A_252 : vector<16xf32>
        %add3A_254 = arith.constant 7 : i32
        %add3A_255 = vector.broadcast %add3A_254 : i32 to vector<16xi32>
        %add3A_256 = arith.addi %iota3A, %add3A_255 : vector<16xi32>
        %and3A_257 = arith.constant 15 : i32
        %and3A_258 = vector.broadcast %and3A_257 : i32 to vector<16xi32>
        %and3A_259 = arith.andi %add3A_256, %and3A_258 : vector<16xi32>
        %gather3A_260 = tpu.vector_load_idx %arg10[%add3A_177, %and3A_259] : memref<800x16xf32, #tpu.memory_space<vmem>>[vector<16xi32>, vector<16xi32>], vector<16xf32>,
        %gather3A_261 = tpu.vector_load_idx %arg11[%add3A_177, %and3A_259] : memref<800x16xf32, #tpu.memory_space<vmem>>[vector<16xi32>, vector<16xi32>], vector<16xf32>,
        %sub3A_262 = arith.subf %gather3A_260, %gather3A_261 : vector<16xf32>
        %mul3A_263 = arith.mulf %sub3A_262, %sub3A_262 : vector<16xf32>
        %add3A_264 = arith.addf %add3A_253, %mul3A_263 : vector<16xf32>
        %add3A_265 = arith.constant 8 : i32
        %add3A_266 = vector.broadcast %add3A_265 : i32 to vector<16xi32>
        %add3A_267 = arith.addi %iota3A, %add3A_266 : vector<16xi32>
        %and3A_268 = arith.constant 15 : i32
        %and3A_269 = vector.broadcast %and3A_268 : i32 to vector<16xi32>
        %and3A_270 = arith.andi %add3A_267, %and3A_269 : vector<16xi32>
        %gather3A_271 = tpu.vector_load_idx %arg10[%add3A_177, %and3A_270] : memref<800x16xf32, #tpu.memory_space<vmem>>[vector<16xi32>, vector<16xi32>], vector<16xf32>,
        %gather3A_272 = tpu.vector_load_idx %arg11[%add3A_177, %and3A_270] : memref<800x16xf32, #tpu.memory_space<vmem>>[vector<16xi32>, vector<16xi32>], vector<16xf32>,
        %sub3A_273 = arith.subf %gather3A_271, %gather3A_272 : vector<16xf32>
        %mul3A_274 = arith.mulf %sub3A_273, %sub3A_273 : vector<16xf32>
        %add3A_275 = arith.addf %add3A_264, %mul3A_274 : vector<16xf32>
        %add3A_276 = arith.constant 9 : i32
        %add3A_277 = vector.broadcast %add3A_276 : i32 to vector<16xi32>
        %add3A_278 = arith.addi %iota3A, %add3A_277 : vector<16xi32>
        %and3A_279 = arith.constant 15 : i32
        %and3A_280 = vector.broadcast %and3A_279 : i32 to vector<16xi32>
        %and3A_281 = arith.andi %add3A_278, %and3A_280 : vector<16xi32>
        %gather3A_282 = tpu.vector_load_idx %arg10[%add3A_177, %and3A_281] : memref<800x16xf32, #tpu.memory_space<vmem>>[vector<16xi32>, vector<16xi32>], vector<16xf32>,
        %gather3A_283 = tpu.vector_load_idx %arg11[%add3A_177, %and3A_281] : memref<800x16xf32, #tpu.memory_space<vmem>>[vector<16xi32>, vector<16xi32>], vector<16xf32>,
        %sub3A_284 = arith.subf %gather3A_282, %gather3A_283 : vector<16xf32>
        %mul3A_285 = arith.mulf %sub3A_284, %sub3A_284 : vector<16xf32>
        %add3A_286 = arith.addf %add3A_275, %mul3A_285 : vector<16xf32>
        %add3A_287 = arith.constant 10 : i32
        %add3A_288 = vector.broadcast %add3A_287 : i32 to vector<16xi32>
        %add3A_289 = arith.addi %iota3A, %add3A_288 : vector<16xi32>
        %and3A_290 = arith.constant 15 : i32
        %and3A_291 = vector.broadcast %and3A_290 : i32 to vector<16xi32>
        %and3A_292 = arith.andi %add3A_289, %and3A_291 : vector<16xi32>
        %gather3A_293 = tpu.vector_load_idx %arg10[%add3A_177, %and3A_292] : memref<800x16xf32, #tpu.memory_space<vmem>>[vector<16xi32>, vector<16xi32>], vector<16xf32>,
        %gather3A_294 = tpu.vector_load_idx %arg11[%add3A_177, %and3A_292] : memref<800x16xf32, #tpu.memory_space<vmem>>[vector<16xi32>, vector<16xi32>], vector<16xf32>,
        %sub3A_295 = arith.subf %gather3A_293, %gather3A_294 : vector<16xf32>
        %mul3A_296 = arith.mulf %sub3A_295, %sub3A_295 : vector<16xf32>
        %add3A_297 = arith.addf %add3A_286, %mul3A_296 : vector<16xf32>
        %add3A_298 = arith.constant 11 : i32
        %add3A_299 = vector.broadcast %add3A_298 : i32 to vector<16xi32>
        %add3A_300 = arith.addi %iota3A, %add3A_299 : vector<16xi32>
        %and3A_301 = arith.constant 15 : i32
        %and3A_302 = vector.broadcast %and3A_301 : i32 to vector<16xi32>
        %and3A_303 = arith.andi %add3A_300, %and3A_302 : vector<16xi32>
        %gather3A_304 = tpu.vector_load_idx %arg10[%add3A_177, %and3A_303] : memref<800x16xf32, #tpu.memory_space<vmem>>[vector<16xi32>, vector<16xi32>], vector<16xf32>,
        %gather3A_305 = tpu.vector_load_idx %arg11[%add3A_177, %and3A_303] : memref<800x16xf32, #tpu.memory_space<vmem>>[vector<16xi32>, vector<16xi32>], vector<16xf32>,
        %sub3A_306 = arith.subf %gather3A_304, %gather3A_305 : vector<16xf32>
        %mul3A_307 = arith.mulf %sub3A_306, %sub3A_306 : vector<16xf32>
        %add3A_308 = arith.addf %add3A_297, %mul3A_307 : vector<16xf32>
        %add3A_309 = arith.constant 12 : i32
        %add3A_310 = vector.broadcast %add3A_309 : i32 to vector<16xi32>
        %add3A_311 = arith.addi %iota3A, %add3A_310 : vector<16xi32>
        %and3A_312 = arith.constant 15 : i32
        %and3A_313 = vector.broadcast %and3A_312 : i32 to vector<16xi32>
        %and3A_314 = arith.andi %add3A_311, %and3A_313 : vector<16xi32>
        %gather3A_315 = tpu.vector_load_idx %arg10[%add3A_177, %and3A_314] : memref<800x16xf32, #tpu.memory_space<vmem>>[vector<16xi32>, vector<16xi32>], vector<16xf32>,
        %gather3A_316 = tpu.vector_load_idx %arg11[%add3A_177, %and3A_314] : memref<800x16xf32, #tpu.memory_space<vmem>>[vector<16xi32>, vector<16xi32>], vector<16xf32>,
        %sub3A_317 = arith.subf %gather3A_315, %gather3A_316 : vector<16xf32>
        %mul3A_318 = arith.mulf %sub3A_317, %sub3A_317 : vector<16xf32>
        %add3A_319 = arith.addf %add3A_308, %mul3A_318 : vector<16xf32>
        %add3A_320 = arith.constant 13 : i32
        %add3A_321 = vector.broadcast %add3A_320 : i32 to vector<16xi32>
        %add3A_322 = arith.addi %iota3A, %add3A_321 : vector<16xi32>
        %and3A_323 = arith.constant 15 : i32
        %and3A_324 = vector.broadcast %and3A_323 : i32 to vector<16xi32>
        %and3A_325 = arith.andi %add3A_322, %and3A_324 : vector<16xi32>
        %gather3A_326 = tpu.vector_load_idx %arg10[%add3A_177, %and3A_325] : memref<800x16xf32, #tpu.memory_space<vmem>>[vector<16xi32>, vector<16xi32>], vector<16xf32>,
        %gather3A_327 = tpu.vector_load_idx %arg11[%add3A_177, %and3A_325] : memref<800x16xf32, #tpu.memory_space<vmem>>[vector<16xi32>, vector<16xi32>], vector<16xf32>,
        %sub3A_328 = arith.subf %gather3A_326, %gather3A_327 : vector<16xf32>
        %mul3A_329 = arith.mulf %sub3A_328, %sub3A_328 : vector<16xf32>
        %add3A_330 = arith.addf %add3A_319, %mul3A_329 : vector<16xf32>
        %add3A_331 = arith.constant 14 : i32
        %add3A_332 = vector.broadcast %add3A_331 : i32 to vector<16xi32>
        %add3A_333 = arith.addi %iota3A, %add3A_332 : vector<16xi32>
        %and3A_334 = arith.constant 15 : i32
        %and3A_335 = vector.broadcast %and3A_334 : i32 to vector<16xi32>
        %and3A_336 = arith.andi %add3A_333, %and3A_335 : vector<16xi32>
        %gather3A_337 = tpu.vector_load_idx %arg10[%add3A_177, %and3A_336] : memref<800x16xf32, #tpu.memory_space<vmem>>[vector<16xi32>, vector<16xi32>], vector<16xf32>,
        %gather3A_338 = tpu.vector_load_idx %arg11[%add3A_177, %and3A_336] : memref<800x16xf32, #tpu.memory_space<vmem>>[vector<16xi32>, vector<16xi32>], vector<16xf32>,
        %sub3A_339 = arith.subf %gather3A_337, %gather3A_338 : vector<16xf32>
        %mul3A_340 = arith.mulf %sub3A_339, %sub3A_339 : vector<16xf32>
        %add3A_341 = arith.addf %add3A_330, %mul3A_340 : vector<16xf32>
        %add3A_342 = arith.constant 15 : i32
        %add3A_343 = vector.broadcast %add3A_342 : i32 to vector<16xi32>
        %add3A_344 = arith.addi %iota3A, %add3A_343 : vector<16xi32>
        %and3A_345 = arith.constant 15 : i32
        %and3A_346 = vector.broadcast %and3A_345 : i32 to vector<16xi32>
        %and3A_347 = arith.andi %add3A_344, %and3A_346 : vector<16xi32>
        %gather3A_348 = tpu.vector_load_idx %arg10[%add3A_177, %and3A_347] : memref<800x16xf32, #tpu.memory_space<vmem>>[vector<16xi32>, vector<16xi32>], vector<16xf32>,
        %gather3A_349 = tpu.vector_load_idx %arg11[%add3A_177, %and3A_347] : memref<800x16xf32, #tpu.memory_space<vmem>>[vector<16xi32>, vector<16xi32>], vector<16xf32>,
        %sub3A_350 = arith.subf %gather3A_348, %gather3A_349 : vector<16xf32>
        %mul3A_351 = arith.mulf %sub3A_350, %sub3A_350 : vector<16xf32>
        %add3A_352 = arith.addf %add3A_341, %mul3A_351 : vector<16xf32>
        %max3A = arith.constant 1.000000e-24 : f32
        %max3A_353 = vector.broadcast %max3A : f32 to vector<16xf32>
        %max3A_354 = arith.maximumf %add3A_352, %max3A_353 : vector<16xf32>
        %bitcast3A = vector.bitcast %max3A_354 : vector<16xf32> to vector<16xi32>
        %shift_right_arithmetic3A = arith.constant 1 : i32
        %shift_right_arithmetic3A_355 = vector.broadcast %shift_right_arithmetic3A : i32 to vector<16xi32>
        %shift_right_arithmetic3A_356 = arith.shrsi %bitcast3A, %shift_right_arithmetic3A_355 : vector<16xi32>
        %sub3A_357 = arith.constant 1597463007 : i32
        %sub3A_358 = vector.broadcast %sub3A_357 : i32 to vector<16xi32>
        %sub3A_359 = arith.subi %sub3A_358, %shift_right_arithmetic3A_356 : vector<16xi32>
        %bitcast3A_360 = vector.bitcast %sub3A_359 : vector<16xi32> to vector<16xf32>
        %mul3A_361 = arith.constant 5.000000e-01 : f32
        %mul3A_362 = vector.broadcast %mul3A_361 : f32 to vector<16xf32>
        %mul3A_363 = arith.mulf %mul3A_362, %max3A_354 : vector<16xf32>
        %mul3A_364 = arith.mulf %mul3A_363, %bitcast3A_360 : vector<16xf32>
        %mul3A_365 = arith.mulf %mul3A_364, %bitcast3A_360 : vector<16xf32>
        %sub3A_366 = arith.constant 1.500000e+00 : f32
        %sub3A_367 = vector.broadcast %sub3A_366 : f32 to vector<16xf32>
        %sub3A_368 = arith.subf %sub3A_367, %mul3A_365 : vector<16xf32>
        %mul3A_369 = arith.mulf %bitcast3A_360, %sub3A_368 : vector<16xf32>
        %mul3A_370 = arith.constant 5.000000e-01 : f32
        %mul3A_371 = vector.broadcast %mul3A_370 : f32 to vector<16xf32>
        %mul3A_372 = arith.mulf %mul3A_371, %max3A_354 : vector<16xf32>
        %mul3A_373 = arith.mulf %mul3A_372, %mul3A_369 : vector<16xf32>
        %mul3A_374 = arith.mulf %mul3A_373, %mul3A_369 : vector<16xf32>
        %sub3A_375 = arith.constant 1.500000e+00 : f32
        %sub3A_376 = vector.broadcast %sub3A_375 : f32 to vector<16xf32>
        %sub3A_377 = arith.subf %sub3A_376, %mul3A_374 : vector<16xf32>
        %mul3A_378 = arith.mulf %mul3A_369, %sub3A_377 : vector<16xf32>
        %mul3A_379 = arith.constant 5.000000e-01 : f32
        %mul3A_380 = vector.broadcast %mul3A_379 : f32 to vector<16xf32>
        %mul3A_381 = arith.mulf %mul3A_380, %max3A_354 : vector<16xf32>
        %mul3A_382 = arith.mulf %mul3A_381, %mul3A_378 : vector<16xf32>
        %mul3A_383 = arith.mulf %mul3A_382, %mul3A_378 : vector<16xf32>
        %sub3A_384 = arith.constant 1.500000e+00 : f32
        %sub3A_385 = vector.broadcast %sub3A_384 : f32 to vector<16xf32>
        %sub3A_386 = arith.subf %sub3A_385, %mul3A_383 : vector<16xf32>
        %mul3A_387 = arith.mulf %mul3A_378, %sub3A_386 : vector<16xf32>
        %mul3A_388 = arith.mulf %max3A_354, %mul3A_387 : vector<16xf32>
        %add3A_389 = arith.constant 9.99999993E-9 : f32
        %add3A_390 = vector.broadcast %add3A_389 : f32 to vector<16xf32>
        %add3A_391 = arith.addf %mul3A_388, %add3A_390 : vector<16xf32>
        %sub3A_392 = arith.subf %get3A_3, %add3A_391 : vector<16xf32>
        %mul3A_393 = arith.constant 1.000000e+01 : f32
        %mul3A_394 = vector.broadcast %mul3A_393 : f32 to vector<16xf32>
        %mul3A_395 = arith.mulf %mul3A_394, %sub3A_392 : vector<16xf32>
        %abs3A = math.absf %mul3A_395 : vector<16xf32>
        %neg3A = arith.constant 0.000000e+00 : f32
        %neg3A_396 = vector.broadcast %neg3A : f32 to vector<16xf32>
        %neg3A_397 = arith.subf %neg3A_396, %abs3A : vector<16xf32>
        %exp3A = math.exp %neg3A_397 : vector<16xf32>
        %add3A_398 = arith.constant 2.000000e+00 : f32
        %add3A_399 = vector.broadcast %add3A_398 : f32 to vector<16xf32>
        %add3A_400 = arith.addf %add3A_399, %exp3A : vector<16xf32>
        %div3A = arith.divf %exp3A, %add3A_400 : vector<16xf32>
        %mul3A_401 = arith.mulf %div3A, %div3A : vector<16xf32>
        %mul3A_402 = arith.constant 2.000000e+00 : f32
        %mul3A_403 = vector.broadcast %mul3A_402 : f32 to vector<16xf32>
        %mul3A_404 = arith.mulf %mul3A_403, %div3A : vector<16xf32>
        %mul3A_405 = arith.constant 0.142857149 : f32
        %mul3A_406 = vector.broadcast %mul3A_405 : f32 to vector<16xf32>
        %mul3A_407 = arith.mulf %mul3A_401, %mul3A_406 : vector<16xf32>
        %add3A_408 = arith.constant 2.000000e-01 : f32
        %add3A_409 = vector.broadcast %add3A_408 : f32 to vector<16xf32>
        %add3A_410 = arith.addf %add3A_409, %mul3A_407 : vector<16xf32>
        %mul3A_411 = arith.mulf %mul3A_401, %add3A_410 : vector<16xf32>
        %add3A_412 = arith.constant 0.333333343 : f32
        %add3A_413 = vector.broadcast %add3A_412 : f32 to vector<16xf32>
        %add3A_414 = arith.addf %add3A_413, %mul3A_411 : vector<16xf32>
        %mul3A_415 = arith.mulf %mul3A_401, %add3A_414 : vector<16xf32>
        %add3A_416 = arith.constant 1.000000e+00 : f32
        %add3A_417 = vector.broadcast %add3A_416 : f32 to vector<16xf32>
        %add3A_418 = arith.addf %add3A_417, %mul3A_415 : vector<16xf32>
        %mul3A_419 = arith.mulf %mul3A_404, %add3A_418 : vector<16xf32>
        %max3A_420 = arith.constant 0.000000e+00 : f32
        %max3A_421 = vector.broadcast %max3A_420 : f32 to vector<16xf32>
        %max3A_422 = arith.maximumf %mul3A_395, %max3A_421 : vector<16xf32>
        %add3A_423 = arith.addf %max3A_422, %mul3A_419 : vector<16xf32>
        %mul3A_424 = arith.constant 1.000000e-01 : f32
        %mul3A_425 = vector.broadcast %mul3A_424 : f32 to vector<16xf32>
        %mul3A_426 = arith.mulf %add3A_423, %mul3A_425 : vector<16xf32>
        %add3A_427 = arith.addf %scan3A_173, %mul3A_426 : vector<16xf32>
        scf.yield %add3A_427 : vector<16xf32>
      }
      %scan3A_101 = arith.constant 50 : i32
      %mul3A_102 = arith.constant 3 : i32
      %mul3A_103 = arith.muli %mul3A_102, %scan3A_65 : i32
      %add3A_104 = arith.constant 1 : i32
      %add3A_105 = arith.addi %mul3A_103, %add3A_104 : i32
      %add3A_106 = arith.constant 2 : i32
      %add3A_107 = arith.addi %add3A_105, %add3A_106 : i32
      %mul3A_108 = arith.constant 800 : i32
      %mul3A_109 = arith.muli %add3A_107, %mul3A_108 : i32
      %add3A_110 = arith.addi %mul3A_2, %mul3A_109 : i32
      %dma_start3A_111 = tpu.memref_slice %arg4[%add3A_110] : memref<3200000xi32, #tpu.memory_space<hbm>> -> memref<800xi32, #tpu.memory_space<hbm>>
      %dma_start3A_112 = tpu.memref_slice %arg4[%add3A_110] : memref<3200000xi32, #tpu.memory_space<hbm>> -> memref<800xi32, #tpu.memory_space<hbm>>
      tpu.enqueue_dma source(%dma_start3A_112 : memref<800xi32, #tpu.memory_space<hbm>>) target(%arg8 : memref<800xi32, #tpu.memory_space<vmem>>) target_semaphore(%arg25 : memref<!tpu.dma_semaphore, #tpu.memory_space<semaphore_mem>>)
      %dma_start3A_113 = tpu.memref_slice %arg5[%add3A_110] : memref<3200000xi32, #tpu.memory_space<hbm>> -> memref<800xi32, #tpu.memory_space<hbm>>
      %dma_start3A_114 = tpu.memref_slice %arg5[%add3A_110] : memref<3200000xi32, #tpu.memory_space<hbm>> -> memref<800xi32, #tpu.memory_space<hbm>>
      tpu.enqueue_dma source(%dma_start3A_114 : memref<800xi32, #tpu.memory_space<hbm>>) target(%arg9 : memref<800xi32, #tpu.memory_space<vmem>>) target_semaphore(%arg25 : memref<!tpu.dma_semaphore, #tpu.memory_space<semaphore_mem>>)
      %dma_wait3A_115 = tpu.memref_slice %arg4[%add3A_110] : memref<3200000xi32, #tpu.memory_space<hbm>> -> memref<800xi32, #tpu.memory_space<hbm>>
      %dma_wait3A_116 = tpu.memref_slice %arg4[%add3A_110] : memref<3200000xi32, #tpu.memory_space<hbm>> -> memref<800xi32, #tpu.memory_space<hbm>>
      tpu.wait_dma2 semaphore(%arg25 : memref<!tpu.dma_semaphore, #tpu.memory_space<semaphore_mem>>) src(%dma_wait3A_116 : memref<800xi32, #tpu.memory_space<hbm>>) dst(%arg8 : memref<800xi32, #tpu.memory_space<vmem>>)
      %dma_wait3A_117 = tpu.memref_slice %arg5[%add3A_110] : memref<3200000xi32, #tpu.memory_space<hbm>> -> memref<800xi32, #tpu.memory_space<hbm>>
      %dma_wait3A_118 = tpu.memref_slice %arg5[%add3A_110] : memref<3200000xi32, #tpu.memory_space<hbm>> -> memref<800xi32, #tpu.memory_space<hbm>>
      tpu.wait_dma2 semaphore(%arg25 : memref<!tpu.dma_semaphore, #tpu.memory_space<semaphore_mem>>) src(%dma_wait3A_118 : memref<800xi32, #tpu.memory_space<hbm>>) dst(%arg9 : memref<800xi32, #tpu.memory_space<vmem>>)
      %dma_start3A_119 = arith.constant 0 : i32
      %dma_start3A_120 = arith.constant 0 : i32
      %dma_start3A_121 = tpu.memref_slice %arg2[%dma_start3A_119, %dma_start3A_120] : memref<100000x16xf32, #tpu.memory_space<hbm>> -> memref<100000x16xf32, #tpu.memory_space<hbm>>
      tpu.enqueue_indirect_dma source(%dma_start3A_121 : memref<100000x16xf32, #tpu.memory_space<hbm>>) target(%arg10 : memref<800x16xf32, #tpu.memory_space<vmem>>) offsets(%arg8 : memref<800xi32, #tpu.memory_space<vmem>>) semaphore(%arg22 : memref<!tpu.dma_semaphore, #tpu.memory_space<semaphore_mem>>)
      %dma_start3A_122 = arith.constant 0 : i32
      %dma_start3A_123 = arith.constant 0 : i32
      %dma_start3A_124 = tpu.memref_slice %arg3[%dma_start3A_122, %dma_start3A_123] : memref<100000x16xf32, #tpu.memory_space<hbm>> -> memref<100000x16xf32, #tpu.memory_space<hbm>>
      tpu.enqueue_indirect_dma source(%dma_start3A_124 : memref<100000x16xf32, #tpu.memory_space<hbm>>) target(%arg11 : memref<800x16xf32, #tpu.memory_space<vmem>>) offsets(%arg9 : memref<800xi32, #tpu.memory_space<vmem>>) semaphore(%arg22 : memref<!tpu.dma_semaphore, #tpu.memory_space<semaphore_mem>>)
      %dma_wait3A_125 = arith.constant 0 : i32
      %dma_wait3A_126 = arith.constant 0 : i32
      %dma_wait3A_127 = tpu.memref_slice %arg2[%dma_wait3A_125, %dma_wait3A_126] : memref<100000x16xf32, #tpu.memory_space<hbm>> -> memref<100000x16xf32, #tpu.memory_space<hbm>>
      tpu.wait_indirect_dma semaphore(%arg23 : memref<!tpu.dma_semaphore, #tpu.memory_space<semaphore_mem>>) src(%dma_wait3A_127 : memref<100000x16xf32, #tpu.memory_space<hbm>>) dst(%arg14 : memref<800x16xf32, #tpu.memory_space<vmem>>)
      %dma_wait3A_128 = arith.constant 0 : i32
      %dma_wait3A_129 = arith.constant 0 : i32
      %dma_wait3A_130 = tpu.memref_slice %arg3[%dma_wait3A_128, %dma_wait3A_129] : memref<100000x16xf32, #tpu.memory_space<hbm>> -> memref<100000x16xf32, #tpu.memory_space<hbm>>
      tpu.wait_indirect_dma semaphore(%arg23 : memref<!tpu.dma_semaphore, #tpu.memory_space<semaphore_mem>>) src(%dma_wait3A_130 : memref<100000x16xf32, #tpu.memory_space<hbm>>) dst(%arg15 : memref<800x16xf32, #tpu.memory_space<vmem>>)
      %scan3A_131 = arith.constant 0 : i32
      %scan3A_132 = arith.constant 50 : i32
      %scan3A_133 = arith.addi %scan3A_131, %scan3A_132 : i32
      %scan3A_134 = arith.constant 1 : i32
      %scan3A_135 = scf.for %scan3A_172 = %scan3A_131 to %scan3A_133 step %scan3A_134 iter_args(%scan3A_173 = %scan3A_100) -> (vector<16xf32>)  : i32 {
        %mul3A_174 = arith.constant 16 : i32
        %mul3A_175 = arith.muli %scan3A_172, %mul3A_174 : i32
        %add3A_176 = vector.broadcast %mul3A_175 : i32 to vector<16xi32>
        %add3A_177 = arith.addi %add3A_176, %iota3A : vector<16xi32>
        %broadcast_in_dim3A_178 = arith.constant 0.000000e+00 : f32
        %broadcast_in_dim3A_179 = vector.broadcast %broadcast_in_dim3A_178 : f32 to vector<16xf32>
        %add3A_180 = arith.constant 0 : i32
        %add3A_181 = vector.broadcast %add3A_180 : i32 to vector<16xi32>
        %add3A_182 = arith.addi %iota3A, %add3A_181 : vector<16xi32>
        %and3A = arith.constant 15 : i32
        %and3A_183 = vector.broadcast %and3A : i32 to vector<16xi32>
        %and3A_184 = arith.andi %add3A_182, %and3A_183 : vector<16xi32>
        %gather3A = tpu.vector_load_idx %arg14[%add3A_177, %and3A_184] : memref<800x16xf32, #tpu.memory_space<vmem>>[vector<16xi32>, vector<16xi32>], vector<16xf32>,
        %gather3A_185 = tpu.vector_load_idx %arg15[%add3A_177, %and3A_184] : memref<800x16xf32, #tpu.memory_space<vmem>>[vector<16xi32>, vector<16xi32>], vector<16xf32>,
        %sub3A = arith.subf %gather3A, %gather3A_185 : vector<16xf32>
        %mul3A_186 = arith.mulf %sub3A, %sub3A : vector<16xf32>
        %add3A_187 = arith.addf %broadcast_in_dim3A_179, %mul3A_186 : vector<16xf32>
        %add3A_188 = arith.constant 1 : i32
        %add3A_189 = vector.broadcast %add3A_188 : i32 to vector<16xi32>
        %add3A_190 = arith.addi %iota3A, %add3A_189 : vector<16xi32>
        %and3A_191 = arith.constant 15 : i32
        %and3A_192 = vector.broadcast %and3A_191 : i32 to vector<16xi32>
        %and3A_193 = arith.andi %add3A_190, %and3A_192 : vector<16xi32>
        %gather3A_194 = tpu.vector_load_idx %arg14[%add3A_177, %and3A_193] : memref<800x16xf32, #tpu.memory_space<vmem>>[vector<16xi32>, vector<16xi32>], vector<16xf32>,
        %gather3A_195 = tpu.vector_load_idx %arg15[%add3A_177, %and3A_193] : memref<800x16xf32, #tpu.memory_space<vmem>>[vector<16xi32>, vector<16xi32>], vector<16xf32>,
        %sub3A_196 = arith.subf %gather3A_194, %gather3A_195 : vector<16xf32>
        %mul3A_197 = arith.mulf %sub3A_196, %sub3A_196 : vector<16xf32>
        %add3A_198 = arith.addf %add3A_187, %mul3A_197 : vector<16xf32>
        %add3A_199 = arith.constant 2 : i32
        %add3A_200 = vector.broadcast %add3A_199 : i32 to vector<16xi32>
        %add3A_201 = arith.addi %iota3A, %add3A_200 : vector<16xi32>
        %and3A_202 = arith.constant 15 : i32
        %and3A_203 = vector.broadcast %and3A_202 : i32 to vector<16xi32>
        %and3A_204 = arith.andi %add3A_201, %and3A_203 : vector<16xi32>
        %gather3A_205 = tpu.vector_load_idx %arg14[%add3A_177, %and3A_204] : memref<800x16xf32, #tpu.memory_space<vmem>>[vector<16xi32>, vector<16xi32>], vector<16xf32>,
        %gather3A_206 = tpu.vector_load_idx %arg15[%add3A_177, %and3A_204] : memref<800x16xf32, #tpu.memory_space<vmem>>[vector<16xi32>, vector<16xi32>], vector<16xf32>,
        %sub3A_207 = arith.subf %gather3A_205, %gather3A_206 : vector<16xf32>
        %mul3A_208 = arith.mulf %sub3A_207, %sub3A_207 : vector<16xf32>
        %add3A_209 = arith.addf %add3A_198, %mul3A_208 : vector<16xf32>
        %add3A_210 = arith.constant 3 : i32
        %add3A_211 = vector.broadcast %add3A_210 : i32 to vector<16xi32>
        %add3A_212 = arith.addi %iota3A, %add3A_211 : vector<16xi32>
        %and3A_213 = arith.constant 15 : i32
        %and3A_214 = vector.broadcast %and3A_213 : i32 to vector<16xi32>
        %and3A_215 = arith.andi %add3A_212, %and3A_214 : vector<16xi32>
        %gather3A_216 = tpu.vector_load_idx %arg14[%add3A_177, %and3A_215] : memref<800x16xf32, #tpu.memory_space<vmem>>[vector<16xi32>, vector<16xi32>], vector<16xf32>,
        %gather3A_217 = tpu.vector_load_idx %arg15[%add3A_177, %and3A_215] : memref<800x16xf32, #tpu.memory_space<vmem>>[vector<16xi32>, vector<16xi32>], vector<16xf32>,
        %sub3A_218 = arith.subf %gather3A_216, %gather3A_217 : vector<16xf32>
        %mul3A_219 = arith.mulf %sub3A_218, %sub3A_218 : vector<16xf32>
        %add3A_220 = arith.addf %add3A_209, %mul3A_219 : vector<16xf32>
        %add3A_221 = arith.constant 4 : i32
        %add3A_222 = vector.broadcast %add3A_221 : i32 to vector<16xi32>
        %add3A_223 = arith.addi %iota3A, %add3A_222 : vector<16xi32>
        %and3A_224 = arith.constant 15 : i32
        %and3A_225 = vector.broadcast %and3A_224 : i32 to vector<16xi32>
        %and3A_226 = arith.andi %add3A_223, %and3A_225 : vector<16xi32>
        %gather3A_227 = tpu.vector_load_idx %arg14[%add3A_177, %and3A_226] : memref<800x16xf32, #tpu.memory_space<vmem>>[vector<16xi32>, vector<16xi32>], vector<16xf32>,
        %gather3A_228 = tpu.vector_load_idx %arg15[%add3A_177, %and3A_226] : memref<800x16xf32, #tpu.memory_space<vmem>>[vector<16xi32>, vector<16xi32>], vector<16xf32>,
        %sub3A_229 = arith.subf %gather3A_227, %gather3A_228 : vector<16xf32>
        %mul3A_230 = arith.mulf %sub3A_229, %sub3A_229 : vector<16xf32>
        %add3A_231 = arith.addf %add3A_220, %mul3A_230 : vector<16xf32>
        %add3A_232 = arith.constant 5 : i32
        %add3A_233 = vector.broadcast %add3A_232 : i32 to vector<16xi32>
        %add3A_234 = arith.addi %iota3A, %add3A_233 : vector<16xi32>
        %and3A_235 = arith.constant 15 : i32
        %and3A_236 = vector.broadcast %and3A_235 : i32 to vector<16xi32>
        %and3A_237 = arith.andi %add3A_234, %and3A_236 : vector<16xi32>
        %gather3A_238 = tpu.vector_load_idx %arg14[%add3A_177, %and3A_237] : memref<800x16xf32, #tpu.memory_space<vmem>>[vector<16xi32>, vector<16xi32>], vector<16xf32>,
        %gather3A_239 = tpu.vector_load_idx %arg15[%add3A_177, %and3A_237] : memref<800x16xf32, #tpu.memory_space<vmem>>[vector<16xi32>, vector<16xi32>], vector<16xf32>,
        %sub3A_240 = arith.subf %gather3A_238, %gather3A_239 : vector<16xf32>
        %mul3A_241 = arith.mulf %sub3A_240, %sub3A_240 : vector<16xf32>
        %add3A_242 = arith.addf %add3A_231, %mul3A_241 : vector<16xf32>
        %add3A_243 = arith.constant 6 : i32
        %add3A_244 = vector.broadcast %add3A_243 : i32 to vector<16xi32>
        %add3A_245 = arith.addi %iota3A, %add3A_244 : vector<16xi32>
        %and3A_246 = arith.constant 15 : i32
        %and3A_247 = vector.broadcast %and3A_246 : i32 to vector<16xi32>
        %and3A_248 = arith.andi %add3A_245, %and3A_247 : vector<16xi32>
        %gather3A_249 = tpu.vector_load_idx %arg14[%add3A_177, %and3A_248] : memref<800x16xf32, #tpu.memory_space<vmem>>[vector<16xi32>, vector<16xi32>], vector<16xf32>,
        %gather3A_250 = tpu.vector_load_idx %arg15[%add3A_177, %and3A_248] : memref<800x16xf32, #tpu.memory_space<vmem>>[vector<16xi32>, vector<16xi32>], vector<16xf32>,
        %sub3A_251 = arith.subf %gather3A_249, %gather3A_250 : vector<16xf32>
        %mul3A_252 = arith.mulf %sub3A_251, %sub3A_251 : vector<16xf32>
        %add3A_253 = arith.addf %add3A_242, %mul3A_252 : vector<16xf32>
        %add3A_254 = arith.constant 7 : i32
        %add3A_255 = vector.broadcast %add3A_254 : i32 to vector<16xi32>
        %add3A_256 = arith.addi %iota3A, %add3A_255 : vector<16xi32>
        %and3A_257 = arith.constant 15 : i32
        %and3A_258 = vector.broadcast %and3A_257 : i32 to vector<16xi32>
        %and3A_259 = arith.andi %add3A_256, %and3A_258 : vector<16xi32>
        %gather3A_260 = tpu.vector_load_idx %arg14[%add3A_177, %and3A_259] : memref<800x16xf32, #tpu.memory_space<vmem>>[vector<16xi32>, vector<16xi32>], vector<16xf32>,
        %gather3A_261 = tpu.vector_load_idx %arg15[%add3A_177, %and3A_259] : memref<800x16xf32, #tpu.memory_space<vmem>>[vector<16xi32>, vector<16xi32>], vector<16xf32>,
        %sub3A_262 = arith.subf %gather3A_260, %gather3A_261 : vector<16xf32>
        %mul3A_263 = arith.mulf %sub3A_262, %sub3A_262 : vector<16xf32>
        %add3A_264 = arith.addf %add3A_253, %mul3A_263 : vector<16xf32>
        %add3A_265 = arith.constant 8 : i32
        %add3A_266 = vector.broadcast %add3A_265 : i32 to vector<16xi32>
        %add3A_267 = arith.addi %iota3A, %add3A_266 : vector<16xi32>
        %and3A_268 = arith.constant 15 : i32
        %and3A_269 = vector.broadcast %and3A_268 : i32 to vector<16xi32>
        %and3A_270 = arith.andi %add3A_267, %and3A_269 : vector<16xi32>
        %gather3A_271 = tpu.vector_load_idx %arg14[%add3A_177, %and3A_270] : memref<800x16xf32, #tpu.memory_space<vmem>>[vector<16xi32>, vector<16xi32>], vector<16xf32>,
        %gather3A_272 = tpu.vector_load_idx %arg15[%add3A_177, %and3A_270] : memref<800x16xf32, #tpu.memory_space<vmem>>[vector<16xi32>, vector<16xi32>], vector<16xf32>,
        %sub3A_273 = arith.subf %gather3A_271, %gather3A_272 : vector<16xf32>
        %mul3A_274 = arith.mulf %sub3A_273, %sub3A_273 : vector<16xf32>
        %add3A_275 = arith.addf %add3A_264, %mul3A_274 : vector<16xf32>
        %add3A_276 = arith.constant 9 : i32
        %add3A_277 = vector.broadcast %add3A_276 : i32 to vector<16xi32>
        %add3A_278 = arith.addi %iota3A, %add3A_277 : vector<16xi32>
        %and3A_279 = arith.constant 15 : i32
        %and3A_280 = vector.broadcast %and3A_279 : i32 to vector<16xi32>
        %and3A_281 = arith.andi %add3A_278, %and3A_280 : vector<16xi32>
        %gather3A_282 = tpu.vector_load_idx %arg14[%add3A_177, %and3A_281] : memref<800x16xf32, #tpu.memory_space<vmem>>[vector<16xi32>, vector<16xi32>], vector<16xf32>,
        %gather3A_283 = tpu.vector_load_idx %arg15[%add3A_177, %and3A_281] : memref<800x16xf32, #tpu.memory_space<vmem>>[vector<16xi32>, vector<16xi32>], vector<16xf32>,
        %sub3A_284 = arith.subf %gather3A_282, %gather3A_283 : vector<16xf32>
        %mul3A_285 = arith.mulf %sub3A_284, %sub3A_284 : vector<16xf32>
        %add3A_286 = arith.addf %add3A_275, %mul3A_285 : vector<16xf32>
        %add3A_287 = arith.constant 10 : i32
        %add3A_288 = vector.broadcast %add3A_287 : i32 to vector<16xi32>
        %add3A_289 = arith.addi %iota3A, %add3A_288 : vector<16xi32>
        %and3A_290 = arith.constant 15 : i32
        %and3A_291 = vector.broadcast %and3A_290 : i32 to vector<16xi32>
        %and3A_292 = arith.andi %add3A_289, %and3A_291 : vector<16xi32>
        %gather3A_293 = tpu.vector_load_idx %arg14[%add3A_177, %and3A_292] : memref<800x16xf32, #tpu.memory_space<vmem>>[vector<16xi32>, vector<16xi32>], vector<16xf32>,
        %gather3A_294 = tpu.vector_load_idx %arg15[%add3A_177, %and3A_292] : memref<800x16xf32, #tpu.memory_space<vmem>>[vector<16xi32>, vector<16xi32>], vector<16xf32>,
        %sub3A_295 = arith.subf %gather3A_293, %gather3A_294 : vector<16xf32>
        %mul3A_296 = arith.mulf %sub3A_295, %sub3A_295 : vector<16xf32>
        %add3A_297 = arith.addf %add3A_286, %mul3A_296 : vector<16xf32>
        %add3A_298 = arith.constant 11 : i32
        %add3A_299 = vector.broadcast %add3A_298 : i32 to vector<16xi32>
        %add3A_300 = arith.addi %iota3A, %add3A_299 : vector<16xi32>
        %and3A_301 = arith.constant 15 : i32
        %and3A_302 = vector.broadcast %and3A_301 : i32 to vector<16xi32>
        %and3A_303 = arith.andi %add3A_300, %and3A_302 : vector<16xi32>
        %gather3A_304 = tpu.vector_load_idx %arg14[%add3A_177, %and3A_303] : memref<800x16xf32, #tpu.memory_space<vmem>>[vector<16xi32>, vector<16xi32>], vector<16xf32>,
        %gather3A_305 = tpu.vector_load_idx %arg15[%add3A_177, %and3A_303] : memref<800x16xf32, #tpu.memory_space<vmem>>[vector<16xi32>, vector<16xi32>], vector<16xf32>,
        %sub3A_306 = arith.subf %gather3A_304, %gather3A_305 : vector<16xf32>
        %mul3A_307 = arith.mulf %sub3A_306, %sub3A_306 : vector<16xf32>
        %add3A_308 = arith.addf %add3A_297, %mul3A_307 : vector<16xf32>
        %add3A_309 = arith.constant 12 : i32
        %add3A_310 = vector.broadcast %add3A_309 : i32 to vector<16xi32>
        %add3A_311 = arith.addi %iota3A, %add3A_310 : vector<16xi32>
        %and3A_312 = arith.constant 15 : i32
        %and3A_313 = vector.broadcast %and3A_312 : i32 to vector<16xi32>
        %and3A_314 = arith.andi %add3A_311, %and3A_313 : vector<16xi32>
        %gather3A_315 = tpu.vector_load_idx %arg14[%add3A_177, %and3A_314] : memref<800x16xf32, #tpu.memory_space<vmem>>[vector<16xi32>, vector<16xi32>], vector<16xf32>,
        %gather3A_316 = tpu.vector_load_idx %arg15[%add3A_177, %and3A_314] : memref<800x16xf32, #tpu.memory_space<vmem>>[vector<16xi32>, vector<16xi32>], vector<16xf32>,
        %sub3A_317 = arith.subf %gather3A_315, %gather3A_316 : vector<16xf32>
        %mul3A_318 = arith.mulf %sub3A_317, %sub3A_317 : vector<16xf32>
        %add3A_319 = arith.addf %add3A_308, %mul3A_318 : vector<16xf32>
        %add3A_320 = arith.constant 13 : i32
        %add3A_321 = vector.broadcast %add3A_320 : i32 to vector<16xi32>
        %add3A_322 = arith.addi %iota3A, %add3A_321 : vector<16xi32>
        %and3A_323 = arith.constant 15 : i32
        %and3A_324 = vector.broadcast %and3A_323 : i32 to vector<16xi32>
        %and3A_325 = arith.andi %add3A_322, %and3A_324 : vector<16xi32>
        %gather3A_326 = tpu.vector_load_idx %arg14[%add3A_177, %and3A_325] : memref<800x16xf32, #tpu.memory_space<vmem>>[vector<16xi32>, vector<16xi32>], vector<16xf32>,
        %gather3A_327 = tpu.vector_load_idx %arg15[%add3A_177, %and3A_325] : memref<800x16xf32, #tpu.memory_space<vmem>>[vector<16xi32>, vector<16xi32>], vector<16xf32>,
        %sub3A_328 = arith.subf %gather3A_326, %gather3A_327 : vector<16xf32>
        %mul3A_329 = arith.mulf %sub3A_328, %sub3A_328 : vector<16xf32>
        %add3A_330 = arith.addf %add3A_319, %mul3A_329 : vector<16xf32>
        %add3A_331 = arith.constant 14 : i32
        %add3A_332 = vector.broadcast %add3A_331 : i32 to vector<16xi32>
        %add3A_333 = arith.addi %iota3A, %add3A_332 : vector<16xi32>
        %and3A_334 = arith.constant 15 : i32
        %and3A_335 = vector.broadcast %and3A_334 : i32 to vector<16xi32>
        %and3A_336 = arith.andi %add3A_333, %and3A_335 : vector<16xi32>
        %gather3A_337 = tpu.vector_load_idx %arg14[%add3A_177, %and3A_336] : memref<800x16xf32, #tpu.memory_space<vmem>>[vector<16xi32>, vector<16xi32>], vector<16xf32>,
        %gather3A_338 = tpu.vector_load_idx %arg15[%add3A_177, %and3A_336] : memref<800x16xf32, #tpu.memory_space<vmem>>[vector<16xi32>, vector<16xi32>], vector<16xf32>,
        %sub3A_339 = arith.subf %gather3A_337, %gather3A_338 : vector<16xf32>
        %mul3A_340 = arith.mulf %sub3A_339, %sub3A_339 : vector<16xf32>
        %add3A_341 = arith.addf %add3A_330, %mul3A_340 : vector<16xf32>
        %add3A_342 = arith.constant 15 : i32
        %add3A_343 = vector.broadcast %add3A_342 : i32 to vector<16xi32>
        %add3A_344 = arith.addi %iota3A, %add3A_343 : vector<16xi32>
        %and3A_345 = arith.constant 15 : i32
        %and3A_346 = vector.broadcast %and3A_345 : i32 to vector<16xi32>
        %and3A_347 = arith.andi %add3A_344, %and3A_346 : vector<16xi32>
        %gather3A_348 = tpu.vector_load_idx %arg14[%add3A_177, %and3A_347] : memref<800x16xf32, #tpu.memory_space<vmem>>[vector<16xi32>, vector<16xi32>], vector<16xf32>,
        %gather3A_349 = tpu.vector_load_idx %arg15[%add3A_177, %and3A_347] : memref<800x16xf32, #tpu.memory_space<vmem>>[vector<16xi32>, vector<16xi32>], vector<16xf32>,
        %sub3A_350 = arith.subf %gather3A_348, %gather3A_349 : vector<16xf32>
        %mul3A_351 = arith.mulf %sub3A_350, %sub3A_350 : vector<16xf32>
        %add3A_352 = arith.addf %add3A_341, %mul3A_351 : vector<16xf32>
        %max3A = arith.constant 1.000000e-24 : f32
        %max3A_353 = vector.broadcast %max3A : f32 to vector<16xf32>
        %max3A_354 = arith.maximumf %add3A_352, %max3A_353 : vector<16xf32>
        %bitcast3A = vector.bitcast %max3A_354 : vector<16xf32> to vector<16xi32>
        %shift_right_arithmetic3A = arith.constant 1 : i32
        %shift_right_arithmetic3A_355 = vector.broadcast %shift_right_arithmetic3A : i32 to vector<16xi32>
        %shift_right_arithmetic3A_356 = arith.shrsi %bitcast3A, %shift_right_arithmetic3A_355 : vector<16xi32>
        %sub3A_357 = arith.constant 1597463007 : i32
        %sub3A_358 = vector.broadcast %sub3A_357 : i32 to vector<16xi32>
        %sub3A_359 = arith.subi %sub3A_358, %shift_right_arithmetic3A_356 : vector<16xi32>
        %bitcast3A_360 = vector.bitcast %sub3A_359 : vector<16xi32> to vector<16xf32>
        %mul3A_361 = arith.constant 5.000000e-01 : f32
        %mul3A_362 = vector.broadcast %mul3A_361 : f32 to vector<16xf32>
        %mul3A_363 = arith.mulf %mul3A_362, %max3A_354 : vector<16xf32>
        %mul3A_364 = arith.mulf %mul3A_363, %bitcast3A_360 : vector<16xf32>
        %mul3A_365 = arith.mulf %mul3A_364, %bitcast3A_360 : vector<16xf32>
        %sub3A_366 = arith.constant 1.500000e+00 : f32
        %sub3A_367 = vector.broadcast %sub3A_366 : f32 to vector<16xf32>
        %sub3A_368 = arith.subf %sub3A_367, %mul3A_365 : vector<16xf32>
        %mul3A_369 = arith.mulf %bitcast3A_360, %sub3A_368 : vector<16xf32>
        %mul3A_370 = arith.constant 5.000000e-01 : f32
        %mul3A_371 = vector.broadcast %mul3A_370 : f32 to vector<16xf32>
        %mul3A_372 = arith.mulf %mul3A_371, %max3A_354 : vector<16xf32>
        %mul3A_373 = arith.mulf %mul3A_372, %mul3A_369 : vector<16xf32>
        %mul3A_374 = arith.mulf %mul3A_373, %mul3A_369 : vector<16xf32>
        %sub3A_375 = arith.constant 1.500000e+00 : f32
        %sub3A_376 = vector.broadcast %sub3A_375 : f32 to vector<16xf32>
        %sub3A_377 = arith.subf %sub3A_376, %mul3A_374 : vector<16xf32>
        %mul3A_378 = arith.mulf %mul3A_369, %sub3A_377 : vector<16xf32>
        %mul3A_379 = arith.constant 5.000000e-01 : f32
        %mul3A_380 = vector.broadcast %mul3A_379 : f32 to vector<16xf32>
        %mul3A_381 = arith.mulf %mul3A_380, %max3A_354 : vector<16xf32>
        %mul3A_382 = arith.mulf %mul3A_381, %mul3A_378 : vector<16xf32>
        %mul3A_383 = arith.mulf %mul3A_382, %mul3A_378 : vector<16xf32>
        %sub3A_384 = arith.constant 1.500000e+00 : f32
        %sub3A_385 = vector.broadcast %sub3A_384 : f32 to vector<16xf32>
        %sub3A_386 = arith.subf %sub3A_385, %mul3A_383 : vector<16xf32>
        %mul3A_387 = arith.mulf %mul3A_378, %sub3A_386 : vector<16xf32>
        %mul3A_388 = arith.mulf %max3A_354, %mul3A_387 : vector<16xf32>
        %add3A_389 = arith.constant 9.99999993E-9 : f32
        %add3A_390 = vector.broadcast %add3A_389 : f32 to vector<16xf32>
        %add3A_391 = arith.addf %mul3A_388, %add3A_390 : vector<16xf32>
        %sub3A_392 = arith.subf %get3A_3, %add3A_391 : vector<16xf32>
        %mul3A_393 = arith.constant 1.000000e+01 : f32
        %mul3A_394 = vector.broadcast %mul3A_393 : f32 to vector<16xf32>
        %mul3A_395 = arith.mulf %mul3A_394, %sub3A_392 : vector<16xf32>
        %abs3A = math.absf %mul3A_395 : vector<16xf32>
        %neg3A = arith.constant 0.000000e+00 : f32
        %neg3A_396 = vector.broadcast %neg3A : f32 to vector<16xf32>
        %neg3A_397 = arith.subf %neg3A_396, %abs3A : vector<16xf32>
        %exp3A = math.exp %neg3A_397 : vector<16xf32>
        %add3A_398 = arith.constant 2.000000e+00 : f32
        %add3A_399 = vector.broadcast %add3A_398 : f32 to vector<16xf32>
        %add3A_400 = arith.addf %add3A_399, %exp3A : vector<16xf32>
        %div3A = arith.divf %exp3A, %add3A_400 : vector<16xf32>
        %mul3A_401 = arith.mulf %div3A, %div3A : vector<16xf32>
        %mul3A_402 = arith.constant 2.000000e+00 : f32
        %mul3A_403 = vector.broadcast %mul3A_402 : f32 to vector<16xf32>
        %mul3A_404 = arith.mulf %mul3A_403, %div3A : vector<16xf32>
        %mul3A_405 = arith.constant 0.142857149 : f32
        %mul3A_406 = vector.broadcast %mul3A_405 : f32 to vector<16xf32>
        %mul3A_407 = arith.mulf %mul3A_401, %mul3A_406 : vector<16xf32>
        %add3A_408 = arith.constant 2.000000e-01 : f32
        %add3A_409 = vector.broadcast %add3A_408 : f32 to vector<16xf32>
        %add3A_410 = arith.addf %add3A_409, %mul3A_407 : vector<16xf32>
        %mul3A_411 = arith.mulf %mul3A_401, %add3A_410 : vector<16xf32>
        %add3A_412 = arith.constant 0.333333343 : f32
        %add3A_413 = vector.broadcast %add3A_412 : f32 to vector<16xf32>
        %add3A_414 = arith.addf %add3A_413, %mul3A_411 : vector<16xf32>
        %mul3A_415 = arith.mulf %mul3A_401, %add3A_414 : vector<16xf32>
        %add3A_416 = arith.constant 1.000000e+00 : f32
        %add3A_417 = vector.broadcast %add3A_416 : f32 to vector<16xf32>
        %add3A_418 = arith.addf %add3A_417, %mul3A_415 : vector<16xf32>
        %mul3A_419 = arith.mulf %mul3A_404, %add3A_418 : vector<16xf32>
        %max3A_420 = arith.constant 0.000000e+00 : f32
        %max3A_421 = vector.broadcast %max3A_420 : f32 to vector<16xf32>
        %max3A_422 = arith.maximumf %mul3A_395, %max3A_421 : vector<16xf32>
        %add3A_423 = arith.addf %max3A_422, %mul3A_419 : vector<16xf32>
        %mul3A_424 = arith.constant 1.000000e-01 : f32
        %mul3A_425 = vector.broadcast %mul3A_424 : f32 to vector<16xf32>
        %mul3A_426 = arith.mulf %add3A_423, %mul3A_425 : vector<16xf32>
        %add3A_427 = arith.addf %scan3A_173, %mul3A_426 : vector<16xf32>
        scf.yield %add3A_427 : vector<16xf32>
      }
      %scan3A_136 = arith.constant 50 : i32
      %mul3A_137 = arith.constant 3 : i32
      %mul3A_138 = arith.muli %mul3A_137, %scan3A_65 : i32
      %add3A_139 = arith.constant 2 : i32
      %add3A_140 = arith.addi %mul3A_138, %add3A_139 : i32
      %add3A_141 = arith.constant 2 : i32
      %add3A_142 = arith.addi %add3A_140, %add3A_141 : i32
      %mul3A_143 = arith.constant 800 : i32
      %mul3A_144 = arith.muli %add3A_142, %mul3A_143 : i32
      %add3A_145 = arith.addi %mul3A_2, %mul3A_144 : i32
      %dma_start3A_146 = tpu.memref_slice %arg4[%add3A_145] : memref<3200000xi32, #tpu.memory_space<hbm>> -> memref<800xi32, #tpu.memory_space<hbm>>
      %dma_start3A_147 = tpu.memref_slice %arg4[%add3A_145] : memref<3200000xi32, #tpu.memory_space<hbm>> -> memref<800xi32, #tpu.memory_space<hbm>>
      tpu.enqueue_dma source(%dma_start3A_147 : memref<800xi32, #tpu.memory_space<hbm>>) target(%arg12 : memref<800xi32, #tpu.memory_space<vmem>>) target_semaphore(%arg25 : memref<!tpu.dma_semaphore, #tpu.memory_space<semaphore_mem>>)
      %dma_start3A_148 = tpu.memref_slice %arg5[%add3A_145] : memref<3200000xi32, #tpu.memory_space<hbm>> -> memref<800xi32, #tpu.memory_space<hbm>>
      %dma_start3A_149 = tpu.memref_slice %arg5[%add3A_145] : memref<3200000xi32, #tpu.memory_space<hbm>> -> memref<800xi32, #tpu.memory_space<hbm>>
      tpu.enqueue_dma source(%dma_start3A_149 : memref<800xi32, #tpu.memory_space<hbm>>) target(%arg13 : memref<800xi32, #tpu.memory_space<vmem>>) target_semaphore(%arg25 : memref<!tpu.dma_semaphore, #tpu.memory_space<semaphore_mem>>)
      %dma_wait3A_150 = tpu.memref_slice %arg4[%add3A_145] : memref<3200000xi32, #tpu.memory_space<hbm>> -> memref<800xi32, #tpu.memory_space<hbm>>
      %dma_wait3A_151 = tpu.memref_slice %arg4[%add3A_145] : memref<3200000xi32, #tpu.memory_space<hbm>> -> memref<800xi32, #tpu.memory_space<hbm>>
      tpu.wait_dma2 semaphore(%arg25 : memref<!tpu.dma_semaphore, #tpu.memory_space<semaphore_mem>>) src(%dma_wait3A_151 : memref<800xi32, #tpu.memory_space<hbm>>) dst(%arg12 : memref<800xi32, #tpu.memory_space<vmem>>)
      %dma_wait3A_152 = tpu.memref_slice %arg5[%add3A_145] : memref<3200000xi32, #tpu.memory_space<hbm>> -> memref<800xi32, #tpu.memory_space<hbm>>
      %dma_wait3A_153 = tpu.memref_slice %arg5[%add3A_145] : memref<3200000xi32, #tpu.memory_space<hbm>> -> memref<800xi32, #tpu.memory_space<hbm>>
      tpu.wait_dma2 semaphore(%arg25 : memref<!tpu.dma_semaphore, #tpu.memory_space<semaphore_mem>>) src(%dma_wait3A_153 : memref<800xi32, #tpu.memory_space<hbm>>) dst(%arg13 : memref<800xi32, #tpu.memory_space<vmem>>)
      %dma_start3A_154 = arith.constant 0 : i32
      %dma_start3A_155 = arith.constant 0 : i32
      %dma_start3A_156 = tpu.memref_slice %arg2[%dma_start3A_154, %dma_start3A_155] : memref<100000x16xf32, #tpu.memory_space<hbm>> -> memref<100000x16xf32, #tpu.memory_space<hbm>>
      tpu.enqueue_indirect_dma source(%dma_start3A_156 : memref<100000x16xf32, #tpu.memory_space<hbm>>) target(%arg14 : memref<800x16xf32, #tpu.memory_space<vmem>>) offsets(%arg12 : memref<800xi32, #tpu.memory_space<vmem>>) semaphore(%arg23 : memref<!tpu.dma_semaphore, #tpu.memory_space<semaphore_mem>>)
      %dma_start3A_157 = arith.constant 0 : i32
      %dma_start3A_158 = arith.constant 0 : i32
      %dma_start3A_159 = tpu.memref_slice %arg3[%dma_start3A_157, %dma_start3A_158] : memref<100000x16xf32, #tpu.memory_space<hbm>> -> memref<100000x16xf32, #tpu.memory_space<hbm>>
      tpu.enqueue_indirect_dma source(%dma_start3A_159 : memref<100000x16xf32, #tpu.memory_space<hbm>>) target(%arg15 : memref<800x16xf32, #tpu.memory_space<vmem>>) offsets(%arg13 : memref<800xi32, #tpu.memory_space<vmem>>) semaphore(%arg23 : memref<!tpu.dma_semaphore, #tpu.memory_space<semaphore_mem>>)
      %dma_wait3A_160 = arith.constant 0 : i32
      %dma_wait3A_161 = arith.constant 0 : i32
      %dma_wait3A_162 = tpu.memref_slice %arg2[%dma_wait3A_160, %dma_wait3A_161] : memref<100000x16xf32, #tpu.memory_space<hbm>> -> memref<100000x16xf32, #tpu.memory_space<hbm>>
      tpu.wait_indirect_dma semaphore(%arg24 : memref<!tpu.dma_semaphore, #tpu.memory_space<semaphore_mem>>) src(%dma_wait3A_162 : memref<100000x16xf32, #tpu.memory_space<hbm>>) dst(%arg18 : memref<800x16xf32, #tpu.memory_space<vmem>>)
      %dma_wait3A_163 = arith.constant 0 : i32
      %dma_wait3A_164 = arith.constant 0 : i32
      %dma_wait3A_165 = tpu.memref_slice %arg3[%dma_wait3A_163, %dma_wait3A_164] : memref<100000x16xf32, #tpu.memory_space<hbm>> -> memref<100000x16xf32, #tpu.memory_space<hbm>>
      tpu.wait_indirect_dma semaphore(%arg24 : memref<!tpu.dma_semaphore, #tpu.memory_space<semaphore_mem>>) src(%dma_wait3A_165 : memref<100000x16xf32, #tpu.memory_space<hbm>>) dst(%arg19 : memref<800x16xf32, #tpu.memory_space<vmem>>)
      %scan3A_166 = arith.constant 0 : i32
      %scan3A_167 = arith.constant 50 : i32
      %scan3A_168 = arith.addi %scan3A_166, %scan3A_167 : i32
      %scan3A_169 = arith.constant 1 : i32
      %scan3A_170 = scf.for %scan3A_172 = %scan3A_166 to %scan3A_168 step %scan3A_169 iter_args(%scan3A_173 = %scan3A_135) -> (vector<16xf32>)  : i32 {
        %mul3A_174 = arith.constant 16 : i32
        %mul3A_175 = arith.muli %scan3A_172, %mul3A_174 : i32
        %add3A_176 = vector.broadcast %mul3A_175 : i32 to vector<16xi32>
        %add3A_177 = arith.addi %add3A_176, %iota3A : vector<16xi32>
        %broadcast_in_dim3A_178 = arith.constant 0.000000e+00 : f32
        %broadcast_in_dim3A_179 = vector.broadcast %broadcast_in_dim3A_178 : f32 to vector<16xf32>
        %add3A_180 = arith.constant 0 : i32
        %add3A_181 = vector.broadcast %add3A_180 : i32 to vector<16xi32>
        %add3A_182 = arith.addi %iota3A, %add3A_181 : vector<16xi32>
        %and3A = arith.constant 15 : i32
        %and3A_183 = vector.broadcast %and3A : i32 to vector<16xi32>
        %and3A_184 = arith.andi %add3A_182, %and3A_183 : vector<16xi32>
        %gather3A = tpu.vector_load_idx %arg18[%add3A_177, %and3A_184] : memref<800x16xf32, #tpu.memory_space<vmem>>[vector<16xi32>, vector<16xi32>], vector<16xf32>,
        %gather3A_185 = tpu.vector_load_idx %arg19[%add3A_177, %and3A_184] : memref<800x16xf32, #tpu.memory_space<vmem>>[vector<16xi32>, vector<16xi32>], vector<16xf32>,
        %sub3A = arith.subf %gather3A, %gather3A_185 : vector<16xf32>
        %mul3A_186 = arith.mulf %sub3A, %sub3A : vector<16xf32>
        %add3A_187 = arith.addf %broadcast_in_dim3A_179, %mul3A_186 : vector<16xf32>
        %add3A_188 = arith.constant 1 : i32
        %add3A_189 = vector.broadcast %add3A_188 : i32 to vector<16xi32>
        %add3A_190 = arith.addi %iota3A, %add3A_189 : vector<16xi32>
        %and3A_191 = arith.constant 15 : i32
        %and3A_192 = vector.broadcast %and3A_191 : i32 to vector<16xi32>
        %and3A_193 = arith.andi %add3A_190, %and3A_192 : vector<16xi32>
        %gather3A_194 = tpu.vector_load_idx %arg18[%add3A_177, %and3A_193] : memref<800x16xf32, #tpu.memory_space<vmem>>[vector<16xi32>, vector<16xi32>], vector<16xf32>,
        %gather3A_195 = tpu.vector_load_idx %arg19[%add3A_177, %and3A_193] : memref<800x16xf32, #tpu.memory_space<vmem>>[vector<16xi32>, vector<16xi32>], vector<16xf32>,
        %sub3A_196 = arith.subf %gather3A_194, %gather3A_195 : vector<16xf32>
        %mul3A_197 = arith.mulf %sub3A_196, %sub3A_196 : vector<16xf32>
        %add3A_198 = arith.addf %add3A_187, %mul3A_197 : vector<16xf32>
        %add3A_199 = arith.constant 2 : i32
        %add3A_200 = vector.broadcast %add3A_199 : i32 to vector<16xi32>
        %add3A_201 = arith.addi %iota3A, %add3A_200 : vector<16xi32>
        %and3A_202 = arith.constant 15 : i32
        %and3A_203 = vector.broadcast %and3A_202 : i32 to vector<16xi32>
        %and3A_204 = arith.andi %add3A_201, %and3A_203 : vector<16xi32>
        %gather3A_205 = tpu.vector_load_idx %arg18[%add3A_177, %and3A_204] : memref<800x16xf32, #tpu.memory_space<vmem>>[vector<16xi32>, vector<16xi32>], vector<16xf32>,
        %gather3A_206 = tpu.vector_load_idx %arg19[%add3A_177, %and3A_204] : memref<800x16xf32, #tpu.memory_space<vmem>>[vector<16xi32>, vector<16xi32>], vector<16xf32>,
        %sub3A_207 = arith.subf %gather3A_205, %gather3A_206 : vector<16xf32>
        %mul3A_208 = arith.mulf %sub3A_207, %sub3A_207 : vector<16xf32>
        %add3A_209 = arith.addf %add3A_198, %mul3A_208 : vector<16xf32>
        %add3A_210 = arith.constant 3 : i32
        %add3A_211 = vector.broadcast %add3A_210 : i32 to vector<16xi32>
        %add3A_212 = arith.addi %iota3A, %add3A_211 : vector<16xi32>
        %and3A_213 = arith.constant 15 : i32
        %and3A_214 = vector.broadcast %and3A_213 : i32 to vector<16xi32>
        %and3A_215 = arith.andi %add3A_212, %and3A_214 : vector<16xi32>
        %gather3A_216 = tpu.vector_load_idx %arg18[%add3A_177, %and3A_215] : memref<800x16xf32, #tpu.memory_space<vmem>>[vector<16xi32>, vector<16xi32>], vector<16xf32>,
        %gather3A_217 = tpu.vector_load_idx %arg19[%add3A_177, %and3A_215] : memref<800x16xf32, #tpu.memory_space<vmem>>[vector<16xi32>, vector<16xi32>], vector<16xf32>,
        %sub3A_218 = arith.subf %gather3A_216, %gather3A_217 : vector<16xf32>
        %mul3A_219 = arith.mulf %sub3A_218, %sub3A_218 : vector<16xf32>
        %add3A_220 = arith.addf %add3A_209, %mul3A_219 : vector<16xf32>
        %add3A_221 = arith.constant 4 : i32
        %add3A_222 = vector.broadcast %add3A_221 : i32 to vector<16xi32>
        %add3A_223 = arith.addi %iota3A, %add3A_222 : vector<16xi32>
        %and3A_224 = arith.constant 15 : i32
        %and3A_225 = vector.broadcast %and3A_224 : i32 to vector<16xi32>
        %and3A_226 = arith.andi %add3A_223, %and3A_225 : vector<16xi32>
        %gather3A_227 = tpu.vector_load_idx %arg18[%add3A_177, %and3A_226] : memref<800x16xf32, #tpu.memory_space<vmem>>[vector<16xi32>, vector<16xi32>], vector<16xf32>,
        %gather3A_228 = tpu.vector_load_idx %arg19[%add3A_177, %and3A_226] : memref<800x16xf32, #tpu.memory_space<vmem>>[vector<16xi32>, vector<16xi32>], vector<16xf32>,
        %sub3A_229 = arith.subf %gather3A_227, %gather3A_228 : vector<16xf32>
        %mul3A_230 = arith.mulf %sub3A_229, %sub3A_229 : vector<16xf32>
        %add3A_231 = arith.addf %add3A_220, %mul3A_230 : vector<16xf32>
        %add3A_232 = arith.constant 5 : i32
        %add3A_233 = vector.broadcast %add3A_232 : i32 to vector<16xi32>
        %add3A_234 = arith.addi %iota3A, %add3A_233 : vector<16xi32>
        %and3A_235 = arith.constant 15 : i32
        %and3A_236 = vector.broadcast %and3A_235 : i32 to vector<16xi32>
        %and3A_237 = arith.andi %add3A_234, %and3A_236 : vector<16xi32>
        %gather3A_238 = tpu.vector_load_idx %arg18[%add3A_177, %and3A_237] : memref<800x16xf32, #tpu.memory_space<vmem>>[vector<16xi32>, vector<16xi32>], vector<16xf32>,
        %gather3A_239 = tpu.vector_load_idx %arg19[%add3A_177, %and3A_237] : memref<800x16xf32, #tpu.memory_space<vmem>>[vector<16xi32>, vector<16xi32>], vector<16xf32>,
        %sub3A_240 = arith.subf %gather3A_238, %gather3A_239 : vector<16xf32>
        %mul3A_241 = arith.mulf %sub3A_240, %sub3A_240 : vector<16xf32>
        %add3A_242 = arith.addf %add3A_231, %mul3A_241 : vector<16xf32>
        %add3A_243 = arith.constant 6 : i32
        %add3A_244 = vector.broadcast %add3A_243 : i32 to vector<16xi32>
        %add3A_245 = arith.addi %iota3A, %add3A_244 : vector<16xi32>
        %and3A_246 = arith.constant 15 : i32
        %and3A_247 = vector.broadcast %and3A_246 : i32 to vector<16xi32>
        %and3A_248 = arith.andi %add3A_245, %and3A_247 : vector<16xi32>
        %gather3A_249 = tpu.vector_load_idx %arg18[%add3A_177, %and3A_248] : memref<800x16xf32, #tpu.memory_space<vmem>>[vector<16xi32>, vector<16xi32>], vector<16xf32>,
        %gather3A_250 = tpu.vector_load_idx %arg19[%add3A_177, %and3A_248] : memref<800x16xf32, #tpu.memory_space<vmem>>[vector<16xi32>, vector<16xi32>], vector<16xf32>,
        %sub3A_251 = arith.subf %gather3A_249, %gather3A_250 : vector<16xf32>
        %mul3A_252 = arith.mulf %sub3A_251, %sub3A_251 : vector<16xf32>
        %add3A_253 = arith.addf %add3A_242, %mul3A_252 : vector<16xf32>
        %add3A_254 = arith.constant 7 : i32
        %add3A_255 = vector.broadcast %add3A_254 : i32 to vector<16xi32>
        %add3A_256 = arith.addi %iota3A, %add3A_255 : vector<16xi32>
        %and3A_257 = arith.constant 15 : i32
        %and3A_258 = vector.broadcast %and3A_257 : i32 to vector<16xi32>
        %and3A_259 = arith.andi %add3A_256, %and3A_258 : vector<16xi32>
        %gather3A_260 = tpu.vector_load_idx %arg18[%add3A_177, %and3A_259] : memref<800x16xf32, #tpu.memory_space<vmem>>[vector<16xi32>, vector<16xi32>], vector<16xf32>,
        %gather3A_261 = tpu.vector_load_idx %arg19[%add3A_177, %and3A_259] : memref<800x16xf32, #tpu.memory_space<vmem>>[vector<16xi32>, vector<16xi32>], vector<16xf32>,
        %sub3A_262 = arith.subf %gather3A_260, %gather3A_261 : vector<16xf32>
        %mul3A_263 = arith.mulf %sub3A_262, %sub3A_262 : vector<16xf32>
        %add3A_264 = arith.addf %add3A_253, %mul3A_263 : vector<16xf32>
        %add3A_265 = arith.constant 8 : i32
        %add3A_266 = vector.broadcast %add3A_265 : i32 to vector<16xi32>
        %add3A_267 = arith.addi %iota3A, %add3A_266 : vector<16xi32>
        %and3A_268 = arith.constant 15 : i32
        %and3A_269 = vector.broadcast %and3A_268 : i32 to vector<16xi32>
        %and3A_270 = arith.andi %add3A_267, %and3A_269 : vector<16xi32>
        %gather3A_271 = tpu.vector_load_idx %arg18[%add3A_177, %and3A_270] : memref<800x16xf32, #tpu.memory_space<vmem>>[vector<16xi32>, vector<16xi32>], vector<16xf32>,
        %gather3A_272 = tpu.vector_load_idx %arg19[%add3A_177, %and3A_270] : memref<800x16xf32, #tpu.memory_space<vmem>>[vector<16xi32>, vector<16xi32>], vector<16xf32>,
        %sub3A_273 = arith.subf %gather3A_271, %gather3A_272 : vector<16xf32>
        %mul3A_274 = arith.mulf %sub3A_273, %sub3A_273 : vector<16xf32>
        %add3A_275 = arith.addf %add3A_264, %mul3A_274 : vector<16xf32>
        %add3A_276 = arith.constant 9 : i32
        %add3A_277 = vector.broadcast %add3A_276 : i32 to vector<16xi32>
        %add3A_278 = arith.addi %iota3A, %add3A_277 : vector<16xi32>
        %and3A_279 = arith.constant 15 : i32
        %and3A_280 = vector.broadcast %and3A_279 : i32 to vector<16xi32>
        %and3A_281 = arith.andi %add3A_278, %and3A_280 : vector<16xi32>
        %gather3A_282 = tpu.vector_load_idx %arg18[%add3A_177, %and3A_281] : memref<800x16xf32, #tpu.memory_space<vmem>>[vector<16xi32>, vector<16xi32>], vector<16xf32>,
        %gather3A_283 = tpu.vector_load_idx %arg19[%add3A_177, %and3A_281] : memref<800x16xf32, #tpu.memory_space<vmem>>[vector<16xi32>, vector<16xi32>], vector<16xf32>,
        %sub3A_284 = arith.subf %gather3A_282, %gather3A_283 : vector<16xf32>
        %mul3A_285 = arith.mulf %sub3A_284, %sub3A_284 : vector<16xf32>
        %add3A_286 = arith.addf %add3A_275, %mul3A_285 : vector<16xf32>
        %add3A_287 = arith.constant 10 : i32
        %add3A_288 = vector.broadcast %add3A_287 : i32 to vector<16xi32>
        %add3A_289 = arith.addi %iota3A, %add3A_288 : vector<16xi32>
        %and3A_290 = arith.constant 15 : i32
        %and3A_291 = vector.broadcast %and3A_290 : i32 to vector<16xi32>
        %and3A_292 = arith.andi %add3A_289, %and3A_291 : vector<16xi32>
        %gather3A_293 = tpu.vector_load_idx %arg18[%add3A_177, %and3A_292] : memref<800x16xf32, #tpu.memory_space<vmem>>[vector<16xi32>, vector<16xi32>], vector<16xf32>,
        %gather3A_294 = tpu.vector_load_idx %arg19[%add3A_177, %and3A_292] : memref<800x16xf32, #tpu.memory_space<vmem>>[vector<16xi32>, vector<16xi32>], vector<16xf32>,
        %sub3A_295 = arith.subf %gather3A_293, %gather3A_294 : vector<16xf32>
        %mul3A_296 = arith.mulf %sub3A_295, %sub3A_295 : vector<16xf32>
        %add3A_297 = arith.addf %add3A_286, %mul3A_296 : vector<16xf32>
        %add3A_298 = arith.constant 11 : i32
        %add3A_299 = vector.broadcast %add3A_298 : i32 to vector<16xi32>
        %add3A_300 = arith.addi %iota3A, %add3A_299 : vector<16xi32>
        %and3A_301 = arith.constant 15 : i32
        %and3A_302 = vector.broadcast %and3A_301 : i32 to vector<16xi32>
        %and3A_303 = arith.andi %add3A_300, %and3A_302 : vector<16xi32>
        %gather3A_304 = tpu.vector_load_idx %arg18[%add3A_177, %and3A_303] : memref<800x16xf32, #tpu.memory_space<vmem>>[vector<16xi32>, vector<16xi32>], vector<16xf32>,
        %gather3A_305 = tpu.vector_load_idx %arg19[%add3A_177, %and3A_303] : memref<800x16xf32, #tpu.memory_space<vmem>>[vector<16xi32>, vector<16xi32>], vector<16xf32>,
        %sub3A_306 = arith.subf %gather3A_304, %gather3A_305 : vector<16xf32>
        %mul3A_307 = arith.mulf %sub3A_306, %sub3A_306 : vector<16xf32>
        %add3A_308 = arith.addf %add3A_297, %mul3A_307 : vector<16xf32>
        %add3A_309 = arith.constant 12 : i32
        %add3A_310 = vector.broadcast %add3A_309 : i32 to vector<16xi32>
        %add3A_311 = arith.addi %iota3A, %add3A_310 : vector<16xi32>
        %and3A_312 = arith.constant 15 : i32
        %and3A_313 = vector.broadcast %and3A_312 : i32 to vector<16xi32>
        %and3A_314 = arith.andi %add3A_311, %and3A_313 : vector<16xi32>
        %gather3A_315 = tpu.vector_load_idx %arg18[%add3A_177, %and3A_314] : memref<800x16xf32, #tpu.memory_space<vmem>>[vector<16xi32>, vector<16xi32>], vector<16xf32>,
        %gather3A_316 = tpu.vector_load_idx %arg19[%add3A_177, %and3A_314] : memref<800x16xf32, #tpu.memory_space<vmem>>[vector<16xi32>, vector<16xi32>], vector<16xf32>,
        %sub3A_317 = arith.subf %gather3A_315, %gather3A_316 : vector<16xf32>
        %mul3A_318 = arith.mulf %sub3A_317, %sub3A_317 : vector<16xf32>
        %add3A_319 = arith.addf %add3A_308, %mul3A_318 : vector<16xf32>
        %add3A_320 = arith.constant 13 : i32
        %add3A_321 = vector.broadcast %add3A_320 : i32 to vector<16xi32>
        %add3A_322 = arith.addi %iota3A, %add3A_321 : vector<16xi32>
        %and3A_323 = arith.constant 15 : i32
        %and3A_324 = vector.broadcast %and3A_323 : i32 to vector<16xi32>
        %and3A_325 = arith.andi %add3A_322, %and3A_324 : vector<16xi32>
        %gather3A_326 = tpu.vector_load_idx %arg18[%add3A_177, %and3A_325] : memref<800x16xf32, #tpu.memory_space<vmem>>[vector<16xi32>, vector<16xi32>], vector<16xf32>,
        %gather3A_327 = tpu.vector_load_idx %arg19[%add3A_177, %and3A_325] : memref<800x16xf32, #tpu.memory_space<vmem>>[vector<16xi32>, vector<16xi32>], vector<16xf32>,
        %sub3A_328 = arith.subf %gather3A_326, %gather3A_327 : vector<16xf32>
        %mul3A_329 = arith.mulf %sub3A_328, %sub3A_328 : vector<16xf32>
        %add3A_330 = arith.addf %add3A_319, %mul3A_329 : vector<16xf32>
        %add3A_331 = arith.constant 14 : i32
        %add3A_332 = vector.broadcast %add3A_331 : i32 to vector<16xi32>
        %add3A_333 = arith.addi %iota3A, %add3A_332 : vector<16xi32>
        %and3A_334 = arith.constant 15 : i32
        %and3A_335 = vector.broadcast %and3A_334 : i32 to vector<16xi32>
        %and3A_336 = arith.andi %add3A_333, %and3A_335 : vector<16xi32>
        %gather3A_337 = tpu.vector_load_idx %arg18[%add3A_177, %and3A_336] : memref<800x16xf32, #tpu.memory_space<vmem>>[vector<16xi32>, vector<16xi32>], vector<16xf32>,
        %gather3A_338 = tpu.vector_load_idx %arg19[%add3A_177, %and3A_336] : memref<800x16xf32, #tpu.memory_space<vmem>>[vector<16xi32>, vector<16xi32>], vector<16xf32>,
        %sub3A_339 = arith.subf %gather3A_337, %gather3A_338 : vector<16xf32>
        %mul3A_340 = arith.mulf %sub3A_339, %sub3A_339 : vector<16xf32>
        %add3A_341 = arith.addf %add3A_330, %mul3A_340 : vector<16xf32>
        %add3A_342 = arith.constant 15 : i32
        %add3A_343 = vector.broadcast %add3A_342 : i32 to vector<16xi32>
        %add3A_344 = arith.addi %iota3A, %add3A_343 : vector<16xi32>
        %and3A_345 = arith.constant 15 : i32
        %and3A_346 = vector.broadcast %and3A_345 : i32 to vector<16xi32>
        %and3A_347 = arith.andi %add3A_344, %and3A_346 : vector<16xi32>
        %gather3A_348 = tpu.vector_load_idx %arg18[%add3A_177, %and3A_347] : memref<800x16xf32, #tpu.memory_space<vmem>>[vector<16xi32>, vector<16xi32>], vector<16xf32>,
        %gather3A_349 = tpu.vector_load_idx %arg19[%add3A_177, %and3A_347] : memref<800x16xf32, #tpu.memory_space<vmem>>[vector<16xi32>, vector<16xi32>], vector<16xf32>,
        %sub3A_350 = arith.subf %gather3A_348, %gather3A_349 : vector<16xf32>
        %mul3A_351 = arith.mulf %sub3A_350, %sub3A_350 : vector<16xf32>
        %add3A_352 = arith.addf %add3A_341, %mul3A_351 : vector<16xf32>
        %max3A = arith.constant 1.000000e-24 : f32
        %max3A_353 = vector.broadcast %max3A : f32 to vector<16xf32>
        %max3A_354 = arith.maximumf %add3A_352, %max3A_353 : vector<16xf32>
        %bitcast3A = vector.bitcast %max3A_354 : vector<16xf32> to vector<16xi32>
        %shift_right_arithmetic3A = arith.constant 1 : i32
        %shift_right_arithmetic3A_355 = vector.broadcast %shift_right_arithmetic3A : i32 to vector<16xi32>
        %shift_right_arithmetic3A_356 = arith.shrsi %bitcast3A, %shift_right_arithmetic3A_355 : vector<16xi32>
        %sub3A_357 = arith.constant 1597463007 : i32
        %sub3A_358 = vector.broadcast %sub3A_357 : i32 to vector<16xi32>
        %sub3A_359 = arith.subi %sub3A_358, %shift_right_arithmetic3A_356 : vector<16xi32>
        %bitcast3A_360 = vector.bitcast %sub3A_359 : vector<16xi32> to vector<16xf32>
        %mul3A_361 = arith.constant 5.000000e-01 : f32
        %mul3A_362 = vector.broadcast %mul3A_361 : f32 to vector<16xf32>
        %mul3A_363 = arith.mulf %mul3A_362, %max3A_354 : vector<16xf32>
        %mul3A_364 = arith.mulf %mul3A_363, %bitcast3A_360 : vector<16xf32>
        %mul3A_365 = arith.mulf %mul3A_364, %bitcast3A_360 : vector<16xf32>
        %sub3A_366 = arith.constant 1.500000e+00 : f32
        %sub3A_367 = vector.broadcast %sub3A_366 : f32 to vector<16xf32>
        %sub3A_368 = arith.subf %sub3A_367, %mul3A_365 : vector<16xf32>
        %mul3A_369 = arith.mulf %bitcast3A_360, %sub3A_368 : vector<16xf32>
        %mul3A_370 = arith.constant 5.000000e-01 : f32
        %mul3A_371 = vector.broadcast %mul3A_370 : f32 to vector<16xf32>
        %mul3A_372 = arith.mulf %mul3A_371, %max3A_354 : vector<16xf32>
        %mul3A_373 = arith.mulf %mul3A_372, %mul3A_369 : vector<16xf32>
        %mul3A_374 = arith.mulf %mul3A_373, %mul3A_369 : vector<16xf32>
        %sub3A_375 = arith.constant 1.500000e+00 : f32
        %sub3A_376 = vector.broadcast %sub3A_375 : f32 to vector<16xf32>
        %sub3A_377 = arith.subf %sub3A_376, %mul3A_374 : vector<16xf32>
        %mul3A_378 = arith.mulf %mul3A_369, %sub3A_377 : vector<16xf32>
        %mul3A_379 = arith.constant 5.000000e-01 : f32
        %mul3A_380 = vector.broadcast %mul3A_379 : f32 to vector<16xf32>
        %mul3A_381 = arith.mulf %mul3A_380, %max3A_354 : vector<16xf32>
        %mul3A_382 = arith.mulf %mul3A_381, %mul3A_378 : vector<16xf32>
        %mul3A_383 = arith.mulf %mul3A_382, %mul3A_378 : vector<16xf32>
        %sub3A_384 = arith.constant 1.500000e+00 : f32
        %sub3A_385 = vector.broadcast %sub3A_384 : f32 to vector<16xf32>
        %sub3A_386 = arith.subf %sub3A_385, %mul3A_383 : vector<16xf32>
        %mul3A_387 = arith.mulf %mul3A_378, %sub3A_386 : vector<16xf32>
        %mul3A_388 = arith.mulf %max3A_354, %mul3A_387 : vector<16xf32>
        %add3A_389 = arith.constant 9.99999993E-9 : f32
        %add3A_390 = vector.broadcast %add3A_389 : f32 to vector<16xf32>
        %add3A_391 = arith.addf %mul3A_388, %add3A_390 : vector<16xf32>
        %sub3A_392 = arith.subf %get3A_3, %add3A_391 : vector<16xf32>
        %mul3A_393 = arith.constant 1.000000e+01 : f32
        %mul3A_394 = vector.broadcast %mul3A_393 : f32 to vector<16xf32>
        %mul3A_395 = arith.mulf %mul3A_394, %sub3A_392 : vector<16xf32>
        %abs3A = math.absf %mul3A_395 : vector<16xf32>
        %neg3A = arith.constant 0.000000e+00 : f32
        %neg3A_396 = vector.broadcast %neg3A : f32 to vector<16xf32>
        %neg3A_397 = arith.subf %neg3A_396, %abs3A : vector<16xf32>
        %exp3A = math.exp %neg3A_397 : vector<16xf32>
        %add3A_398 = arith.constant 2.000000e+00 : f32
        %add3A_399 = vector.broadcast %add3A_398 : f32 to vector<16xf32>
        %add3A_400 = arith.addf %add3A_399, %exp3A : vector<16xf32>
        %div3A = arith.divf %exp3A, %add3A_400 : vector<16xf32>
        %mul3A_401 = arith.mulf %div3A, %div3A : vector<16xf32>
        %mul3A_402 = arith.constant 2.000000e+00 : f32
        %mul3A_403 = vector.broadcast %mul3A_402 : f32 to vector<16xf32>
        %mul3A_404 = arith.mulf %mul3A_403, %div3A : vector<16xf32>
        %mul3A_405 = arith.constant 0.142857149 : f32
        %mul3A_406 = vector.broadcast %mul3A_405 : f32 to vector<16xf32>
        %mul3A_407 = arith.mulf %mul3A_401, %mul3A_406 : vector<16xf32>
        %add3A_408 = arith.constant 2.000000e-01 : f32
        %add3A_409 = vector.broadcast %add3A_408 : f32 to vector<16xf32>
        %add3A_410 = arith.addf %add3A_409, %mul3A_407 : vector<16xf32>
        %mul3A_411 = arith.mulf %mul3A_401, %add3A_410 : vector<16xf32>
        %add3A_412 = arith.constant 0.333333343 : f32
        %add3A_413 = vector.broadcast %add3A_412 : f32 to vector<16xf32>
        %add3A_414 = arith.addf %add3A_413, %mul3A_411 : vector<16xf32>
        %mul3A_415 = arith.mulf %mul3A_401, %add3A_414 : vector<16xf32>
        %add3A_416 = arith.constant 1.000000e+00 : f32
        %add3A_417 = vector.broadcast %add3A_416 : f32 to vector<16xf32>
        %add3A_418 = arith.addf %add3A_417, %mul3A_415 : vector<16xf32>
        %mul3A_419 = arith.mulf %mul3A_404, %add3A_418 : vector<16xf32>
        %max3A_420 = arith.constant 0.000000e+00 : f32
        %max3A_421 = vector.broadcast %max3A_420 : f32 to vector<16xf32>
        %max3A_422 = arith.maximumf %mul3A_395, %max3A_421 : vector<16xf32>
        %add3A_423 = arith.addf %max3A_422, %mul3A_419 : vector<16xf32>
        %mul3A_424 = arith.constant 1.000000e-01 : f32
        %mul3A_425 = vector.broadcast %mul3A_424 : f32 to vector<16xf32>
        %mul3A_426 = arith.mulf %add3A_423, %mul3A_425 : vector<16xf32>
        %add3A_427 = arith.addf %scan3A_173, %mul3A_426 : vector<16xf32>
        scf.yield %add3A_427 : vector<16xf32>
      }
      %scan3A_171 = arith.constant 50 : i32
      scf.yield %scan3A_170 : vector<16xf32>
    }
    %scan3A_39 = arith.constant 41 : i32
    %dma_wait3A_40 = arith.constant 0 : i32
    %dma_wait3A_41 = arith.constant 0 : i32
    %dma_wait3A_42 = tpu.memref_slice %arg2[%dma_wait3A_40, %dma_wait3A_41] : memref<100000x16xf32, #tpu.memory_space<hbm>> -> memref<100000x16xf32, #tpu.memory_space<hbm>>
    tpu.wait_indirect_dma semaphore(%arg22 : memref<!tpu.dma_semaphore, #tpu.memory_space<semaphore_mem>>) src(%dma_wait3A_42 : memref<100000x16xf32, #tpu.memory_space<hbm>>) dst(%arg10 : memref<800x16xf32, #tpu.memory_space<vmem>>)
    %dma_wait3A_43 = arith.constant 0 : i32
    %dma_wait3A_44 = arith.constant 0 : i32
    %dma_wait3A_45 = tpu.memref_slice %arg3[%dma_wait3A_43, %dma_wait3A_44] : memref<100000x16xf32, #tpu.memory_space<hbm>> -> memref<100000x16xf32, #tpu.memory_space<hbm>>
    tpu.wait_indirect_dma semaphore(%arg22 : memref<!tpu.dma_semaphore, #tpu.memory_space<semaphore_mem>>) src(%dma_wait3A_45 : memref<100000x16xf32, #tpu.memory_space<hbm>>) dst(%arg11 : memref<800x16xf32, #tpu.memory_space<vmem>>)
    %scan3A_46 = arith.constant 0 : i32
    %scan3A_47 = arith.constant 50 : i32
    %scan3A_48 = arith.addi %scan3A_46, %scan3A_47 : i32
    %scan3A_49 = arith.constant 1 : i32
    %scan3A_50 = scf.for %scan3A_65 = %scan3A_46 to %scan3A_48 step %scan3A_49 iter_args(%scan3A_66 = %scan3A_38) -> (vector<16xf32>)  : i32 {
      %mul3A_67 = arith.constant 16 : i32
      %mul3A_68 = arith.muli %scan3A_65, %mul3A_67 : i32
      %add3A_69 = vector.broadcast %mul3A_68 : i32 to vector<16xi32>
      %add3A_70 = arith.addi %add3A_69, %iota3A : vector<16xi32>
      %broadcast_in_dim3A_71 = arith.constant 0.000000e+00 : f32
      %broadcast_in_dim3A_72 = vector.broadcast %broadcast_in_dim3A_71 : f32 to vector<16xf32>
      %add3A_73 = arith.constant 0 : i32
      %add3A_74 = vector.broadcast %add3A_73 : i32 to vector<16xi32>
      %add3A_75 = arith.addi %iota3A, %add3A_74 : vector<16xi32>
      %and3A = arith.constant 15 : i32
      %and3A_76 = vector.broadcast %and3A : i32 to vector<16xi32>
      %and3A_77 = arith.andi %add3A_75, %and3A_76 : vector<16xi32>
      %gather3A = tpu.vector_load_idx %arg10[%add3A_70, %and3A_77] : memref<800x16xf32, #tpu.memory_space<vmem>>[vector<16xi32>, vector<16xi32>], vector<16xf32>,
      %gather3A_78 = tpu.vector_load_idx %arg11[%add3A_70, %and3A_77] : memref<800x16xf32, #tpu.memory_space<vmem>>[vector<16xi32>, vector<16xi32>], vector<16xf32>,
      %sub3A = arith.subf %gather3A, %gather3A_78 : vector<16xf32>
      %mul3A_79 = arith.mulf %sub3A, %sub3A : vector<16xf32>
      %add3A_80 = arith.addf %broadcast_in_dim3A_72, %mul3A_79 : vector<16xf32>
      %add3A_81 = arith.constant 1 : i32
      %add3A_82 = vector.broadcast %add3A_81 : i32 to vector<16xi32>
      %add3A_83 = arith.addi %iota3A, %add3A_82 : vector<16xi32>
      %and3A_84 = arith.constant 15 : i32
      %and3A_85 = vector.broadcast %and3A_84 : i32 to vector<16xi32>
      %and3A_86 = arith.andi %add3A_83, %and3A_85 : vector<16xi32>
      %gather3A_87 = tpu.vector_load_idx %arg10[%add3A_70, %and3A_86] : memref<800x16xf32, #tpu.memory_space<vmem>>[vector<16xi32>, vector<16xi32>], vector<16xf32>,
      %gather3A_88 = tpu.vector_load_idx %arg11[%add3A_70, %and3A_86] : memref<800x16xf32, #tpu.memory_space<vmem>>[vector<16xi32>, vector<16xi32>], vector<16xf32>,
      %sub3A_89 = arith.subf %gather3A_87, %gather3A_88 : vector<16xf32>
      %mul3A_90 = arith.mulf %sub3A_89, %sub3A_89 : vector<16xf32>
      %add3A_91 = arith.addf %add3A_80, %mul3A_90 : vector<16xf32>
      %add3A_92 = arith.constant 2 : i32
      %add3A_93 = vector.broadcast %add3A_92 : i32 to vector<16xi32>
      %add3A_94 = arith.addi %iota3A, %add3A_93 : vector<16xi32>
      %and3A_95 = arith.constant 15 : i32
      %and3A_96 = vector.broadcast %and3A_95 : i32 to vector<16xi32>
      %and3A_97 = arith.andi %add3A_94, %and3A_96 : vector<16xi32>
      %gather3A_98 = tpu.vector_load_idx %arg10[%add3A_70, %and3A_97] : memref<800x16xf32, #tpu.memory_space<vmem>>[vector<16xi32>, vector<16xi32>], vector<16xf32>,
      %gather3A_99 = tpu.vector_load_idx %arg11[%add3A_70, %and3A_97] : memref<800x16xf32, #tpu.memory_space<vmem>>[vector<16xi32>, vector<16xi32>], vector<16xf32>,
      %sub3A_100 = arith.subf %gather3A_98, %gather3A_99 : vector<16xf32>
      %mul3A_101 = arith.mulf %sub3A_100, %sub3A_100 : vector<16xf32>
      %add3A_102 = arith.addf %add3A_91, %mul3A_101 : vector<16xf32>
      %add3A_103 = arith.constant 3 : i32
      %add3A_104 = vector.broadcast %add3A_103 : i32 to vector<16xi32>
      %add3A_105 = arith.addi %iota3A, %add3A_104 : vector<16xi32>
      %and3A_106 = arith.constant 15 : i32
      %and3A_107 = vector.broadcast %and3A_106 : i32 to vector<16xi32>
      %and3A_108 = arith.andi %add3A_105, %and3A_107 : vector<16xi32>
      %gather3A_109 = tpu.vector_load_idx %arg10[%add3A_70, %and3A_108] : memref<800x16xf32, #tpu.memory_space<vmem>>[vector<16xi32>, vector<16xi32>], vector<16xf32>,
      %gather3A_110 = tpu.vector_load_idx %arg11[%add3A_70, %and3A_108] : memref<800x16xf32, #tpu.memory_space<vmem>>[vector<16xi32>, vector<16xi32>], vector<16xf32>,
      %sub3A_111 = arith.subf %gather3A_109, %gather3A_110 : vector<16xf32>
      %mul3A_112 = arith.mulf %sub3A_111, %sub3A_111 : vector<16xf32>
      %add3A_113 = arith.addf %add3A_102, %mul3A_112 : vector<16xf32>
      %add3A_114 = arith.constant 4 : i32
      %add3A_115 = vector.broadcast %add3A_114 : i32 to vector<16xi32>
      %add3A_116 = arith.addi %iota3A, %add3A_115 : vector<16xi32>
      %and3A_117 = arith.constant 15 : i32
      %and3A_118 = vector.broadcast %and3A_117 : i32 to vector<16xi32>
      %and3A_119 = arith.andi %add3A_116, %and3A_118 : vector<16xi32>
      %gather3A_120 = tpu.vector_load_idx %arg10[%add3A_70, %and3A_119] : memref<800x16xf32, #tpu.memory_space<vmem>>[vector<16xi32>, vector<16xi32>], vector<16xf32>,
      %gather3A_121 = tpu.vector_load_idx %arg11[%add3A_70, %and3A_119] : memref<800x16xf32, #tpu.memory_space<vmem>>[vector<16xi32>, vector<16xi32>], vector<16xf32>,
      %sub3A_122 = arith.subf %gather3A_120, %gather3A_121 : vector<16xf32>
      %mul3A_123 = arith.mulf %sub3A_122, %sub3A_122 : vector<16xf32>
      %add3A_124 = arith.addf %add3A_113, %mul3A_123 : vector<16xf32>
      %add3A_125 = arith.constant 5 : i32
      %add3A_126 = vector.broadcast %add3A_125 : i32 to vector<16xi32>
      %add3A_127 = arith.addi %iota3A, %add3A_126 : vector<16xi32>
      %and3A_128 = arith.constant 15 : i32
      %and3A_129 = vector.broadcast %and3A_128 : i32 to vector<16xi32>
      %and3A_130 = arith.andi %add3A_127, %and3A_129 : vector<16xi32>
      %gather3A_131 = tpu.vector_load_idx %arg10[%add3A_70, %and3A_130] : memref<800x16xf32, #tpu.memory_space<vmem>>[vector<16xi32>, vector<16xi32>], vector<16xf32>,
      %gather3A_132 = tpu.vector_load_idx %arg11[%add3A_70, %and3A_130] : memref<800x16xf32, #tpu.memory_space<vmem>>[vector<16xi32>, vector<16xi32>], vector<16xf32>,
      %sub3A_133 = arith.subf %gather3A_131, %gather3A_132 : vector<16xf32>
      %mul3A_134 = arith.mulf %sub3A_133, %sub3A_133 : vector<16xf32>
      %add3A_135 = arith.addf %add3A_124, %mul3A_134 : vector<16xf32>
      %add3A_136 = arith.constant 6 : i32
      %add3A_137 = vector.broadcast %add3A_136 : i32 to vector<16xi32>
      %add3A_138 = arith.addi %iota3A, %add3A_137 : vector<16xi32>
      %and3A_139 = arith.constant 15 : i32
      %and3A_140 = vector.broadcast %and3A_139 : i32 to vector<16xi32>
      %and3A_141 = arith.andi %add3A_138, %and3A_140 : vector<16xi32>
      %gather3A_142 = tpu.vector_load_idx %arg10[%add3A_70, %and3A_141] : memref<800x16xf32, #tpu.memory_space<vmem>>[vector<16xi32>, vector<16xi32>], vector<16xf32>,
      %gather3A_143 = tpu.vector_load_idx %arg11[%add3A_70, %and3A_141] : memref<800x16xf32, #tpu.memory_space<vmem>>[vector<16xi32>, vector<16xi32>], vector<16xf32>,
      %sub3A_144 = arith.subf %gather3A_142, %gather3A_143 : vector<16xf32>
      %mul3A_145 = arith.mulf %sub3A_144, %sub3A_144 : vector<16xf32>
      %add3A_146 = arith.addf %add3A_135, %mul3A_145 : vector<16xf32>
      %add3A_147 = arith.constant 7 : i32
      %add3A_148 = vector.broadcast %add3A_147 : i32 to vector<16xi32>
      %add3A_149 = arith.addi %iota3A, %add3A_148 : vector<16xi32>
      %and3A_150 = arith.constant 15 : i32
      %and3A_151 = vector.broadcast %and3A_150 : i32 to vector<16xi32>
      %and3A_152 = arith.andi %add3A_149, %and3A_151 : vector<16xi32>
      %gather3A_153 = tpu.vector_load_idx %arg10[%add3A_70, %and3A_152] : memref<800x16xf32, #tpu.memory_space<vmem>>[vector<16xi32>, vector<16xi32>], vector<16xf32>,
      %gather3A_154 = tpu.vector_load_idx %arg11[%add3A_70, %and3A_152] : memref<800x16xf32, #tpu.memory_space<vmem>>[vector<16xi32>, vector<16xi32>], vector<16xf32>,
      %sub3A_155 = arith.subf %gather3A_153, %gather3A_154 : vector<16xf32>
      %mul3A_156 = arith.mulf %sub3A_155, %sub3A_155 : vector<16xf32>
      %add3A_157 = arith.addf %add3A_146, %mul3A_156 : vector<16xf32>
      %add3A_158 = arith.constant 8 : i32
      %add3A_159 = vector.broadcast %add3A_158 : i32 to vector<16xi32>
      %add3A_160 = arith.addi %iota3A, %add3A_159 : vector<16xi32>
      %and3A_161 = arith.constant 15 : i32
      %and3A_162 = vector.broadcast %and3A_161 : i32 to vector<16xi32>
      %and3A_163 = arith.andi %add3A_160, %and3A_162 : vector<16xi32>
      %gather3A_164 = tpu.vector_load_idx %arg10[%add3A_70, %and3A_163] : memref<800x16xf32, #tpu.memory_space<vmem>>[vector<16xi32>, vector<16xi32>], vector<16xf32>,
      %gather3A_165 = tpu.vector_load_idx %arg11[%add3A_70, %and3A_163] : memref<800x16xf32, #tpu.memory_space<vmem>>[vector<16xi32>, vector<16xi32>], vector<16xf32>,
      %sub3A_166 = arith.subf %gather3A_164, %gather3A_165 : vector<16xf32>
      %mul3A_167 = arith.mulf %sub3A_166, %sub3A_166 : vector<16xf32>
      %add3A_168 = arith.addf %add3A_157, %mul3A_167 : vector<16xf32>
      %add3A_169 = arith.constant 9 : i32
      %add3A_170 = vector.broadcast %add3A_169 : i32 to vector<16xi32>
      %add3A_171 = arith.addi %iota3A, %add3A_170 : vector<16xi32>
      %and3A_172 = arith.constant 15 : i32
      %and3A_173 = vector.broadcast %and3A_172 : i32 to vector<16xi32>
      %and3A_174 = arith.andi %add3A_171, %and3A_173 : vector<16xi32>
      %gather3A_175 = tpu.vector_load_idx %arg10[%add3A_70, %and3A_174] : memref<800x16xf32, #tpu.memory_space<vmem>>[vector<16xi32>, vector<16xi32>], vector<16xf32>,
      %gather3A_176 = tpu.vector_load_idx %arg11[%add3A_70, %and3A_174] : memref<800x16xf32, #tpu.memory_space<vmem>>[vector<16xi32>, vector<16xi32>], vector<16xf32>,
      %sub3A_177 = arith.subf %gather3A_175, %gather3A_176 : vector<16xf32>
      %mul3A_178 = arith.mulf %sub3A_177, %sub3A_177 : vector<16xf32>
      %add3A_179 = arith.addf %add3A_168, %mul3A_178 : vector<16xf32>
      %add3A_180 = arith.constant 10 : i32
      %add3A_181 = vector.broadcast %add3A_180 : i32 to vector<16xi32>
      %add3A_182 = arith.addi %iota3A, %add3A_181 : vector<16xi32>
      %and3A_183 = arith.constant 15 : i32
      %and3A_184 = vector.broadcast %and3A_183 : i32 to vector<16xi32>
      %and3A_185 = arith.andi %add3A_182, %and3A_184 : vector<16xi32>
      %gather3A_186 = tpu.vector_load_idx %arg10[%add3A_70, %and3A_185] : memref<800x16xf32, #tpu.memory_space<vmem>>[vector<16xi32>, vector<16xi32>], vector<16xf32>,
      %gather3A_187 = tpu.vector_load_idx %arg11[%add3A_70, %and3A_185] : memref<800x16xf32, #tpu.memory_space<vmem>>[vector<16xi32>, vector<16xi32>], vector<16xf32>,
      %sub3A_188 = arith.subf %gather3A_186, %gather3A_187 : vector<16xf32>
      %mul3A_189 = arith.mulf %sub3A_188, %sub3A_188 : vector<16xf32>
      %add3A_190 = arith.addf %add3A_179, %mul3A_189 : vector<16xf32>
      %add3A_191 = arith.constant 11 : i32
      %add3A_192 = vector.broadcast %add3A_191 : i32 to vector<16xi32>
      %add3A_193 = arith.addi %iota3A, %add3A_192 : vector<16xi32>
      %and3A_194 = arith.constant 15 : i32
      %and3A_195 = vector.broadcast %and3A_194 : i32 to vector<16xi32>
      %and3A_196 = arith.andi %add3A_193, %and3A_195 : vector<16xi32>
      %gather3A_197 = tpu.vector_load_idx %arg10[%add3A_70, %and3A_196] : memref<800x16xf32, #tpu.memory_space<vmem>>[vector<16xi32>, vector<16xi32>], vector<16xf32>,
      %gather3A_198 = tpu.vector_load_idx %arg11[%add3A_70, %and3A_196] : memref<800x16xf32, #tpu.memory_space<vmem>>[vector<16xi32>, vector<16xi32>], vector<16xf32>,
      %sub3A_199 = arith.subf %gather3A_197, %gather3A_198 : vector<16xf32>
      %mul3A_200 = arith.mulf %sub3A_199, %sub3A_199 : vector<16xf32>
      %add3A_201 = arith.addf %add3A_190, %mul3A_200 : vector<16xf32>
      %add3A_202 = arith.constant 12 : i32
      %add3A_203 = vector.broadcast %add3A_202 : i32 to vector<16xi32>
      %add3A_204 = arith.addi %iota3A, %add3A_203 : vector<16xi32>
      %and3A_205 = arith.constant 15 : i32
      %and3A_206 = vector.broadcast %and3A_205 : i32 to vector<16xi32>
      %and3A_207 = arith.andi %add3A_204, %and3A_206 : vector<16xi32>
      %gather3A_208 = tpu.vector_load_idx %arg10[%add3A_70, %and3A_207] : memref<800x16xf32, #tpu.memory_space<vmem>>[vector<16xi32>, vector<16xi32>], vector<16xf32>,
      %gather3A_209 = tpu.vector_load_idx %arg11[%add3A_70, %and3A_207] : memref<800x16xf32, #tpu.memory_space<vmem>>[vector<16xi32>, vector<16xi32>], vector<16xf32>,
      %sub3A_210 = arith.subf %gather3A_208, %gather3A_209 : vector<16xf32>
      %mul3A_211 = arith.mulf %sub3A_210, %sub3A_210 : vector<16xf32>
      %add3A_212 = arith.addf %add3A_201, %mul3A_211 : vector<16xf32>
      %add3A_213 = arith.constant 13 : i32
      %add3A_214 = vector.broadcast %add3A_213 : i32 to vector<16xi32>
      %add3A_215 = arith.addi %iota3A, %add3A_214 : vector<16xi32>
      %and3A_216 = arith.constant 15 : i32
      %and3A_217 = vector.broadcast %and3A_216 : i32 to vector<16xi32>
      %and3A_218 = arith.andi %add3A_215, %and3A_217 : vector<16xi32>
      %gather3A_219 = tpu.vector_load_idx %arg10[%add3A_70, %and3A_218] : memref<800x16xf32, #tpu.memory_space<vmem>>[vector<16xi32>, vector<16xi32>], vector<16xf32>,
      %gather3A_220 = tpu.vector_load_idx %arg11[%add3A_70, %and3A_218] : memref<800x16xf32, #tpu.memory_space<vmem>>[vector<16xi32>, vector<16xi32>], vector<16xf32>,
      %sub3A_221 = arith.subf %gather3A_219, %gather3A_220 : vector<16xf32>
      %mul3A_222 = arith.mulf %sub3A_221, %sub3A_221 : vector<16xf32>
      %add3A_223 = arith.addf %add3A_212, %mul3A_222 : vector<16xf32>
      %add3A_224 = arith.constant 14 : i32
      %add3A_225 = vector.broadcast %add3A_224 : i32 to vector<16xi32>
      %add3A_226 = arith.addi %iota3A, %add3A_225 : vector<16xi32>
      %and3A_227 = arith.constant 15 : i32
      %and3A_228 = vector.broadcast %and3A_227 : i32 to vector<16xi32>
      %and3A_229 = arith.andi %add3A_226, %and3A_228 : vector<16xi32>
      %gather3A_230 = tpu.vector_load_idx %arg10[%add3A_70, %and3A_229] : memref<800x16xf32, #tpu.memory_space<vmem>>[vector<16xi32>, vector<16xi32>], vector<16xf32>,
      %gather3A_231 = tpu.vector_load_idx %arg11[%add3A_70, %and3A_229] : memref<800x16xf32, #tpu.memory_space<vmem>>[vector<16xi32>, vector<16xi32>], vector<16xf32>,
      %sub3A_232 = arith.subf %gather3A_230, %gather3A_231 : vector<16xf32>
      %mul3A_233 = arith.mulf %sub3A_232, %sub3A_232 : vector<16xf32>
      %add3A_234 = arith.addf %add3A_223, %mul3A_233 : vector<16xf32>
      %add3A_235 = arith.constant 15 : i32
      %add3A_236 = vector.broadcast %add3A_235 : i32 to vector<16xi32>
      %add3A_237 = arith.addi %iota3A, %add3A_236 : vector<16xi32>
      %and3A_238 = arith.constant 15 : i32
      %and3A_239 = vector.broadcast %and3A_238 : i32 to vector<16xi32>
      %and3A_240 = arith.andi %add3A_237, %and3A_239 : vector<16xi32>
      %gather3A_241 = tpu.vector_load_idx %arg10[%add3A_70, %and3A_240] : memref<800x16xf32, #tpu.memory_space<vmem>>[vector<16xi32>, vector<16xi32>], vector<16xf32>,
      %gather3A_242 = tpu.vector_load_idx %arg11[%add3A_70, %and3A_240] : memref<800x16xf32, #tpu.memory_space<vmem>>[vector<16xi32>, vector<16xi32>], vector<16xf32>,
      %sub3A_243 = arith.subf %gather3A_241, %gather3A_242 : vector<16xf32>
      %mul3A_244 = arith.mulf %sub3A_243, %sub3A_243 : vector<16xf32>
      %add3A_245 = arith.addf %add3A_234, %mul3A_244 : vector<16xf32>
      %max3A = arith.constant 1.000000e-24 : f32
      %max3A_246 = vector.broadcast %max3A : f32 to vector<16xf32>
      %max3A_247 = arith.maximumf %add3A_245, %max3A_246 : vector<16xf32>
      %bitcast3A = vector.bitcast %max3A_247 : vector<16xf32> to vector<16xi32>
      %shift_right_arithmetic3A = arith.constant 1 : i32
      %shift_right_arithmetic3A_248 = vector.broadcast %shift_right_arithmetic3A : i32 to vector<16xi32>
      %shift_right_arithmetic3A_249 = arith.shrsi %bitcast3A, %shift_right_arithmetic3A_248 : vector<16xi32>
      %sub3A_250 = arith.constant 1597463007 : i32
      %sub3A_251 = vector.broadcast %sub3A_250 : i32 to vector<16xi32>
      %sub3A_252 = arith.subi %sub3A_251, %shift_right_arithmetic3A_249 : vector<16xi32>
      %bitcast3A_253 = vector.bitcast %sub3A_252 : vector<16xi32> to vector<16xf32>
      %mul3A_254 = arith.constant 5.000000e-01 : f32
      %mul3A_255 = vector.broadcast %mul3A_254 : f32 to vector<16xf32>
      %mul3A_256 = arith.mulf %mul3A_255, %max3A_247 : vector<16xf32>
      %mul3A_257 = arith.mulf %mul3A_256, %bitcast3A_253 : vector<16xf32>
      %mul3A_258 = arith.mulf %mul3A_257, %bitcast3A_253 : vector<16xf32>
      %sub3A_259 = arith.constant 1.500000e+00 : f32
      %sub3A_260 = vector.broadcast %sub3A_259 : f32 to vector<16xf32>
      %sub3A_261 = arith.subf %sub3A_260, %mul3A_258 : vector<16xf32>
      %mul3A_262 = arith.mulf %bitcast3A_253, %sub3A_261 : vector<16xf32>
      %mul3A_263 = arith.constant 5.000000e-01 : f32
      %mul3A_264 = vector.broadcast %mul3A_263 : f32 to vector<16xf32>
      %mul3A_265 = arith.mulf %mul3A_264, %max3A_247 : vector<16xf32>
      %mul3A_266 = arith.mulf %mul3A_265, %mul3A_262 : vector<16xf32>
      %mul3A_267 = arith.mulf %mul3A_266, %mul3A_262 : vector<16xf32>
      %sub3A_268 = arith.constant 1.500000e+00 : f32
      %sub3A_269 = vector.broadcast %sub3A_268 : f32 to vector<16xf32>
      %sub3A_270 = arith.subf %sub3A_269, %mul3A_267 : vector<16xf32>
      %mul3A_271 = arith.mulf %mul3A_262, %sub3A_270 : vector<16xf32>
      %mul3A_272 = arith.constant 5.000000e-01 : f32
      %mul3A_273 = vector.broadcast %mul3A_272 : f32 to vector<16xf32>
      %mul3A_274 = arith.mulf %mul3A_273, %max3A_247 : vector<16xf32>
      %mul3A_275 = arith.mulf %mul3A_274, %mul3A_271 : vector<16xf32>
      %mul3A_276 = arith.mulf %mul3A_275, %mul3A_271 : vector<16xf32>
      %sub3A_277 = arith.constant 1.500000e+00 : f32
      %sub3A_278 = vector.broadcast %sub3A_277 : f32 to vector<16xf32>
      %sub3A_279 = arith.subf %sub3A_278, %mul3A_276 : vector<16xf32>
      %mul3A_280 = arith.mulf %mul3A_271, %sub3A_279 : vector<16xf32>
      %mul3A_281 = arith.mulf %max3A_247, %mul3A_280 : vector<16xf32>
      %add3A_282 = arith.constant 9.99999993E-9 : f32
      %add3A_283 = vector.broadcast %add3A_282 : f32 to vector<16xf32>
      %add3A_284 = arith.addf %mul3A_281, %add3A_283 : vector<16xf32>
      %sub3A_285 = arith.subf %get3A_3, %add3A_284 : vector<16xf32>
      %mul3A_286 = arith.constant 1.000000e+01 : f32
      %mul3A_287 = vector.broadcast %mul3A_286 : f32 to vector<16xf32>
      %mul3A_288 = arith.mulf %mul3A_287, %sub3A_285 : vector<16xf32>
      %abs3A = math.absf %mul3A_288 : vector<16xf32>
      %neg3A = arith.constant 0.000000e+00 : f32
      %neg3A_289 = vector.broadcast %neg3A : f32 to vector<16xf32>
      %neg3A_290 = arith.subf %neg3A_289, %abs3A : vector<16xf32>
      %exp3A = math.exp %neg3A_290 : vector<16xf32>
      %add3A_291 = arith.constant 2.000000e+00 : f32
      %add3A_292 = vector.broadcast %add3A_291 : f32 to vector<16xf32>
      %add3A_293 = arith.addf %add3A_292, %exp3A : vector<16xf32>
      %div3A = arith.divf %exp3A, %add3A_293 : vector<16xf32>
      %mul3A_294 = arith.mulf %div3A, %div3A : vector<16xf32>
      %mul3A_295 = arith.constant 2.000000e+00 : f32
      %mul3A_296 = vector.broadcast %mul3A_295 : f32 to vector<16xf32>
      %mul3A_297 = arith.mulf %mul3A_296, %div3A : vector<16xf32>
      %mul3A_298 = arith.constant 0.142857149 : f32
      %mul3A_299 = vector.broadcast %mul3A_298 : f32 to vector<16xf32>
      %mul3A_300 = arith.mulf %mul3A_294, %mul3A_299 : vector<16xf32>
      %add3A_301 = arith.constant 2.000000e-01 : f32
      %add3A_302 = vector.broadcast %add3A_301 : f32 to vector<16xf32>
      %add3A_303 = arith.addf %add3A_302, %mul3A_300 : vector<16xf32>
      %mul3A_304 = arith.mulf %mul3A_294, %add3A_303 : vector<16xf32>
      %add3A_305 = arith.constant 0.333333343 : f32
      %add3A_306 = vector.broadcast %add3A_305 : f32 to vector<16xf32>
      %add3A_307 = arith.addf %add3A_306, %mul3A_304 : vector<16xf32>
      %mul3A_308 = arith.mulf %mul3A_294, %add3A_307 : vector<16xf32>
      %add3A_309 = arith.constant 1.000000e+00 : f32
      %add3A_310 = vector.broadcast %add3A_309 : f32 to vector<16xf32>
      %add3A_311 = arith.addf %add3A_310, %mul3A_308 : vector<16xf32>
      %mul3A_312 = arith.mulf %mul3A_297, %add3A_311 : vector<16xf32>
      %max3A_313 = arith.constant 0.000000e+00 : f32
      %max3A_314 = vector.broadcast %max3A_313 : f32 to vector<16xf32>
      %max3A_315 = arith.maximumf %mul3A_288, %max3A_314 : vector<16xf32>
      %add3A_316 = arith.addf %max3A_315, %mul3A_312 : vector<16xf32>
      %mul3A_317 = arith.constant 1.000000e-01 : f32
      %mul3A_318 = vector.broadcast %mul3A_317 : f32 to vector<16xf32>
      %mul3A_319 = arith.mulf %add3A_316, %mul3A_318 : vector<16xf32>
      %add3A_320 = arith.addf %scan3A_66, %mul3A_319 : vector<16xf32>
      scf.yield %add3A_320 : vector<16xf32>
    }
    %scan3A_51 = arith.constant 50 : i32
    %dma_wait3A_52 = arith.constant 0 : i32
    %dma_wait3A_53 = arith.constant 0 : i32
    %dma_wait3A_54 = tpu.memref_slice %arg2[%dma_wait3A_52, %dma_wait3A_53] : memref<100000x16xf32, #tpu.memory_space<hbm>> -> memref<100000x16xf32, #tpu.memory_space<hbm>>
    tpu.wait_indirect_dma semaphore(%arg23 : memref<!tpu.dma_semaphore, #tpu.memory_space<semaphore_mem>>) src(%dma_wait3A_54 : memref<100000x16xf32, #tpu.memory_space<hbm>>) dst(%arg14 : memref<800x16xf32, #tpu.memory_space<vmem>>)
    %dma_wait3A_55 = arith.constant 0 : i32
    %dma_wait3A_56 = arith.constant 0 : i32
    %dma_wait3A_57 = tpu.memref_slice %arg3[%dma_wait3A_55, %dma_wait3A_56] : memref<100000x16xf32, #tpu.memory_space<hbm>> -> memref<100000x16xf32, #tpu.memory_space<hbm>>
    tpu.wait_indirect_dma semaphore(%arg23 : memref<!tpu.dma_semaphore, #tpu.memory_space<semaphore_mem>>) src(%dma_wait3A_57 : memref<100000x16xf32, #tpu.memory_space<hbm>>) dst(%arg15 : memref<800x16xf32, #tpu.memory_space<vmem>>)
    %scan3A_58 = arith.constant 0 : i32
    %scan3A_59 = arith.constant 50 : i32
    %scan3A_60 = arith.addi %scan3A_58, %scan3A_59 : i32
    %scan3A_61 = arith.constant 1 : i32
    %scan3A_62 = scf.for %scan3A_65 = %scan3A_58 to %scan3A_60 step %scan3A_61 iter_args(%scan3A_66 = %scan3A_50) -> (vector<16xf32>)  : i32 {
      %mul3A_67 = arith.constant 16 : i32
      %mul3A_68 = arith.muli %scan3A_65, %mul3A_67 : i32
      %add3A_69 = vector.broadcast %mul3A_68 : i32 to vector<16xi32>
      %add3A_70 = arith.addi %add3A_69, %iota3A : vector<16xi32>
      %broadcast_in_dim3A_71 = arith.constant 0.000000e+00 : f32
      %broadcast_in_dim3A_72 = vector.broadcast %broadcast_in_dim3A_71 : f32 to vector<16xf32>
      %add3A_73 = arith.constant 0 : i32
      %add3A_74 = vector.broadcast %add3A_73 : i32 to vector<16xi32>
      %add3A_75 = arith.addi %iota3A, %add3A_74 : vector<16xi32>
      %and3A = arith.constant 15 : i32
      %and3A_76 = vector.broadcast %and3A : i32 to vector<16xi32>
      %and3A_77 = arith.andi %add3A_75, %and3A_76 : vector<16xi32>
      %gather3A = tpu.vector_load_idx %arg14[%add3A_70, %and3A_77] : memref<800x16xf32, #tpu.memory_space<vmem>>[vector<16xi32>, vector<16xi32>], vector<16xf32>,
      %gather3A_78 = tpu.vector_load_idx %arg15[%add3A_70, %and3A_77] : memref<800x16xf32, #tpu.memory_space<vmem>>[vector<16xi32>, vector<16xi32>], vector<16xf32>,
      %sub3A = arith.subf %gather3A, %gather3A_78 : vector<16xf32>
      %mul3A_79 = arith.mulf %sub3A, %sub3A : vector<16xf32>
      %add3A_80 = arith.addf %broadcast_in_dim3A_72, %mul3A_79 : vector<16xf32>
      %add3A_81 = arith.constant 1 : i32
      %add3A_82 = vector.broadcast %add3A_81 : i32 to vector<16xi32>
      %add3A_83 = arith.addi %iota3A, %add3A_82 : vector<16xi32>
      %and3A_84 = arith.constant 15 : i32
      %and3A_85 = vector.broadcast %and3A_84 : i32 to vector<16xi32>
      %and3A_86 = arith.andi %add3A_83, %and3A_85 : vector<16xi32>
      %gather3A_87 = tpu.vector_load_idx %arg14[%add3A_70, %and3A_86] : memref<800x16xf32, #tpu.memory_space<vmem>>[vector<16xi32>, vector<16xi32>], vector<16xf32>,
      %gather3A_88 = tpu.vector_load_idx %arg15[%add3A_70, %and3A_86] : memref<800x16xf32, #tpu.memory_space<vmem>>[vector<16xi32>, vector<16xi32>], vector<16xf32>,
      %sub3A_89 = arith.subf %gather3A_87, %gather3A_88 : vector<16xf32>
      %mul3A_90 = arith.mulf %sub3A_89, %sub3A_89 : vector<16xf32>
      %add3A_91 = arith.addf %add3A_80, %mul3A_90 : vector<16xf32>
      %add3A_92 = arith.constant 2 : i32
      %add3A_93 = vector.broadcast %add3A_92 : i32 to vector<16xi32>
      %add3A_94 = arith.addi %iota3A, %add3A_93 : vector<16xi32>
      %and3A_95 = arith.constant 15 : i32
      %and3A_96 = vector.broadcast %and3A_95 : i32 to vector<16xi32>
      %and3A_97 = arith.andi %add3A_94, %and3A_96 : vector<16xi32>
      %gather3A_98 = tpu.vector_load_idx %arg14[%add3A_70, %and3A_97] : memref<800x16xf32, #tpu.memory_space<vmem>>[vector<16xi32>, vector<16xi32>], vector<16xf32>,
      %gather3A_99 = tpu.vector_load_idx %arg15[%add3A_70, %and3A_97] : memref<800x16xf32, #tpu.memory_space<vmem>>[vector<16xi32>, vector<16xi32>], vector<16xf32>,
      %sub3A_100 = arith.subf %gather3A_98, %gather3A_99 : vector<16xf32>
      %mul3A_101 = arith.mulf %sub3A_100, %sub3A_100 : vector<16xf32>
      %add3A_102 = arith.addf %add3A_91, %mul3A_101 : vector<16xf32>
      %add3A_103 = arith.constant 3 : i32
      %add3A_104 = vector.broadcast %add3A_103 : i32 to vector<16xi32>
      %add3A_105 = arith.addi %iota3A, %add3A_104 : vector<16xi32>
      %and3A_106 = arith.constant 15 : i32
      %and3A_107 = vector.broadcast %and3A_106 : i32 to vector<16xi32>
      %and3A_108 = arith.andi %add3A_105, %and3A_107 : vector<16xi32>
      %gather3A_109 = tpu.vector_load_idx %arg14[%add3A_70, %and3A_108] : memref<800x16xf32, #tpu.memory_space<vmem>>[vector<16xi32>, vector<16xi32>], vector<16xf32>,
      %gather3A_110 = tpu.vector_load_idx %arg15[%add3A_70, %and3A_108] : memref<800x16xf32, #tpu.memory_space<vmem>>[vector<16xi32>, vector<16xi32>], vector<16xf32>,
      %sub3A_111 = arith.subf %gather3A_109, %gather3A_110 : vector<16xf32>
      %mul3A_112 = arith.mulf %sub3A_111, %sub3A_111 : vector<16xf32>
      %add3A_113 = arith.addf %add3A_102, %mul3A_112 : vector<16xf32>
      %add3A_114 = arith.constant 4 : i32
      %add3A_115 = vector.broadcast %add3A_114 : i32 to vector<16xi32>
      %add3A_116 = arith.addi %iota3A, %add3A_115 : vector<16xi32>
      %and3A_117 = arith.constant 15 : i32
      %and3A_118 = vector.broadcast %and3A_117 : i32 to vector<16xi32>
      %and3A_119 = arith.andi %add3A_116, %and3A_118 : vector<16xi32>
      %gather3A_120 = tpu.vector_load_idx %arg14[%add3A_70, %and3A_119] : memref<800x16xf32, #tpu.memory_space<vmem>>[vector<16xi32>, vector<16xi32>], vector<16xf32>,
      %gather3A_121 = tpu.vector_load_idx %arg15[%add3A_70, %and3A_119] : memref<800x16xf32, #tpu.memory_space<vmem>>[vector<16xi32>, vector<16xi32>], vector<16xf32>,
      %sub3A_122 = arith.subf %gather3A_120, %gather3A_121 : vector<16xf32>
      %mul3A_123 = arith.mulf %sub3A_122, %sub3A_122 : vector<16xf32>
      %add3A_124 = arith.addf %add3A_113, %mul3A_123 : vector<16xf32>
      %add3A_125 = arith.constant 5 : i32
      %add3A_126 = vector.broadcast %add3A_125 : i32 to vector<16xi32>
      %add3A_127 = arith.addi %iota3A, %add3A_126 : vector<16xi32>
      %and3A_128 = arith.constant 15 : i32
      %and3A_129 = vector.broadcast %and3A_128 : i32 to vector<16xi32>
      %and3A_130 = arith.andi %add3A_127, %and3A_129 : vector<16xi32>
      %gather3A_131 = tpu.vector_load_idx %arg14[%add3A_70, %and3A_130] : memref<800x16xf32, #tpu.memory_space<vmem>>[vector<16xi32>, vector<16xi32>], vector<16xf32>,
      %gather3A_132 = tpu.vector_load_idx %arg15[%add3A_70, %and3A_130] : memref<800x16xf32, #tpu.memory_space<vmem>>[vector<16xi32>, vector<16xi32>], vector<16xf32>,
      %sub3A_133 = arith.subf %gather3A_131, %gather3A_132 : vector<16xf32>
      %mul3A_134 = arith.mulf %sub3A_133, %sub3A_133 : vector<16xf32>
      %add3A_135 = arith.addf %add3A_124, %mul3A_134 : vector<16xf32>
      %add3A_136 = arith.constant 6 : i32
      %add3A_137 = vector.broadcast %add3A_136 : i32 to vector<16xi32>
      %add3A_138 = arith.addi %iota3A, %add3A_137 : vector<16xi32>
      %and3A_139 = arith.constant 15 : i32
      %and3A_140 = vector.broadcast %and3A_139 : i32 to vector<16xi32>
      %and3A_141 = arith.andi %add3A_138, %and3A_140 : vector<16xi32>
      %gather3A_142 = tpu.vector_load_idx %arg14[%add3A_70, %and3A_141] : memref<800x16xf32, #tpu.memory_space<vmem>>[vector<16xi32>, vector<16xi32>], vector<16xf32>,
      %gather3A_143 = tpu.vector_load_idx %arg15[%add3A_70, %and3A_141] : memref<800x16xf32, #tpu.memory_space<vmem>>[vector<16xi32>, vector<16xi32>], vector<16xf32>,
      %sub3A_144 = arith.subf %gather3A_142, %gather3A_143 : vector<16xf32>
      %mul3A_145 = arith.mulf %sub3A_144, %sub3A_144 : vector<16xf32>
      %add3A_146 = arith.addf %add3A_135, %mul3A_145 : vector<16xf32>
      %add3A_147 = arith.constant 7 : i32
      %add3A_148 = vector.broadcast %add3A_147 : i32 to vector<16xi32>
      %add3A_149 = arith.addi %iota3A, %add3A_148 : vector<16xi32>
      %and3A_150 = arith.constant 15 : i32
      %and3A_151 = vector.broadcast %and3A_150 : i32 to vector<16xi32>
      %and3A_152 = arith.andi %add3A_149, %and3A_151 : vector<16xi32>
      %gather3A_153 = tpu.vector_load_idx %arg14[%add3A_70, %and3A_152] : memref<800x16xf32, #tpu.memory_space<vmem>>[vector<16xi32>, vector<16xi32>], vector<16xf32>,
      %gather3A_154 = tpu.vector_load_idx %arg15[%add3A_70, %and3A_152] : memref<800x16xf32, #tpu.memory_space<vmem>>[vector<16xi32>, vector<16xi32>], vector<16xf32>,
      %sub3A_155 = arith.subf %gather3A_153, %gather3A_154 : vector<16xf32>
      %mul3A_156 = arith.mulf %sub3A_155, %sub3A_155 : vector<16xf32>
      %add3A_157 = arith.addf %add3A_146, %mul3A_156 : vector<16xf32>
      %add3A_158 = arith.constant 8 : i32
      %add3A_159 = vector.broadcast %add3A_158 : i32 to vector<16xi32>
      %add3A_160 = arith.addi %iota3A, %add3A_159 : vector<16xi32>
      %and3A_161 = arith.constant 15 : i32
      %and3A_162 = vector.broadcast %and3A_161 : i32 to vector<16xi32>
      %and3A_163 = arith.andi %add3A_160, %and3A_162 : vector<16xi32>
      %gather3A_164 = tpu.vector_load_idx %arg14[%add3A_70, %and3A_163] : memref<800x16xf32, #tpu.memory_space<vmem>>[vector<16xi32>, vector<16xi32>], vector<16xf32>,
      %gather3A_165 = tpu.vector_load_idx %arg15[%add3A_70, %and3A_163] : memref<800x16xf32, #tpu.memory_space<vmem>>[vector<16xi32>, vector<16xi32>], vector<16xf32>,
      %sub3A_166 = arith.subf %gather3A_164, %gather3A_165 : vector<16xf32>
      %mul3A_167 = arith.mulf %sub3A_166, %sub3A_166 : vector<16xf32>
      %add3A_168 = arith.addf %add3A_157, %mul3A_167 : vector<16xf32>
      %add3A_169 = arith.constant 9 : i32
      %add3A_170 = vector.broadcast %add3A_169 : i32 to vector<16xi32>
      %add3A_171 = arith.addi %iota3A, %add3A_170 : vector<16xi32>
      %and3A_172 = arith.constant 15 : i32
      %and3A_173 = vector.broadcast %and3A_172 : i32 to vector<16xi32>
      %and3A_174 = arith.andi %add3A_171, %and3A_173 : vector<16xi32>
      %gather3A_175 = tpu.vector_load_idx %arg14[%add3A_70, %and3A_174] : memref<800x16xf32, #tpu.memory_space<vmem>>[vector<16xi32>, vector<16xi32>], vector<16xf32>,
      %gather3A_176 = tpu.vector_load_idx %arg15[%add3A_70, %and3A_174] : memref<800x16xf32, #tpu.memory_space<vmem>>[vector<16xi32>, vector<16xi32>], vector<16xf32>,
      %sub3A_177 = arith.subf %gather3A_175, %gather3A_176 : vector<16xf32>
      %mul3A_178 = arith.mulf %sub3A_177, %sub3A_177 : vector<16xf32>
      %add3A_179 = arith.addf %add3A_168, %mul3A_178 : vector<16xf32>
      %add3A_180 = arith.constant 10 : i32
      %add3A_181 = vector.broadcast %add3A_180 : i32 to vector<16xi32>
      %add3A_182 = arith.addi %iota3A, %add3A_181 : vector<16xi32>
      %and3A_183 = arith.constant 15 : i32
      %and3A_184 = vector.broadcast %and3A_183 : i32 to vector<16xi32>
      %and3A_185 = arith.andi %add3A_182, %and3A_184 : vector<16xi32>
      %gather3A_186 = tpu.vector_load_idx %arg14[%add3A_70, %and3A_185] : memref<800x16xf32, #tpu.memory_space<vmem>>[vector<16xi32>, vector<16xi32>], vector<16xf32>,
      %gather3A_187 = tpu.vector_load_idx %arg15[%add3A_70, %and3A_185] : memref<800x16xf32, #tpu.memory_space<vmem>>[vector<16xi32>, vector<16xi32>], vector<16xf32>,
      %sub3A_188 = arith.subf %gather3A_186, %gather3A_187 : vector<16xf32>
      %mul3A_189 = arith.mulf %sub3A_188, %sub3A_188 : vector<16xf32>
      %add3A_190 = arith.addf %add3A_179, %mul3A_189 : vector<16xf32>
      %add3A_191 = arith.constant 11 : i32
      %add3A_192 = vector.broadcast %add3A_191 : i32 to vector<16xi32>
      %add3A_193 = arith.addi %iota3A, %add3A_192 : vector<16xi32>
      %and3A_194 = arith.constant 15 : i32
      %and3A_195 = vector.broadcast %and3A_194 : i32 to vector<16xi32>
      %and3A_196 = arith.andi %add3A_193, %and3A_195 : vector<16xi32>
      %gather3A_197 = tpu.vector_load_idx %arg14[%add3A_70, %and3A_196] : memref<800x16xf32, #tpu.memory_space<vmem>>[vector<16xi32>, vector<16xi32>], vector<16xf32>,
      %gather3A_198 = tpu.vector_load_idx %arg15[%add3A_70, %and3A_196] : memref<800x16xf32, #tpu.memory_space<vmem>>[vector<16xi32>, vector<16xi32>], vector<16xf32>,
      %sub3A_199 = arith.subf %gather3A_197, %gather3A_198 : vector<16xf32>
      %mul3A_200 = arith.mulf %sub3A_199, %sub3A_199 : vector<16xf32>
      %add3A_201 = arith.addf %add3A_190, %mul3A_200 : vector<16xf32>
      %add3A_202 = arith.constant 12 : i32
      %add3A_203 = vector.broadcast %add3A_202 : i32 to vector<16xi32>
      %add3A_204 = arith.addi %iota3A, %add3A_203 : vector<16xi32>
      %and3A_205 = arith.constant 15 : i32
      %and3A_206 = vector.broadcast %and3A_205 : i32 to vector<16xi32>
      %and3A_207 = arith.andi %add3A_204, %and3A_206 : vector<16xi32>
      %gather3A_208 = tpu.vector_load_idx %arg14[%add3A_70, %and3A_207] : memref<800x16xf32, #tpu.memory_space<vmem>>[vector<16xi32>, vector<16xi32>], vector<16xf32>,
      %gather3A_209 = tpu.vector_load_idx %arg15[%add3A_70, %and3A_207] : memref<800x16xf32, #tpu.memory_space<vmem>>[vector<16xi32>, vector<16xi32>], vector<16xf32>,
      %sub3A_210 = arith.subf %gather3A_208, %gather3A_209 : vector<16xf32>
      %mul3A_211 = arith.mulf %sub3A_210, %sub3A_210 : vector<16xf32>
      %add3A_212 = arith.addf %add3A_201, %mul3A_211 : vector<16xf32>
      %add3A_213 = arith.constant 13 : i32
      %add3A_214 = vector.broadcast %add3A_213 : i32 to vector<16xi32>
      %add3A_215 = arith.addi %iota3A, %add3A_214 : vector<16xi32>
      %and3A_216 = arith.constant 15 : i32
      %and3A_217 = vector.broadcast %and3A_216 : i32 to vector<16xi32>
      %and3A_218 = arith.andi %add3A_215, %and3A_217 : vector<16xi32>
      %gather3A_219 = tpu.vector_load_idx %arg14[%add3A_70, %and3A_218] : memref<800x16xf32, #tpu.memory_space<vmem>>[vector<16xi32>, vector<16xi32>], vector<16xf32>,
      %gather3A_220 = tpu.vector_load_idx %arg15[%add3A_70, %and3A_218] : memref<800x16xf32, #tpu.memory_space<vmem>>[vector<16xi32>, vector<16xi32>], vector<16xf32>,
      %sub3A_221 = arith.subf %gather3A_219, %gather3A_220 : vector<16xf32>
      %mul3A_222 = arith.mulf %sub3A_221, %sub3A_221 : vector<16xf32>
      %add3A_223 = arith.addf %add3A_212, %mul3A_222 : vector<16xf32>
      %add3A_224 = arith.constant 14 : i32
      %add3A_225 = vector.broadcast %add3A_224 : i32 to vector<16xi32>
      %add3A_226 = arith.addi %iota3A, %add3A_225 : vector<16xi32>
      %and3A_227 = arith.constant 15 : i32
      %and3A_228 = vector.broadcast %and3A_227 : i32 to vector<16xi32>
      %and3A_229 = arith.andi %add3A_226, %and3A_228 : vector<16xi32>
      %gather3A_230 = tpu.vector_load_idx %arg14[%add3A_70, %and3A_229] : memref<800x16xf32, #tpu.memory_space<vmem>>[vector<16xi32>, vector<16xi32>], vector<16xf32>,
      %gather3A_231 = tpu.vector_load_idx %arg15[%add3A_70, %and3A_229] : memref<800x16xf32, #tpu.memory_space<vmem>>[vector<16xi32>, vector<16xi32>], vector<16xf32>,
      %sub3A_232 = arith.subf %gather3A_230, %gather3A_231 : vector<16xf32>
      %mul3A_233 = arith.mulf %sub3A_232, %sub3A_232 : vector<16xf32>
      %add3A_234 = arith.addf %add3A_223, %mul3A_233 : vector<16xf32>
      %add3A_235 = arith.constant 15 : i32
      %add3A_236 = vector.broadcast %add3A_235 : i32 to vector<16xi32>
      %add3A_237 = arith.addi %iota3A, %add3A_236 : vector<16xi32>
      %and3A_238 = arith.constant 15 : i32
      %and3A_239 = vector.broadcast %and3A_238 : i32 to vector<16xi32>
      %and3A_240 = arith.andi %add3A_237, %and3A_239 : vector<16xi32>
      %gather3A_241 = tpu.vector_load_idx %arg14[%add3A_70, %and3A_240] : memref<800x16xf32, #tpu.memory_space<vmem>>[vector<16xi32>, vector<16xi32>], vector<16xf32>,
      %gather3A_242 = tpu.vector_load_idx %arg15[%add3A_70, %and3A_240] : memref<800x16xf32, #tpu.memory_space<vmem>>[vector<16xi32>, vector<16xi32>], vector<16xf32>,
      %sub3A_243 = arith.subf %gather3A_241, %gather3A_242 : vector<16xf32>
      %mul3A_244 = arith.mulf %sub3A_243, %sub3A_243 : vector<16xf32>
      %add3A_245 = arith.addf %add3A_234, %mul3A_244 : vector<16xf32>
      %max3A = arith.constant 1.000000e-24 : f32
      %max3A_246 = vector.broadcast %max3A : f32 to vector<16xf32>
      %max3A_247 = arith.maximumf %add3A_245, %max3A_246 : vector<16xf32>
      %bitcast3A = vector.bitcast %max3A_247 : vector<16xf32> to vector<16xi32>
      %shift_right_arithmetic3A = arith.constant 1 : i32
      %shift_right_arithmetic3A_248 = vector.broadcast %shift_right_arithmetic3A : i32 to vector<16xi32>
      %shift_right_arithmetic3A_249 = arith.shrsi %bitcast3A, %shift_right_arithmetic3A_248 : vector<16xi32>
      %sub3A_250 = arith.constant 1597463007 : i32
      %sub3A_251 = vector.broadcast %sub3A_250 : i32 to vector<16xi32>
      %sub3A_252 = arith.subi %sub3A_251, %shift_right_arithmetic3A_249 : vector<16xi32>
      %bitcast3A_253 = vector.bitcast %sub3A_252 : vector<16xi32> to vector<16xf32>
      %mul3A_254 = arith.constant 5.000000e-01 : f32
      %mul3A_255 = vector.broadcast %mul3A_254 : f32 to vector<16xf32>
      %mul3A_256 = arith.mulf %mul3A_255, %max3A_247 : vector<16xf32>
      %mul3A_257 = arith.mulf %mul3A_256, %bitcast3A_253 : vector<16xf32>
      %mul3A_258 = arith.mulf %mul3A_257, %bitcast3A_253 : vector<16xf32>
      %sub3A_259 = arith.constant 1.500000e+00 : f32
      %sub3A_260 = vector.broadcast %sub3A_259 : f32 to vector<16xf32>
      %sub3A_261 = arith.subf %sub3A_260, %mul3A_258 : vector<16xf32>
      %mul3A_262 = arith.mulf %bitcast3A_253, %sub3A_261 : vector<16xf32>
      %mul3A_263 = arith.constant 5.000000e-01 : f32
      %mul3A_264 = vector.broadcast %mul3A_263 : f32 to vector<16xf32>
      %mul3A_265 = arith.mulf %mul3A_264, %max3A_247 : vector<16xf32>
      %mul3A_266 = arith.mulf %mul3A_265, %mul3A_262 : vector<16xf32>
      %mul3A_267 = arith.mulf %mul3A_266, %mul3A_262 : vector<16xf32>
      %sub3A_268 = arith.constant 1.500000e+00 : f32
      %sub3A_269 = vector.broadcast %sub3A_268 : f32 to vector<16xf32>
      %sub3A_270 = arith.subf %sub3A_269, %mul3A_267 : vector<16xf32>
      %mul3A_271 = arith.mulf %mul3A_262, %sub3A_270 : vector<16xf32>
      %mul3A_272 = arith.constant 5.000000e-01 : f32
      %mul3A_273 = vector.broadcast %mul3A_272 : f32 to vector<16xf32>
      %mul3A_274 = arith.mulf %mul3A_273, %max3A_247 : vector<16xf32>
      %mul3A_275 = arith.mulf %mul3A_274, %mul3A_271 : vector<16xf32>
      %mul3A_276 = arith.mulf %mul3A_275, %mul3A_271 : vector<16xf32>
      %sub3A_277 = arith.constant 1.500000e+00 : f32
      %sub3A_278 = vector.broadcast %sub3A_277 : f32 to vector<16xf32>
      %sub3A_279 = arith.subf %sub3A_278, %mul3A_276 : vector<16xf32>
      %mul3A_280 = arith.mulf %mul3A_271, %sub3A_279 : vector<16xf32>
      %mul3A_281 = arith.mulf %max3A_247, %mul3A_280 : vector<16xf32>
      %add3A_282 = arith.constant 9.99999993E-9 : f32
      %add3A_283 = vector.broadcast %add3A_282 : f32 to vector<16xf32>
      %add3A_284 = arith.addf %mul3A_281, %add3A_283 : vector<16xf32>
      %sub3A_285 = arith.subf %get3A_3, %add3A_284 : vector<16xf32>
      %mul3A_286 = arith.constant 1.000000e+01 : f32
      %mul3A_287 = vector.broadcast %mul3A_286 : f32 to vector<16xf32>
      %mul3A_288 = arith.mulf %mul3A_287, %sub3A_285 : vector<16xf32>
      %abs3A = math.absf %mul3A_288 : vector<16xf32>
      %neg3A = arith.constant 0.000000e+00 : f32
      %neg3A_289 = vector.broadcast %neg3A : f32 to vector<16xf32>
      %neg3A_290 = arith.subf %neg3A_289, %abs3A : vector<16xf32>
      %exp3A = math.exp %neg3A_290 : vector<16xf32>
      %add3A_291 = arith.constant 2.000000e+00 : f32
      %add3A_292 = vector.broadcast %add3A_291 : f32 to vector<16xf32>
      %add3A_293 = arith.addf %add3A_292, %exp3A : vector<16xf32>
      %div3A = arith.divf %exp3A, %add3A_293 : vector<16xf32>
      %mul3A_294 = arith.mulf %div3A, %div3A : vector<16xf32>
      %mul3A_295 = arith.constant 2.000000e+00 : f32
      %mul3A_296 = vector.broadcast %mul3A_295 : f32 to vector<16xf32>
      %mul3A_297 = arith.mulf %mul3A_296, %div3A : vector<16xf32>
      %mul3A_298 = arith.constant 0.142857149 : f32
      %mul3A_299 = vector.broadcast %mul3A_298 : f32 to vector<16xf32>
      %mul3A_300 = arith.mulf %mul3A_294, %mul3A_299 : vector<16xf32>
      %add3A_301 = arith.constant 2.000000e-01 : f32
      %add3A_302 = vector.broadcast %add3A_301 : f32 to vector<16xf32>
      %add3A_303 = arith.addf %add3A_302, %mul3A_300 : vector<16xf32>
      %mul3A_304 = arith.mulf %mul3A_294, %add3A_303 : vector<16xf32>
      %add3A_305 = arith.constant 0.333333343 : f32
      %add3A_306 = vector.broadcast %add3A_305 : f32 to vector<16xf32>
      %add3A_307 = arith.addf %add3A_306, %mul3A_304 : vector<16xf32>
      %mul3A_308 = arith.mulf %mul3A_294, %add3A_307 : vector<16xf32>
      %add3A_309 = arith.constant 1.000000e+00 : f32
      %add3A_310 = vector.broadcast %add3A_309 : f32 to vector<16xf32>
      %add3A_311 = arith.addf %add3A_310, %mul3A_308 : vector<16xf32>
      %mul3A_312 = arith.mulf %mul3A_297, %add3A_311 : vector<16xf32>
      %max3A_313 = arith.constant 0.000000e+00 : f32
      %max3A_314 = vector.broadcast %max3A_313 : f32 to vector<16xf32>
      %max3A_315 = arith.maximumf %mul3A_288, %max3A_314 : vector<16xf32>
      %add3A_316 = arith.addf %max3A_315, %mul3A_312 : vector<16xf32>
      %mul3A_317 = arith.constant 1.000000e-01 : f32
      %mul3A_318 = vector.broadcast %mul3A_317 : f32 to vector<16xf32>
      %mul3A_319 = arith.mulf %add3A_316, %mul3A_318 : vector<16xf32>
      %add3A_320 = arith.addf %scan3A_66, %mul3A_319 : vector<16xf32>
      scf.yield %add3A_320 : vector<16xf32>
    }
    %scan3A_63 = arith.constant 50 : i32
    %swap3A = arith.constant 0 : index
    %swap3A_64 = tpu.vector_load %arg20[%swap3A] {strides = array<i32>} : memref<16xf32, #tpu.memory_space<vmem>>, vector<16xf32>,
    tpu.vector_store %arg20[%swap3A], %scan3A_62 {strides = array<i32>} : memref<16xf32, #tpu.memory_space<vmem>>, vector<16xf32>,
    "tpu.region"() ({
      %run_scoped3A = tpu.sem_alloc : memref<!tpu.dma_semaphore, #tpu.memory_space<semaphore_mem>>
      %dma_start3A_65 = arith.constant 0 : i32
      %dma_start3A_66 = tpu.memref_slice %arg7[%add3A, %dma_start3A_65] : memref<32x16xf32, #tpu.memory_space<hbm>> -> memref<1x16xf32, #tpu.memory_space<hbm>>
      %dma_start3A_67 = tpu.memref_squeeze %dma_start3A_66 : memref<1x16xf32, #tpu.memory_space<hbm>> -> memref<16xf32, #tpu.memory_space<hbm>>
      %dma_start3A_68 = arith.constant 0 : i32
      %dma_start3A_69 = tpu.memref_slice %arg7[%add3A, %dma_start3A_68] : memref<32x16xf32, #tpu.memory_space<hbm>> -> memref<1x16xf32, #tpu.memory_space<hbm>>
      %dma_start3A_70 = tpu.memref_squeeze %dma_start3A_69 : memref<1x16xf32, #tpu.memory_space<hbm>> -> memref<16xf32, #tpu.memory_space<hbm>>
      tpu.enqueue_dma source(%arg20 : memref<16xf32, #tpu.memory_space<vmem>>) target(%dma_start3A_70 : memref<16xf32, #tpu.memory_space<hbm>>) target_semaphore(%run_scoped3A : memref<!tpu.dma_semaphore, #tpu.memory_space<semaphore_mem>>)
      %dma_wait3A_71 = arith.constant 0 : i32
      %dma_wait3A_72 = tpu.memref_slice %arg7[%add3A, %dma_wait3A_71] : memref<32x16xf32, #tpu.memory_space<hbm>> -> memref<1x16xf32, #tpu.memory_space<hbm>>
      %dma_wait3A_73 = tpu.memref_squeeze %dma_wait3A_72 : memref<1x16xf32, #tpu.memory_space<hbm>> -> memref<16xf32, #tpu.memory_space<hbm>>
      %dma_wait3A_74 = arith.constant 0 : i32
      %dma_wait3A_75 = tpu.memref_slice %arg7[%add3A, %dma_wait3A_74] : memref<32x16xf32, #tpu.memory_space<hbm>> -> memref<1x16xf32, #tpu.memory_space<hbm>>
      %dma_wait3A_76 = tpu.memref_squeeze %dma_wait3A_75 : memref<1x16xf32, #tpu.memory_space<hbm>> -> memref<16xf32, #tpu.memory_space<hbm>>
      tpu.wait_dma2 semaphore(%run_scoped3A : memref<!tpu.dma_semaphore, #tpu.memory_space<semaphore_mem>>) src(%arg20 : memref<16xf32, #tpu.memory_space<vmem>>) dst(%dma_wait3A_76 : memref<16xf32, #tpu.memory_space<hbm>>)
      tpu.yield
    }) : () -> ()
    return
  }
}

module attributes {stable_mosaic.version = 14 : i64} {
  func.func @_tc_reduce_body(%arg0: memref<32x16xf32, #tpu.memory_space<vmem>>, %arg1: memref<1x1xf32, #tpu.memory_space<smem>>) attributes {dimension_semantics = [], scalar_prefetch = 0 : i64, scratch_operands = 0 : i64, tpu.core_type = #tpu.core_type<tc>} {
    %get3A = arith.constant 0 : index
    %get3A_0 = arith.constant 0 : index
    %get3A_1 = vector.load %arg0[%get3A, %get3A_0] : memref<32x16xf32, #tpu.memory_space<vmem>>, vector<32x16xf32>
    %reduce_sum3A = vector.shape_cast %get3A_1 : vector<32x16xf32> to vector<1x32x16xf32>
    %reduce_sum3A_2 = arith.constant dense<0.000000e+00> : vector<1xf32>
    %reduce_sum3A_3 = vector.multi_reduction <add>, %reduce_sum3A, %reduce_sum3A_2 [1, 2] : vector<1x32x16xf32> to vector<1xf32>
    %reduce_sum3A_4 = vector.shape_cast %reduce_sum3A_3 : vector<1xf32> to vector<1x1x1xf32>
    %reduce_sum3A_5 = vector.extract %reduce_sum3A_4[0, 0, 0] : f32 from vector<1x1x1xf32>
    %swap3A = arith.constant 0 : index
    %swap3A_6 = arith.constant 0 : index
    %swap3A_7 = memref.load %arg1[%swap3A, %swap3A_6] : memref<1x1xf32, #tpu.memory_space<smem>>
    memref.store %reduce_sum3A_5, %arg1[%swap3A, %swap3A_6] : memref<1x1xf32, #tpu.memory_space<smem>>
    return
  }
}

</mosaic_0001>

<sc_bundles>
// kernel: kernel.4.cloned.1.call-start
scs
__scs_entry_jumppad:
0x0: {  	(pc) =	sbr.rel $0x88, $3  }
0x1: {  	(tag) =	ssettag $0x0;
	lr =	simm.s32 $0x1  }
0x2: {  	[smem:$0x3F9C] =	sst lr;
	_ =	strace $0xD0000000  }
0x3: {  	_ = 	snop  }
0x4: {  	_ = 	snop  }
0x5: {  	_ = 	snop  }
0x6: {  	_ = 	snop  }
0x7: {  	_ = 	snop  }
__scs_overlays_trampoline_lowered:
0x8: {  	[smem:$0x3FAB] =	sst s0  }
0x9: {  	[smem:$0x3FAC] =	sst s1  }
0xa: {  	[smem:$0x3FAD] =	sst s2  }
0xb: {  	[smem:$0x3FAE] =	sst s3  }
0xc: {  	[smem:$0x3FAF] =	sst s4  }
0xd: {  	[smem:$0x3FB0] =	sst s5  }
0xe: {  	[smem:$0x3FB1] =	sst s6  }
0xf: {  	[smem:$0x3FB2] =	sst s7  }
0x10: {  	[smem:$0x3FB3] =	sst s8  }
0x11: {  	[smem:$0x3FB4] =	sst s9;
	s0 =	simm.s32 @!p0 $0x0  }
0x12: {  	s1 =	sld [smem:$0x3F9A];
	s0 =	simm.s32 @p0 $0x1  }
0x13: {  	[smem:$0x3FB5] =	sst s0;
	s0 =	simm.s32 @!p1 $0x0  }
0x14: {  	s2 =	sld [smem:$0x3F99];
	s0 =	simm.s32 @p1 $0x1  }
0x15: {  	[smem:$0x3FB6] =	sst s0;
	s0 =	simm.s32 @!p2 $0x0  }
0x16: {  	s3 =	sld [smem:$0x3FDB];
	s0 =	simm.s32 @p2 $0x1  }
0x17: {  	s4 =	simm.s32 $0x1BF5;
	[smem:$0x3FB8] =	sst s0  }
0x18: {  	s0 =	sld [smem:$0x3F9B];
	_ =	swait.ge [sflag:s4], $0x0  }
0x19: {  	s7 =	sld [smem:$0x3F9C]  }
0x1a: {  	s8 =	sadd.s32 $0xFFFFE003, lr  }
0x1b: {  	s9 =	sadd.s32 $0xFFFFFEF7, lr;
	s5 =	simm.s32 $0xFFFFFFFF;
	p2 =	slt.u32 s8, $0xFFFFF086  }
0x1c: {  	p1 =	slt.u32 s9, $0xF7A;
	s5 =	simm.s32 @!p2 $0x0  }
0x1d: {  	s5 =	simm.s32 @p1 $0x1;
	p0 =	seq.s32 s7, s2  }
0x1e: {  	s7 =	smul.u32 @!p0 $0xF7A, s2;
	p2 =	seq.s32 @!p0 s5, $0x0  }
0x1f: {  	s9 =	smul.u32 $0xF7A, s1;
	s8 =	simm.s32 @!p0 $0x1BF5;
	p2 =	por !p2, p0  }
0x20: {  	[sflag:s8] =	ssyncset.s32 @!p0 $0xFFFFF086;
	s6 =	sadd.s32 @!p0 s3, s7;
	s7 =	simm.s32 @!p0 $0x108  }
0x21: {  	s3 =	sadd.s32 s3, s9;
	s6 =	sadd.s32 @!p0 $0x88, s6;
	s7 =	simm.s32 @p2 $0x1082  }
0x22: {  	[simem:s7], [sflag:s8] =	dma.local @!p0 [hbm:s6], $0xF7A  }
0x23: {  	s9 =	sor.u32 $0xD0000000, s2;
	s6 =	simm.s32 $0x108;
	_ =	swait.ge @!p0 [sflag:s8], $0x0  }
0x24: {  	s3 =	sadd.s32 $0x88, s3;
	s6 =	simm.s32 @!p1 $0x1082;
	[sflag:s4] =	ssyncset.s32 $0xFFFFF086  }
0x25: {  	[simem:s6], [sflag:s4] =	dma.local [hbm:s3], $0xF7A  }
0x26: {  	[smem:$0x3F9C] =	sst s1;
	(tag) =	ssettag s2;
	_ =	strace s9  }
0x27: {  	s1 =	sld [smem:$0x3FAC]  }
0x28: {  	s2 =	sld [smem:$0x3FAD]  }
0x29: {  	s4 =	sld [smem:$0x3FAF]  }
0x2a: {  	p0 =	seq.s32 s5, $0x0;
	s5 =	sld [smem:$0x3FB0]  }
0x2b: {  	s6 =	sld [smem:$0x3FB1]  }
0x2c: {  	s7 =	sld [smem:$0x3FB2]  }
0x2d: {  	s3 =	simm.s32 $0x108;
	s8 =	sld [smem:$0x3FB3]  }
0x2e: {  	s3 =	simm.s32 @!p0 $0x1082;
	s9 =	sld [smem:$0x3FB4]  }
0x2f: {  	lr =	sadd.s32 s0, s3;
	s0 =	sld [smem:$0x3FAB]  }
0x30: {  	s3 =	sld [smem:$0x3FAE]  }
0x31: {  	[smem:$0x3FB7] =	sst s10  }
0x32: {  	s10 =	sld [smem:$0x3FB5];
	_ =	sdelay $0x3  }
0x33: {  	p0 =	seq.s32 s10, $0x1;
	s10 =	sld [smem:$0x3FB7];
	_ =	sdelay $0x3  }
0x34: {  	[smem:$0x3FB7] =	sst s10  }
0x35: {  	s10 =	sld [smem:$0x3FB6];
	_ =	sdelay $0x3  }
0x36: {  	p1 =	seq.s32 s10, $0x1;
	s10 =	sld [smem:$0x3FB7];
	_ =	sdelay $0x3  }
0x37: {  	[smem:$0x3FB7] =	sst s10  }
0x38: {  	s10 =	sld [smem:$0x3FB8]  }
0x39: {  	_ = 	snop;
	(pc) =	sbr.ind lr, $3  }
0x3a: {  	_ = 	snop  }
0x3b: {  	_ = 	snop  }
0x3c: {  	p2 =	seq.s32 s10, $0x1;
	s10 =	sld [smem:$0x3FB7]  }
0x3d: {  	_ =	shalt  }
0x3e: {  	_ =	shalt  }
0x3f: {  	_ =	shalt  }
0x40: {  	_ =	shalt  }
0x41: {  	_ =	shalt  }
0x42: {  	_ =	shalt  }
0x43: {  	_ =	shalt  }
0x44: {  	_ =	shalt  }
0x45: {  	_ =	shalt  }
0x46: {  	_ =	shalt  }
0x47: {  	_ =	shalt  }
0x48: {  	_ =	shalt  }
0x49: {  	_ =	shalt  }
0x4a: {  	_ =	shalt  }
0x4b: {  	_ =	shalt  }
0x4c: {  	_ =	shalt  }
0x4d: {  	_ =	shalt  }
0x4e: {  	_ =	shalt  }
0x4f: {  	_ =	shalt  }
0x50: {  	_ =	shalt  }
0x51: {  	_ =	shalt  }
0x52: {  	_ =	shalt  }
0x53: {  	_ =	shalt  }
0x54: {  	_ =	shalt  }
0x55: {  	_ =	shalt  }
0x56: {  	_ =	shalt  }
0x57: {  	_ =	shalt  }
0x58: {  	_ =	shalt  }
0x59: {  	_ =	shalt  }
0x5a: {  	_ =	shalt  }
0x5b: {  	_ =	shalt  }
0x5c: {  	_ =	shalt  }
0x5d: {  	_ =	shalt  }
0x5e: {  	_ =	shalt  }
0x5f: {  	_ =	shalt  }
0x60: {  	_ =	shalt  }
0x61: {  	_ =	shalt  }
0x62: {  	_ =	shalt  }
0x63: {  	_ =	shalt  }
0x64: {  	_ =	shalt  }
0x65: {  	_ =	shalt  }
0x66: {  	_ =	shalt  }
0x67: {  	_ =	shalt  }
0x68: {  	_ =	shalt  }
0x69: {  	_ =	shalt  }
0x6a: {  	_ =	shalt  }
0x6b: {  	_ =	shalt  }
0x6c: {  	_ =	shalt  }
0x6d: {  	_ =	shalt  }
0x6e: {  	_ =	shalt  }
0x6f: {  	_ =	shalt  }
0x70: {  	_ =	shalt  }
0x71: {  	_ =	shalt  }
0x72: {  	_ =	shalt  }
0x73: {  	_ =	shalt  }
0x74: {  	_ =	shalt  }
0x75: {  	_ =	shalt  }
0x76: {  	_ =	shalt  }
0x77: {  	_ =	shalt  }
0x78: {  	_ =	shalt  }
0x79: {  	_ =	shalt  }
0x7a: {  	_ =	shalt  }
0x7b: {  	_ =	shalt  }
0x7c: {  	_ =	shalt  }
0x7d: {  	_ =	shalt  }
0x7e: {  	_ =	shalt  }
0x7f: {  	_ =	shalt  }
0x80: {  	_ =	shalt  }
0x81: {  	_ =	shalt  }
0x82: {  	_ =	shalt  }
0x83: {  	_ =	shalt  }
0x84: {  	_ =	shalt  }
0x85: {  	_ =	shalt  }
0x86: {  	_ =	shalt  }
0x87: {  	_ =	shalt  }
.Lfunc_end0:
.L_simem_size_0:
called_computation_lowered:
.L_overlay_start_0:
0x88: {  	s2 =	sld [smem:$0x3FD9]  }
0x89: {  	s3 =	sld [smem:$0x3FFE];
	_ =	sdelay $0x1  }
0x8a: {  	s1 =	srdreg.scid  }
0x8b: {  	s0 =	sand.u32 $0x1, s1  }
0x8c: {  	s17 =	sshll.u32 s0, $0xA;
	s2 =	sadd.s32 s3, s2  }
0x8d: {  	s2 =	sadd.s32 s2, s17  }
0x8e: {  	[smem:$0x3FC3] =	sst s2  }
0x8f: {  	_ = 	snop  }
0x90: {  	s2 =	sld [smem:$0x3FC6]  }
0x91: {  	s18 =	sld [smem:$0x3FC5];
	(tm) =	ssettm $0x1  }
0x92: {  	s4 =	sld [smem:$0x3FFB];
	_ =	sdelay $0x3  }
0x93: {  	_ =	strace s4  }
0x94: {  	s4 =	sld [smem:$0x3FFC];
	_ =	sdelay $0x3  }
0x95: {  	_ =	strace s4  }
0x96: {  	s4 =	sld [smem:$0x3FFD];
	_ =	sdelay $0x3  }
0x97: {  	_ =	strace s4  }
0x98: {  	_ =	strace $0x8FFFFFFF  }
0x99: {  	s19 =	sld [smem:$0x3FDB];
	_ =	sdelay $0x1  }
0x9a: {  	s5 =	simm.s32 $_scs_section_size  }
0x9b: {  	s6 =	simm.s32 $_size__tile_overlayer_lowered;
	s7 =	simm.s32 $_tile_overlayer_lowered  }
0x9c: {  	s22 =	simm.s32 $0x1BFF;
	s21 =	sshll.u32 s7, $0x1;
	s4 =	sadd.s32 s5, s19  }
0x9d: {  	s8 =	simm.s32 $0x0;
	s20 =	sshll.u32 s6, $0x1;
	s6 =	sadd.s32 s21, s4  }
0x9e: {  	[timem:s8], [sflag:s22] =	dma.local [hbm:s6], s20  }
0x9f: {  	_ =	swait.ge [sflag:s22], s20  }
0xa0: {  	s5 =	ssub.s32 $0x0, s20;
	[sflag:s22] =	ssyncset.done $0x0  }
0xa1: {  	[sflag:s22] =	ssyncadd.s32 s5;
	_ =	sdelay $0x1  }
0xa2: {  	s23 =	simm.s32 $0x1B8B  }
0xa3: {  	_ =	swait.ge [sflag:s23], $0x1  }
0xa4: {  	[sflag:s23] =	ssyncset.done $0x0  }
0xa5: {  	s25 =	simm.s32 $0x1B8E;
	s24 =	sld [smem:$0x3FFE];
	[sflag:s23] =	ssyncadd.s32 $0xFFFFFFFF  }
0xa6: {  	s26 =	simm.s32 $execute0_lowered;
	[smem:$0x3FD2] =	sst s25  }
0xa7: {  	s6 =	sshll.u32 s26, $0x1;
	_ =	strace $0x80000046;
	[dreg:$0x1] =	wrdreg $0xFFFFFFFF  }
0xa8: {  	s28 =	simm.s32 $_size_execute0_lowered;
	s4 =	sadd.s32 s4, s6;
	[dreg:$0x0] =	wrdreg $0x0  }
0xa9: {  	s6 =	sshll.u32 s28, $0x1;
	[dreg:$0x2] =	wrdreg s4  }
0xaa: {  	[dreg:$0x3] =	wrdreg s6  }
0xab: {  	[dreg:$0x4] =	wrdreg $0xC0  }
0xac: {  	_ =	task [dreg:s8], $0x5FFFF  }
0xad: {  	[dreg:$0x1] =	wrdreg $0xFFFFFFFF  }
0xae: {  	[dreg:$0x0] =	wrdreg $0x60  }
0xaf: {  	[dreg:$0x2] =	wrdreg s24  }
0xb0: {  	[dreg:$0x3] =	wrdreg s2  }
0xb1: {  	[dreg:$0x4] =	wrdreg s18  }
0xb2: {  	[dreg:$0x5] =	wrdreg $0x9  }
0xb3: {  	_ =	task.clear_ibuf [dreg:s8], $0x6FFFF;
	_ =	strace $0x90000046  }
0xb4: {  	s29 =	simm.s32 $0x9;
	_ =	strace $0x80000048  }
0xb5: {  	_ =	swait.ge [sflag:s29], $0x1  }
0xb6: {  	[sflag:s29] =	ssyncadd.s32 $0xFFFFFFFF  }
0xb7: {  	_ =	strace $0x90000048  }
0xb8: {  	_ =	sfence  }
0xb9: {  	s30 =	sld [smem:$0x0];
	_ =	sdelay $0x2  }
0xba: {  	s31 =	sshll.u32 s1, $0xD;
	s1 =	sshrl.u32 s1, $0x2  }
0xbb: {  	s3 =	sand.u32 $0x4000, s31;
	s1 =	sadd.s32 s1, s30  }
0xbc: {  	s0 =	sor.u32 s3, s0;
	s1 =	sshll.u32 s1, $0x11  }
0xbd: {  	s0 =	sor.u32 s1, s0  }
0xbe: {  	s0 =	sadd.s32 $0x8F2B, s0  }
0xbf: {  	[sflag:s0] =	ssyncadd.remote.s32 $0x1  }
0xc0: {  	_ =	sfence.sel $0xFFFF  }
0xc1: {  	[dreg:$0x0] =	wrdreg $0xFFFFFFFF;
	(pc) =	sbr.abs _section_cstart, $3  }
0xc2: {  	[dreg:$0x1] =	wrdreg $0xFFFFFFFF  }
0xc3: {  	_ =	task.clear_ibuf [dreg:s8], $0x2FFFF;
	_ =	strace $0x9FFFFFFF  }
0xc4: {  	(tm) =	ssettm $0x7FFFFFFF  }
0xc5: {  	_ =	shalt  }
tec
execute0_lowered:
.L_overlay_start_1:
0x0: {  	(tag) =	ssettag $0x1  }
0x1: {  	v1 =	vimm.s32 $0xFEDCBA9;
	v0 =	vlaneseq.u32  }
0x2: {  	v3 =	vimm.s32 $0x87654321;
	v4 =	vimm.s32 $0x98765432;
	v5 =	vimm.s32 $0x210FEDCB  }
0x3: {  	v6 =	vimm.s32 $0xA9876543;
	v16 =	vimm.s32 $0xCBA98765;
	v18 =	vimm.s32 $0x6543210F  }
0x4: {  	v19 =	vimm.s32 $0xEDCBA987;
	v20 =	vimm.s32 $0xFEDCBA98;
	v21 =	vimm.s32 $0x76543210  }
0x5: {  	v2 =	vunpack.c.l.s4.s8 v1;
	v1 =	vmul.u32 $0x10, v0;
	v4 =	vunpack.c.l.s4.s8 v4  }
0x6: {  	v5 =	vunpack.c.l.s4.s8 v5;
	v18 =	vunpack.c.l.s4.s8 v18;
	v19 =	vunpack.c.l.s4.s8 v19  }
0x7: {  	v20 =	vunpack.c.l.s4.s8 v20;
	v8 =	vunpack.c.0.s8.s32 v2;
	v2 =	vunpack.c.l.s4.s8 v3  }
0x8: {  	s1 =	rddreg [dreg:$0x0];
	v3 =	vimm.s32 $0x10FEDCBA;
	v11 =	vunpack.c.0.s8.s32 v4;
	v12 =	vunpack.c.0.s8.s32 v5  }
0x9: {  	s0 =	rddreg [dreg:$0x1];
	v18 =	vunpack.c.0.s8.s32 v18;
	v19 =	vunpack.c.0.s8.s32 v19;
	v3 =	vunpack.c.l.s4.s8 v3  }
0xa: {  	s2 =	rddreg [dreg:$0x2];
	v20 =	vunpack.c.0.s8.s32 v20;
	v9 =	vunpack.c.0.s8.s32 v2;
	v2 =	vunpack.c.l.s4.s8 v6  }
0xb: {  	s4 =	simm.s32 $0x0;
	s3 =	srdreg.scid;
	s5 =	stileid.u32;
	v24 =	vcombine.low v19, v18;
	v10 =	vunpack.c.0.s8.s32 v3;
	v3 =	vimm.s32 $0x3210FEDC  }
0xc: {  	s18 =	simm.s32 $0x5;
	s19 =	simm.s32 $0x320;
	s20 =	simm.s32 $0x4;
	v20 =	vand.u32 $0xF, v20;
	v13 =	vunpack.c.0.s8.s32 v2;
	v2 =	vunpack.c.l.s4.s8 v3  }
0xd: {  	s21 =	simm.s32 $0x640;
	s28 =	simm.s32 $0xD480;
	s29 =	simm.s32 $0xD7A0;
	v3 =	vimm.s32 $0xBA987654;
	v4 =	vcombine.low v9, v8;
	v63 =	vcombine.low v8, v9  }
0xe: {  	s30 =	simm.s32 $0xDAC0;
	s31 =	simm.s32 $0x10CC0;
	s17 =	simm.s32 $0x3;
	v9 =	vand.u32 $0xF, v24;
	v5 =	vcombine.low v11, v10;
	v3 =	vunpack.c.l.s4.s8 v3  }
0xf: {  	[smem:$0x7FF] =	sst s4;
	s3 =	sand.u32 $0x1, s3;
	s5 =	sshll.u32 s5, $0x1;
	v11 =	vcombine.low v10, v11;
	v6 =	vcombine.low v13, v12;
	v14 =	vunpack.c.0.s8.s32 v2  }
0x10: {  	s6 =	sadd.s32 $0x187000, s1;
	s9 =	sadd.s32 $0x600, s1;
	_ =	strace $0x80000047;
	v2 =	vimm.s32 $0x43210FED;
	v12 =	vcombine.low v12, v13;
	v15 =	vunpack.c.0.s8.s32 v3  }
0x11: {  	s7 =	sor.u32 s3, s5;
	s5 =	sadd.s32 $0x1B7E00, s1;
	s3 =	ssub.s32 $0x2, s3;
	v7 =	vunpack.c.l.s4.s8 v2;
	v3 =	vand.u32 $0xF, v5;
	v5 =	vunpack.c.l.s4.s8 v16  }
0x12: {  	s8 =	smul.u32 $0x186A0, s7;
	s7 =	sshll.u32 s7, $0x1;
	s22 =	sshrl.u32 s3, $0x1;
	v10 =	vand.u32 $0xF, v63;
	v2 =	vand.u32 $0xF, v4;
	v11 =	vand.u32 $0xF, v11  }
0x13: {  	[dreg:$0x4] =	wrdreg s9;
	s1 =	sadd.s32 s7, s1;
	s3 =	ssub.s32 s3, s22;
	v4 =	vand.u32 $0xF, v6;
	v16 =	vunpack.c.0.s8.s32 v7;
	v17 =	vunpack.c.0.s8.s32 v5  }
0x14: {  	s22 =	simm.s32 $0x3840;
	s23 =	sshrl.u32 s8, $0x3;
	s12 =	sadd.s32 $0x640, s8;
	v5 =	vimm.s32 $0x543210FE;
	v7 =	vimm.s32 $0xDCBA9876;
	v13 =	vcombine.low v14, v15  }
0x15: {  	s13 =	sadd.s32 $0x960, s8;
	s14 =	sadd.s32 $0xC80, s8;
	s1 =	sadd.s32 $0x800, s1;
	v12 =	vand.u32 $0xF, v12;
	v5 =	vunpack.c.l.s4.s8 v5;
	v7 =	vunpack.c.l.s4.s8 v7  }
0x16: {  	s16 =	smax.u32 s3, $0x1;
	s3 =	simm.s32 $0x2;
	s24 =	sadd.s32 s0, s23;
	v6 =	vcombine.low v15, v14;
	v14 =	vcombine.low v16, v17;
	v13 =	vand.u32 $0xF, v13  }
0x17: {  	s25 =	sadd.s32 $0x64, s23;
	s9 =	sadd.s32 s2, s23;
	[dreg:$0x9] =	wrdreg s1;
	v22 =	vunpack.c.0.s8.s32 v5;
	v23 =	vunpack.c.0.s8.s32 v7;
	v7 =	vunpack.c.l.s4.s8 v21  }
0x18: {  	s23 =	simm.s32 $0x6A40;
	s1 =	simm.s32 $0x1;
	[dreg:$0x5] =	wrdreg s24;
	v5 =	vand.u32 $0xF, v6;
	v6 =	vcombine.low v17, v16;
	v16 =	vcombine.low v18, v19  }
0x19: {  	[dreg:$0x6] =	wrdreg s9;
	s26 =	sadd.s32 s0, s25;
	s7 =	sadd.s32 s2, s25;
	v7 =	vunpack.c.0.s8.s32 v7;
	v62 =	vcombine.low v23, v22;
	v15 =	vcombine.low v22, v23  }
0x1a: {  	s24 =	simm.s32 $0x6D60;
	s25 =	simm.s32 $0x7080;
	[dreg:$0x7] =	wrdreg s26;
	v14 =	vand.u32 $0xF, v14;
	v6 =	vand.u32 $0xF, v6;
	v16 =	vand.u32 $0xF, v16  }
0x1b: {  	[dreg:$0x8] =	wrdreg s7;
	s26 =	simm.s32 $0xA280;
	s7 =	simm.s32 $0x0;
	v7 =	vcombine.low v20, v7;
	v8 =	vand.u32 $0xF, v62;
	v15 =	vand.u32 $0xF, v15  }
.LBB2_1:
0x1c: {  	s8 =	rddreg [dreg:$0x4];
	s9 =	simm.s32 $0x13ED0  }
0x1d: {  	[tilespmem:s9], [sflag:$0x5] =	stream.linear.gather [hbm4b:s8+s4], $0x10, $0x38;
	[tilespmem:$0x13EE0] =	vst v63  }
0x1e: {  	_ =	swait.ge [sflag:s18], $0x10  }
0x1f: {  	[sflag:s18] =	ssyncset.done $0x0  }
0x20: {  	s9 =	rddreg [dreg:$0x5];
	[sflag:s18] =	ssyncadd.s32 $0xFFFFFFF0  }
0x21: {  	v17 =	vld [tilespmem:$0x13ED0];
	[tilespmem:s4], [sflag:$0x4] =	stream.linear.gather [hbm4b:s9+s4], $0x320, $0x38  }
0x22: {  	s10 =	rddreg [dreg:$0x6]  }
0x23: {  	[tilespmem:s19], [sflag:$0x4] =	stream.linear.gather [hbm4b:s10+s4], $0x320, $0x38;
	[tilespmem:$0x13EE0] =	vst v63  }
0x24: {  	_ =	swait.ge [sflag:s20], $0x320  }
0x25: {  	[sflag:s20] =	ssyncset.done $0x0  }
0x26: {  	[sflag:s20] =	ssyncadd.s32 $0xFFFFFCE0  }
0x27: {  	_ =	swait.ge [sflag:s20], $0x320  }
0x28: {  	[sflag:s20] =	ssyncset.done $0x0  }
0x29: {  	[sflag:s20] =	ssyncadd.s32 $0xFFFFFCE0  }
0x2a: {  	[tilespmem:s21], [sflag:$0x1] =	stream.indirect.gather [hbm4b:s5+s19], $0x10, s4, s19, $0xb8;
	[tilespmem:$0x13EE0] =	vst v63  }
0x2b: {  	_ = 	snop  }
0x2c: {  	[tilespmem:s22], [sflag:$0x1] =	stream.indirect.gather [hbm4b:s6+s19], $0x10, s19, s19, $0xb8;
	[tilespmem:$0x13EE0] =	vst v63  }
0x2d: {  	s11 =	rddreg [dreg:$0x7]  }
0x2e: {  	[tilespmem:s23], [sflag:$0x4] =	stream.linear.gather [hbm4b:s11+s4], $0x320, $0x38;
	[tilespmem:$0x13EE0] =	vst v63  }
0x2f: {  	s15 =	rddreg [dreg:$0x8]  }
0x30: {  	[tilespmem:s24], [sflag:$0x4] =	stream.linear.gather [hbm4b:s15+s4], $0x320, $0x38;
	[tilespmem:$0x13EE0] =	vst v63  }
0x31: {  	_ =	swait.ge [sflag:s20], $0x320  }
0x32: {  	[sflag:s20] =	ssyncset.done $0x0  }
0x33: {  	[sflag:s20] =	ssyncadd.s32 $0xFFFFFCE0  }
0x34: {  	_ =	swait.ge [sflag:s20], $0x320  }
0x35: {  	[sflag:s20] =	ssyncset.done $0x0  }
0x36: {  	[sflag:s20] =	ssyncadd.s32 $0xFFFFFCE0  }
0x37: {  	[tilespmem:s25], [sflag:$0x2] =	stream.indirect.gather [hbm4b:s5+s19], $0x10, s23, s19, $0xb8;
	[tilespmem:$0x13EE0] =	vst v63  }
0x38: {  	s8 =	simm.s32 $0x0  }
0x39: {  	v18 =	vimm.f32 $0.0e+00;
	[tilespmem:s26], [sflag:$0x2] =	stream.indirect.gather [hbm4b:s6+s19], $0x10, s24, s19, $0xb8;
	[tilespmem:$0x13EE0] =	vst v63  }
.LBB2_2:
0x3a: {  	s9 =	smul.u32 $0x960, s8;
	_ =	sdelay $0x1  }
0x3b: {  	s10 =	sadd.s32 s9, s12  }
0x3c: {  	s10 =	sshrl.u32 s10, $0x3  }
0x3d: {  	s15 =	simm.s32 $0x0;
	s11 =	sadd.s32 s0, s10  }
0x3e: {  	[tilespmem:s28], [sflag:$0x4] =	stream.linear.gather [hbm4b:s11+s15], $0x320, $0x38;
	[tilespmem:$0x13EE0] =	vst v63  }
0x3f: {  	s10 =	sadd.s32 s2, s10  }
0x40: {  	[tilespmem:s29], [sflag:$0x4] =	stream.linear.gather [hbm4b:s10+s15], $0x320, $0x38;
	[tilespmem:$0x13EE0] =	vst v63  }
0x41: {  	_ =	swait.ge [sflag:s20], $0x320  }
0x42: {  	[sflag:s20] =	ssyncset.done $0x0  }
0x43: {  	[sflag:s20] =	ssyncadd.s32 $0xFFFFFCE0  }
0x44: {  	_ =	swait.ge [sflag:s20], $0x320  }
0x45: {  	[sflag:s20] =	ssyncset.done $0x0  }
0x46: {  	[sflag:s20] =	ssyncadd.s32 $0xFFFFFCE0  }
0x47: {  	[tilespmem:s30], [sflag:$0x3] =	stream.indirect.gather [hbm4b:s5+s19], $0x10, s28, s19, $0xb8;
	[tilespmem:$0x13EE0] =	vst v63  }
0x48: {  	v19 =	vmov s15  }
0x49: {  	v19 =	vshll.u32 v19, $0x4;
	[tilespmem:s31], [sflag:$0x3] =	stream.indirect.gather [hbm4b:s6+s19], $0x10, s29, s19, $0xb8;
	[tilespmem:$0x13EE0] =	vst v63  }
0x4a: {  	v19 =	vor.u32 v1, v19;
	_ =	swait.ge [sflag:s1], $0x3200  }
0x4b: {  	v20 =	vor.u32 v0, v19;
	[sflag:s1] =	ssyncset.done $0x0  }
0x4c: {  	[sflag:s1] =	ssyncadd.s32 $0xFFFFCE00  }
0x4d: {  	v21 =	vor.u32 v2, v19;
	_ =	swait.ge [sflag:s1], $0x3200  }
0x4e: {  	[sflag:s1] =	ssyncset.done $0x0  }
0x4f: {  	v22 =	vor.u32 v3, v19;
	[sflag:s1] =	ssyncadd.s32 $0xFFFFCE00  }
0x50: {  	v23 =	vld.idx.msk [tilespmem:v20+s21+$0x0], $0xffff  }
0x51: {  	v24 =	vor.u32 v4, v19;
	v20 =	vld.idx.msk [tilespmem:v20+s22+$0x0], $0xffff  }
0x52: {  	v25 =	vld.idx.msk [tilespmem:v21+s21+$0x0], $0xffff  }
0x53: {  	v26 =	vor.u32 v5, v19;
	v21 =	vld.idx.msk [tilespmem:v21+s22+$0x0], $0xffff  }
0x54: {  	v30 =	vor.u32 v8, v19;
	v27 =	vld.idx.msk [tilespmem:v22+s21+$0x0], $0xffff  }
0x55: {  	v22 =	vld.idx.msk [tilespmem:v22+s22+$0x0], $0xffff  }
0x56: {  	v28 =	vor.u32 v6, v19;
	v29 =	vld.idx.msk [tilespmem:v24+s21+$0x0], $0xffff  }
0x57: {  	v24 =	vld.idx.msk [tilespmem:v24+s22+$0x0], $0xffff  }
0x58: {  	v31 =	vld.idx.msk [tilespmem:v26+s21+$0x0], $0xffff  }
0x59: {  	v32 =	vor.u32 v9, v19;
	v33 =	vld.idx.msk [tilespmem:v30+s21+$0x0], $0xffff;
	v20 =	vsub.f32 v23, v20;
	v21 =	vsub.f32 v25, v21  }
0x5a: {  	v23 =	vld.idx.msk [tilespmem:v26+s22+$0x0], $0xffff;
	v25 =	vor.u32 v7, v19  }
0x5b: {  	v26 =	vld.idx.msk [tilespmem:v28+s21+$0x0], $0xffff;
	v22 =	vsub.f32 v27, v22;
	v20 =	vmul.f32 v20, v20;
	v21 =	vmul.f32 v21, v21  }
0x5c: {  	v27 =	vld.idx.msk [tilespmem:v28+s22+$0x0], $0xffff;
	v28 =	vor.u32 v14, v19  }
0x5d: {  	v24 =	vsub.f32 v29, v24;
	v29 =	vld.idx.msk [tilespmem:v30+s22+$0x0], $0xffff;
	v20 =	vadd.f32 v21, v20;
	v21 =	vmul.f32 v22, v22  }
0x5e: {  	v30 =	vld.idx.msk [tilespmem:v32+s21+$0x0], $0xffff;
	v22 =	vor.u32 v10, v19  }
0x5f: {  	v23 =	vsub.f32 v31, v23;
	v31 =	vld.idx.msk [tilespmem:v32+s22+$0x0], $0xffff;
	v20 =	vadd.f32 v21, v20;
	v21 =	vmul.f32 v24, v24  }
0x60: {  	v54 =	vld.idx.msk [tilespmem:v25+s21+$0x0], $0xffff;
	v24 =	vor.u32 v11, v19  }
0x61: {  	v26 =	vsub.f32 v26, v27;
	v25 =	vld.idx.msk [tilespmem:v25+s22+$0x0], $0xffff;
	v20 =	vadd.f32 v21, v20;
	v21 =	vmul.f32 v23, v23  }
0x62: {  	v27 =	vld.idx.msk [tilespmem:v28+s21+$0x0], $0xffff;
	v23 =	vor.u32 v12, v19  }
0x63: {  	v29 =	vsub.f32 v33, v29;
	v55 =	vld.idx.msk [tilespmem:v22+s21+$0x0], $0xffff;
	v20 =	vadd.f32 v21, v20;
	v21 =	vmul.f32 v26, v26  }
0x64: {  	v22 =	vld.idx.msk [tilespmem:v22+s22+$0x0], $0xffff;
	v26 =	vor.u32 v13, v19  }
0x65: {  	v30 =	vsub.f32 v30, v31;
	v31 =	vld.idx.msk [tilespmem:v24+s21+$0x0], $0xffff;
	v20 =	vadd.f32 v21, v20;
	v21 =	vmul.f32 v29, v29  }
0x66: {  	v34 =	vor.u32 v15, v19;
	s15 =	simm.s32 $0x10;
	v25 =	vsub.f32 v54, v25;
	v24 =	vld.idx.msk [tilespmem:v24+s22+$0x0], $0xffff  }
0x67: {  	v29 =	vmov s15;
	v56 =	vld.idx.msk [tilespmem:v23+s21+$0x0], $0xffff;
	v20 =	vadd.f32 v21, v20;
	v21 =	vmul.f32 v30, v30  }
0x68: {  	v19 =	vor.u32 v16, v19;
	v23 =	vld.idx.msk [tilespmem:v23+s22+$0x0], $0xffff;
	v29 =	vshll.u32 v29, $0x4  }
0x69: {  	v22 =	vsub.f32 v55, v22;
	v30 =	vld.idx.msk [tilespmem:v26+s21+$0x0], $0xffff;
	v20 =	vadd.f32 v21, v20;
	v21 =	vmul.f32 v25, v25  }
0x6a: {  	v25 =	vld.idx.msk [tilespmem:v26+s22+$0x0], $0xffff;
	v26 =	vor.u32 v1, v29  }
0x6b: {  	v28 =	vld.idx.msk [tilespmem:v28+s22+$0x0], $0xffff;
	v20 =	vadd.f32 v21, v20;
	v21 =	vmul.f32 v22, v22;
	v22 =	vsub.f32 v31, v24  }
0x6c: {  	v29 =	vor.u32 v0, v26;
	v24 =	vld.idx.msk [tilespmem:v34+s21+$0x0], $0xffff  }
0x6d: {  	v31 =	vld.idx.msk [tilespmem:v34+s22+$0x0], $0xffff;
	v20 =	vadd.f32 v21, v20;
	v21 =	vmul.f32 v22, v22;
	v22 =	vsub.f32 v56, v23  }
0x6e: {  	v57 =	vor.u32 v2, v26;
	v23 =	vld.idx.msk [tilespmem:v19+s21+$0x0], $0xffff  }
0x6f: {  	v19 =	vld.idx.msk [tilespmem:v19+s22+$0x0], $0xffff;
	v20 =	vadd.f32 v21, v20;
	v21 =	vmul.f32 v22, v22;
	v22 =	vsub.f32 v30, v25  }
0x70: {  	v25 =	vsub.f32 v27, v28  }
0x71: {  	v27 =	vld.idx.msk [tilespmem:v29+s21+$0x0], $0xffff;
	v20 =	vadd.f32 v21, v20;
	v21 =	vmul.f32 v22, v22;
	v22 =	vor.u32 v3, v26  }
0x72: {  	v28 =	vld.idx.msk [tilespmem:v29+s22+$0x0], $0xffff;
	v24 =	vsub.f32 v24, v31  }
0x73: {  	v29 =	vld.idx.msk [tilespmem:v57+s21+$0x0], $0xffff;
	v20 =	vadd.f32 v21, v20;
	v21 =	vmul.f32 v25, v25;
	v25 =	vor.u32 v4, v26  }
0x74: {  	v19 =	vsub.f32 v23, v19;
	v23 =	vld.idx.msk [tilespmem:v57+s22+$0x0], $0xffff  }
0x75: {  	v20 =	vadd.f32 v21, v20;
	v21 =	vmul.f32 v24, v24;
	v24 =	vor.u32 v5, v26  }
0x76: {  	v30 =	vld.idx.msk [tilespmem:v22+s21+$0x0], $0xffff  }
0x77: {  	v19 =	vmul.f32 v19, v19;
	v20 =	vadd.f32 v21, v20;
	v21 =	vld.idx.msk [tilespmem:v22+s22+$0x0], $0xffff;
	v22 =	vor.u32 v6, v26  }
0x78: {  	v31 =	vld.idx.msk [tilespmem:v25+s21+$0x0], $0xffff  }
0x79: {  	v58 =	vor.u32 v8, v26;
	v23 =	vsub.f32 v29, v23;
	v25 =	vld.idx.msk [tilespmem:v25+s22+$0x0], $0xffff;
	v19 =	vadd.f32 v19, v20  }
0x7a: {  	v20 =	vsub.f32 v27, v28;
	v27 =	vld.idx.msk [tilespmem:v24+s21+$0x0], $0xffff  }
0x7b: {  	v28 =	vor.u32 v9, v26;
	v23 =	vmul.f32 v23, v23;
	v24 =	vld.idx.msk [tilespmem:v24+s22+$0x0], $0xffff;
	v19 =	vmax.f32 v19, $1.000000020e-24  }
0x7c: {  	v20 =	vmul.f32 v20, v20;
	v29 =	vshra.s32 v19, $0x1;
	v59 =	vld.idx.msk [tilespmem:v22+s21+$0x0], $0xffff;
	v21 =	vsub.f32 v30, v21  }
0x7d: {  	v30 =	vor.u32 v7, v26;
	v60 =	vmul.f32 $5.000000000e-01, v19;
	v22 =	vld.idx.msk [tilespmem:v22+s22+$0x0], $0xffff;
	v29 =	vsub.s32 $0x5F3759DF, v29  }
0x7e: {  	v35 =	vld.idx.msk [tilespmem:v58+s21+$0x0], $0xffff;
	v25 =	vsub.f32 v31, v25;
	v20 =	vadd.f32 v23, v20;
	v21 =	vmul.f32 v21, v21  }
0x7f: {  	v61 =	vor.u32 v10, v26;
	v31 =	vld.idx.msk [tilespmem:v58+s22+$0x0], $0xffff;
	v23 =	vmul.f32 v29, v60  }
0x80: {  	v36 =	vld.idx.msk [tilespmem:v28+s21+$0x0], $0xffff;
	v24 =	vsub.f32 v27, v24;
	v20 =	vadd.f32 v21, v20;
	v21 =	vmul.f32 v25, v25  }
0x81: {  	v27 =	vld.idx.msk [tilespmem:v28+s22+$0x0], $0xffff;
	v25 =	vor.u32 v11, v26;
	v23 =	vmul.f32 v29, v23  }
0x82: {  	v28 =	vld.idx.msk [tilespmem:v30+s21+$0x0], $0xffff;
	v22 =	vsub.f32 v59, v22;
	v20 =	vadd.f32 v21, v20;
	v21 =	vmul.f32 v24, v24  }
0x83: {  	v23 =	vsub.f32 $1.500000000e+00, v23;
	v24 =	vld.idx.msk [tilespmem:v30+s22+$0x0], $0xffff;
	v30 =	vor.u32 v12, v26  }
0x84: {  	v62 =	vld.idx.msk [tilespmem:v61+s21+$0x0], $0xffff;
	v31 =	vsub.f32 v35, v31;
	v20 =	vadd.f32 v21, v20;
	v21 =	vmul.f32 v22, v22  }
0x85: {  	v22 =	vmul.f32 v29, v23;
	v23 =	vor.u32 v13, v26;
	v29 =	vld.idx.msk [tilespmem:v61+s22+$0x0], $0xffff  }
0x86: {  	v27 =	vsub.f32 v36, v27;
	v63 =	vld.idx.msk [tilespmem:v25+s21+$0x0], $0xffff;
	v20 =	vadd.f32 v21, v20;
	v21 =	vmul.f32 v31, v31  }
0x87: {  	v25 =	vld.idx.msk [tilespmem:v25+s22+$0x0], $0xffff;
	v31 =	vor.u32 v14, v26;
	v40 =	vmul.f32 v22, v60  }
0x88: {  	v24 =	vsub.f32 v28, v24;
	v28 =	vld.idx.msk [tilespmem:v30+s21+$0x0], $0xffff;
	v20 =	vadd.f32 v21, v20;
	v21 =	vmul.f32 v27, v27  }
0x89: {  	v41 =	vor.u32 v15, v26;
	v30 =	vld.idx.msk [tilespmem:v30+s22+$0x0], $0xffff;
	v35 =	vmul.f32 v40, v22  }
0x8a: {  	v37 =	vld.idx.msk [tilespmem:v23+s21+$0x0], $0xffff;
	v20 =	vadd.f32 v21, v20;
	v21 =	vmul.f32 v24, v24;
	v24 =	vsub.f32 v62, v29  }
0x8b: {  	s11 =	simm.s32 $0x20;
	v26 =	vor.u32 v16, v26;
	v23 =	vld.idx.msk [tilespmem:v23+s22+$0x0], $0xffff;
	v29 =	vsub.f32 $1.500000000e+00, v35  }
0x8c: {  	v27 =	vmov s11;
	v42 =	vld.idx.msk [tilespmem:v31+s21+$0x0], $0xffff;
	v20 =	vadd.f32 v21, v20;
	v21 =	vmul.f32 v24, v24  }
0x8d: {  	v27 =	vshll.u32 v27, $0x4;
	v24 =	vsub.f32 v63, v25;
	v22 =	vmul.f32 v29, v22;
	v25 =	vld.idx.msk [tilespmem:v31+s22+$0x0], $0xffff  }
0x8e: {  	v27 =	vor.u32 v1, v27;
	v29 =	vld.idx.msk [tilespmem:v41+s21+$0x0], $0xffff;
	v20 =	vadd.f32 v21, v20  }
0x8f: {  	v31 =	vld.idx.msk [tilespmem:v41+s22+$0x0], $0xffff;
	v21 =	vmul.f32 v24, v24;
	v24 =	vsub.f32 v28, v30;
	v28 =	vmul.f32 v22, v60  }
0x90: {  	v43 =	vld.idx.msk [tilespmem:v26+s21+$0x0], $0xffff;
	v30 =	vor.u32 v0, v27;
	v23 =	vsub.f32 v37, v23  }
0x91: {  	v26 =	vld.idx.msk [tilespmem:v26+s22+$0x0], $0xffff;
	v20 =	vadd.f32 v21, v20;
	v21 =	vmul.f32 v24, v24;
	v24 =	vmul.f32 v28, v22  }
0x92: {  	v28 =	vor.u32 v2, v27;
	v25 =	vsub.f32 v42, v25  }
0x93: {  	v20 =	vadd.f32 v21, v20;
	v21 =	vmul.f32 v23, v23;
	v23 =	vsub.f32 $1.500000000e+00, v24  }
0x94: {  	v29 =	vsub.f32 v29, v31;
	v24 =	vor.u32 v3, v27  }
0x95: {  	v20 =	vadd.f32 v21, v20;
	v21 =	vmul.f32 v25, v25;
	v22 =	vmul.f32 v23, v22;
	v23 =	vld.idx.msk [tilespmem:v30+s21+$0x0], $0xffff  }
0x96: {  	v26 =	vsub.f32 v43, v26;
	v25 =	vor.u32 v4, v27;
	v30 =	vld.idx.msk [tilespmem:v30+s22+$0x0], $0xffff  }
0x97: {  	v20 =	vadd.f32 v21, v20;
	v21 =	vmul.f32 v29, v29;
	v19 =	vmul.f32 v22, v19;
	v22 =	vld.idx.msk [tilespmem:v28+s21+$0x0], $0xffff  }
0x98: {  	v28 =	vld.idx.msk [tilespmem:v28+s22+$0x0], $0xffff;
	v29 =	vor.u32 v5, v27  }
0x99: {  	v20 =	vadd.f32 v21, v20;
	v21 =	vmul.f32 v26, v26;
	v19 =	vadd.f32 $9.999999930e-09, v19;
	v26 =	vld.idx.msk [tilespmem:v24+s21+$0x0], $0xffff  }
0x9a: {  	v31 =	vor.u32 v6, v27;
	v24 =	vld.idx.msk [tilespmem:v24+s22+$0x0], $0xffff  }
0x9b: {  	v20 =	vadd.f32 v21, v20;
	v19 =	vsub.f32 v17, v19;
	v21 =	vld.idx.msk [tilespmem:v25+s21+$0x0], $0xffff  }
0x9c: {  	v45 =	vor.u32 v8, v27;
	v23 =	vsub.f32 v23, v30;
	v25 =	vld.idx.msk [tilespmem:v25+s22+$0x0], $0xffff  }
0x9d: {  	v46 =	vld.idx.msk [tilespmem:v29+s21+$0x0], $0xffff;
	v22 =	vsub.f32 v22, v28;
	v20 =	vmax.f32 v20, $1.000000020e-24;
	v19 =	vmul.f32 $1.000000000e+01, v19  }
0x9e: {  	v28 =	vld.idx.msk [tilespmem:v29+s22+$0x0], $0xffff;
	v23 =	vmul.f32 v23, v23;
	v47 =	vshra.s32 v20, $0x1  }
0x9f: {  	v50 =	vld.idx.msk [tilespmem:v31+s21+$0x0], $0xffff;
	v22 =	vmul.f32 v22, v22;
	v24 =	vsub.f32 v26, v24;
	v49 =	vand.u32 $0x7FFFFFFF, v19  }
0xa0: {  	v48 =	vmul.f32 $5.000000000e-01, v20;
	v26 =	vld.idx.msk [tilespmem:v31+s22+$0x0], $0xffff;
	v29 =	vsub.s32 $0x5F3759DF, v47;
	v35 =	vsub.f32 $0.0e+00, v49  }
0xa1: {  	v21 =	vsub.f32 v21, v25;
	v22 =	vadd.f32 v22, v23;
	v23 =	vmul.f32 v24, v24  }
0xa2: {  	v44 =	vor.u32 v9, v27;
	v39 =	vld.idx.msk [tilespmem:v45+s21+$0x0], $0xffff;
	v38 =	vmul.f32 v29, v48;
	v24 =	vmul.f32 $1.442695020e+00, v35  }
0xa3: {  	v33 =	vld.idx.msk [tilespmem:v45+s22+$0x0], $0xffff;
	v28 =	vsub.f32 v46, v28;
	v22 =	vadd.f32 v23, v22;
	v21 =	vmul.f32 v21, v21  }
0xa4: {  	v30 =	vor.u32 v7, v27;
	v38 =	vmul.f32 v29, v38;
	(erf) = vpow2.f32 v24  }
0xa5: {  	v26 =	vsub.f32 v50, v26;
	v21 =	vadd.f32 v21, v22;
	v22 =	vmul.f32 v28, v28  }
0xa6: {  	v51 =	vor.u32 v10, v27  }
0xa7: {  	v40 =	vld.idx.msk [tilespmem:v44+s21+$0x0], $0xffff;
	v25 =	vsub.f32 $1.500000000e+00, v38;
	v21 =	vadd.f32 v22, v21;
	v22 =	vmul.f32 v26, v26  }
0xa8: {  	v32 =	vld.idx.msk [tilespmem:v44+s22+$0x0], $0xffff;
	v33 =	vsub.f32 v39, v33;
	v31 =	vor.u32 v14, v27  }
0xa9: {  	v23 =	vor.u32 v11, v27;
	v24 =	vld.idx.msk [tilespmem:v30+s21+$0x0], $0xffff;
	v29 =	vmul.f32 v29, v25;
	v21 =	vadd.f32 v22, v21  }
0xaa: {  	v30 =	vld.idx.msk [tilespmem:v30+s22+$0x0], $0xffff  }
0xab: {  	v53 =	vld.idx.msk [tilespmem:v51+s21+$0x0], $0xffff;
	v28 =	vor.u32 v12, v27;
	v52 =	vmul.f32 v29, v48;
	v22 =	vmul.f32 v33, v33  }
0xac: {  	v35 =	vld.idx.msk [tilespmem:v51+s22+$0x0], $0xffff  }
0xad: {  	v25 =	vld.idx.msk [tilespmem:v31+s21+$0x0], $0xffff;
	v26 =	vor.u32 v13, v27;
	v34 =	vmul.f32 v52, v29;
	v22 =	vadd.f32 v22, v21;
	v21 =	vpop (erf)  }
0xae: {  	s15 =	simm.s32 $0x30;
	v32 =	vsub.f32 v40, v32;
	v54 =	vld.idx.msk [tilespmem:v23+s21+$0x0], $0xffff;
	v59 =	vadd.f32 $2.000000000e+00, v21  }
0xaf: {  	v55 =	vmov s15;
	v23 =	vld.idx.msk [tilespmem:v23+s22+$0x0], $0xffff;
	v30 =	vsub.f32 v24, v30;
	v24 =	vsub.f32 $1.500000000e+00, v34  }
0xb0: {  	v57 =	vor.u32 v15, v27;
	v32 =	vmul.f32 v32, v32;
	v56 =	vld.idx.msk [tilespmem:v28+s21+$0x0], $0xffff;
	(erf) = vrcp.f32 v59  }
0xb1: {  	v41 =	vor.u32 v16, v27;
	v58 =	vld.idx.msk [tilespmem:v28+s22+$0x0], $0xffff;
	v28 =	vshll.u32 v55, $0x4;
	v24 =	vmul.f32 v24, v29  }
0xb2: {  	v42 =	vld.idx.msk [tilespmem:v26+s21+$0x0], $0xffff;
	v27 =	vadd.f32 v32, v22;
	v29 =	vmul.f32 v30, v30;
	v30 =	vsub.f32 v53, v35  }
0xb3: {  	v60 =	vld.idx.msk [tilespmem:v26+s22+$0x0], $0xffff;
	v22 =	vor.u32 v1, v28;
	v26 =	vmul.f32 v24, v48  }
0xb4: {  	v31 =	vld.idx.msk [tilespmem:v31+s22+$0x0], $0xffff;
	v23 =	vsub.f32 v54, v23;
	v27 =	vadd.f32 v29, v27;
	v30 =	vmul.f32 v30, v30  }
0xb5: {  	v28 =	vld.idx.msk [tilespmem:v57+s21+$0x0], $0xffff;
	v32 =	vor.u32 v0, v22;
	v26 =	vmul.f32 v26, v24  }
0xb6: {  	v62 =	vmul.f32 v23, v23;
	v63 =	vsub.f32 v56, v58;
	v29 =	vld.idx.msk [tilespmem:v57+s22+$0x0], $0xffff;
	v61 =	vadd.f32 v30, v27  }
0xb7: {  	v33 =	vor.u32 v2, v22;
	v23 =	vor.u32 v14, v22;
	v27 =	vld.idx.msk [tilespmem:v41+s21+$0x0], $0xffff;
	v26 =	vsub.f32 $1.500000000e+00, v26  }
0xb8: {  	s10 =	simm.s32 $0x40;
	v35 =	vmul.f32 v63, v63;
	v36 =	vsub.f32 v42, v60;
	v30 =	vld.idx.msk [tilespmem:v41+s22+$0x0], $0xffff;
	v34 =	vadd.f32 v62, v61  }
.LBB2_3:
0xb9: {  	p0 =	sne.s32 s10, $0x310;
	v37 =	vor.u32 v11, v22;
	v25 =	vsub.f32 v25, v31;
	v24 =	vmul.f32 v26, v24;
	v26 =	vpop (erf)  }
0xba: {  	v31 =	vld.idx.msk [tilespmem:v32+s21+$0x0], $0xffff;
	v34 =	vadd.f32 v35, v34;
	v35 =	vmul.f32 v36, v36;
	v21 =	vmul.f32 v26, v21  }
0xbb: {  	v28 =	vsub.f32 v28, v29;
	v26 =	vld.idx.msk [tilespmem:v32+s22+$0x0], $0xffff;
	v32 =	vor.u32 v3, v22;
	v20 =	vmul.f32 v24, v20  }
0xbc: {  	v25 =	vmul.f32 v25, v25;
	v24 =	vld.idx.msk [tilespmem:v33+s21+$0x0], $0xffff;
	v29 =	vadd.f32 v35, v34;
	v34 =	vmul.f32 v21, v21  }
0xbd: {  	v35 =	vor.u32 v4, v22;
	v27 =	vsub.f32 v27, v30;
	v33 =	vld.idx.msk [tilespmem:v33+s22+$0x0], $0xffff;
	v20 =	vadd.f32 $9.999999930e-09, v20  }
0xbe: {  	v28 =	vmul.f32 v28, v28;
	v25 =	vadd.f32 v25, v29;
	v29 =	vmul.f32 $1.428571490e-01, v34  }
0xbf: {  	v36 =	vor.u32 v7, v22;
	v30 =	vor.u32 v5, v22;
	v20 =	vsub.f32 v17, v20  }
0xc0: {  	v27 =	vmul.f32 v27, v27;
	v38 =	vld.idx.msk [tilespmem:v32+s21+$0x0], $0xffff;
	v25 =	vadd.f32 v28, v25;
	v28 =	vadd.f32 $2.000000030e-01, v29  }
0xc1: {  	v39 =	vor.u32 v9, v22;
	v29 =	vld.idx.msk [tilespmem:v32+s22+$0x0], $0xffff;
	v32 =	vor.u32 v6, v22;
	v40 =	vmul.f32 $1.000000000e+01, v20  }
0xc2: {  	v42 =	vor.u32 v8, v22;
	v41 =	vld.idx.msk [tilespmem:v35+s21+$0x0], $0xffff;
	v20 =	vadd.f32 v27, v25;
	v25 =	vmul.f32 v28, v34  }
0xc3: {  	v26 =	vsub.f32 v31, v26;
	v24 =	vsub.f32 v24, v33;
	v27 =	vld.idx.msk [tilespmem:v35+s22+$0x0], $0xffff;
	v28 =	vand.u32 $0x7FFFFFFF, v40  }
0xc4: {  	v31 =	vld.idx.msk [tilespmem:v30+s21+$0x0], $0xffff;
	v20 =	vmax.f32 v20, $1.000000020e-24;
	v28 =	vsub.f32 $0.0e+00, v28;
	v25 =	vadd.f32 $3.333333430e-01, v25  }
0xc5: {  	v26 =	vmul.f32 v26, v26;
	v30 =	vld.idx.msk [tilespmem:v30+s22+$0x0], $0xffff;
	v33 =	vshra.s32 v20, $0x1;
	v35 =	vmul.f32 $5.000000000e-01, v20  }
0xc6: {  	v43 =	vld.idx.msk [tilespmem:v32+s21+$0x0], $0xffff;
	v33 =	vsub.s32 $0x5F3759DF, v33;
	v28 =	vmul.f32 $1.442695020e+00, v28;
	v25 =	vmul.f32 v25, v34  }
0xc7: {  	v24 =	vmul.f32 v24, v24;
	v29 =	vsub.f32 v38, v29;
	v32 =	vld.idx.msk [tilespmem:v32+s22+$0x0], $0xffff;
	v34 =	vmul.f32 v33, v35  }
0xc8: {  	v21 =	vadd.f32 v21, v21;
	v38 =	vld.idx.msk [tilespmem:v42+s21+$0x0], $0xffff;
	(erf) = vpow2.f32 v28;
	v25 =	vadd.f32 $1.000000000e+00, v25  }
0xc9: {  	v27 =	vsub.f32 v41, v27;
	v41 =	vor.u32 v10, v22;
	v28 =	vld.idx.msk [tilespmem:v42+s22+$0x0], $0xffff;
	v34 =	vmul.f32 v33, v34  }
0xca: {  	v24 =	vadd.f32 v24, v26;
	v26 =	vmul.f32 v29, v29;
	v29 =	vld.idx.msk [tilespmem:v39+s21+$0x0], $0xffff;
	v21 =	vmul.f32 v25, v21  }
0xcb: {  	v25 =	vsub.f32 v31, v30;
	v30 =	vld.idx.msk [tilespmem:v39+s22+$0x0], $0xffff;
	v31 =	vsub.f32 $1.500000000e+00, v34;
	v34 =	vmax.f32 v19, $0.0e+00;
	v19 =	vmovc v40  }
0xcc: {  	v24 =	vadd.f32 v26, v24;
	v26 =	vmul.f32 v27, v27;
	v27 =	vld.idx.msk [tilespmem:v36+s21+$0x0], $0xffff;
	v21 =	vadd.f32 v21, v34  }
0xcd: {  	v32 =	vsub.f32 v43, v32;
	v34 =	vld.idx.msk [tilespmem:v36+s22+$0x0], $0xffff;
	v36 =	vor.u32 v12, v22;
	v31 =	vmul.f32 v33, v31  }
0xce: {  	v24 =	vadd.f32 v26, v24;
	v26 =	vmul.f32 v25, v25;
	v25 =	vld.idx.msk [tilespmem:v23+s21+$0x0], $0xffff;
	v42 =	vmul.f32 $1.000000010e-01, v21  }
0xcf: {  	v28 =	vsub.f32 v38, v28;
	v38 =	vor.u32 v13, v22;
	v33 =	vld.idx.msk [tilespmem:v41+s21+$0x0], $0xffff;
	v39 =	vmul.f32 v31, v35  }
0xd0: {  	v24 =	vadd.f32 v26, v24;
	v26 =	vmul.f32 v32, v32;
	v32 =	vld.idx.msk [tilespmem:v41+s22+$0x0], $0xffff;
	v18 =	vadd.f32 v42, v18  }
0xd1: {  	v40 =	vmov s10;
	v29 =	vsub.f32 v29, v30;
	v30 =	vld.idx.msk [tilespmem:v37+s21+$0x0], $0xffff;
	v39 =	vmul.f32 v39, v31;
	v21 =	vpop (erf)  }
0xd2: {  	v24 =	vadd.f32 v26, v24;
	v26 =	vmul.f32 v28, v28;
	v28 =	vld.idx.msk [tilespmem:v37+s22+$0x0], $0xffff;
	v37 =	vadd.f32 $2.000000000e+00, v21  }
0xd3: {  	v41 =	vor.u32 v15, v22;
	v27 =	vsub.f32 v27, v34;
	v34 =	vld.idx.msk [tilespmem:v36+s21+$0x0], $0xffff;
	v39 =	vsub.f32 $1.500000000e+00, v39  }
0xd4: {  	v26 =	vadd.f32 v26, v24;
	v29 =	vmul.f32 v29, v29;
	v36 =	vld.idx.msk [tilespmem:v36+s22+$0x0], $0xffff;
	(erf) = vrcp.f32 v37  }
0xd5: {  	v42 =	vor.u32 v16, v22;
	v37 =	vshll.u32 v40, $0x4;
	v40 =	vld.idx.msk [tilespmem:v38+s21+$0x0], $0xffff;
	v24 =	vmul.f32 v39, v31  }
0xd6: {  	v26 =	vadd.f32 v29, v26;
	v27 =	vmul.f32 v27, v27;
	v29 =	vsub.f32 v33, v32;
	v38 =	vld.idx.msk [tilespmem:v38+s22+$0x0], $0xffff  }
0xd7: {  	v22 =	vor.u32 v1, v37;
	v31 =	vld.idx.msk [tilespmem:v23+s22+$0x0], $0xffff;
	v23 =	vmul.f32 v24, v35  }
.Ltmp0:
0xd8: {  	v26 =	vadd.f32 v27, v26;
	v27 =	vmul.f32 v29, v29;
	v30 =	vsub.f32 v30, v28;
	v28 =	vld.idx.msk [tilespmem:v41+s21+$0x0], $0xffff;
	(pc) =	sbr.rel @p0 .LBB2_3-.Ltmp0, $4  }
0xd9: {  	v32 =	vor.u32 v0, v22;
	v29 =	vld.idx.msk [tilespmem:v41+s22+$0x0], $0xffff;
	v35 =	vmul.f32 v23, v24  }
0xda: {  	v37 =	vadd.f32 v27, v26;
	v39 =	vmul.f32 v30, v30;
	v36 =	vsub.f32 v34, v36;
	v27 =	vld.idx.msk [tilespmem:v42+s21+$0x0], $0xffff  }
0xdb: {  	v33 =	vor.u32 v2, v22;
	v23 =	vor.u32 v14, v22;
	v30 =	vld.idx.msk [tilespmem:v42+s22+$0x0], $0xffff;
	v26 =	vsub.f32 $1.500000000e+00, v35  }
0xdc: {  	s10 =	sadd.s32 $0x10, s10;
	v34 =	vadd.f32 v39, v37;
	v35 =	vmul.f32 v36, v36;
	v36 =	vsub.f32 v40, v38  }
0xdd: {  	_ =	sdelay $0x2  }
0xde: {  	v37 =	vor.u32 v3, v22  }
0xdf: {  	v38 =	vld.idx.msk [tilespmem:v32+s21+$0x0], $0xffff  }
0xe0: {  	v60 =	vld.idx.msk [tilespmem:v32+s22+$0x0], $0xffff;
	v39 =	vor.u32 v4, v22  }
0xe1: {  	v40 =	vld.idx.msk [tilespmem:v33+s21+$0x0], $0xffff  }
0xe2: {  	v61 =	vld.idx.msk [tilespmem:v33+s22+$0x0], $0xffff;
	v41 =	vor.u32 v5, v22  }
0xe3: {  	v42 =	vld.idx.msk [tilespmem:v37+s21+$0x0], $0xffff  }
0xe4: {  	v43 =	vor.u32 v6, v22;
	v37 =	vld.idx.msk [tilespmem:v37+s22+$0x0], $0xffff  }
0xe5: {  	v44 =	vld.idx.msk [tilespmem:v39+s21+$0x0], $0xffff  }
0xe6: {  	v45 =	vor.u32 v8, v22;
	v39 =	vld.idx.msk [tilespmem:v39+s22+$0x0], $0xffff  }
0xe7: {  	v62 =	vld.idx.msk [tilespmem:v41+s21+$0x0], $0xffff  }
0xe8: {  	v63 =	vor.u32 v9, v22;
	v41 =	vld.idx.msk [tilespmem:v41+s22+$0x0], $0xffff  }
0xe9: {  	v32 =	vsub.f32 v38, v60;
	v33 =	vsub.f32 v40, v61;
	v48 =	vld.idx.msk [tilespmem:v43+s21+$0x0], $0xffff  }
0xea: {  	v25 =	vsub.f32 v25, v31;
	v31 =	vor.u32 v7, v22;
	v43 =	vld.idx.msk [tilespmem:v43+s22+$0x0], $0xffff  }
0xeb: {  	v49 =	vld.idx.msk [tilespmem:v45+s21+$0x0], $0xffff;
	v32 =	vmul.f32 v32, v32;
	v33 =	vmul.f32 v33, v33;
	v37 =	vsub.f32 v42, v37  }
0xec: {  	v52 =	vor.u32 v10, v22;
	v55 =	vor.u32 v11, v22;
	v34 =	vadd.f32 v35, v34;
	v51 =	vld.idx.msk [tilespmem:v45+s22+$0x0], $0xffff  }
0xed: {  	v53 =	vld.idx.msk [tilespmem:v63+s21+$0x0], $0xffff;
	v32 =	vadd.f32 v33, v32;
	v39 =	vsub.f32 v44, v39;
	v37 =	vmul.f32 v37, v37  }
0xee: {  	v50 =	vmul.f32 v36, v36;
	v28 =	vsub.f32 v28, v29;
	v25 =	vmul.f32 v25, v25;
	v56 =	vld.idx.msk [tilespmem:v63+s22+$0x0], $0xffff  }
0xef: {  	v57 =	vld.idx.msk [tilespmem:v31+s21+$0x0], $0xffff;
	v38 =	vsub.f32 v62, v41;
	v54 =	vmul.f32 v39, v39;
	v32 =	vadd.f32 v37, v32  }
0xf0: {  	v29 =	vadd.f32 v50, v34;
	v27 =	vsub.f32 v27, v30;
	v30 =	vld.idx.msk [tilespmem:v31+s22+$0x0], $0xffff;
	v31 =	vor.u32 v12, v22  }
0xf1: {  	v58 =	vsub.f32 v48, v43;
	v59 =	vmul.f32 v38, v38;
	v32 =	vadd.f32 v54, v32  }
0xf2: {  	v28 =	vmul.f32 v28, v28;
	v60 =	vld.idx.msk [tilespmem:v52+s21+$0x0], $0xffff;
	v25 =	vadd.f32 v25, v29;
	v29 =	vor.u32 v13, v22  }
0xf3: {  	v63 =	vld.idx.msk [tilespmem:v55+s21+$0x0], $0xffff;
	v33 =	vsub.f32 v49, v51;
	v61 =	vmul.f32 v58, v58;
	v32 =	vadd.f32 v59, v32  }
0xf4: {  	v27 =	vmul.f32 v27, v27;
	v25 =	vadd.f32 v28, v25;
	v62 =	vld.idx.msk [tilespmem:v52+s22+$0x0], $0xffff  }
0xf5: {  	v28 =	vld.idx.msk [tilespmem:v55+s22+$0x0], $0xffff;
	v34 =	vsub.f32 v53, v56;
	v33 =	vmul.f32 v33, v33;
	v32 =	vadd.f32 v61, v32  }
0xf6: {  	v25 =	vadd.f32 v27, v25;
	v27 =	vor.u32 v15, v22;
	v44 =	vld.idx.msk [tilespmem:v31+s21+$0x0], $0xffff  }
0xf7: {  	v30 =	vsub.f32 v57, v30;
	v31 =	vld.idx.msk [tilespmem:v31+s22+$0x0], $0xffff;
	v45 =	vmul.f32 v34, v34;
	v32 =	vadd.f32 v33, v32  }
0xf8: {  	v22 =	vor.u32 v16, v22;
	v46 =	vld.idx.msk [tilespmem:v29+s21+$0x0], $0xffff;
	v48 =	vmax.f32 v25, $1.000000020e-24  }
0xf9: {  	v25 =	vld.idx.msk [tilespmem:v29+s22+$0x0], $0xffff;
	v30 =	vmul.f32 v30, v30;
	v47 =	vsub.f32 v60, v62;
	v32 =	vadd.f32 v45, v32  }
0xfa: {  	v29 =	vld.idx.msk [tilespmem:v23+s21+$0x0], $0xffff  }
0xfb: {  	v23 =	vld.idx.msk [tilespmem:v23+s22+$0x0], $0xffff;
	v28 =	vsub.f32 v63, v28;
	v49 =	vmul.f32 v47, v47;
	v30 =	vadd.f32 v30, v32  }
0xfc: {  	v51 =	vld.idx.msk [tilespmem:v27+s21+$0x0], $0xffff  }
0xfd: {  	v28 =	vmul.f32 v28, v28;
	v27 =	vld.idx.msk [tilespmem:v27+s22+$0x0], $0xffff;
	v31 =	vsub.f32 v44, v31;
	v30 =	vadd.f32 v49, v30  }
0xfe: {  	v50 =	vshra.s32 v48, $0x1;
	v52 =	vmul.f32 $5.000000000e-01, v48;
	v53 =	vld.idx.msk [tilespmem:v22+s21+$0x0], $0xffff  }
0xff: {  	v22 =	vld.idx.msk [tilespmem:v22+s22+$0x0], $0xffff;
	v25 =	vsub.f32 v46, v25;
	v28 =	vadd.f32 v28, v30;
	v30 =	vmul.f32 v31, v31  }
0x100: {  	v23 =	vsub.f32 v29, v23;
	v33 =	vsub.s32 $0x5F3759DF, v50  }
0x101: {  	v25 =	vmul.f32 v25, v25;
	v31 =	vmul.f32 v33, v52;
	v28 =	vadd.f32 v30, v28  }
0x102: {  	v23 =	vmul.f32 v23, v23  }
0x103: {  	v27 =	vsub.f32 v51, v27;
	v29 =	vmul.f32 v33, v31;
	v25 =	vadd.f32 v25, v28  }
0x104: {  	v22 =	vsub.f32 v53, v22  }
0x105: {  	v28 =	vsub.f32 $1.500000000e+00, v29;
	v23 =	vadd.f32 v23, v25;
	v25 =	vmul.f32 v27, v27;
	_ =	sdelay $0x1  }
0x106: {  	v22 =	vmul.f32 v22, v22;
	v27 =	vmul.f32 v33, v28;
	v23 =	vadd.f32 v25, v23;
	_ =	sdelay $0x1  }
0x107: {  	v25 =	vmul.f32 v27, v52;
	v22 =	vadd.f32 v22, v23  }
0x108: {  	v23 =	vmul.f32 v26, v24  }
0x109: {  	v24 =	vmul.f32 v25, v27;
	v26 =	vmax.f32 v22, $1.000000020e-24  }
0x10a: {  	v20 =	vmul.f32 v23, v20;
	v22 =	vshra.s32 v26, $0x1;
	v23 =	vmul.f32 $5.000000000e-01, v26  }
0x10b: {  	v24 =	vsub.f32 $1.500000000e+00, v24;
	v22 =	vsub.s32 $0x5F3759DF, v22  }
0x10c: {  	v20 =	vadd.f32 $9.999999930e-09, v20;
	v25 =	vmul.f32 v22, v23  }
0x10d: {  	v24 =	vmul.f32 v24, v27  }
0x10e: {  	v20 =	vsub.f32 v17, v20;
	v27 =	vmul.f32 v22, v25  }
0x10f: {  	v28 =	vmul.f32 v24, v52  }
0x110: {  	v25 =	vmul.f32 $1.000000000e+01, v20;
	v20 =	vsub.f32 $1.500000000e+00, v27  }
0x111: {  	v27 =	vmul.f32 v28, v24  }
0x112: {  	v28 =	vand.u32 $0x7FFFFFFF, v25;
	v20 =	vmul.f32 v22, v20  }
0x113: {  	v22 =	vsub.f32 $0.0e+00, v28;
	v27 =	vsub.f32 $1.500000000e+00, v27  }
0x114: {  	v28 =	vmul.f32 v20, v23  }
0x115: {  	v22 =	vmul.f32 $1.442695020e+00, v22;
	v24 =	vmul.f32 v27, v24  }
0x116: {  	v27 =	vmul.f32 v28, v20  }
0x117: {  	(erf) = vpow2.f32 v22;
	v22 =	vmul.f32 v24, v48  }
0x118: {  	v24 =	vsub.f32 $1.500000000e+00, v27  }
0x119: {  	v22 =	vadd.f32 $9.999999930e-09, v22  }
0x11a: {  	v20 =	vmul.f32 v24, v20  }
0x11b: {  	v22 =	vsub.f32 v17, v22  }
0x11c: {  	v23 =	vmul.f32 v20, v23  }
0x11d: {  	v22 =	vmul.f32 $1.000000000e+01, v22  }
0x11e: {  	v23 =	vmul.f32 v23, v20  }
0x11f: {  	v27 =	vpop (erf);
	v24 =	vand.u32 $0x7FFFFFFF, v22  }
0x120: {  	v28 =	vpop (erf);
	v24 =	vsub.f32 $0.0e+00, v24;
	v23 =	vsub.f32 $1.500000000e+00, v23  }
0x121: {  	v29 =	vadd.f32 $2.000000000e+00, v28  }
0x122: {  	v24 =	vmul.f32 $1.442695020e+00, v24;
	v20 =	vmul.f32 v23, v20  }
0x123: {  	(erf) = vrcp.f32 v29  }
0x124: {  	(erf) = vpow2.f32 v24;
	v20 =	vmul.f32 v20, v26;
	_ =	sdelay $0x1  }
0x125: {  	v20 =	vadd.f32 $9.999999930e-09, v20;
	_ =	sdelay $0x1  }
0x126: {  	v20 =	vsub.f32 v17, v20;
	_ =	sdelay $0x1  }
0x127: {  	v20 =	vmul.f32 $1.000000000e+01, v20;
	_ =	sdelay $0x1  }
0x128: {  	v26 =	vpop (erf);
	v23 =	vand.u32 $0x7FFFFFFF, v20  }
0x129: {  	v29 =	vpop (erf);
	v23 =	vsub.f32 $0.0e+00, v23  }
0x12a: {  	v24 =	vadd.f32 $2.000000000e+00, v29  }
0x12b: {  	v23 =	vmul.f32 $1.442695020e+00, v23  }
0x12c: {  	(erf) = vrcp.f32 v24  }
0x12d: {  	(erf) = vpow2.f32 v23;
	_ =	sdelay $0x7  }
0x12e: {  	v30 =	vpop (erf)  }
0x12f: {  	v23 =	vpop (erf)  }
0x130: {  	v24 =	vadd.f32 $2.000000000e+00, v23;
	_ =	sdelay $0x1  }
0x131: {  	(erf) = vrcp.f32 v24;
	_ =	sdelay $0x3  }
0x132: {  	s10 =	sadd.s32 s9, s13  }
0x133: {  	s10 =	sshrl.u32 s10, $0x3  }
0x134: {  	s15 =	simm.s32 $0x0;
	s11 =	sadd.s32 s0, s10  }
0x135: {  	[tilespmem:s15], [sflag:$0x4] =	stream.linear.gather [hbm4b:s11+s15], $0x320, $0x38;
	[tilespmem:$0x13EE0] =	vst v63  }
0x136: {  	s10 =	sadd.s32 s2, s10  }
0x137: {  	[tilespmem:s19], [sflag:$0x4] =	stream.linear.gather [hbm4b:s10+s15], $0x320, $0x38;
	v24 =	vpop (erf);
	[tilespmem:$0x13EE0] =	vst v63  }
0x138: {  	_ =	swait.ge [sflag:s20], $0x320  }
0x139: {  	[sflag:s20] =	ssyncset.done $0x0  }
0x13a: {  	[sflag:s20] =	ssyncadd.s32 $0xFFFFFCE0  }
0x13b: {  	_ =	swait.ge [sflag:s20], $0x320  }
0x13c: {  	[sflag:s20] =	ssyncset.done $0x0  }
0x13d: {  	[sflag:s20] =	ssyncadd.s32 $0xFFFFFCE0  }
0x13e: {  	[tilespmem:s21], [sflag:$0x1] =	stream.indirect.gather [hbm4b:s5+s19], $0x10, s15, s19, $0xb8;
	[tilespmem:$0x13EE0] =	vst v63  }
0x13f: {  	v31 =	vmov s15  }
0x140: {  	v31 =	vshll.u32 v31, $0x4;
	[tilespmem:s22], [sflag:$0x1] =	stream.indirect.gather [hbm4b:s6+s19], $0x10, s19, s19, $0xb8;
	[tilespmem:$0x13EE0] =	vst v63  }
0x141: {  	v31 =	vor.u32 v1, v31;
	_ =	swait.ge [sflag:s3], $0x3200  }
0x142: {  	v54 =	vor.u32 v0, v31;
	[sflag:s3] =	ssyncset.done $0x0  }
0x143: {  	[sflag:s3] =	ssyncadd.s32 $0xFFFFCE00  }
0x144: {  	v55 =	vor.u32 v2, v31;
	_ =	swait.ge [sflag:s3], $0x3200  }
0x145: {  	[sflag:s3] =	ssyncset.done $0x0  }
0x146: {  	v56 =	vor.u32 v3, v31;
	[sflag:s3] =	ssyncadd.s32 $0xFFFFCE00  }
0x147: {  	v21 =	vmul.f32 v27, v21;
	v27 =	vld.idx.msk [tilespmem:v54+s25+$0x0], $0xffff  }
0x148: {  	v57 =	vor.u32 v4, v31;
	v32 =	vld.idx.msk [tilespmem:v54+s26+$0x0], $0xffff  }
0x149: {  	v58 =	vmul.f32 v21, v21;
	v59 =	vld.idx.msk [tilespmem:v55+s25+$0x0], $0xffff  }
0x14a: {  	v60 =	vor.u32 v5, v31;
	v33 =	vld.idx.msk [tilespmem:v55+s26+$0x0], $0xffff  }
0x14b: {  	v61 =	vmul.f32 $1.428571490e-01, v58;
	v62 =	vld.idx.msk [tilespmem:v56+s25+$0x0], $0xffff  }
0x14c: {  	v63 =	vor.u32 v6, v31;
	v34 =	vld.idx.msk [tilespmem:v56+s26+$0x0], $0xffff  }
0x14d: {  	v39 =	vadd.f32 $2.000000030e-01, v61;
	v48 =	vld.idx.msk [tilespmem:v57+s25+$0x0], $0xffff  }
0x14e: {  	v49 =	vor.u32 v8, v31;
	v35 =	vld.idx.msk [tilespmem:v57+s26+$0x0], $0xffff  }
0x14f: {  	v39 =	vmul.f32 v39, v58;
	v50 =	vld.idx.msk [tilespmem:v60+s25+$0x0], $0xffff  }
0x150: {  	v19 =	vmax.f32 v19, $0.0e+00;
	v51 =	vor.u32 v9, v31;
	v52 =	vld.idx.msk [tilespmem:v60+s26+$0x0], $0xffff  }
0x151: {  	v53 =	vadd.f32 $3.333333430e-01, v39;
	v26 =	vmul.f32 v26, v28;
	v28 =	vor.u32 v14, v31;
	v54 =	vld.idx.msk [tilespmem:v63+s25+$0x0], $0xffff  }
0x152: {  	v25 =	vmax.f32 v25, $0.0e+00;
	v55 =	vld.idx.msk [tilespmem:v63+s26+$0x0], $0xffff;
	v27 =	vsub.f32 v27, v32;
	v33 =	vsub.f32 v59, v33  }
0x153: {  	v21 =	vadd.f32 v21, v21;
	v36 =	vmul.f32 v53, v58;
	v56 =	vor.u32 v7, v31;
	v57 =	vld.idx.msk [tilespmem:v49+s25+$0x0], $0xffff  }
0x154: {  	v58 =	vld.idx.msk [tilespmem:v49+s26+$0x0], $0xffff;
	v34 =	vsub.f32 v62, v34;
	v27 =	vmul.f32 v27, v27;
	v33 =	vmul.f32 v33, v33  }
0x155: {  	v29 =	vmul.f32 v30, v29;
	v60 =	vor.u32 v10, v31;
	v61 =	vld.idx.msk [tilespmem:v51+s25+$0x0], $0xffff;
	v63 =	vadd.f32 $1.000000000e+00, v36  }
0x156: {  	v42 =	vld.idx.msk [tilespmem:v28+s25+$0x0], $0xffff;
	v35 =	vsub.f32 v48, v35;
	v59 =	vmul.f32 v34, v34;
	v27 =	vadd.f32 v33, v27  }
0x157: {  	v49 =	vor.u32 v11, v31;
	v28 =	vld.idx.msk [tilespmem:v28+s26+$0x0], $0xffff;
	v21 =	vmul.f32 v63, v21;
	v63 =	vor.u32 v15, v31  }
0x158: {  	v37 =	vsub.f32 v50, v52;
	v32 =	vld.idx.msk [tilespmem:v51+s26+$0x0], $0xffff;
	v62 =	vmul.f32 v35, v35;
	v27 =	vadd.f32 v59, v27  }
0x159: {  	v21 =	vadd.f32 v21, v19;
	v48 =	vmul.f32 v26, v26;
	v39 =	vsub.f32 v54, v55;
	v50 =	vld.idx.msk [tilespmem:v56+s25+$0x0], $0xffff  }
0x15a: {  	v53 =	vld.idx.msk [tilespmem:v56+s26+$0x0], $0xffff;
	v54 =	vor.u32 v12, v31;
	v51 =	vmul.f32 v37, v37;
	v27 =	vadd.f32 v62, v27  }
0x15b: {  	v41 =	vsub.f32 v57, v58;
	v56 =	vld.idx.msk [tilespmem:v60+s25+$0x0], $0xffff;
	v57 =	vor.u32 v13, v31;
	v52 =	vmul.f32 $1.428571490e-01, v48  }
0x15c: {  	v26 =	vadd.f32 v26, v26;
	v55 =	vmul.f32 v39, v39;
	v34 =	vld.idx.msk [tilespmem:v60+s26+$0x0], $0xffff;
	v27 =	vadd.f32 v51, v27  }
0x15d: {  	v31 =	vor.u32 v16, v31;
	v28 =	vsub.f32 v42, v28;
	v35 =	vadd.f32 $2.000000030e-01, v52  }
0x15e: {  	s15 =	simm.s32 $0x10;
	v58 =	vmul.f32 v41, v41;
	v60 =	vld.idx.msk [tilespmem:v49+s26+$0x0], $0xffff;
	v32 =	vsub.f32 v61, v32;
	v27 =	vadd.f32 v55, v27  }
0x15f: {  	v21 =	vmul.f32 $1.000000010e-01, v21;
	v61 =	vmov s15;
	v59 =	vld.idx.msk [tilespmem:v49+s25+$0x0], $0xffff;
	v19 =	vmul.f32 v35, v48  }
0x160: {  	v37 =	vsub.f32 v50, v53;
	v46 =	vld.idx.msk [tilespmem:v54+s26+$0x0], $0xffff;
	v32 =	vmul.f32 v32, v32;
	v27 =	vadd.f32 v58, v27  }
0x161: {  	v50 =	vmul.f32 v29, v29;
	v34 =	vsub.f32 v56, v34;
	v62 =	vld.idx.msk [tilespmem:v54+s25+$0x0], $0xffff;
	v19 =	vadd.f32 $3.333333430e-01, v19  }
0x162: {  	v47 =	vld.idx.msk [tilespmem:v57+s25+$0x0], $0xffff;
	v33 =	vshll.u32 v61, $0x4;
	v37 =	vmul.f32 v37, v37;
	v27 =	vadd.f32 v32, v27  }
0x163: {  	v30 =	vld.idx.msk [tilespmem:v57+s26+$0x0], $0xffff;
	v36 =	vmul.f32 v19, v48;
	v19 =	vor.u32 v1, v33;
	v48 =	vmul.f32 v34, v34  }
0x164: {  	v49 =	vsub.f32 v59, v60;
	v52 =	vor.u32 v0, v19;
	v27 =	vadd.f32 v37, v27  }
0x165: {  	v18 =	vadd.f32 v21, v18;
	v53 =	vld.idx.msk [tilespmem:v63+s26+$0x0], $0xffff;
	v56 =	vmul.f32 $1.428571490e-01, v50;
	v60 =	vor.u32 v3, v19  }
0x166: {  	v57 =	vld.idx.msk [tilespmem:v31+s25+$0x0], $0xffff;
	v54 =	vmul.f32 v49, v49;
	v32 =	vsub.f32 v62, v46;
	v27 =	vadd.f32 v48, v27  }
0x167: {  	v51 =	vld.idx.msk [tilespmem:v63+s25+$0x0], $0xffff;
	v59 =	vadd.f32 $2.000000030e-01, v56;
	v55 =	vadd.f32 $1.000000000e+00, v36;
	v58 =	vor.u32 v2, v19  }
0x168: {  	v31 =	vld.idx.msk [tilespmem:v31+s26+$0x0], $0xffff;
	v30 =	vsub.f32 v47, v30;
	v32 =	vmul.f32 v32, v32;
	v27 =	vadd.f32 v54, v27  }
0x169: {  	v44 =	vor.u32 v5, v19;
	v33 =	vmul.f32 v59, v50;
	v26 =	vmul.f32 v55, v26;
	v61 =	vld.idx.msk [tilespmem:v52+s25+$0x0], $0xffff  }
0x16a: {  	v47 =	vor.u32 v8, v19;
	v30 =	vmul.f32 v30, v30;
	v63 =	vld.idx.msk [tilespmem:v52+s26+$0x0], $0xffff;
	v27 =	vadd.f32 v32, v27  }
0x16b: {  	v28 =	vmul.f32 v28, v28;
	v33 =	vadd.f32 $3.333333430e-01, v33;
	v21 =	vadd.f32 v26, v25;
	v26 =	vld.idx.msk [tilespmem:v60+s25+$0x0], $0xffff  }
0x16c: {  	v62 =	vsub.f32 v51, v53;
	v42 =	vld.idx.msk [tilespmem:v58+s25+$0x0], $0xffff;
	v27 =	vadd.f32 v30, v27;
	v30 =	vor.u32 v4, v19  }
0x16d: {  	v31 =	vsub.f32 v57, v31;
	v25 =	vmul.f32 v33, v50;
	v43 =	vld.idx.msk [tilespmem:v58+s26+$0x0], $0xffff  }
0x16e: {  	v45 =	vor.u32 v6, v19;
	v36 =	vld.idx.msk [tilespmem:v44+s26+$0x0], $0xffff;
	v27 =	vadd.f32 v28, v27;
	v28 =	vmul.f32 v62, v62  }
0x16f: {  	v29 =	vadd.f32 v29, v29;
	v52 =	vld.idx.msk [tilespmem:v47+s25+$0x0], $0xffff;
	v21 =	vmul.f32 $1.000000010e-01, v21;
	v25 =	vadd.f32 $1.000000000e+00, v25  }
0x170: {  	v27 =	vadd.f32 v28, v27;
	v28 =	vmul.f32 v31, v31;
	v31 =	vld.idx.msk [tilespmem:v60+s26+$0x0], $0xffff  }
0x171: {  	v22 =	vmax.f32 v22, $0.0e+00;
	v18 =	vadd.f32 v21, v18;
	v21 =	vmul.f32 v25, v29;
	v46 =	vld.idx.msk [tilespmem:v30+s25+$0x0], $0xffff  }
0x172: {  	v48 =	vor.u32 v9, v19;
	v25 =	vsub.f32 v42, v43;
	v30 =	vld.idx.msk [tilespmem:v30+s26+$0x0], $0xffff;
	v27 =	vadd.f32 v28, v27  }
0x173: {  	v50 =	vld.idx.msk [tilespmem:v45+s25+$0x0], $0xffff;
	v54 =	vor.u32 v10, v19;
	v21 =	vadd.f32 v21, v22;
	v28 =	vsub.f32 v61, v63  }
0x174: {  	v29 =	vld.idx.msk [tilespmem:v44+s25+$0x0], $0xffff;
	v22 =	vor.u32 v11, v19;
	v25 =	vmul.f32 v25, v25;
	v27 =	vmax.f32 v27, $1.000000020e-24  }
0x175: {  	v32 =	vld.idx.msk [tilespmem:v45+s26+$0x0], $0xffff;
	v28 =	vmul.f32 v28, v28;
	v49 =	vshra.s32 v27, $0x1;
	v26 =	vsub.f32 v26, v31  }
0x176: {  	v53 =	vld.idx.msk [tilespmem:v47+s26+$0x0], $0xffff;
	v31 =	vor.u32 v7, v19;
	v51 =	vmul.f32 $5.000000000e-01, v27;
	v37 =	vsub.s32 $0x5F3759DF, v49  }
0x177: {  	v55 =	vld.idx.msk [tilespmem:v48+s25+$0x0], $0xffff;
	v30 =	vsub.f32 v46, v30;
	v25 =	vadd.f32 v25, v28;
	v26 =	vmul.f32 v26, v26  }
0x178: {  	v57 =	vld.idx.msk [tilespmem:v54+s25+$0x0], $0xffff;
	v28 =	vmul.f32 v37, v51  }
0x179: {  	v29 =	vsub.f32 v29, v36;
	v59 =	vld.idx.msk [tilespmem:v22+s25+$0x0], $0xffff;
	v25 =	vadd.f32 v26, v25;
	v26 =	vmul.f32 v30, v30  }
0x17a: {  	v32 =	vsub.f32 v50, v32;
	v28 =	vmul.f32 v37, v28;
	v30 =	vld.idx.msk [tilespmem:v48+s26+$0x0], $0xffff  }
0x17b: {  	v61 =	vor.u32 v14, v19;
	v56 =	vld.idx.msk [tilespmem:v31+s25+$0x0], $0xffff;
	v25 =	vadd.f32 v26, v25;
	v26 =	vmul.f32 v29, v29  }
0x17c: {  	v28 =	vsub.f32 $1.500000000e+00, v28;
	v29 =	vld.idx.msk [tilespmem:v31+s26+$0x0], $0xffff;
	v31 =	vor.u32 v12, v19  }
0x17d: {  	v33 =	vsub.f32 v52, v53;
	v22 =	vld.idx.msk [tilespmem:v22+s26+$0x0], $0xffff;
	v25 =	vadd.f32 v26, v25;
	v26 =	vmul.f32 v32, v32  }
0x17e: {  	v23 =	vmul.f32 v24, v23;
	v58 =	vld.idx.msk [tilespmem:v54+s26+$0x0], $0xffff;
	v24 =	vmul.f32 v37, v28;
	v28 =	vor.u32 v13, v19  }
0x17f: {  	v30 =	vsub.f32 v55, v30;
	v25 =	vadd.f32 v26, v25;
	v26 =	vmul.f32 v33, v33  }
0x180: {  	v44 =	vor.u32 v15, v19;
	v47 =	vld.idx.msk [tilespmem:v61+s25+$0x0], $0xffff;
	v62 =	vmul.f32 v24, v51  }
0x181: {  	v29 =	vsub.f32 v56, v29;
	v63 =	vld.idx.msk [tilespmem:v31+s25+$0x0], $0xffff;
	v25 =	vadd.f32 v26, v25;
	v26 =	vmul.f32 v30, v30  }
0x182: {  	v22 =	vsub.f32 v59, v22;
	v19 =	vor.u32 v16, v19;
	v31 =	vld.idx.msk [tilespmem:v31+s26+$0x0], $0xffff;
	v38 =	vmul.f32 v62, v24  }
0x183: {  	v45 =	vld.idx.msk [tilespmem:v28+s25+$0x0], $0xffff;
	v25 =	vadd.f32 v26, v25;
	v26 =	vmul.f32 v29, v29;
	v29 =	vsub.f32 v57, v58  }
0x184: {  	v21 =	vmul.f32 $1.000000010e-01, v21;
	v60 =	vmul.f32 v23, v23;
	v28 =	vld.idx.msk [tilespmem:v28+s26+$0x0], $0xffff;
	v46 =	vsub.f32 $1.500000000e+00, v38  }
0x185: {  	v22 =	vmul.f32 v22, v22;
	v48 =	vld.idx.msk [tilespmem:v61+s26+$0x0], $0xffff;
	v25 =	vadd.f32 v26, v25;
	v26 =	vmul.f32 v29, v29  }
0x186: {  	s11 =	simm.s32 $0x20;
	v49 =	vld.idx.msk [tilespmem:v44+s25+$0x0], $0xffff;
	v29 =	vmul.f32 $1.428571490e-01, v60;
	v24 =	vmul.f32 v46, v24  }
0x187: {  	v30 =	vmov s11;
	v52 =	vld.idx.msk [tilespmem:v19+s25+$0x0], $0xffff;
	v25 =	vadd.f32 v26, v25;
	v26 =	vsub.f32 v63, v31  }
0x188: {  	v30 =	vshll.u32 v30, $0x4;
	v29 =	vadd.f32 $2.000000030e-01, v29;
	v31 =	vmul.f32 v24, v51;
	v51 =	vld.idx.msk [tilespmem:v44+s26+$0x0], $0xffff  }
0x189: {  	v19 =	vld.idx.msk [tilespmem:v19+s26+$0x0], $0xffff;
	v22 =	vadd.f32 v22, v25;
	v25 =	vmul.f32 v26, v26;
	v26 =	vsub.f32 v45, v28  }
0x18a: {  	v32 =	vsub.f32 v47, v48;
	v30 =	vor.u32 v1, v30;
	v28 =	vmul.f32 v29, v60  }
0x18b: {  	v50 =	vor.u32 v0, v30;
	v22 =	vadd.f32 v25, v22;
	v25 =	vmul.f32 v26, v26  }
0x18c: {  	v29 =	vmul.f32 v31, v24;
	v31 =	vor.u32 v2, v30;
	v26 =	vadd.f32 $3.333333430e-01, v28  }
0x18d: {  	v35 =	vsub.f32 v49, v51;
	v22 =	vadd.f32 v25, v22;
	v25 =	vmul.f32 v32, v32  }
0x18e: {  	v53 =	vor.u32 v4, v30;
	v19 =	vsub.f32 v52, v19;
	v28 =	vsub.f32 $1.500000000e+00, v29  }
0x18f: {  	v26 =	vmul.f32 v26, v60;
	v22 =	vadd.f32 v25, v22;
	v25 =	vmul.f32 v35, v35  }
0x190: {  	v23 =	vadd.f32 v23, v23;
	v54 =	vld.idx.msk [tilespmem:v50+s26+$0x0], $0xffff;
	v29 =	vor.u32 v3, v30;
	v24 =	vmul.f32 v28, v24  }
0x191: {  	v19 =	vmul.f32 v19, v19;
	v28 =	vld.idx.msk [tilespmem:v50+s25+$0x0], $0xffff;
	v26 =	vadd.f32 $1.000000000e+00, v26;
	v22 =	vadd.f32 v25, v22  }
0x192: {  	v18 =	vadd.f32 v21, v18;
	v24 =	vmul.f32 v24, v27;
	v27 =	vld.idx.msk [tilespmem:v31+s25+$0x0], $0xffff  }
0x193: {  	v55 =	vor.u32 v5, v30;
	v31 =	vld.idx.msk [tilespmem:v31+s26+$0x0], $0xffff;
	v21 =	vmul.f32 v26, v23;
	v19 =	vadd.f32 v19, v22  }
0x194: {  	v20 =	vmax.f32 v20, $0.0e+00;
	v32 =	vld.idx.msk [tilespmem:v53+s26+$0x0], $0xffff;
	v23 =	vadd.f32 $9.999999930e-09, v24  }
0x195: {  	v24 =	vld.idx.msk [tilespmem:v29+s25+$0x0], $0xffff;
	v21 =	vadd.f32 v21, v20;
	v20 =	vmax.f32 v19, $1.000000020e-24  }
0x196: {  	v25 =	vld.idx.msk [tilespmem:v29+s26+$0x0], $0xffff;
	v22 =	vsub.f32 v17, v23;
	v57 =	vshra.s32 v20, $0x1;
	v37 =	vmul.f32 $5.000000000e-01, v20  }
0x197: {  	v56 =	vor.u32 v8, v30;
	v23 =	vld.idx.msk [tilespmem:v53+s25+$0x0], $0xffff;
	v58 =	vsub.s32 $0x5F3759DF, v57  }
0x198: {  	v27 =	vsub.f32 v27, v31;
	v31 =	vld.idx.msk [tilespmem:v55+s26+$0x0], $0xffff;
	v19 =	vmul.f32 $1.000000000e+01, v22;
	v62 =	vmul.f32 v58, v37  }
0x199: {  	v59 =	vor.u32 v7, v30;
	v28 =	vsub.f32 v28, v54;
	v22 =	vld.idx.msk [tilespmem:v55+s25+$0x0], $0xffff  }
0x19a: {  	v26 =	vor.u32 v6, v30;
	v60 =	vand.u32 $0x7FFFFFFF, v19;
	v39 =	vmul.f32 v58, v62  }
0x19b: {  	v28 =	vmul.f32 v28, v28;
	v27 =	vmul.f32 v27, v27;
	v36 =	vsub.f32 $0.0e+00, v60  }
0x19c: {  	v29 =	vor.u32 v9, v30;
	v24 =	vsub.f32 v24, v25;
	v39 =	vsub.f32 $1.500000000e+00, v39  }
0x19d: {  	v63 =	vld.idx.msk [tilespmem:v56+s25+$0x0], $0xffff;
	v23 =	vsub.f32 v23, v32;
	v27 =	vadd.f32 v27, v28;
	v28 =	vmul.f32 $1.442695020e+00, v36  }
0x19e: {  	v44 =	vld.idx.msk [tilespmem:v56+s26+$0x0], $0xffff;
	v24 =	vmul.f32 v24, v24;
	v22 =	vsub.f32 v22, v31;
	v31 =	vmul.f32 v58, v39  }
0x19f: {  	v45 =	vor.u32 v10, v30;
	v21 =	vmul.f32 $1.000000010e-01, v21;
	v61 =	vld.idx.msk [tilespmem:v26+s25+$0x0], $0xffff;
	(erf) = vpow2.f32 v28  }
0x1a0: {  	v25 =	vld.idx.msk [tilespmem:v26+s26+$0x0], $0xffff;
	v24 =	vadd.f32 v24, v27;
	v23 =	vmul.f32 v23, v23;
	v48 =	vmul.f32 v31, v37  }
0x1a1: {  	v34 =	vld.idx.msk [tilespmem:v59+s26+$0x0], $0xffff;
	v18 =	vadd.f32 v21, v18  }
0x1a2: {  	v46 =	vld.idx.msk [tilespmem:v29+s25+$0x0], $0xffff;
	v23 =	vadd.f32 v23, v24;
	v24 =	vor.u32 v12, v30;
	v21 =	vmul.f32 v48, v31  }
0x1a3: {  	v29 =	vld.idx.msk [tilespmem:v29+s26+$0x0], $0xffff  }
0x1a4: {  	v49 =	vld.idx.msk [tilespmem:v45+s25+$0x0], $0xffff;
	v27 =	vor.u32 v11, v30;
	v21 =	vsub.f32 $1.500000000e+00, v21  }
0x1a5: {  	v47 =	vsub.f32 v61, v25;
	v28 =	vld.idx.msk [tilespmem:v59+s25+$0x0], $0xffff;
	v22 =	vmul.f32 v22, v22  }
0x1a6: {  	v50 =	vor.u32 v13, v30;
	v35 =	vld.idx.msk [tilespmem:v45+s26+$0x0], $0xffff  }
0x1a7: {  	v32 =	vsub.f32 v63, v44;
	v22 =	vadd.f32 v22, v23;
	v23 =	vmul.f32 v47, v47;
	v53 =	vld.idx.msk [tilespmem:v24+s25+$0x0], $0xffff  }
0x1a8: {  	v26 =	vor.u32 v14, v30;
	v29 =	vsub.f32 v46, v29;
	v55 =	vld.idx.msk [tilespmem:v24+s26+$0x0], $0xffff;
	v24 =	vmul.f32 v21, v31;
	v21 =	vpop (erf)  }
0x1a9: {  	v51 =	vld.idx.msk [tilespmem:v27+s25+$0x0], $0xffff;
	v22 =	vadd.f32 v23, v22;
	v23 =	vmul.f32 v32, v32;
	v58 =	vadd.f32 $2.000000000e+00, v21  }
0x1aa: {  	v54 =	vor.u32 v15, v30;
	v27 =	vld.idx.msk [tilespmem:v27+s26+$0x0], $0xffff;
	v28 =	vsub.f32 v28, v34  }
0x1ab: {  	s15 =	simm.s32 $0x30;
	v22 =	vadd.f32 v23, v22;
	v23 =	vmul.f32 v29, v29;
	(erf) = vrcp.f32 v58  }
0x1ac: {  	v52 =	vmov s15;
	v56 =	vld.idx.msk [tilespmem:v50+s25+$0x0], $0xffff;
	v57 =	vsub.f32 v49, v35;
	v30 =	vor.u32 v16, v30  }
0x1ad: {  	v59 =	vld.idx.msk [tilespmem:v50+s26+$0x0], $0xffff;
	v29 =	vshll.u32 v52, $0x4;
	v28 =	vmul.f32 v28, v28;
	v23 =	vadd.f32 v23, v22  }
0x1ae: {  	v25 =	vld.idx.msk [tilespmem:v26+s25+$0x0], $0xffff;
	v22 =	vor.u32 v1, v29;
	v29 =	vmul.f32 v24, v37  }
0x1af: {  	v27 =	vsub.f32 v51, v27;
	v31 =	vld.idx.msk [tilespmem:v26+s26+$0x0], $0xffff;
	v23 =	vadd.f32 v28, v23;
	v26 =	vmul.f32 v57, v57  }
0x1b0: {  	v32 =	vor.u32 v0, v22;
	v28 =	vld.idx.msk [tilespmem:v54+s25+$0x0], $0xffff;
	v60 =	vmul.f32 v29, v24  }
0x1b1: {  	v62 =	vmul.f32 v27, v27;
	v63 =	vsub.f32 v53, v55;
	v61 =	vadd.f32 v26, v23;
	v29 =	vld.idx.msk [tilespmem:v54+s26+$0x0], $0xffff  }
0x1b2: {  	v36 =	vsub.f32 v56, v59;
	v33 =	vor.u32 v2, v22;
	v27 =	vld.idx.msk [tilespmem:v30+s25+$0x0], $0xffff;
	v26 =	vsub.f32 $1.500000000e+00, v60  }
0x1b3: {  	s10 =	simm.s32 $0x40;
	v30 =	vld.idx.msk [tilespmem:v30+s26+$0x0], $0xffff;
	v23 =	vor.u32 v14, v22;
	v35 =	vmul.f32 v63, v63;
	v34 =	vadd.f32 v62, v61  }
.LBB2_5:
0x1b4: {  	p0 =	sne.s32 s10, $0x310;
	v37 =	vor.u32 v11, v22;
	v25 =	vsub.f32 v25, v31;
	v24 =	vmul.f32 v26, v24;
	v26 =	vpop (erf)  }
0x1b5: {  	v31 =	vld.idx.msk [tilespmem:v32+s25+$0x0], $0xffff;
	v34 =	vadd.f32 v35, v34;
	v35 =	vmul.f32 v36, v36;
	v21 =	vmul.f32 v26, v21  }
0x1b6: {  	v28 =	vsub.f32 v28, v29;
	v26 =	vld.idx.msk [tilespmem:v32+s26+$0x0], $0xffff;
	v32 =	vor.u32 v3, v22;
	v20 =	vmul.f32 v24, v20  }
0x1b7: {  	v25 =	vmul.f32 v25, v25;
	v24 =	vld.idx.msk [tilespmem:v33+s25+$0x0], $0xffff;
	v29 =	vadd.f32 v35, v34;
	v34 =	vmul.f32 v21, v21  }
0x1b8: {  	v35 =	vor.u32 v4, v22;
	v27 =	vsub.f32 v27, v30;
	v33 =	vld.idx.msk [tilespmem:v33+s26+$0x0], $0xffff;
	v20 =	vadd.f32 $9.999999930e-09, v20  }
0x1b9: {  	v28 =	vmul.f32 v28, v28;
	v25 =	vadd.f32 v25, v29;
	v29 =	vmul.f32 $1.428571490e-01, v34  }
0x1ba: {  	v36 =	vor.u32 v7, v22;
	v30 =	vor.u32 v5, v22;
	v20 =	vsub.f32 v17, v20  }
0x1bb: {  	v27 =	vmul.f32 v27, v27;
	v38 =	vld.idx.msk [tilespmem:v32+s25+$0x0], $0xffff;
	v25 =	vadd.f32 v28, v25;
	v28 =	vadd.f32 $2.000000030e-01, v29  }
0x1bc: {  	v39 =	vor.u32 v9, v22;
	v29 =	vld.idx.msk [tilespmem:v32+s26+$0x0], $0xffff;
	v32 =	vor.u32 v6, v22;
	v40 =	vmul.f32 $1.000000000e+01, v20  }
0x1bd: {  	v42 =	vor.u32 v8, v22;
	v41 =	vld.idx.msk [tilespmem:v35+s25+$0x0], $0xffff;
	v20 =	vadd.f32 v27, v25;
	v25 =	vmul.f32 v28, v34  }
0x1be: {  	v26 =	vsub.f32 v31, v26;
	v24 =	vsub.f32 v24, v33;
	v27 =	vld.idx.msk [tilespmem:v35+s26+$0x0], $0xffff;
	v28 =	vand.u32 $0x7FFFFFFF, v40  }
0x1bf: {  	v31 =	vld.idx.msk [tilespmem:v30+s25+$0x0], $0xffff;
	v20 =	vmax.f32 v20, $1.000000020e-24;
	v28 =	vsub.f32 $0.0e+00, v28;
	v25 =	vadd.f32 $3.333333430e-01, v25  }
0x1c0: {  	v26 =	vmul.f32 v26, v26;
	v30 =	vld.idx.msk [tilespmem:v30+s26+$0x0], $0xffff;
	v33 =	vshra.s32 v20, $0x1;
	v35 =	vmul.f32 $5.000000000e-01, v20  }
0x1c1: {  	v43 =	vld.idx.msk [tilespmem:v32+s25+$0x0], $0xffff;
	v33 =	vsub.s32 $0x5F3759DF, v33;
	v28 =	vmul.f32 $1.442695020e+00, v28;
	v25 =	vmul.f32 v25, v34  }
0x1c2: {  	v24 =	vmul.f32 v24, v24;
	v29 =	vsub.f32 v38, v29;
	v32 =	vld.idx.msk [tilespmem:v32+s26+$0x0], $0xffff;
	v34 =	vmul.f32 v33, v35  }
0x1c3: {  	v21 =	vadd.f32 v21, v21;
	v38 =	vld.idx.msk [tilespmem:v42+s25+$0x0], $0xffff;
	(erf) = vpow2.f32 v28;
	v25 =	vadd.f32 $1.000000000e+00, v25  }
0x1c4: {  	v27 =	vsub.f32 v41, v27;
	v41 =	vor.u32 v10, v22;
	v28 =	vld.idx.msk [tilespmem:v42+s26+$0x0], $0xffff;
	v34 =	vmul.f32 v33, v34  }
0x1c5: {  	v24 =	vadd.f32 v24, v26;
	v26 =	vmul.f32 v29, v29;
	v29 =	vld.idx.msk [tilespmem:v39+s25+$0x0], $0xffff;
	v21 =	vmul.f32 v25, v21  }
0x1c6: {  	v25 =	vsub.f32 v31, v30;
	v30 =	vld.idx.msk [tilespmem:v39+s26+$0x0], $0xffff;
	v31 =	vsub.f32 $1.500000000e+00, v34;
	v34 =	vmax.f32 v19, $0.0e+00;
	v19 =	vmovc v40  }
0x1c7: {  	v24 =	vadd.f32 v26, v24;
	v26 =	vmul.f32 v27, v27;
	v27 =	vld.idx.msk [tilespmem:v36+s25+$0x0], $0xffff;
	v21 =	vadd.f32 v21, v34  }
0x1c8: {  	v32 =	vsub.f32 v43, v32;
	v34 =	vld.idx.msk [tilespmem:v36+s26+$0x0], $0xffff;
	v36 =	vor.u32 v12, v22;
	v31 =	vmul.f32 v33, v31  }
0x1c9: {  	v24 =	vadd.f32 v26, v24;
	v26 =	vmul.f32 v25, v25;
	v25 =	vld.idx.msk [tilespmem:v23+s25+$0x0], $0xffff;
	v42 =	vmul.f32 $1.000000010e-01, v21  }
0x1ca: {  	v28 =	vsub.f32 v38, v28;
	v38 =	vor.u32 v13, v22;
	v33 =	vld.idx.msk [tilespmem:v41+s25+$0x0], $0xffff;
	v39 =	vmul.f32 v31, v35  }
0x1cb: {  	v24 =	vadd.f32 v26, v24;
	v26 =	vmul.f32 v32, v32;
	v32 =	vld.idx.msk [tilespmem:v41+s26+$0x0], $0xffff;
	v18 =	vadd.f32 v42, v18  }
0x1cc: {  	v40 =	vmov s10;
	v29 =	vsub.f32 v29, v30;
	v30 =	vld.idx.msk [tilespmem:v37+s25+$0x0], $0xffff;
	v39 =	vmul.f32 v39, v31;
	v21 =	vpop (erf)  }
0x1cd: {  	v24 =	vadd.f32 v26, v24;
	v26 =	vmul.f32 v28, v28;
	v28 =	vld.idx.msk [tilespmem:v37+s26+$0x0], $0xffff;
	v37 =	vadd.f32 $2.000000000e+00, v21  }
0x1ce: {  	v41 =	vor.u32 v15, v22;
	v27 =	vsub.f32 v27, v34;
	v34 =	vld.idx.msk [tilespmem:v36+s25+$0x0], $0xffff;
	v39 =	vsub.f32 $1.500000000e+00, v39  }
0x1cf: {  	v26 =	vadd.f32 v26, v24;
	v29 =	vmul.f32 v29, v29;
	v36 =	vld.idx.msk [tilespmem:v36+s26+$0x0], $0xffff;
	(erf) = vrcp.f32 v37  }
0x1d0: {  	v42 =	vor.u32 v16, v22;
	v37 =	vshll.u32 v40, $0x4;
	v40 =	vld.idx.msk [tilespmem:v38+s25+$0x0], $0xffff;
	v24 =	vmul.f32 v39, v31  }
0x1d1: {  	v26 =	vadd.f32 v29, v26;
	v27 =	vmul.f32 v27, v27;
	v29 =	vsub.f32 v33, v32;
	v38 =	vld.idx.msk [tilespmem:v38+s26+$0x0], $0xffff  }
0x1d2: {  	v22 =	vor.u32 v1, v37;
	v31 =	vld.idx.msk [tilespmem:v23+s26+$0x0], $0xffff;
	v23 =	vmul.f32 v24, v35  }
.Ltmp1:
0x1d3: {  	v26 =	vadd.f32 v27, v26;
	v27 =	vmul.f32 v29, v29;
	v30 =	vsub.f32 v30, v28;
	v28 =	vld.idx.msk [tilespmem:v41+s25+$0x0], $0xffff;
	(pc) =	sbr.rel @p0 .LBB2_5-.Ltmp1, $4  }
0x1d4: {  	v32 =	vor.u32 v0, v22;
	v29 =	vld.idx.msk [tilespmem:v41+s26+$0x0], $0xffff;
	v35 =	vmul.f32 v23, v24  }
0x1d5: {  	v37 =	vadd.f32 v27, v26;
	v39 =	vmul.f32 v30, v30;
	v36 =	vsub.f32 v34, v36;
	v27 =	vld.idx.msk [tilespmem:v42+s25+$0x0], $0xffff  }
0x1d6: {  	v33 =	vor.u32 v2, v22;
	v23 =	vor.u32 v14, v22;
	v30 =	vld.idx.msk [tilespmem:v42+s26+$0x0], $0xffff;
	v26 =	vsub.f32 $1.500000000e+00, v35  }
0x1d7: {  	s10 =	sadd.s32 $0x10, s10;
	v34 =	vadd.f32 v39, v37;
	v35 =	vmul.f32 v36, v36;
	v36 =	vsub.f32 v40, v38  }
0x1d8: {  	_ =	sdelay $0x2  }
0x1d9: {  	v37 =	vor.u32 v3, v22  }
0x1da: {  	v38 =	vld.idx.msk [tilespmem:v32+s25+$0x0], $0xffff  }
0x1db: {  	v61 =	vld.idx.msk [tilespmem:v32+s26+$0x0], $0xffff;
	v39 =	vor.u32 v4, v22  }
0x1dc: {  	v40 =	vld.idx.msk [tilespmem:v33+s25+$0x0], $0xffff  }
0x1dd: {  	v62 =	vld.idx.msk [tilespmem:v33+s26+$0x0], $0xffff;
	v41 =	vor.u32 v5, v22  }
0x1de: {  	v42 =	vld.idx.msk [tilespmem:v37+s25+$0x0], $0xffff  }
0x1df: {  	v43 =	vor.u32 v6, v22;
	v37 =	vld.idx.msk [tilespmem:v37+s26+$0x0], $0xffff  }
0x1e0: {  	v44 =	vld.idx.msk [tilespmem:v39+s25+$0x0], $0xffff  }
0x1e1: {  	v45 =	vor.u32 v8, v22;
	v39 =	vld.idx.msk [tilespmem:v39+s26+$0x0], $0xffff  }
0x1e2: {  	v63 =	vld.idx.msk [tilespmem:v41+s25+$0x0], $0xffff  }
0x1e3: {  	v48 =	vor.u32 v9, v22;
	v25 =	vsub.f32 v25, v31;
	v41 =	vld.idx.msk [tilespmem:v41+s26+$0x0], $0xffff  }
0x1e4: {  	v32 =	vsub.f32 v38, v61;
	v33 =	vsub.f32 v40, v62;
	v49 =	vld.idx.msk [tilespmem:v43+s25+$0x0], $0xffff  }
0x1e5: {  	v31 =	vor.u32 v7, v22;
	v53 =	vor.u32 v10, v22;
	v56 =	vor.u32 v11, v22;
	v43 =	vld.idx.msk [tilespmem:v43+s26+$0x0], $0xffff  }
0x1e6: {  	v50 =	vld.idx.msk [tilespmem:v45+s25+$0x0], $0xffff;
	v32 =	vmul.f32 v32, v32;
	v33 =	vmul.f32 v33, v33;
	v37 =	vsub.f32 v42, v37  }
0x1e7: {  	v34 =	vadd.f32 v35, v34;
	v51 =	vmul.f32 v36, v36;
	v28 =	vsub.f32 v28, v29;
	v52 =	vld.idx.msk [tilespmem:v45+s26+$0x0], $0xffff  }
0x1e8: {  	v54 =	vld.idx.msk [tilespmem:v48+s25+$0x0], $0xffff;
	v32 =	vadd.f32 v33, v32;
	v39 =	vsub.f32 v44, v39;
	v37 =	vmul.f32 v37, v37  }
0x1e9: {  	v25 =	vmul.f32 v25, v25;
	v29 =	vadd.f32 v51, v34;
	v27 =	vsub.f32 v27, v30;
	v57 =	vld.idx.msk [tilespmem:v48+s26+$0x0], $0xffff  }
0x1ea: {  	v58 =	vld.idx.msk [tilespmem:v31+s25+$0x0], $0xffff;
	v38 =	vsub.f32 v63, v41;
	v55 =	vmul.f32 v39, v39;
	v32 =	vadd.f32 v37, v32  }
0x1eb: {  	v28 =	vmul.f32 v28, v28;
	v30 =	vld.idx.msk [tilespmem:v31+s26+$0x0], $0xffff;
	v31 =	vor.u32 v12, v22;
	v25 =	vadd.f32 v25, v29  }
0x1ec: {  	v59 =	vsub.f32 v49, v43;
	v60 =	vmul.f32 v38, v38;
	v32 =	vadd.f32 v55, v32  }
0x1ed: {  	v61 =	vld.idx.msk [tilespmem:v53+s25+$0x0], $0xffff;
	v29 =	vor.u32 v13, v22;
	v25 =	vadd.f32 v28, v25  }
0x1ee: {  	v28 =	vld.idx.msk [tilespmem:v56+s26+$0x0], $0xffff;
	v33 =	vsub.f32 v50, v52;
	v62 =	vmul.f32 v59, v59;
	v32 =	vadd.f32 v60, v32  }
0x1ef: {  	v27 =	vmul.f32 v27, v27;
	v63 =	vld.idx.msk [tilespmem:v53+s26+$0x0], $0xffff  }
0x1f0: {  	v34 =	vsub.f32 v54, v57;
	v44 =	vld.idx.msk [tilespmem:v56+s25+$0x0], $0xffff;
	v33 =	vmul.f32 v33, v33;
	v32 =	vadd.f32 v62, v32  }
0x1f1: {  	v25 =	vadd.f32 v27, v25;
	v27 =	vor.u32 v15, v22;
	v45 =	vld.idx.msk [tilespmem:v31+s25+$0x0], $0xffff  }
0x1f2: {  	v30 =	vsub.f32 v58, v30;
	v31 =	vld.idx.msk [tilespmem:v31+s26+$0x0], $0xffff;
	v46 =	vmul.f32 v34, v34;
	v32 =	vadd.f32 v33, v32  }
0x1f3: {  	v22 =	vor.u32 v16, v22;
	v47 =	vld.idx.msk [tilespmem:v29+s25+$0x0], $0xffff;
	v49 =	vmax.f32 v25, $1.000000020e-24  }
0x1f4: {  	v25 =	vld.idx.msk [tilespmem:v29+s26+$0x0], $0xffff;
	v30 =	vmul.f32 v30, v30;
	v48 =	vsub.f32 v61, v63;
	v32 =	vadd.f32 v46, v32  }
0x1f5: {  	v29 =	vld.idx.msk [tilespmem:v23+s25+$0x0], $0xffff  }
0x1f6: {  	v23 =	vld.idx.msk [tilespmem:v23+s26+$0x0], $0xffff;
	v28 =	vsub.f32 v44, v28;
	v50 =	vmul.f32 v48, v48;
	v30 =	vadd.f32 v30, v32  }
0x1f7: {  	v52 =	vld.idx.msk [tilespmem:v27+s25+$0x0], $0xffff  }
0x1f8: {  	v27 =	vld.idx.msk [tilespmem:v27+s26+$0x0], $0xffff;
	v31 =	vsub.f32 v45, v31;
	v28 =	vmul.f32 v28, v28;
	v30 =	vadd.f32 v50, v30  }
0x1f9: {  	v51 =	vshra.s32 v49, $0x1;
	v53 =	vmul.f32 $5.000000000e-01, v49;
	v54 =	vld.idx.msk [tilespmem:v22+s25+$0x0], $0xffff  }
0x1fa: {  	v22 =	vld.idx.msk [tilespmem:v22+s26+$0x0], $0xffff;
	v25 =	vsub.f32 v47, v25;
	v28 =	vadd.f32 v28, v30;
	v30 =	vmul.f32 v31, v31  }
0x1fb: {  	v23 =	vsub.f32 v29, v23;
	v33 =	vsub.s32 $0x5F3759DF, v51  }
0x1fc: {  	v25 =	vmul.f32 v25, v25;
	v31 =	vmul.f32 v33, v53;
	v28 =	vadd.f32 v30, v28  }
0x1fd: {  	v23 =	vmul.f32 v23, v23  }
0x1fe: {  	v27 =	vsub.f32 v52, v27;
	v29 =	vmul.f32 v33, v31;
	v25 =	vadd.f32 v25, v28  }
0x1ff: {  	v22 =	vsub.f32 v54, v22  }
0x200: {  	v28 =	vsub.f32 $1.500000000e+00, v29;
	v23 =	vadd.f32 v23, v25;
	v25 =	vmul.f32 v27, v27;
	_ =	sdelay $0x1  }
0x201: {  	v22 =	vmul.f32 v22, v22;
	v27 =	vmul.f32 v33, v28;
	v23 =	vadd.f32 v25, v23;
	_ =	sdelay $0x1  }
0x202: {  	v25 =	vmul.f32 v27, v53;
	v22 =	vadd.f32 v22, v23  }
0x203: {  	v23 =	vmul.f32 v26, v24  }
0x204: {  	v24 =	vmul.f32 v25, v27;
	v26 =	vmax.f32 v22, $1.000000020e-24  }
0x205: {  	v20 =	vmul.f32 v23, v20;
	v22 =	vshra.s32 v26, $0x1;
	v23 =	vmul.f32 $5.000000000e-01, v26  }
0x206: {  	v24 =	vsub.f32 $1.500000000e+00, v24;
	v22 =	vsub.s32 $0x5F3759DF, v22  }
0x207: {  	v20 =	vadd.f32 $9.999999930e-09, v20;
	v25 =	vmul.f32 v22, v23  }
0x208: {  	v24 =	vmul.f32 v24, v27  }
0x209: {  	v20 =	vsub.f32 v17, v20;
	v27 =	vmul.f32 v22, v25  }
0x20a: {  	v28 =	vmul.f32 v24, v53  }
0x20b: {  	v25 =	vmul.f32 $1.000000000e+01, v20;
	v20 =	vsub.f32 $1.500000000e+00, v27  }
0x20c: {  	v27 =	vmul.f32 v28, v24  }
0x20d: {  	v28 =	vand.u32 $0x7FFFFFFF, v25;
	v20 =	vmul.f32 v22, v20  }
0x20e: {  	v22 =	vsub.f32 $0.0e+00, v28;
	v27 =	vsub.f32 $1.500000000e+00, v27  }
0x20f: {  	v28 =	vmul.f32 v20, v23  }
0x210: {  	v22 =	vmul.f32 $1.442695020e+00, v22;
	v24 =	vmul.f32 v27, v24  }
0x211: {  	v27 =	vmul.f32 v28, v20  }
0x212: {  	(erf) = vpow2.f32 v22;
	v22 =	vmul.f32 v24, v49  }
0x213: {  	v24 =	vsub.f32 $1.500000000e+00, v27  }
0x214: {  	v22 =	vadd.f32 $9.999999930e-09, v22  }
0x215: {  	v20 =	vmul.f32 v24, v20  }
0x216: {  	v22 =	vsub.f32 v17, v22  }
0x217: {  	v23 =	vmul.f32 v20, v23  }
0x218: {  	v22 =	vmul.f32 $1.000000000e+01, v22  }
0x219: {  	v23 =	vmul.f32 v23, v20  }
0x21a: {  	v27 =	vpop (erf);
	v24 =	vand.u32 $0x7FFFFFFF, v22  }
0x21b: {  	v28 =	vpop (erf);
	v24 =	vsub.f32 $0.0e+00, v24;
	v23 =	vsub.f32 $1.500000000e+00, v23  }
0x21c: {  	v29 =	vadd.f32 $2.000000000e+00, v28  }
0x21d: {  	v24 =	vmul.f32 $1.442695020e+00, v24;
	v20 =	vmul.f32 v23, v20  }
0x21e: {  	(erf) = vrcp.f32 v29  }
0x21f: {  	(erf) = vpow2.f32 v24;
	v20 =	vmul.f32 v20, v26;
	_ =	sdelay $0x1  }
0x220: {  	v20 =	vadd.f32 $9.999999930e-09, v20;
	_ =	sdelay $0x1  }
0x221: {  	v20 =	vsub.f32 v17, v20;
	_ =	sdelay $0x1  }
0x222: {  	v20 =	vmul.f32 $1.000000000e+01, v20;
	_ =	sdelay $0x1  }
0x223: {  	v26 =	vpop (erf);
	v23 =	vand.u32 $0x7FFFFFFF, v20  }
0x224: {  	v29 =	vpop (erf);
	v23 =	vsub.f32 $0.0e+00, v23  }
0x225: {  	v24 =	vadd.f32 $2.000000000e+00, v29  }
0x226: {  	v23 =	vmul.f32 $1.442695020e+00, v23  }
0x227: {  	(erf) = vrcp.f32 v24  }
0x228: {  	(erf) = vpow2.f32 v23;
	_ =	sdelay $0x7  }
0x229: {  	v30 =	vpop (erf)  }
0x22a: {  	v23 =	vpop (erf)  }
0x22b: {  	v24 =	vadd.f32 $2.000000000e+00, v23;
	_ =	sdelay $0x1  }
0x22c: {  	(erf) = vrcp.f32 v24;
	_ =	sdelay $0x3  }
0x22d: {  	s9 =	sadd.s32 s9, s14  }
0x22e: {  	s9 =	sshrl.u32 s9, $0x3  }
0x22f: {  	s11 =	simm.s32 $0x0;
	s10 =	sadd.s32 s0, s9  }
0x230: {  	[tilespmem:s23], [sflag:$0x4] =	stream.linear.gather [hbm4b:s10+s11], $0x320, $0x38;
	[tilespmem:$0x13EE0] =	vst v63  }
0x231: {  	s9 =	sadd.s32 s2, s9  }
0x232: {  	[tilespmem:s24], [sflag:$0x4] =	stream.linear.gather [hbm4b:s9+s11], $0x320, $0x38;
	v24 =	vpop (erf);
	[tilespmem:$0x13EE0] =	vst v63  }
0x233: {  	_ =	swait.ge [sflag:s20], $0x320  }
0x234: {  	[sflag:s20] =	ssyncset.done $0x0  }
0x235: {  	[sflag:s20] =	ssyncadd.s32 $0xFFFFFCE0  }
0x236: {  	_ =	swait.ge [sflag:s20], $0x320  }
0x237: {  	[sflag:s20] =	ssyncset.done $0x0  }
0x238: {  	[sflag:s20] =	ssyncadd.s32 $0xFFFFFCE0  }
0x239: {  	[tilespmem:s25], [sflag:$0x2] =	stream.indirect.gather [hbm4b:s5+s19], $0x10, s23, s19, $0xb8;
	[tilespmem:$0x13EE0] =	vst v63  }
0x23a: {  	v31 =	vmov s11  }
0x23b: {  	v31 =	vshll.u32 v31, $0x4;
	[tilespmem:s26], [sflag:$0x2] =	stream.indirect.gather [hbm4b:s6+s19], $0x10, s24, s19, $0xb8;
	[tilespmem:$0x13EE0] =	vst v63  }
0x23c: {  	v31 =	vor.u32 v1, v31;
	_ =	swait.ge [sflag:s17], $0x3200  }
0x23d: {  	v55 =	vor.u32 v0, v31;
	[sflag:s17] =	ssyncset.done $0x0  }
0x23e: {  	[sflag:s17] =	ssyncadd.s32 $0xFFFFCE00  }
0x23f: {  	v56 =	vor.u32 v2, v31;
	_ =	swait.ge [sflag:s17], $0x3200  }
0x240: {  	[sflag:s17] =	ssyncset.done $0x0  }
0x241: {  	v57 =	vor.u32 v3, v31;
	[sflag:s17] =	ssyncadd.s32 $0xFFFFCE00  }
0x242: {  	v21 =	vmul.f32 v27, v21;
	v27 =	vld.idx.msk [tilespmem:v55+s30+$0x0], $0xffff  }
0x243: {  	v58 =	vor.u32 v4, v31;
	v32 =	vld.idx.msk [tilespmem:v55+s31+$0x0], $0xffff  }
0x244: {  	v59 =	vmul.f32 v21, v21;
	v60 =	vld.idx.msk [tilespmem:v56+s30+$0x0], $0xffff  }
0x245: {  	v61 =	vor.u32 v5, v31;
	v33 =	vld.idx.msk [tilespmem:v56+s31+$0x0], $0xffff  }
0x246: {  	v62 =	vmul.f32 $1.428571490e-01, v59;
	v63 =	vld.idx.msk [tilespmem:v57+s30+$0x0], $0xffff  }
0x247: {  	v48 =	vor.u32 v6, v31;
	v34 =	vld.idx.msk [tilespmem:v57+s31+$0x0], $0xffff  }
0x248: {  	v39 =	vadd.f32 $2.000000030e-01, v62;
	v49 =	vld.idx.msk [tilespmem:v58+s30+$0x0], $0xffff  }
0x249: {  	v50 =	vor.u32 v8, v31;
	v35 =	vld.idx.msk [tilespmem:v58+s31+$0x0], $0xffff  }
0x24a: {  	v39 =	vmul.f32 v39, v59;
	v51 =	vld.idx.msk [tilespmem:v61+s30+$0x0], $0xffff  }
0x24b: {  	v19 =	vmax.f32 v19, $0.0e+00;
	v52 =	vor.u32 v9, v31;
	v21 =	vadd.f32 v21, v21;
	v53 =	vld.idx.msk [tilespmem:v61+s31+$0x0], $0xffff  }
0x24c: {  	v54 =	vadd.f32 $3.333333430e-01, v39;
	v26 =	vmul.f32 v26, v28;
	v28 =	vor.u32 v14, v31;
	v55 =	vld.idx.msk [tilespmem:v48+s30+$0x0], $0xffff  }
0x24d: {  	v25 =	vmax.f32 v25, $0.0e+00;
	v56 =	vld.idx.msk [tilespmem:v48+s31+$0x0], $0xffff;
	v27 =	vsub.f32 v27, v32;
	v33 =	vsub.f32 v60, v33  }
0x24e: {  	v36 =	vmul.f32 v54, v59;
	v54 =	vor.u32 v12, v31;
	v57 =	vor.u32 v7, v31;
	v58 =	vld.idx.msk [tilespmem:v50+s30+$0x0], $0xffff  }
0x24f: {  	v59 =	vld.idx.msk [tilespmem:v50+s31+$0x0], $0xffff;
	v34 =	vsub.f32 v63, v34;
	v27 =	vmul.f32 v27, v27;
	v33 =	vmul.f32 v33, v33  }
0x250: {  	v29 =	vmul.f32 v30, v29;
	v61 =	vor.u32 v10, v31;
	v62 =	vld.idx.msk [tilespmem:v52+s30+$0x0], $0xffff;
	v48 =	vadd.f32 $1.000000000e+00, v36  }
0x251: {  	v42 =	vld.idx.msk [tilespmem:v28+s30+$0x0], $0xffff;
	v35 =	vsub.f32 v49, v35;
	v60 =	vmul.f32 v34, v34;
	v27 =	vadd.f32 v33, v27  }
0x252: {  	v36 =	vmul.f32 v26, v26;
	v28 =	vld.idx.msk [tilespmem:v28+s31+$0x0], $0xffff;
	v26 =	vadd.f32 v26, v26;
	v21 =	vmul.f32 v48, v21  }
0x253: {  	v37 =	vsub.f32 v51, v53;
	v32 =	vld.idx.msk [tilespmem:v52+s31+$0x0], $0xffff;
	v63 =	vmul.f32 v35, v35;
	v27 =	vadd.f32 v60, v27  }
0x254: {  	v21 =	vadd.f32 v21, v19;
	v49 =	vor.u32 v11, v31;
	v50 =	vld.idx.msk [tilespmem:v57+s30+$0x0], $0xffff;
	v52 =	vmul.f32 $1.428571490e-01, v36  }
0x255: {  	v39 =	vsub.f32 v55, v56;
	v53 =	vld.idx.msk [tilespmem:v57+s31+$0x0], $0xffff;
	v51 =	vmul.f32 v37, v37;
	v27 =	vadd.f32 v63, v27  }
0x256: {  	v41 =	vsub.f32 v58, v59;
	v56 =	vld.idx.msk [tilespmem:v61+s30+$0x0], $0xffff;
	v57 =	vor.u32 v13, v31;
	v35 =	vadd.f32 $2.000000030e-01, v52  }
0x257: {  	v21 =	vmul.f32 $1.000000010e-01, v21;
	v55 =	vmul.f32 v39, v39;
	v34 =	vld.idx.msk [tilespmem:v61+s31+$0x0], $0xffff;
	v27 =	vadd.f32 v51, v27  }
0x258: {  	s10 =	simm.s32 $0x10;
	v47 =	vld.idx.msk [tilespmem:v54+s31+$0x0], $0xffff;
	v28 =	vsub.f32 v42, v28;
	v58 =	vmul.f32 v41, v41;
	v19 =	vmul.f32 v35, v36  }
0x259: {  	v61 =	vmov s10;
	v32 =	vsub.f32 v62, v32;
	v59 =	vld.idx.msk [tilespmem:v49+s30+$0x0], $0xffff;
	v27 =	vadd.f32 v55, v27  }
0x25a: {  	v33 =	vshll.u32 v61, $0x4;
	v37 =	vsub.f32 v50, v53;
	v60 =	vld.idx.msk [tilespmem:v49+s31+$0x0], $0xffff;
	v19 =	vadd.f32 $3.333333430e-01, v19  }
0x25b: {  	v62 =	vld.idx.msk [tilespmem:v54+s30+$0x0], $0xffff;
	v32 =	vmul.f32 v32, v32;
	v63 =	vor.u32 v15, v31;
	v27 =	vadd.f32 v58, v27  }
0x25c: {  	v48 =	vld.idx.msk [tilespmem:v57+s30+$0x0], $0xffff;
	v34 =	vsub.f32 v56, v34;
	v37 =	vmul.f32 v37, v37;
	v31 =	vor.u32 v16, v31  }
0x25d: {  	v30 =	vld.idx.msk [tilespmem:v57+s31+$0x0], $0xffff;
	v36 =	vmul.f32 v19, v36;
	v19 =	vor.u32 v1, v33;
	v27 =	vadd.f32 v32, v27  }
0x25e: {  	v49 =	vmul.f32 v34, v34;
	v53 =	vor.u32 v0, v19;
	v51 =	vmul.f32 v29, v29  }
0x25f: {  	v61 =	vor.u32 v3, v19;
	v50 =	vsub.f32 v59, v60;
	v27 =	vadd.f32 v37, v27  }
0x260: {  	v56 =	vadd.f32 $1.000000000e+00, v36;
	v59 =	vor.u32 v2, v19;
	v57 =	vmul.f32 $1.428571490e-01, v51;
	v52 =	vld.idx.msk [tilespmem:v63+s30+$0x0], $0xffff  }
0x261: {  	v54 =	vld.idx.msk [tilespmem:v63+s31+$0x0], $0xffff;
	v55 =	vmul.f32 v50, v50;
	v32 =	vsub.f32 v62, v47;
	v27 =	vadd.f32 v49, v27  }
0x262: {  	v46 =	vor.u32 v5, v19;
	v30 =	vsub.f32 v48, v30;
	v58 =	vld.idx.msk [tilespmem:v31+s30+$0x0], $0xffff;
	v60 =	vadd.f32 $2.000000030e-01, v57  }
0x263: {  	v26 =	vmul.f32 v56, v26;
	v31 =	vld.idx.msk [tilespmem:v31+s31+$0x0], $0xffff;
	v32 =	vmul.f32 v32, v32;
	v27 =	vadd.f32 v55, v27  }
0x264: {  	v18 =	vadd.f32 v21, v18;
	v30 =	vmul.f32 v30, v30;
	v42 =	vld.idx.msk [tilespmem:v53+s31+$0x0], $0xffff;
	v33 =	vmul.f32 v60, v51  }
0x265: {  	v56 =	vor.u32 v10, v19;
	v21 =	vadd.f32 v26, v25;
	v26 =	vld.idx.msk [tilespmem:v61+s30+$0x0], $0xffff;
	v27 =	vadd.f32 v32, v27  }
0x266: {  	v28 =	vmul.f32 v28, v28;
	v44 =	vld.idx.msk [tilespmem:v59+s30+$0x0], $0xffff;
	v33 =	vadd.f32 $3.333333430e-01, v33  }
0x267: {  	v45 =	vld.idx.msk [tilespmem:v59+s31+$0x0], $0xffff;
	v63 =	vsub.f32 v52, v54;
	v27 =	vadd.f32 v30, v27;
	v30 =	vor.u32 v4, v19  }
0x268: {  	v50 =	vor.u32 v9, v19;
	v36 =	vld.idx.msk [tilespmem:v46+s31+$0x0], $0xffff;
	v25 =	vmul.f32 v33, v51  }
0x269: {  	v62 =	vld.idx.msk [tilespmem:v53+s30+$0x0], $0xffff;
	v31 =	vsub.f32 v58, v31;
	v27 =	vadd.f32 v28, v27;
	v28 =	vmul.f32 v63, v63  }
0x26a: {  	v29 =	vadd.f32 v29, v29;
	v21 =	vmul.f32 $1.000000010e-01, v21;
	v59 =	vld.idx.msk [tilespmem:v56+s30+$0x0], $0xffff;
	v25 =	vadd.f32 $1.000000000e+00, v25  }
0x26b: {  	v47 =	vor.u32 v6, v19;
	v27 =	vadd.f32 v28, v27;
	v28 =	vmul.f32 v31, v31;
	v31 =	vld.idx.msk [tilespmem:v61+s31+$0x0], $0xffff  }
0x26c: {  	v18 =	vadd.f32 v21, v18;
	v21 =	vmul.f32 v25, v29;
	v25 =	vsub.f32 v44, v45;
	v48 =	vld.idx.msk [tilespmem:v30+s30+$0x0], $0xffff  }
0x26d: {  	v49 =	vor.u32 v8, v19;
	v30 =	vld.idx.msk [tilespmem:v30+s31+$0x0], $0xffff;
	v27 =	vadd.f32 v28, v27  }
0x26e: {  	v22 =	vmax.f32 v22, $0.0e+00;
	v57 =	vld.idx.msk [tilespmem:v50+s30+$0x0], $0xffff;
	v25 =	vmul.f32 v25, v25;
	v28 =	vsub.f32 v62, v42  }
0x26f: {  	v29 =	vld.idx.msk [tilespmem:v46+s30+$0x0], $0xffff;
	v21 =	vadd.f32 v21, v22;
	v22 =	vor.u32 v11, v19;
	v27 =	vmax.f32 v27, $1.000000020e-24  }
0x270: {  	v52 =	vld.idx.msk [tilespmem:v47+s30+$0x0], $0xffff;
	v28 =	vmul.f32 v28, v28;
	v51 =	vshra.s32 v27, $0x1;
	v26 =	vsub.f32 v26, v31  }
0x271: {  	v32 =	vld.idx.msk [tilespmem:v47+s31+$0x0], $0xffff;
	v31 =	vor.u32 v7, v19;
	v53 =	vmul.f32 $5.000000000e-01, v27;
	v37 =	vsub.s32 $0x5F3759DF, v51  }
0x272: {  	v54 =	vld.idx.msk [tilespmem:v49+s30+$0x0], $0xffff;
	v30 =	vsub.f32 v48, v30;
	v25 =	vadd.f32 v25, v28;
	v26 =	vmul.f32 v26, v26  }
0x273: {  	v55 =	vld.idx.msk [tilespmem:v49+s31+$0x0], $0xffff;
	v28 =	vmul.f32 v37, v53  }
0x274: {  	v29 =	vsub.f32 v29, v36;
	v61 =	vld.idx.msk [tilespmem:v22+s30+$0x0], $0xffff;
	v25 =	vadd.f32 v26, v25;
	v26 =	vmul.f32 v30, v30  }
0x275: {  	v63 =	vor.u32 v14, v19;
	v28 =	vmul.f32 v37, v28;
	v30 =	vld.idx.msk [tilespmem:v50+s31+$0x0], $0xffff  }
0x276: {  	v32 =	vsub.f32 v52, v32;
	v58 =	vld.idx.msk [tilespmem:v31+s30+$0x0], $0xffff;
	v25 =	vadd.f32 v26, v25;
	v26 =	vmul.f32 v29, v29  }
0x277: {  	v28 =	vsub.f32 $1.500000000e+00, v28;
	v29 =	vld.idx.msk [tilespmem:v31+s31+$0x0], $0xffff;
	v31 =	vor.u32 v12, v19  }
0x278: {  	v33 =	vsub.f32 v54, v55;
	v22 =	vld.idx.msk [tilespmem:v22+s31+$0x0], $0xffff;
	v25 =	vadd.f32 v26, v25;
	v26 =	vmul.f32 v32, v32  }
0x279: {  	v23 =	vmul.f32 v24, v23;
	v60 =	vld.idx.msk [tilespmem:v56+s31+$0x0], $0xffff;
	v24 =	vmul.f32 v37, v28;
	v28 =	vor.u32 v13, v19  }
0x27a: {  	v49 =	vld.idx.msk [tilespmem:v63+s30+$0x0], $0xffff;
	v30 =	vsub.f32 v57, v30;
	v25 =	vadd.f32 v26, v25;
	v26 =	vmul.f32 v33, v33  }
0x27b: {  	v46 =	vor.u32 v15, v19;
	v50 =	vld.idx.msk [tilespmem:v63+s31+$0x0], $0xffff;
	v44 =	vmul.f32 v24, v53  }
0x27c: {  	v29 =	vsub.f32 v58, v29;
	v45 =	vld.idx.msk [tilespmem:v31+s30+$0x0], $0xffff;
	v25 =	vadd.f32 v26, v25;
	v26 =	vmul.f32 v30, v30  }
0x27d: {  	v22 =	vsub.f32 v61, v22;
	v19 =	vor.u32 v16, v19;
	v31 =	vld.idx.msk [tilespmem:v31+s31+$0x0], $0xffff;
	v38 =	vmul.f32 v44, v24  }
0x27e: {  	v47 =	vld.idx.msk [tilespmem:v28+s30+$0x0], $0xffff;
	v25 =	vadd.f32 v26, v25;
	v26 =	vmul.f32 v29, v29;
	v29 =	vsub.f32 v59, v60  }
0x27f: {  	v62 =	vmul.f32 v23, v23;
	v22 =	vmul.f32 v22, v22;
	v28 =	vld.idx.msk [tilespmem:v28+s31+$0x0], $0xffff;
	v48 =	vsub.f32 $1.500000000e+00, v38  }
0x280: {  	s11 =	simm.s32 $0x20;
	v32 =	vsub.f32 v49, v50;
	v25 =	vadd.f32 v26, v25;
	v26 =	vmul.f32 v29, v29  }
0x281: {  	v51 =	vld.idx.msk [tilespmem:v46+s30+$0x0], $0xffff;
	v30 =	vmov s11;
	v29 =	vmul.f32 $1.428571490e-01, v62;
	v24 =	vmul.f32 v48, v24  }
0x282: {  	v30 =	vshll.u32 v30, $0x4;
	v54 =	vld.idx.msk [tilespmem:v19+s30+$0x0], $0xffff;
	v25 =	vadd.f32 v26, v25;
	v26 =	vsub.f32 v45, v31  }
0x283: {  	v30 =	vor.u32 v1, v30;
	v29 =	vadd.f32 $2.000000030e-01, v29;
	v31 =	vmul.f32 v24, v53;
	v53 =	vld.idx.msk [tilespmem:v46+s31+$0x0], $0xffff  }
0x284: {  	v19 =	vld.idx.msk [tilespmem:v19+s31+$0x0], $0xffff;
	v22 =	vadd.f32 v22, v25;
	v25 =	vmul.f32 v26, v26;
	v26 =	vsub.f32 v47, v28  }
0x285: {  	v52 =	vor.u32 v0, v30;
	v28 =	vmul.f32 v29, v62;
	v29 =	vmul.f32 v31, v24  }
0x286: {  	v55 =	vor.u32 v4, v30;
	v22 =	vadd.f32 v25, v22;
	v25 =	vmul.f32 v26, v26  }
0x287: {  	v31 =	vor.u32 v2, v30;
	v26 =	vadd.f32 $3.333333430e-01, v28;
	v28 =	vsub.f32 $1.500000000e+00, v29  }
0x288: {  	v35 =	vsub.f32 v51, v53;
	v22 =	vadd.f32 v25, v22;
	v25 =	vmul.f32 v32, v32  }
0x289: {  	v19 =	vsub.f32 v54, v19;
	v29 =	vor.u32 v3, v30;
	v26 =	vmul.f32 v26, v62  }
0x28a: {  	v56 =	vld.idx.msk [tilespmem:v52+s31+$0x0], $0xffff;
	v24 =	vmul.f32 v28, v24;
	v22 =	vadd.f32 v25, v22;
	v25 =	vmul.f32 v35, v35  }
0x28b: {  	v21 =	vmul.f32 $1.000000010e-01, v21;
	v23 =	vadd.f32 v23, v23;
	v19 =	vmul.f32 v19, v19;
	v28 =	vld.idx.msk [tilespmem:v52+s30+$0x0], $0xffff  }
0x28c: {  	v26 =	vadd.f32 $1.000000000e+00, v26;
	v24 =	vmul.f32 v24, v27;
	v27 =	vld.idx.msk [tilespmem:v31+s30+$0x0], $0xffff;
	v22 =	vadd.f32 v25, v22  }
0x28d: {  	v57 =	vor.u32 v5, v30;
	v31 =	vld.idx.msk [tilespmem:v31+s31+$0x0], $0xffff  }
0x28e: {  	v21 =	vadd.f32 v21, v18;
	v32 =	vld.idx.msk [tilespmem:v55+s31+$0x0], $0xffff;
	v18 =	vmul.f32 v26, v23;
	v19 =	vadd.f32 v19, v22  }
0x28f: {  	v20 =	vmax.f32 v20, $0.0e+00;
	v23 =	vadd.f32 $9.999999930e-09, v24;
	v24 =	vld.idx.msk [tilespmem:v29+s30+$0x0], $0xffff  }
0x290: {  	v25 =	vld.idx.msk [tilespmem:v29+s31+$0x0], $0xffff;
	v22 =	vadd.f32 v18, v20;
	v20 =	vmax.f32 v19, $1.000000020e-24  }
0x291: {  	v18 =	vsub.f32 v17, v23;
	v23 =	vld.idx.msk [tilespmem:v55+s30+$0x0], $0xffff;
	v59 =	vshra.s32 v20, $0x1;
	v37 =	vmul.f32 $5.000000000e-01, v20  }
0x292: {  	v28 =	vsub.f32 v28, v56;
	v27 =	vsub.f32 v27, v31;
	v31 =	vld.idx.msk [tilespmem:v57+s31+$0x0], $0xffff;
	v60 =	vsub.s32 $0x5F3759DF, v59  }
0x293: {  	v58 =	vor.u32 v8, v30;
	v18 =	vmul.f32 $1.000000000e+01, v18;
	v19 =	vld.idx.msk [tilespmem:v57+s30+$0x0], $0xffff;
	v44 =	vmul.f32 v60, v37  }
0x294: {  	v26 =	vor.u32 v6, v30;
	v28 =	vmul.f32 v28, v28;
	v27 =	vmul.f32 v27, v27  }
0x295: {  	v24 =	vsub.f32 v24, v25;
	v62 =	vand.u32 $0x7FFFFFFF, v18;
	v39 =	vmul.f32 v60, v44  }
0x296: {  	v61 =	vor.u32 v7, v30;
	v36 =	vsub.f32 $0.0e+00, v62;
	v23 =	vsub.f32 v23, v32  }
0x297: {  	v27 =	vadd.f32 v27, v28;
	v24 =	vmul.f32 v24, v24;
	v39 =	vsub.f32 $1.500000000e+00, v39  }
0x298: {  	v45 =	vld.idx.msk [tilespmem:v58+s30+$0x0], $0xffff;
	v29 =	vor.u32 v9, v30;
	v28 =	vmul.f32 $1.442695020e+00, v36;
	v19 =	vsub.f32 v19, v31  }
0x299: {  	v46 =	vld.idx.msk [tilespmem:v58+s31+$0x0], $0xffff;
	v24 =	vadd.f32 v24, v27;
	v23 =	vmul.f32 v23, v23;
	v31 =	vmul.f32 v60, v39  }
0x29a: {  	v47 =	vor.u32 v10, v30;
	v22 =	vmul.f32 $1.000000010e-01, v22;
	v63 =	vld.idx.msk [tilespmem:v26+s30+$0x0], $0xffff;
	(erf) = vpow2.f32 v28  }
0x29b: {  	v25 =	vld.idx.msk [tilespmem:v26+s31+$0x0], $0xffff;
	v23 =	vadd.f32 v23, v24;
	v19 =	vmul.f32 v19, v19;
	v50 =	vmul.f32 v31, v37  }
0x29c: {  	v34 =	vld.idx.msk [tilespmem:v61+s31+$0x0], $0xffff;
	v24 =	vor.u32 v12, v30  }
0x29d: {  	v48 =	vld.idx.msk [tilespmem:v29+s30+$0x0], $0xffff;
	v23 =	vadd.f32 v19, v23;
	v19 =	vadd.f32 v22, v21;
	v22 =	vmul.f32 v50, v31  }
0x29e: {  	v29 =	vld.idx.msk [tilespmem:v29+s31+$0x0], $0xffff  }
0x29f: {  	v51 =	vld.idx.msk [tilespmem:v47+s30+$0x0], $0xffff;
	v27 =	vor.u32 v11, v30;
	v22 =	vsub.f32 $1.500000000e+00, v22  }
0x2a0: {  	v35 =	vld.idx.msk [tilespmem:v47+s31+$0x0], $0xffff;
	v49 =	vsub.f32 v63, v25  }
0x2a1: {  	v58 =	vor.u32 v16, v30;
	v55 =	vor.u32 v15, v30;
	v28 =	vld.idx.msk [tilespmem:v61+s30+$0x0], $0xffff  }
0x2a2: {  	v26 =	vor.u32 v14, v30;
	v32 =	vsub.f32 v45, v46;
	v33 =	vmul.f32 v49, v49;
	v54 =	vld.idx.msk [tilespmem:v24+s30+$0x0], $0xffff  }
0x2a3: {  	v29 =	vsub.f32 v48, v29;
	v21 =	vor.u32 v13, v30;
	v56 =	vld.idx.msk [tilespmem:v24+s31+$0x0], $0xffff;
	v24 =	vmul.f32 v22, v31;
	v22 =	vpop (erf)  }
0x2a4: {  	s15 =	simm.s32 $0x30;
	v32 =	vmul.f32 v32, v32;
	v52 =	vld.idx.msk [tilespmem:v27+s30+$0x0], $0xffff;
	v23 =	vadd.f32 v33, v23;
	v30 =	vadd.f32 $2.000000000e+00, v22  }
0x2a5: {  	v53 =	vmov s15;
	v29 =	vmul.f32 v29, v29;
	v27 =	vld.idx.msk [tilespmem:v27+s31+$0x0], $0xffff  }
0x2a6: {  	v28 =	vsub.f32 v28, v34;
	v23 =	vadd.f32 v32, v23;
	(erf) = vrcp.f32 v30  }
0x2a7: {  	v57 =	vshll.u32 v53, $0x4;
	v25 =	vld.idx.msk [tilespmem:v26+s30+$0x0], $0xffff  }
0x2a8: {  	v59 =	vld.idx.msk [tilespmem:v21+s30+$0x0], $0xffff;
	v28 =	vmul.f32 v28, v28;
	v23 =	vadd.f32 v29, v23;
	v29 =	vsub.f32 v51, v35  }
0x2a9: {  	v60 =	vld.idx.msk [tilespmem:v21+s31+$0x0], $0xffff;
	v21 =	vor.u32 v1, v57;
	v61 =	vmul.f32 v24, v37  }
0x2aa: {  	v27 =	vsub.f32 v52, v27;
	v31 =	vld.idx.msk [tilespmem:v26+s31+$0x0], $0xffff;
	v23 =	vadd.f32 v28, v23;
	v26 =	vmul.f32 v29, v29  }
0x2ab: {  	v32 =	vor.u32 v0, v21;
	v28 =	vld.idx.msk [tilespmem:v55+s30+$0x0], $0xffff;
	v29 =	vmul.f32 v61, v24  }
0x2ac: {  	v36 =	vmul.f32 v27, v27;
	v63 =	vsub.f32 v54, v56;
	v62 =	vadd.f32 v26, v23;
	v30 =	vld.idx.msk [tilespmem:v55+s31+$0x0], $0xffff  }
0x2ad: {  	v33 =	vor.u32 v2, v21;
	v27 =	vld.idx.msk [tilespmem:v58+s30+$0x0], $0xffff;
	v23 =	vor.u32 v14, v21;
	v26 =	vsub.f32 $1.500000000e+00, v29  }
0x2ae: {  	s9 =	simm.s32 $0x40;
	v35 =	vmul.f32 v63, v63;
	v34 =	vadd.f32 v36, v62;
	v36 =	vsub.f32 v59, v60;
	v29 =	vld.idx.msk [tilespmem:v58+s31+$0x0], $0xffff  }
.LBB2_7:
0x2af: {  	p0 =	sne.s32 s9, $0x310;
	v37 =	vor.u32 v11, v21;
	v25 =	vsub.f32 v25, v31;
	v24 =	vmul.f32 v26, v24;
	v26 =	vpop (erf)  }
0x2b0: {  	v31 =	vld.idx.msk [tilespmem:v32+s30+$0x0], $0xffff;
	v34 =	vadd.f32 v35, v34;
	v35 =	vmul.f32 v36, v36;
	v22 =	vmul.f32 v26, v22  }
0x2b1: {  	v28 =	vsub.f32 v28, v30;
	v26 =	vld.idx.msk [tilespmem:v32+s31+$0x0], $0xffff;
	v32 =	vor.u32 v3, v21;
	v20 =	vmul.f32 v24, v20  }
0x2b2: {  	v25 =	vmul.f32 v25, v25;
	v24 =	vld.idx.msk [tilespmem:v33+s30+$0x0], $0xffff;
	v30 =	vadd.f32 v35, v34;
	v34 =	vmul.f32 v22, v22  }
0x2b3: {  	v35 =	vor.u32 v4, v21;
	v27 =	vsub.f32 v27, v29;
	v33 =	vld.idx.msk [tilespmem:v33+s31+$0x0], $0xffff;
	v20 =	vadd.f32 $9.999999930e-09, v20  }
0x2b4: {  	v28 =	vmul.f32 v28, v28;
	v25 =	vadd.f32 v25, v30;
	v29 =	vmul.f32 $1.428571490e-01, v34  }
0x2b5: {  	v36 =	vor.u32 v7, v21;
	v30 =	vor.u32 v5, v21;
	v20 =	vsub.f32 v17, v20  }
0x2b6: {  	v27 =	vmul.f32 v27, v27;
	v38 =	vld.idx.msk [tilespmem:v32+s30+$0x0], $0xffff;
	v25 =	vadd.f32 v28, v25;
	v28 =	vadd.f32 $2.000000030e-01, v29  }
0x2b7: {  	v39 =	vor.u32 v9, v21;
	v29 =	vld.idx.msk [tilespmem:v32+s31+$0x0], $0xffff;
	v32 =	vor.u32 v6, v21;
	v40 =	vmul.f32 $1.000000000e+01, v20  }
0x2b8: {  	v42 =	vor.u32 v8, v21;
	v41 =	vld.idx.msk [tilespmem:v35+s30+$0x0], $0xffff;
	v20 =	vadd.f32 v27, v25;
	v25 =	vmul.f32 v28, v34  }
0x2b9: {  	v26 =	vsub.f32 v31, v26;
	v24 =	vsub.f32 v24, v33;
	v27 =	vld.idx.msk [tilespmem:v35+s31+$0x0], $0xffff;
	v28 =	vand.u32 $0x7FFFFFFF, v40  }
0x2ba: {  	v31 =	vld.idx.msk [tilespmem:v30+s30+$0x0], $0xffff;
	v20 =	vmax.f32 v20, $1.000000020e-24;
	v28 =	vsub.f32 $0.0e+00, v28;
	v25 =	vadd.f32 $3.333333430e-01, v25  }
0x2bb: {  	v26 =	vmul.f32 v26, v26;
	v30 =	vld.idx.msk [tilespmem:v30+s31+$0x0], $0xffff;
	v33 =	vshra.s32 v20, $0x1;
	v35 =	vmul.f32 $5.000000000e-01, v20  }
0x2bc: {  	v43 =	vld.idx.msk [tilespmem:v32+s30+$0x0], $0xffff;
	v33 =	vsub.s32 $0x5F3759DF, v33;
	v28 =	vmul.f32 $1.442695020e+00, v28;
	v25 =	vmul.f32 v25, v34  }
0x2bd: {  	v24 =	vmul.f32 v24, v24;
	v29 =	vsub.f32 v38, v29;
	v32 =	vld.idx.msk [tilespmem:v32+s31+$0x0], $0xffff;
	v34 =	vmul.f32 v33, v35  }
0x2be: {  	v22 =	vadd.f32 v22, v22;
	v38 =	vld.idx.msk [tilespmem:v42+s30+$0x0], $0xffff;
	(erf) = vpow2.f32 v28;
	v25 =	vadd.f32 $1.000000000e+00, v25  }
0x2bf: {  	v27 =	vsub.f32 v41, v27;
	v41 =	vor.u32 v10, v21;
	v28 =	vld.idx.msk [tilespmem:v42+s31+$0x0], $0xffff;
	v34 =	vmul.f32 v33, v34  }
0x2c0: {  	v24 =	vadd.f32 v24, v26;
	v26 =	vmul.f32 v29, v29;
	v29 =	vld.idx.msk [tilespmem:v39+s30+$0x0], $0xffff;
	v22 =	vmul.f32 v25, v22  }
0x2c1: {  	v25 =	vsub.f32 v31, v30;
	v30 =	vld.idx.msk [tilespmem:v39+s31+$0x0], $0xffff;
	v31 =	vsub.f32 $1.500000000e+00, v34;
	v34 =	vmax.f32 v18, $0.0e+00;
	v18 =	vmovc v40  }
0x2c2: {  	v24 =	vadd.f32 v26, v24;
	v26 =	vmul.f32 v27, v27;
	v27 =	vld.idx.msk [tilespmem:v36+s30+$0x0], $0xffff;
	v22 =	vadd.f32 v22, v34  }
0x2c3: {  	v32 =	vsub.f32 v43, v32;
	v34 =	vld.idx.msk [tilespmem:v36+s31+$0x0], $0xffff;
	v36 =	vor.u32 v12, v21;
	v31 =	vmul.f32 v33, v31  }
0x2c4: {  	v24 =	vadd.f32 v26, v24;
	v26 =	vmul.f32 v25, v25;
	v25 =	vld.idx.msk [tilespmem:v23+s30+$0x0], $0xffff;
	v42 =	vmul.f32 $1.000000010e-01, v22  }
0x2c5: {  	v28 =	vsub.f32 v38, v28;
	v38 =	vor.u32 v13, v21;
	v33 =	vld.idx.msk [tilespmem:v41+s30+$0x0], $0xffff;
	v39 =	vmul.f32 v31, v35  }
0x2c6: {  	v24 =	vadd.f32 v26, v24;
	v26 =	vmul.f32 v32, v32;
	v32 =	vld.idx.msk [tilespmem:v41+s31+$0x0], $0xffff;
	v19 =	vadd.f32 v42, v19  }
0x2c7: {  	v40 =	vmov s9;
	v29 =	vsub.f32 v29, v30;
	v30 =	vld.idx.msk [tilespmem:v37+s30+$0x0], $0xffff;
	v39 =	vmul.f32 v39, v31;
	v22 =	vpop (erf)  }
0x2c8: {  	v24 =	vadd.f32 v26, v24;
	v26 =	vmul.f32 v28, v28;
	v28 =	vld.idx.msk [tilespmem:v37+s31+$0x0], $0xffff;
	v37 =	vadd.f32 $2.000000000e+00, v22  }
0x2c9: {  	v41 =	vor.u32 v15, v21;
	v27 =	vsub.f32 v27, v34;
	v34 =	vld.idx.msk [tilespmem:v36+s30+$0x0], $0xffff;
	v39 =	vsub.f32 $1.500000000e+00, v39  }
0x2ca: {  	v26 =	vadd.f32 v26, v24;
	v29 =	vmul.f32 v29, v29;
	v36 =	vld.idx.msk [tilespmem:v36+s31+$0x0], $0xffff;
	(erf) = vrcp.f32 v37  }
0x2cb: {  	v42 =	vor.u32 v16, v21;
	v37 =	vshll.u32 v40, $0x4;
	v40 =	vld.idx.msk [tilespmem:v38+s30+$0x0], $0xffff;
	v24 =	vmul.f32 v39, v31  }
0x2cc: {  	v26 =	vadd.f32 v29, v26;
	v27 =	vmul.f32 v27, v27;
	v29 =	vsub.f32 v33, v32;
	v38 =	vld.idx.msk [tilespmem:v38+s31+$0x0], $0xffff  }
0x2cd: {  	v21 =	vor.u32 v1, v37;
	v31 =	vld.idx.msk [tilespmem:v23+s31+$0x0], $0xffff;
	v23 =	vmul.f32 v24, v35  }
.Ltmp2:
0x2ce: {  	v26 =	vadd.f32 v27, v26;
	v27 =	vmul.f32 v29, v29;
	v29 =	vsub.f32 v30, v28;
	v28 =	vld.idx.msk [tilespmem:v41+s30+$0x0], $0xffff;
	(pc) =	sbr.rel @p0 .LBB2_7-.Ltmp2, $4  }
0x2cf: {  	v32 =	vor.u32 v0, v21;
	v30 =	vld.idx.msk [tilespmem:v41+s31+$0x0], $0xffff;
	v35 =	vmul.f32 v23, v24  }
0x2d0: {  	v37 =	vadd.f32 v27, v26;
	v39 =	vmul.f32 v29, v29;
	v36 =	vsub.f32 v34, v36;
	v27 =	vld.idx.msk [tilespmem:v42+s30+$0x0], $0xffff  }
0x2d1: {  	v33 =	vor.u32 v2, v21;
	v23 =	vor.u32 v14, v21;
	v29 =	vld.idx.msk [tilespmem:v42+s31+$0x0], $0xffff;
	v26 =	vsub.f32 $1.500000000e+00, v35  }
0x2d2: {  	s9 =	sadd.s32 $0x10, s9;
	v34 =	vadd.f32 v39, v37;
	v35 =	vmul.f32 v36, v36;
	v36 =	vsub.f32 v40, v38  }
0x2d3: {  	_ =	sdelay $0x2  }
0x2d4: {  	v37 =	vor.u32 v3, v21  }
0x2d5: {  	v38 =	vld.idx.msk [tilespmem:v32+s30+$0x0], $0xffff  }
0x2d6: {  	v49 =	vld.idx.msk [tilespmem:v32+s31+$0x0], $0xffff;
	v39 =	vor.u32 v4, v21  }
0x2d7: {  	v40 =	vld.idx.msk [tilespmem:v33+s30+$0x0], $0xffff  }
0x2d8: {  	v50 =	vld.idx.msk [tilespmem:v33+s31+$0x0], $0xffff;
	v41 =	vor.u32 v5, v21  }
0x2d9: {  	v42 =	vld.idx.msk [tilespmem:v37+s30+$0x0], $0xffff  }
0x2da: {  	v43 =	vor.u32 v6, v21;
	v37 =	vld.idx.msk [tilespmem:v37+s31+$0x0], $0xffff  }
0x2db: {  	v44 =	vld.idx.msk [tilespmem:v39+s30+$0x0], $0xffff  }
0x2dc: {  	v45 =	vor.u32 v8, v21;
	v39 =	vld.idx.msk [tilespmem:v39+s31+$0x0], $0xffff  }
0x2dd: {  	v51 =	vld.idx.msk [tilespmem:v41+s30+$0x0], $0xffff  }
0x2de: {  	v52 =	vor.u32 v9, v21;
	v32 =	vsub.f32 v38, v49;
	v33 =	vsub.f32 v40, v50;
	v41 =	vld.idx.msk [tilespmem:v41+s31+$0x0], $0xffff  }
0x2df: {  	v54 =	vor.u32 v7, v21;
	v53 =	vld.idx.msk [tilespmem:v43+s30+$0x0], $0xffff  }
0x2e0: {  	v43 =	vld.idx.msk [tilespmem:v43+s31+$0x0], $0xffff;
	v32 =	vmul.f32 v32, v32;
	v33 =	vmul.f32 v33, v33;
	v37 =	vsub.f32 v42, v37  }
0x2e1: {  	v58 =	vor.u32 v10, v21;
	v55 =	vld.idx.msk [tilespmem:v45+s30+$0x0], $0xffff  }
0x2e2: {  	v57 =	vld.idx.msk [tilespmem:v45+s31+$0x0], $0xffff;
	v32 =	vadd.f32 v33, v32;
	v39 =	vsub.f32 v44, v39;
	v37 =	vmul.f32 v37, v37  }
0x2e3: {  	v25 =	vsub.f32 v25, v31;
	v60 =	vor.u32 v11, v21;
	v46 =	vor.u32 v12, v21;
	v59 =	vld.idx.msk [tilespmem:v52+s30+$0x0], $0xffff  }
0x2e4: {  	v61 =	vld.idx.msk [tilespmem:v52+s31+$0x0], $0xffff;
	v38 =	vsub.f32 v51, v41;
	v39 =	vmul.f32 v39, v39;
	v32 =	vadd.f32 v37, v32  }
0x2e5: {  	v34 =	vadd.f32 v35, v34;
	v56 =	vmul.f32 v36, v36;
	v28 =	vsub.f32 v28, v30;
	v62 =	vld.idx.msk [tilespmem:v54+s30+$0x0], $0xffff  }
0x2e6: {  	v45 =	vld.idx.msk [tilespmem:v54+s31+$0x0], $0xffff;
	v63 =	vsub.f32 v53, v43;
	v38 =	vmul.f32 v38, v38;
	v32 =	vadd.f32 v39, v32  }
0x2e7: {  	v25 =	vmul.f32 v25, v25;
	v34 =	vadd.f32 v56, v34;
	v47 =	vld.idx.msk [tilespmem:v58+s30+$0x0], $0xffff;
	v49 =	vor.u32 v13, v21  }
0x2e8: {  	v50 =	vld.idx.msk [tilespmem:v58+s31+$0x0], $0xffff;
	v33 =	vsub.f32 v55, v57;
	v48 =	vmul.f32 v63, v63;
	v32 =	vadd.f32 v38, v32  }
0x2e9: {  	v27 =	vsub.f32 v27, v29;
	v28 =	vmul.f32 v28, v28;
	v25 =	vadd.f32 v25, v34;
	v52 =	vld.idx.msk [tilespmem:v60+s31+$0x0], $0xffff  }
0x2ea: {  	v31 =	vld.idx.msk [tilespmem:v46+s31+$0x0], $0xffff;
	v35 =	vsub.f32 v59, v61;
	v33 =	vmul.f32 v33, v33;
	v32 =	vadd.f32 v48, v32  }
0x2eb: {  	v27 =	vmul.f32 v27, v27;
	v58 =	vor.u32 v16, v21;
	v25 =	vadd.f32 v28, v25;
	v51 =	vld.idx.msk [tilespmem:v60+s30+$0x0], $0xffff  }
0x2ec: {  	v29 =	vsub.f32 v62, v45;
	v53 =	vld.idx.msk [tilespmem:v46+s30+$0x0], $0xffff;
	v54 =	vmul.f32 v35, v35;
	v32 =	vadd.f32 v33, v32  }
0x2ed: {  	v25 =	vadd.f32 v27, v25;
	v55 =	vor.u32 v15, v21;
	v56 =	vld.idx.msk [tilespmem:v49+s30+$0x0], $0xffff  }
0x2ee: {  	v57 =	vsub.f32 v47, v50;
	v34 =	vld.idx.msk [tilespmem:v49+s31+$0x0], $0xffff;
	v29 =	vmul.f32 v29, v29;
	v32 =	vadd.f32 v54, v32  }
0x2ef: {  	v59 =	vld.idx.msk [tilespmem:v23+s30+$0x0], $0xffff;
	v25 =	vmax.f32 v25, $1.000000020e-24  }
0x2f0: {  	v62 =	vld.idx.msk [tilespmem:v23+s31+$0x0], $0xffff;
	v60 =	vmul.f32 v57, v57;
	v28 =	vsub.f32 v51, v52;
	v29 =	vadd.f32 v29, v32  }
0x2f1: {  	v42 =	vld.idx.msk [tilespmem:v58+s30+$0x0], $0xffff;
	v61 =	vshra.s32 v25, $0x1  }
0x2f2: {  	v63 =	vld.idx.msk [tilespmem:v55+s30+$0x0], $0xffff;
	v30 =	vsub.f32 v53, v31;
	v28 =	vmul.f32 v28, v28;
	v29 =	vadd.f32 v60, v29  }
0x2f3: {  	v40 =	vmul.f32 $5.000000000e-01, v25;
	v41 =	vsub.s32 $0x5F3759DF, v61;
	v27 =	vld.idx.msk [tilespmem:v55+s31+$0x0], $0xffff  }
0x2f4: {  	v21 =	vld.idx.msk [tilespmem:v58+s31+$0x0], $0xffff;
	v44 =	vsub.f32 v56, v34;
	v43 =	vmul.f32 v30, v30;
	v28 =	vadd.f32 v28, v29  }
0x2f5: {  	v45 =	vmul.f32 v41, v40  }
0x2f6: {  	v23 =	vsub.f32 v59, v62;
	v46 =	vmul.f32 v44, v44;
	v28 =	vadd.f32 v43, v28  }
0x2f7: {  	v47 =	vmul.f32 v41, v45  }
0x2f8: {  	v23 =	vmul.f32 v23, v23;
	v27 =	vsub.f32 v63, v27;
	v28 =	vadd.f32 v46, v28  }
0x2f9: {  	v21 =	vsub.f32 v42, v21  }
0x2fa: {  	v48 =	vsub.f32 $1.500000000e+00, v47;
	v27 =	vmul.f32 v27, v27;
	v23 =	vadd.f32 v23, v28;
	_ =	sdelay $0x1  }
0x2fb: {  	v21 =	vmul.f32 v21, v21;
	v49 =	vmul.f32 v41, v48;
	v23 =	vadd.f32 v27, v23;
	_ =	sdelay $0x1  }
0x2fc: {  	v50 =	vmul.f32 v49, v40;
	v21 =	vadd.f32 v21, v23  }
0x2fd: {  	v51 =	vmul.f32 v26, v24  }
0x2fe: {  	v52 =	vmul.f32 v50, v49;
	v21 =	vmax.f32 v21, $1.000000020e-24  }
0x2ff: {  	v20 =	vmul.f32 v51, v20;
	v53 =	vshra.s32 v21, $0x1;
	v54 =	vmul.f32 $5.000000000e-01, v21  }
0x300: {  	v24 =	vsub.f32 $1.500000000e+00, v52;
	v23 =	vsub.s32 $0x5F3759DF, v53  }
0x301: {  	v20 =	vadd.f32 $9.999999930e-09, v20;
	v55 =	vmul.f32 v23, v54  }
0x302: {  	v24 =	vmul.f32 v24, v49  }
0x303: {  	v20 =	vsub.f32 v17, v20;
	v27 =	vmul.f32 v23, v55  }
0x304: {  	v28 =	vmul.f32 v24, v40  }
0x305: {  	v20 =	vmul.f32 $1.000000000e+01, v20;
	v27 =	vsub.f32 $1.500000000e+00, v27  }
0x306: {  	v28 =	vmul.f32 v28, v24  }
0x307: {  	v56 =	vand.u32 $0x7FFFFFFF, v20;
	v23 =	vmul.f32 v23, v27  }
0x308: {  	v57 =	vsub.f32 $0.0e+00, v56;
	v28 =	vsub.f32 $1.500000000e+00, v28  }
0x309: {  	v58 =	vmul.f32 v23, v54  }
0x30a: {  	v24 =	vmul.f32 v28, v24;
	v27 =	vmul.f32 $1.442695020e+00, v57  }
0x30b: {  	v59 =	vmul.f32 v58, v23  }
0x30c: {  	v24 =	vmul.f32 v24, v25;
	(erf) = vpow2.f32 v27  }
0x30d: {  	v60 =	vsub.f32 $1.500000000e+00, v59  }
0x30e: {  	v24 =	vadd.f32 $9.999999930e-09, v24  }
0x30f: {  	v23 =	vmul.f32 v60, v23  }
0x310: {  	v24 =	vsub.f32 v17, v24  }
0x311: {  	v25 =	vmul.f32 v23, v54  }
0x312: {  	v24 =	vmul.f32 $1.000000000e+01, v24  }
0x313: {  	v25 =	vmul.f32 v25, v23  }
0x314: {  	v61 =	vpop (erf);
	v62 =	vand.u32 $0x7FFFFFFF, v24  }
0x315: {  	v27 =	vsub.f32 $0.0e+00, v62;
	v63 =	vpop (erf);
	v25 =	vsub.f32 $1.500000000e+00, v25  }
0x316: {  	v33 =	vadd.f32 $2.000000000e+00, v63  }
0x317: {  	v27 =	vmul.f32 $1.442695020e+00, v27;
	v23 =	vmul.f32 v25, v23  }
0x318: {  	(erf) = vrcp.f32 v33  }
0x319: {  	(erf) = vpow2.f32 v27;
	v21 =	vmul.f32 v23, v21;
	_ =	sdelay $0x1  }
0x31a: {  	v21 =	vadd.f32 $9.999999930e-09, v21;
	_ =	sdelay $0x1  }
0x31b: {  	v21 =	vsub.f32 v17, v21;
	_ =	sdelay $0x1  }
0x31c: {  	v21 =	vmul.f32 $1.000000000e+01, v21;
	_ =	sdelay $0x1  }
0x31d: {  	v34 =	vpop (erf);
	v35 =	vand.u32 $0x7FFFFFFF, v21  }
0x31e: {  	v27 =	vpop (erf);
	v25 =	vsub.f32 $0.0e+00, v35  }
0x31f: {  	v36 =	vadd.f32 $2.000000000e+00, v27  }
0x320: {  	v25 =	vmul.f32 $1.442695020e+00, v25  }
0x321: {  	(erf) = vrcp.f32 v36  }
0x322: {  	(erf) = vpow2.f32 v25;
	_ =	sdelay $0x7  }
0x323: {  	v37 =	vpop (erf)  }
0x324: {  	v38 =	vpop (erf)  }
0x325: {  	v39 =	vadd.f32 $2.000000000e+00, v38;
	_ =	sdelay $0x1  }
0x326: {  	(erf) = vrcp.f32 v39;
	_ =	sdelay $0x2  }
0x327: {  	v22 =	vmul.f32 v61, v22;
	_ =	sdelay $0x1  }
0x328: {  	v26 =	vmul.f32 v22, v22;
	v23 =	vmul.f32 v34, v63;
	_ =	sdelay $0x1  }
0x329: {  	v40 =	vmul.f32 $1.428571490e-01, v26;
	v41 =	vmul.f32 v23, v23  }
0x32a: {  	v25 =	vmul.f32 v37, v27  }
0x32b: {  	v42 =	vadd.f32 $2.000000030e-01, v40;
	v43 =	vmul.f32 $1.428571490e-01, v41;
	v44 =	vpop (erf)  }
0x32c: {  	v45 =	vmul.f32 v25, v25;
	v29 =	vmul.f32 v44, v38  }
0x32d: {  	v28 =	vadd.f32 $2.000000030e-01, v43;
	v27 =	vmul.f32 v42, v26  }
0x32e: {  	v46 =	vmul.f32 $1.428571490e-01, v45;
	v47 =	vmul.f32 v29, v29  }
0x32f: {  	v28 =	vmul.f32 v28, v41;
	v27 =	vadd.f32 $3.333333430e-01, v27  }
0x330: {  	v31 =	vadd.f32 $2.000000030e-01, v46;
	v48 =	vmul.f32 $1.428571490e-01, v47  }
0x331: {  	v49 =	vadd.f32 $3.333333430e-01, v28;
	v26 =	vmul.f32 v27, v26  }
0x332: {  	v50 =	vmul.f32 v31, v45;
	v51 =	vadd.f32 $2.000000030e-01, v48  }
0x333: {  	v22 =	vadd.f32 v22, v22;
	v27 =	vmul.f32 v49, v41;
	v26 =	vadd.f32 $1.000000000e+00, v26  }
0x334: {  	v28 =	vadd.f32 $3.333333430e-01, v50;
	v52 =	vmul.f32 v51, v47  }
0x335: {  	v23 =	vadd.f32 v23, v23;
	v53 =	vadd.f32 $1.000000000e+00, v27;
	v22 =	vmul.f32 v26, v22  }
0x336: {  	v18 =	vmax.f32 v18, $0.0e+00;
	v54 =	vmul.f32 v28, v45;
	v55 =	vadd.f32 $3.333333430e-01, v52  }
0x337: {  	v20 =	vmax.f32 v20, $0.0e+00;
	v56 =	vmul.f32 v53, v23;
	v18 =	vadd.f32 v22, v18  }
0x338: {  	v57 =	vadd.f32 v25, v25;
	v58 =	vadd.f32 $1.000000000e+00, v54;
	v59 =	vmul.f32 v55, v47  }
0x339: {  	v20 =	vadd.f32 v56, v20;
	v18 =	vmul.f32 $1.000000010e-01, v18  }
0x33a: {  	v60 =	vmul.f32 v58, v57;
	v61 =	vadd.f32 v29, v29;
	v62 =	vadd.f32 $1.000000000e+00, v59  }
0x33b: {  	v18 =	vadd.f32 v18, v19;
	v19 =	vmax.f32 v24, $0.0e+00  }
0x33c: {  	s8 =	sadd.s32 $0x1, s8;
	v20 =	vmul.f32 $1.000000010e-01, v20;
	v19 =	vadd.f32 v60, v19;
	v63 =	vmul.f32 v62, v61  }
0x33d: {  	p0 =	sne.s32 s8, $0x29;
	v21 =	vmax.f32 v21, $0.0e+00  }
.Ltmp3:
0x33e: {  	v18 =	vadd.f32 v20, v18;
	v19 =	vmul.f32 $1.000000010e-01, v19;
	v20 =	vadd.f32 v63, v21;
	(pc) =	sbr.rel @p0 .LBB2_2-.Ltmp3, $3  }
0x33f: {  	_ = 	snop  }
0x340: {  	v18 =	vadd.f32 v19, v18;
	v19 =	vmul.f32 $1.000000010e-01, v20;
	_ =	sdelay $0x1  }
0x341: {  	v18 =	vadd.f32 v19, v18  }
0x342: {  	s8 =	simm.s32 $0x0  }
0x343: {  	v19 =	vmov s8  }
0x344: {  	v19 =	vshll.u32 v19, $0x4  }
0x345: {  	_ =	swait.ge [sflag:s1], $0x3200;
	v19 =	vor.u32 v1, v19  }
0x346: {  	[sflag:s1] =	ssyncset.done $0x0;
	v20 =	vor.u32 v0, v19  }
0x347: {  	[sflag:s1] =	ssyncadd.s32 $0xFFFFCE00  }
0x348: {  	_ =	swait.ge [sflag:s1], $0x3200;
	v21 =	vor.u32 v2, v19  }
0x349: {  	[sflag:s1] =	ssyncset.done $0x0  }
0x34a: {  	v22 =	vor.u32 v3, v19;
	[sflag:s1] =	ssyncadd.s32 $0xFFFFCE00  }
0x34b: {  	v23 =	vld.idx.msk [tilespmem:v20+s21+$0x0], $0xffff  }
0x34c: {  	v24 =	vor.u32 v4, v19;
	v20 =	vld.idx.msk [tilespmem:v20+s22+$0x0], $0xffff  }
0x34d: {  	v25 =	vld.idx.msk [tilespmem:v21+s21+$0x0], $0xffff  }
0x34e: {  	v26 =	vor.u32 v5, v19;
	v21 =	vld.idx.msk [tilespmem:v21+s22+$0x0], $0xffff  }
0x34f: {  	v30 =	vor.u32 v8, v19;
	v27 =	vld.idx.msk [tilespmem:v22+s21+$0x0], $0xffff  }
0x350: {  	v22 =	vld.idx.msk [tilespmem:v22+s22+$0x0], $0xffff  }
0x351: {  	v28 =	vor.u32 v6, v19;
	v29 =	vld.idx.msk [tilespmem:v24+s21+$0x0], $0xffff  }
0x352: {  	v24 =	vld.idx.msk [tilespmem:v24+s22+$0x0], $0xffff  }
0x353: {  	v31 =	vld.idx.msk [tilespmem:v26+s21+$0x0], $0xffff  }
0x354: {  	v32 =	vor.u32 v9, v19;
	v33 =	vld.idx.msk [tilespmem:v30+s21+$0x0], $0xffff;
	v20 =	vsub.f32 v23, v20;
	v21 =	vsub.f32 v25, v21  }
0x355: {  	v23 =	vld.idx.msk [tilespmem:v26+s22+$0x0], $0xffff;
	v25 =	vor.u32 v7, v19  }
0x356: {  	v26 =	vld.idx.msk [tilespmem:v28+s21+$0x0], $0xffff;
	v22 =	vsub.f32 v27, v22;
	v20 =	vmul.f32 v20, v20;
	v21 =	vmul.f32 v21, v21  }
0x357: {  	v27 =	vld.idx.msk [tilespmem:v28+s22+$0x0], $0xffff;
	v28 =	vor.u32 v14, v19  }
0x358: {  	v24 =	vsub.f32 v29, v24;
	v29 =	vld.idx.msk [tilespmem:v30+s22+$0x0], $0xffff;
	v20 =	vadd.f32 v21, v20;
	v21 =	vmul.f32 v22, v22  }
0x359: {  	v30 =	vld.idx.msk [tilespmem:v32+s21+$0x0], $0xffff;
	v22 =	vor.u32 v10, v19  }
0x35a: {  	v23 =	vsub.f32 v31, v23;
	v31 =	vld.idx.msk [tilespmem:v32+s22+$0x0], $0xffff;
	v20 =	vadd.f32 v21, v20;
	v21 =	vmul.f32 v24, v24  }
0x35b: {  	v54 =	vld.idx.msk [tilespmem:v25+s21+$0x0], $0xffff;
	v24 =	vor.u32 v11, v19  }
0x35c: {  	v26 =	vsub.f32 v26, v27;
	v25 =	vld.idx.msk [tilespmem:v25+s22+$0x0], $0xffff;
	v20 =	vadd.f32 v21, v20;
	v21 =	vmul.f32 v23, v23  }
0x35d: {  	v27 =	vld.idx.msk [tilespmem:v28+s21+$0x0], $0xffff;
	v23 =	vor.u32 v12, v19  }
0x35e: {  	v29 =	vsub.f32 v33, v29;
	v55 =	vld.idx.msk [tilespmem:v22+s21+$0x0], $0xffff;
	v20 =	vadd.f32 v21, v20;
	v21 =	vmul.f32 v26, v26  }
0x35f: {  	v22 =	vld.idx.msk [tilespmem:v22+s22+$0x0], $0xffff;
	v26 =	vor.u32 v13, v19  }
0x360: {  	v30 =	vsub.f32 v30, v31;
	v31 =	vld.idx.msk [tilespmem:v24+s21+$0x0], $0xffff;
	v20 =	vadd.f32 v21, v20;
	v21 =	vmul.f32 v29, v29  }
0x361: {  	s10 =	simm.s32 $0x10;
	v34 =	vor.u32 v15, v19;
	v25 =	vsub.f32 v54, v25;
	v24 =	vld.idx.msk [tilespmem:v24+s22+$0x0], $0xffff  }
0x362: {  	v29 =	vmov s10;
	v56 =	vld.idx.msk [tilespmem:v23+s21+$0x0], $0xffff;
	v20 =	vadd.f32 v21, v20;
	v21 =	vmul.f32 v30, v30  }
0x363: {  	v19 =	vor.u32 v16, v19;
	v23 =	vld.idx.msk [tilespmem:v23+s22+$0x0], $0xffff;
	v29 =	vshll.u32 v29, $0x4  }
0x364: {  	v22 =	vsub.f32 v55, v22;
	v30 =	vld.idx.msk [tilespmem:v26+s21+$0x0], $0xffff;
	v20 =	vadd.f32 v21, v20;
	v21 =	vmul.f32 v25, v25  }
0x365: {  	v25 =	vld.idx.msk [tilespmem:v26+s22+$0x0], $0xffff;
	v26 =	vor.u32 v1, v29  }
0x366: {  	v28 =	vld.idx.msk [tilespmem:v28+s22+$0x0], $0xffff;
	v20 =	vadd.f32 v21, v20;
	v21 =	vmul.f32 v22, v22;
	v22 =	vsub.f32 v31, v24  }
0x367: {  	v29 =	vor.u32 v0, v26;
	v24 =	vld.idx.msk [tilespmem:v34+s21+$0x0], $0xffff  }
0x368: {  	v31 =	vld.idx.msk [tilespmem:v34+s22+$0x0], $0xffff;
	v20 =	vadd.f32 v21, v20;
	v21 =	vmul.f32 v22, v22;
	v22 =	vsub.f32 v56, v23  }
0x369: {  	v57 =	vor.u32 v2, v26;
	v23 =	vld.idx.msk [tilespmem:v19+s21+$0x0], $0xffff  }
0x36a: {  	v19 =	vld.idx.msk [tilespmem:v19+s22+$0x0], $0xffff;
	v20 =	vadd.f32 v21, v20;
	v21 =	vmul.f32 v22, v22;
	v22 =	vsub.f32 v30, v25  }
0x36b: {  	v25 =	vsub.f32 v27, v28  }
0x36c: {  	v27 =	vld.idx.msk [tilespmem:v29+s21+$0x0], $0xffff;
	v20 =	vadd.f32 v21, v20;
	v21 =	vmul.f32 v22, v22;
	v22 =	vor.u32 v3, v26  }
0x36d: {  	v28 =	vld.idx.msk [tilespmem:v29+s22+$0x0], $0xffff;
	v24 =	vsub.f32 v24, v31  }
0x36e: {  	v29 =	vld.idx.msk [tilespmem:v57+s21+$0x0], $0xffff;
	v20 =	vadd.f32 v21, v20;
	v21 =	vmul.f32 v25, v25;
	v25 =	vor.u32 v4, v26  }
0x36f: {  	v19 =	vsub.f32 v23, v19;
	v23 =	vld.idx.msk [tilespmem:v57+s22+$0x0], $0xffff  }
0x370: {  	v20 =	vadd.f32 v21, v20;
	v21 =	vmul.f32 v24, v24;
	v24 =	vor.u32 v5, v26  }
0x371: {  	v30 =	vld.idx.msk [tilespmem:v22+s21+$0x0], $0xffff  }
0x372: {  	v19 =	vmul.f32 v19, v19;
	v20 =	vadd.f32 v21, v20;
	v21 =	vld.idx.msk [tilespmem:v22+s22+$0x0], $0xffff;
	v22 =	vor.u32 v6, v26  }
0x373: {  	v31 =	vld.idx.msk [tilespmem:v25+s21+$0x0], $0xffff  }
0x374: {  	v58 =	vor.u32 v8, v26;
	v23 =	vsub.f32 v29, v23;
	v25 =	vld.idx.msk [tilespmem:v25+s22+$0x0], $0xffff;
	v19 =	vadd.f32 v19, v20  }
0x375: {  	v20 =	vsub.f32 v27, v28;
	v27 =	vld.idx.msk [tilespmem:v24+s21+$0x0], $0xffff  }
0x376: {  	v28 =	vor.u32 v9, v26;
	v23 =	vmul.f32 v23, v23;
	v24 =	vld.idx.msk [tilespmem:v24+s22+$0x0], $0xffff;
	v19 =	vmax.f32 v19, $1.000000020e-24  }
0x377: {  	v20 =	vmul.f32 v20, v20;
	v29 =	vshra.s32 v19, $0x1;
	v59 =	vld.idx.msk [tilespmem:v22+s21+$0x0], $0xffff;
	v21 =	vsub.f32 v30, v21  }
0x378: {  	v30 =	vor.u32 v7, v26;
	v60 =	vmul.f32 $5.000000000e-01, v19;
	v22 =	vld.idx.msk [tilespmem:v22+s22+$0x0], $0xffff;
	v29 =	vsub.s32 $0x5F3759DF, v29  }
0x379: {  	v35 =	vld.idx.msk [tilespmem:v58+s21+$0x0], $0xffff;
	v25 =	vsub.f32 v31, v25;
	v20 =	vadd.f32 v23, v20;
	v21 =	vmul.f32 v21, v21  }
0x37a: {  	v61 =	vor.u32 v10, v26;
	v31 =	vld.idx.msk [tilespmem:v58+s22+$0x0], $0xffff;
	v23 =	vmul.f32 v29, v60  }
0x37b: {  	v36 =	vld.idx.msk [tilespmem:v28+s21+$0x0], $0xffff;
	v24 =	vsub.f32 v27, v24;
	v20 =	vadd.f32 v21, v20;
	v21 =	vmul.f32 v25, v25  }
0x37c: {  	v27 =	vld.idx.msk [tilespmem:v28+s22+$0x0], $0xffff;
	v25 =	vor.u32 v11, v26;
	v23 =	vmul.f32 v29, v23  }
0x37d: {  	v28 =	vld.idx.msk [tilespmem:v30+s21+$0x0], $0xffff;
	v22 =	vsub.f32 v59, v22;
	v20 =	vadd.f32 v21, v20;
	v21 =	vmul.f32 v24, v24  }
0x37e: {  	v23 =	vsub.f32 $1.500000000e+00, v23;
	v24 =	vld.idx.msk [tilespmem:v30+s22+$0x0], $0xffff;
	v30 =	vor.u32 v12, v26  }
0x37f: {  	v62 =	vld.idx.msk [tilespmem:v61+s21+$0x0], $0xffff;
	v31 =	vsub.f32 v35, v31;
	v20 =	vadd.f32 v21, v20;
	v21 =	vmul.f32 v22, v22  }
0x380: {  	v22 =	vmul.f32 v29, v23;
	v23 =	vor.u32 v13, v26;
	v29 =	vld.idx.msk [tilespmem:v61+s22+$0x0], $0xffff  }
0x381: {  	v27 =	vsub.f32 v36, v27;
	v63 =	vld.idx.msk [tilespmem:v25+s21+$0x0], $0xffff;
	v20 =	vadd.f32 v21, v20;
	v21 =	vmul.f32 v31, v31  }
0x382: {  	v25 =	vld.idx.msk [tilespmem:v25+s22+$0x0], $0xffff;
	v31 =	vor.u32 v14, v26;
	v40 =	vmul.f32 v22, v60  }
0x383: {  	v24 =	vsub.f32 v28, v24;
	v28 =	vld.idx.msk [tilespmem:v30+s21+$0x0], $0xffff;
	v20 =	vadd.f32 v21, v20;
	v21 =	vmul.f32 v27, v27  }
0x384: {  	v41 =	vor.u32 v15, v26;
	v30 =	vld.idx.msk [tilespmem:v30+s22+$0x0], $0xffff;
	v35 =	vmul.f32 v40, v22  }
0x385: {  	v37 =	vld.idx.msk [tilespmem:v23+s21+$0x0], $0xffff;
	v20 =	vadd.f32 v21, v20;
	v21 =	vmul.f32 v24, v24;
	v24 =	vsub.f32 v62, v29  }
0x386: {  	s11 =	simm.s32 $0x20;
	v26 =	vor.u32 v16, v26;
	v23 =	vld.idx.msk [tilespmem:v23+s22+$0x0], $0xffff;
	v29 =	vsub.f32 $1.500000000e+00, v35  }
0x387: {  	v27 =	vmov s11;
	v42 =	vld.idx.msk [tilespmem:v31+s21+$0x0], $0xffff;
	v20 =	vadd.f32 v21, v20;
	v21 =	vmul.f32 v24, v24  }
0x388: {  	v27 =	vshll.u32 v27, $0x4;
	v24 =	vsub.f32 v63, v25;
	v22 =	vmul.f32 v29, v22;
	v25 =	vld.idx.msk [tilespmem:v31+s22+$0x0], $0xffff  }
0x389: {  	v27 =	vor.u32 v1, v27;
	v29 =	vld.idx.msk [tilespmem:v41+s21+$0x0], $0xffff;
	v20 =	vadd.f32 v21, v20  }
0x38a: {  	v31 =	vld.idx.msk [tilespmem:v41+s22+$0x0], $0xffff;
	v21 =	vmul.f32 v24, v24;
	v24 =	vsub.f32 v28, v30;
	v28 =	vmul.f32 v22, v60  }
0x38b: {  	v43 =	vld.idx.msk [tilespmem:v26+s21+$0x0], $0xffff;
	v30 =	vor.u32 v0, v27;
	v23 =	vsub.f32 v37, v23  }
0x38c: {  	v26 =	vld.idx.msk [tilespmem:v26+s22+$0x0], $0xffff;
	v20 =	vadd.f32 v21, v20;
	v21 =	vmul.f32 v24, v24;
	v24 =	vmul.f32 v28, v22  }
0x38d: {  	v28 =	vor.u32 v2, v27;
	v25 =	vsub.f32 v42, v25  }
0x38e: {  	v20 =	vadd.f32 v21, v20;
	v21 =	vmul.f32 v23, v23;
	v23 =	vsub.f32 $1.500000000e+00, v24  }
0x38f: {  	v29 =	vsub.f32 v29, v31;
	v24 =	vor.u32 v3, v27  }
0x390: {  	v20 =	vadd.f32 v21, v20;
	v21 =	vmul.f32 v25, v25;
	v22 =	vmul.f32 v23, v22;
	v23 =	vld.idx.msk [tilespmem:v30+s21+$0x0], $0xffff  }
0x391: {  	v26 =	vsub.f32 v43, v26;
	v25 =	vor.u32 v4, v27;
	v30 =	vld.idx.msk [tilespmem:v30+s22+$0x0], $0xffff  }
0x392: {  	v20 =	vadd.f32 v21, v20;
	v21 =	vmul.f32 v29, v29;
	v19 =	vmul.f32 v22, v19;
	v22 =	vld.idx.msk [tilespmem:v28+s21+$0x0], $0xffff  }
0x393: {  	v28 =	vld.idx.msk [tilespmem:v28+s22+$0x0], $0xffff;
	v29 =	vor.u32 v5, v27  }
0x394: {  	v20 =	vadd.f32 v21, v20;
	v21 =	vmul.f32 v26, v26;
	v19 =	vadd.f32 $9.999999930e-09, v19;
	v26 =	vld.idx.msk [tilespmem:v24+s21+$0x0], $0xffff  }
0x395: {  	v31 =	vor.u32 v6, v27;
	v24 =	vld.idx.msk [tilespmem:v24+s22+$0x0], $0xffff  }
0x396: {  	v20 =	vadd.f32 v21, v20;
	v19 =	vsub.f32 v17, v19;
	v21 =	vld.idx.msk [tilespmem:v25+s21+$0x0], $0xffff  }
0x397: {  	v45 =	vor.u32 v8, v27;
	v23 =	vsub.f32 v23, v30;
	v25 =	vld.idx.msk [tilespmem:v25+s22+$0x0], $0xffff  }
0x398: {  	v46 =	vld.idx.msk [tilespmem:v29+s21+$0x0], $0xffff;
	v22 =	vsub.f32 v22, v28;
	v20 =	vmax.f32 v20, $1.000000020e-24;
	v19 =	vmul.f32 $1.000000000e+01, v19  }
0x399: {  	v28 =	vld.idx.msk [tilespmem:v29+s22+$0x0], $0xffff;
	v23 =	vmul.f32 v23, v23;
	v47 =	vshra.s32 v20, $0x1  }
0x39a: {  	v50 =	vld.idx.msk [tilespmem:v31+s21+$0x0], $0xffff;
	v22 =	vmul.f32 v22, v22;
	v24 =	vsub.f32 v26, v24;
	v49 =	vand.u32 $0x7FFFFFFF, v19  }
0x39b: {  	v48 =	vmul.f32 $5.000000000e-01, v20;
	v26 =	vld.idx.msk [tilespmem:v31+s22+$0x0], $0xffff;
	v29 =	vsub.s32 $0x5F3759DF, v47;
	v35 =	vsub.f32 $0.0e+00, v49  }
0x39c: {  	v21 =	vsub.f32 v21, v25;
	v22 =	vadd.f32 v22, v23;
	v23 =	vmul.f32 v24, v24  }
0x39d: {  	v44 =	vor.u32 v9, v27;
	v39 =	vld.idx.msk [tilespmem:v45+s21+$0x0], $0xffff;
	v38 =	vmul.f32 v29, v48;
	v24 =	vmul.f32 $1.442695020e+00, v35  }
0x39e: {  	v33 =	vld.idx.msk [tilespmem:v45+s22+$0x0], $0xffff;
	v28 =	vsub.f32 v46, v28;
	v22 =	vadd.f32 v23, v22;
	v21 =	vmul.f32 v21, v21  }
0x39f: {  	v30 =	vor.u32 v7, v27;
	v38 =	vmul.f32 v29, v38;
	(erf) = vpow2.f32 v24  }
0x3a0: {  	v26 =	vsub.f32 v50, v26;
	v21 =	vadd.f32 v21, v22;
	v22 =	vmul.f32 v28, v28  }
0x3a1: {  	v51 =	vor.u32 v10, v27  }
0x3a2: {  	v40 =	vld.idx.msk [tilespmem:v44+s21+$0x0], $0xffff;
	v25 =	vsub.f32 $1.500000000e+00, v38;
	v21 =	vadd.f32 v22, v21;
	v22 =	vmul.f32 v26, v26  }
0x3a3: {  	v32 =	vld.idx.msk [tilespmem:v44+s22+$0x0], $0xffff;
	v33 =	vsub.f32 v39, v33;
	v31 =	vor.u32 v14, v27  }
0x3a4: {  	v23 =	vor.u32 v11, v27;
	v24 =	vld.idx.msk [tilespmem:v30+s21+$0x0], $0xffff;
	v29 =	vmul.f32 v29, v25;
	v21 =	vadd.f32 v22, v21  }
0x3a5: {  	v30 =	vld.idx.msk [tilespmem:v30+s22+$0x0], $0xffff  }
0x3a6: {  	v53 =	vld.idx.msk [tilespmem:v51+s21+$0x0], $0xffff;
	v28 =	vor.u32 v12, v27;
	v52 =	vmul.f32 v29, v48;
	v22 =	vmul.f32 v33, v33  }
0x3a7: {  	v35 =	vld.idx.msk [tilespmem:v51+s22+$0x0], $0xffff  }
0x3a8: {  	v25 =	vld.idx.msk [tilespmem:v31+s21+$0x0], $0xffff;
	v26 =	vor.u32 v13, v27;
	v34 =	vmul.f32 v52, v29;
	v22 =	vadd.f32 v22, v21;
	v21 =	vpop (erf)  }
0x3a9: {  	s15 =	simm.s32 $0x30;
	v32 =	vsub.f32 v40, v32;
	v54 =	vld.idx.msk [tilespmem:v23+s21+$0x0], $0xffff;
	v59 =	vadd.f32 $2.000000000e+00, v21  }
0x3aa: {  	v55 =	vmov s15;
	v23 =	vld.idx.msk [tilespmem:v23+s22+$0x0], $0xffff;
	v30 =	vsub.f32 v24, v30;
	v24 =	vsub.f32 $1.500000000e+00, v34  }
0x3ab: {  	v57 =	vor.u32 v15, v27;
	v32 =	vmul.f32 v32, v32;
	v56 =	vld.idx.msk [tilespmem:v28+s21+$0x0], $0xffff;
	(erf) = vrcp.f32 v59  }
0x3ac: {  	v41 =	vor.u32 v16, v27;
	v58 =	vld.idx.msk [tilespmem:v28+s22+$0x0], $0xffff;
	v28 =	vshll.u32 v55, $0x4;
	v24 =	vmul.f32 v24, v29  }
0x3ad: {  	v42 =	vld.idx.msk [tilespmem:v26+s21+$0x0], $0xffff;
	v27 =	vadd.f32 v32, v22;
	v29 =	vmul.f32 v30, v30;
	v30 =	vsub.f32 v53, v35  }
0x3ae: {  	v60 =	vld.idx.msk [tilespmem:v26+s22+$0x0], $0xffff;
	v22 =	vor.u32 v1, v28;
	v26 =	vmul.f32 v24, v48  }
0x3af: {  	v31 =	vld.idx.msk [tilespmem:v31+s22+$0x0], $0xffff;
	v23 =	vsub.f32 v54, v23;
	v27 =	vadd.f32 v29, v27;
	v30 =	vmul.f32 v30, v30  }
0x3b0: {  	v28 =	vld.idx.msk [tilespmem:v57+s21+$0x0], $0xffff;
	v32 =	vor.u32 v0, v22;
	v26 =	vmul.f32 v26, v24  }
0x3b1: {  	v62 =	vmul.f32 v23, v23;
	v63 =	vsub.f32 v56, v58;
	v29 =	vld.idx.msk [tilespmem:v57+s22+$0x0], $0xffff;
	v61 =	vadd.f32 v30, v27  }
0x3b2: {  	v33 =	vor.u32 v2, v22;
	v23 =	vor.u32 v14, v22;
	v27 =	vld.idx.msk [tilespmem:v41+s21+$0x0], $0xffff;
	v26 =	vsub.f32 $1.500000000e+00, v26  }
0x3b3: {  	s8 =	simm.s32 $0x40;
	v35 =	vmul.f32 v63, v63;
	v36 =	vsub.f32 v42, v60;
	v30 =	vld.idx.msk [tilespmem:v41+s22+$0x0], $0xffff;
	v34 =	vadd.f32 v62, v61  }
.LBB2_10:
0x3b4: {  	p0 =	sne.s32 s8, $0x310;
	v37 =	vor.u32 v11, v22;
	v25 =	vsub.f32 v25, v31;
	v24 =	vmul.f32 v26, v24;
	v26 =	vpop (erf)  }
0x3b5: {  	v31 =	vld.idx.msk [tilespmem:v32+s21+$0x0], $0xffff;
	v34 =	vadd.f32 v35, v34;
	v35 =	vmul.f32 v36, v36;
	v21 =	vmul.f32 v26, v21  }
0x3b6: {  	v28 =	vsub.f32 v28, v29;
	v26 =	vld.idx.msk [tilespmem:v32+s22+$0x0], $0xffff;
	v32 =	vor.u32 v3, v22;
	v20 =	vmul.f32 v24, v20  }
0x3b7: {  	v25 =	vmul.f32 v25, v25;
	v24 =	vld.idx.msk [tilespmem:v33+s21+$0x0], $0xffff;
	v29 =	vadd.f32 v35, v34;
	v34 =	vmul.f32 v21, v21  }
0x3b8: {  	v35 =	vor.u32 v4, v22;
	v27 =	vsub.f32 v27, v30;
	v33 =	vld.idx.msk [tilespmem:v33+s22+$0x0], $0xffff;
	v20 =	vadd.f32 $9.999999930e-09, v20  }
0x3b9: {  	v28 =	vmul.f32 v28, v28;
	v25 =	vadd.f32 v25, v29;
	v29 =	vmul.f32 $1.428571490e-01, v34  }
0x3ba: {  	v36 =	vor.u32 v7, v22;
	v30 =	vor.u32 v5, v22;
	v20 =	vsub.f32 v17, v20  }
0x3bb: {  	v27 =	vmul.f32 v27, v27;
	v38 =	vld.idx.msk [tilespmem:v32+s21+$0x0], $0xffff;
	v25 =	vadd.f32 v28, v25;
	v28 =	vadd.f32 $2.000000030e-01, v29  }
0x3bc: {  	v39 =	vor.u32 v9, v22;
	v29 =	vld.idx.msk [tilespmem:v32+s22+$0x0], $0xffff;
	v32 =	vor.u32 v6, v22;
	v40 =	vmul.f32 $1.000000000e+01, v20  }
0x3bd: {  	v42 =	vor.u32 v8, v22;
	v41 =	vld.idx.msk [tilespmem:v35+s21+$0x0], $0xffff;
	v20 =	vadd.f32 v27, v25;
	v25 =	vmul.f32 v28, v34  }
0x3be: {  	v26 =	vsub.f32 v31, v26;
	v24 =	vsub.f32 v24, v33;
	v27 =	vld.idx.msk [tilespmem:v35+s22+$0x0], $0xffff;
	v28 =	vand.u32 $0x7FFFFFFF, v40  }
0x3bf: {  	v31 =	vld.idx.msk [tilespmem:v30+s21+$0x0], $0xffff;
	v20 =	vmax.f32 v20, $1.000000020e-24;
	v28 =	vsub.f32 $0.0e+00, v28;
	v25 =	vadd.f32 $3.333333430e-01, v25  }
0x3c0: {  	v26 =	vmul.f32 v26, v26;
	v30 =	vld.idx.msk [tilespmem:v30+s22+$0x0], $0xffff;
	v33 =	vshra.s32 v20, $0x1;
	v35 =	vmul.f32 $5.000000000e-01, v20  }
0x3c1: {  	v43 =	vld.idx.msk [tilespmem:v32+s21+$0x0], $0xffff;
	v33 =	vsub.s32 $0x5F3759DF, v33;
	v28 =	vmul.f32 $1.442695020e+00, v28;
	v25 =	vmul.f32 v25, v34  }
0x3c2: {  	v24 =	vmul.f32 v24, v24;
	v29 =	vsub.f32 v38, v29;
	v32 =	vld.idx.msk [tilespmem:v32+s22+$0x0], $0xffff;
	v34 =	vmul.f32 v33, v35  }
0x3c3: {  	v21 =	vadd.f32 v21, v21;
	v38 =	vld.idx.msk [tilespmem:v42+s21+$0x0], $0xffff;
	(erf) = vpow2.f32 v28;
	v25 =	vadd.f32 $1.000000000e+00, v25  }
0x3c4: {  	v27 =	vsub.f32 v41, v27;
	v41 =	vor.u32 v10, v22;
	v28 =	vld.idx.msk [tilespmem:v42+s22+$0x0], $0xffff;
	v34 =	vmul.f32 v33, v34  }
0x3c5: {  	v24 =	vadd.f32 v24, v26;
	v26 =	vmul.f32 v29, v29;
	v29 =	vld.idx.msk [tilespmem:v39+s21+$0x0], $0xffff;
	v21 =	vmul.f32 v25, v21  }
0x3c6: {  	v25 =	vsub.f32 v31, v30;
	v30 =	vld.idx.msk [tilespmem:v39+s22+$0x0], $0xffff;
	v31 =	vsub.f32 $1.500000000e+00, v34;
	v34 =	vmax.f32 v19, $0.0e+00;
	v19 =	vmovc v40  }
0x3c7: {  	v24 =	vadd.f32 v26, v24;
	v26 =	vmul.f32 v27, v27;
	v27 =	vld.idx.msk [tilespmem:v36+s21+$0x0], $0xffff;
	v21 =	vadd.f32 v21, v34  }
0x3c8: {  	v32 =	vsub.f32 v43, v32;
	v34 =	vld.idx.msk [tilespmem:v36+s22+$0x0], $0xffff;
	v36 =	vor.u32 v12, v22;
	v31 =	vmul.f32 v33, v31  }
0x3c9: {  	v24 =	vadd.f32 v26, v24;
	v26 =	vmul.f32 v25, v25;
	v25 =	vld.idx.msk [tilespmem:v23+s21+$0x0], $0xffff;
	v42 =	vmul.f32 $1.000000010e-01, v21  }
0x3ca: {  	v28 =	vsub.f32 v38, v28;
	v38 =	vor.u32 v13, v22;
	v33 =	vld.idx.msk [tilespmem:v41+s21+$0x0], $0xffff;
	v39 =	vmul.f32 v31, v35  }
0x3cb: {  	v24 =	vadd.f32 v26, v24;
	v26 =	vmul.f32 v32, v32;
	v32 =	vld.idx.msk [tilespmem:v41+s22+$0x0], $0xffff;
	v18 =	vadd.f32 v42, v18  }
0x3cc: {  	v40 =	vmov s8;
	v29 =	vsub.f32 v29, v30;
	v30 =	vld.idx.msk [tilespmem:v37+s21+$0x0], $0xffff;
	v39 =	vmul.f32 v39, v31;
	v21 =	vpop (erf)  }
0x3cd: {  	v24 =	vadd.f32 v26, v24;
	v26 =	vmul.f32 v28, v28;
	v28 =	vld.idx.msk [tilespmem:v37+s22+$0x0], $0xffff;
	v37 =	vadd.f32 $2.000000000e+00, v21  }
0x3ce: {  	v41 =	vor.u32 v15, v22;
	v27 =	vsub.f32 v27, v34;
	v34 =	vld.idx.msk [tilespmem:v36+s21+$0x0], $0xffff;
	v39 =	vsub.f32 $1.500000000e+00, v39  }
0x3cf: {  	v26 =	vadd.f32 v26, v24;
	v29 =	vmul.f32 v29, v29;
	v36 =	vld.idx.msk [tilespmem:v36+s22+$0x0], $0xffff;
	(erf) = vrcp.f32 v37  }
0x3d0: {  	v42 =	vor.u32 v16, v22;
	v37 =	vshll.u32 v40, $0x4;
	v40 =	vld.idx.msk [tilespmem:v38+s21+$0x0], $0xffff;
	v24 =	vmul.f32 v39, v31  }
0x3d1: {  	v26 =	vadd.f32 v29, v26;
	v27 =	vmul.f32 v27, v27;
	v29 =	vsub.f32 v33, v32;
	v38 =	vld.idx.msk [tilespmem:v38+s22+$0x0], $0xffff  }
0x3d2: {  	v22 =	vor.u32 v1, v37;
	v31 =	vld.idx.msk [tilespmem:v23+s22+$0x0], $0xffff;
	v23 =	vmul.f32 v24, v35  }
.Ltmp4:
0x3d3: {  	v26 =	vadd.f32 v27, v26;
	v27 =	vmul.f32 v29, v29;
	v30 =	vsub.f32 v30, v28;
	v28 =	vld.idx.msk [tilespmem:v41+s21+$0x0], $0xffff;
	(pc) =	sbr.rel @p0 .LBB2_10-.Ltmp4, $4  }
0x3d4: {  	v32 =	vor.u32 v0, v22;
	v29 =	vld.idx.msk [tilespmem:v41+s22+$0x0], $0xffff;
	v35 =	vmul.f32 v23, v24  }
0x3d5: {  	v37 =	vadd.f32 v27, v26;
	v39 =	vmul.f32 v30, v30;
	v36 =	vsub.f32 v34, v36;
	v27 =	vld.idx.msk [tilespmem:v42+s21+$0x0], $0xffff  }
0x3d6: {  	v33 =	vor.u32 v2, v22;
	v23 =	vor.u32 v14, v22;
	v30 =	vld.idx.msk [tilespmem:v42+s22+$0x0], $0xffff;
	v26 =	vsub.f32 $1.500000000e+00, v35  }
0x3d7: {  	s8 =	sadd.s32 $0x10, s8;
	v34 =	vadd.f32 v39, v37;
	v35 =	vmul.f32 v36, v36;
	v36 =	vsub.f32 v40, v38  }
0x3d8: {  	_ =	sdelay $0x2  }
0x3d9: {  	v37 =	vor.u32 v3, v22  }
0x3da: {  	v38 =	vld.idx.msk [tilespmem:v32+s21+$0x0], $0xffff  }
0x3db: {  	v61 =	vld.idx.msk [tilespmem:v32+s22+$0x0], $0xffff;
	v39 =	vor.u32 v4, v22  }
0x3dc: {  	v40 =	vld.idx.msk [tilespmem:v33+s21+$0x0], $0xffff  }
0x3dd: {  	v62 =	vld.idx.msk [tilespmem:v33+s22+$0x0], $0xffff;
	v41 =	vor.u32 v5, v22  }
0x3de: {  	v42 =	vld.idx.msk [tilespmem:v37+s21+$0x0], $0xffff  }
0x3df: {  	v43 =	vor.u32 v6, v22;
	v37 =	vld.idx.msk [tilespmem:v37+s22+$0x0], $0xffff  }
0x3e0: {  	v44 =	vld.idx.msk [tilespmem:v39+s21+$0x0], $0xffff  }
0x3e1: {  	v45 =	vor.u32 v8, v22;
	v39 =	vld.idx.msk [tilespmem:v39+s22+$0x0], $0xffff  }
0x3e2: {  	v63 =	vld.idx.msk [tilespmem:v41+s21+$0x0], $0xffff  }
0x3e3: {  	v48 =	vor.u32 v9, v22;
	v25 =	vsub.f32 v25, v31;
	v41 =	vld.idx.msk [tilespmem:v41+s22+$0x0], $0xffff  }
0x3e4: {  	v32 =	vsub.f32 v38, v61;
	v33 =	vsub.f32 v40, v62;
	v49 =	vld.idx.msk [tilespmem:v43+s21+$0x0], $0xffff  }
0x3e5: {  	v31 =	vor.u32 v7, v22;
	v53 =	vor.u32 v10, v22;
	v56 =	vor.u32 v11, v22;
	v43 =	vld.idx.msk [tilespmem:v43+s22+$0x0], $0xffff  }
0x3e6: {  	v50 =	vld.idx.msk [tilespmem:v45+s21+$0x0], $0xffff;
	v32 =	vmul.f32 v32, v32;
	v33 =	vmul.f32 v33, v33;
	v37 =	vsub.f32 v42, v37  }
0x3e7: {  	v34 =	vadd.f32 v35, v34;
	v51 =	vmul.f32 v36, v36;
	v28 =	vsub.f32 v28, v29;
	v52 =	vld.idx.msk [tilespmem:v45+s22+$0x0], $0xffff  }
0x3e8: {  	v54 =	vld.idx.msk [tilespmem:v48+s21+$0x0], $0xffff;
	v32 =	vadd.f32 v33, v32;
	v39 =	vsub.f32 v44, v39;
	v37 =	vmul.f32 v37, v37  }
0x3e9: {  	v25 =	vmul.f32 v25, v25;
	v29 =	vadd.f32 v51, v34;
	v27 =	vsub.f32 v27, v30;
	v57 =	vld.idx.msk [tilespmem:v48+s22+$0x0], $0xffff  }
0x3ea: {  	v58 =	vld.idx.msk [tilespmem:v31+s21+$0x0], $0xffff;
	v38 =	vsub.f32 v63, v41;
	v55 =	vmul.f32 v39, v39;
	v32 =	vadd.f32 v37, v32  }
0x3eb: {  	v28 =	vmul.f32 v28, v28;
	v30 =	vld.idx.msk [tilespmem:v31+s22+$0x0], $0xffff;
	v31 =	vor.u32 v12, v22;
	v25 =	vadd.f32 v25, v29  }
0x3ec: {  	v59 =	vsub.f32 v49, v43;
	v60 =	vmul.f32 v38, v38;
	v32 =	vadd.f32 v55, v32  }
0x3ed: {  	v61 =	vld.idx.msk [tilespmem:v53+s21+$0x0], $0xffff;
	v29 =	vor.u32 v13, v22;
	v25 =	vadd.f32 v28, v25  }
0x3ee: {  	v28 =	vld.idx.msk [tilespmem:v56+s22+$0x0], $0xffff;
	v33 =	vsub.f32 v50, v52;
	v62 =	vmul.f32 v59, v59;
	v32 =	vadd.f32 v60, v32  }
0x3ef: {  	v27 =	vmul.f32 v27, v27;
	v63 =	vld.idx.msk [tilespmem:v53+s22+$0x0], $0xffff  }
0x3f0: {  	v34 =	vsub.f32 v54, v57;
	v44 =	vld.idx.msk [tilespmem:v56+s21+$0x0], $0xffff;
	v33 =	vmul.f32 v33, v33;
	v32 =	vadd.f32 v62, v32  }
0x3f1: {  	v25 =	vadd.f32 v27, v25;
	v27 =	vor.u32 v15, v22;
	v45 =	vld.idx.msk [tilespmem:v31+s21+$0x0], $0xffff  }
0x3f2: {  	v30 =	vsub.f32 v58, v30;
	v31 =	vld.idx.msk [tilespmem:v31+s22+$0x0], $0xffff;
	v46 =	vmul.f32 v34, v34;
	v32 =	vadd.f32 v33, v32  }
0x3f3: {  	v22 =	vor.u32 v16, v22;
	v47 =	vld.idx.msk [tilespmem:v29+s21+$0x0], $0xffff;
	v49 =	vmax.f32 v25, $1.000000020e-24  }
0x3f4: {  	v25 =	vld.idx.msk [tilespmem:v29+s22+$0x0], $0xffff;
	v30 =	vmul.f32 v30, v30;
	v48 =	vsub.f32 v61, v63;
	v32 =	vadd.f32 v46, v32  }
0x3f5: {  	v29 =	vld.idx.msk [tilespmem:v23+s21+$0x0], $0xffff  }
0x3f6: {  	v23 =	vld.idx.msk [tilespmem:v23+s22+$0x0], $0xffff;
	v28 =	vsub.f32 v44, v28;
	v50 =	vmul.f32 v48, v48;
	v30 =	vadd.f32 v30, v32  }
0x3f7: {  	v52 =	vld.idx.msk [tilespmem:v27+s21+$0x0], $0xffff  }
0x3f8: {  	v27 =	vld.idx.msk [tilespmem:v27+s22+$0x0], $0xffff;
	v31 =	vsub.f32 v45, v31;
	v28 =	vmul.f32 v28, v28;
	v30 =	vadd.f32 v50, v30  }
0x3f9: {  	v51 =	vshra.s32 v49, $0x1;
	v53 =	vmul.f32 $5.000000000e-01, v49;
	v54 =	vld.idx.msk [tilespmem:v22+s21+$0x0], $0xffff  }
0x3fa: {  	v22 =	vld.idx.msk [tilespmem:v22+s22+$0x0], $0xffff;
	v25 =	vsub.f32 v47, v25;
	v28 =	vadd.f32 v28, v30;
	v30 =	vmul.f32 v31, v31  }
0x3fb: {  	v23 =	vsub.f32 v29, v23;
	v33 =	vsub.s32 $0x5F3759DF, v51  }
0x3fc: {  	v25 =	vmul.f32 v25, v25;
	v31 =	vmul.f32 v33, v53;
	v28 =	vadd.f32 v30, v28  }
0x3fd: {  	v23 =	vmul.f32 v23, v23  }
0x3fe: {  	v27 =	vsub.f32 v52, v27;
	v29 =	vmul.f32 v33, v31;
	v25 =	vadd.f32 v25, v28  }
0x3ff: {  	v22 =	vsub.f32 v54, v22  }
0x400: {  	v28 =	vsub.f32 $1.500000000e+00, v29;
	v23 =	vadd.f32 v23, v25;
	v25 =	vmul.f32 v27, v27;
	_ =	sdelay $0x1  }
0x401: {  	v22 =	vmul.f32 v22, v22;
	v27 =	vmul.f32 v33, v28;
	v23 =	vadd.f32 v25, v23;
	_ =	sdelay $0x1  }
0x402: {  	v25 =	vmul.f32 v27, v53;
	v22 =	vadd.f32 v22, v23  }
0x403: {  	v23 =	vmul.f32 v26, v24  }
0x404: {  	v24 =	vmul.f32 v25, v27;
	v26 =	vmax.f32 v22, $1.000000020e-24  }
0x405: {  	v20 =	vmul.f32 v23, v20;
	v22 =	vshra.s32 v26, $0x1;
	v23 =	vmul.f32 $5.000000000e-01, v26  }
0x406: {  	v24 =	vsub.f32 $1.500000000e+00, v24;
	v22 =	vsub.s32 $0x5F3759DF, v22  }
0x407: {  	v20 =	vadd.f32 $9.999999930e-09, v20;
	v25 =	vmul.f32 v22, v23  }
0x408: {  	v24 =	vmul.f32 v24, v27  }
0x409: {  	v20 =	vsub.f32 v17, v20;
	v27 =	vmul.f32 v22, v25  }
0x40a: {  	v28 =	vmul.f32 v24, v53  }
0x40b: {  	v25 =	vmul.f32 $1.000000000e+01, v20;
	v20 =	vsub.f32 $1.500000000e+00, v27  }
0x40c: {  	v27 =	vmul.f32 v28, v24  }
0x40d: {  	v28 =	vand.u32 $0x7FFFFFFF, v25;
	v20 =	vmul.f32 v22, v20  }
0x40e: {  	v22 =	vsub.f32 $0.0e+00, v28;
	v27 =	vsub.f32 $1.500000000e+00, v27  }
0x40f: {  	v28 =	vmul.f32 v20, v23  }
0x410: {  	v22 =	vmul.f32 $1.442695020e+00, v22;
	v24 =	vmul.f32 v27, v24  }
0x411: {  	v27 =	vmul.f32 v28, v20  }
0x412: {  	(erf) = vpow2.f32 v22;
	v22 =	vmul.f32 v24, v49  }
0x413: {  	v24 =	vsub.f32 $1.500000000e+00, v27  }
0x414: {  	v22 =	vadd.f32 $9.999999930e-09, v22  }
0x415: {  	v20 =	vmul.f32 v24, v20  }
0x416: {  	v22 =	vsub.f32 v17, v22  }
0x417: {  	v23 =	vmul.f32 v20, v23  }
0x418: {  	v22 =	vmul.f32 $1.000000000e+01, v22  }
0x419: {  	v23 =	vmul.f32 v23, v20  }
0x41a: {  	v27 =	vpop (erf);
	v24 =	vand.u32 $0x7FFFFFFF, v22  }
0x41b: {  	v28 =	vpop (erf);
	v24 =	vsub.f32 $0.0e+00, v24;
	v23 =	vsub.f32 $1.500000000e+00, v23  }
0x41c: {  	v29 =	vadd.f32 $2.000000000e+00, v28  }
0x41d: {  	v24 =	vmul.f32 $1.442695020e+00, v24;
	v20 =	vmul.f32 v23, v20  }
0x41e: {  	(erf) = vrcp.f32 v29  }
0x41f: {  	(erf) = vpow2.f32 v24;
	v20 =	vmul.f32 v20, v26;
	_ =	sdelay $0x1  }
0x420: {  	v20 =	vadd.f32 $9.999999930e-09, v20;
	_ =	sdelay $0x1  }
0x421: {  	v20 =	vsub.f32 v17, v20;
	_ =	sdelay $0x1  }
0x422: {  	v20 =	vmul.f32 $1.000000000e+01, v20;
	_ =	sdelay $0x1  }
0x423: {  	v26 =	vpop (erf);
	v23 =	vand.u32 $0x7FFFFFFF, v20  }
0x424: {  	v29 =	vpop (erf);
	v23 =	vsub.f32 $0.0e+00, v23  }
0x425: {  	v24 =	vadd.f32 $2.000000000e+00, v29  }
0x426: {  	v23 =	vmul.f32 $1.442695020e+00, v23  }
0x427: {  	(erf) = vrcp.f32 v24  }
0x428: {  	(erf) = vpow2.f32 v23;
	_ =	sdelay $0x7  }
0x429: {  	v30 =	vpop (erf)  }
0x42a: {  	v23 =	vpop (erf)  }
0x42b: {  	v24 =	vadd.f32 $2.000000000e+00, v23;
	_ =	sdelay $0x1  }
0x42c: {  	(erf) = vrcp.f32 v24;
	_ =	sdelay $0x6  }
0x42d: {  	s8 =	simm.s32 $0x0  }
0x42e: {  	v31 =	vmov s8  }
0x42f: {  	v31 =	vshll.u32 v31, $0x4;
	v24 =	vpop (erf)  }
0x430: {  	v31 =	vor.u32 v1, v31;
	_ =	swait.ge [sflag:s3], $0x3200  }
0x431: {  	v55 =	vor.u32 v0, v31;
	[sflag:s3] =	ssyncset.done $0x0  }
0x432: {  	[sflag:s3] =	ssyncadd.s32 $0xFFFFCE00  }
0x433: {  	v56 =	vor.u32 v2, v31;
	_ =	swait.ge [sflag:s3], $0x3200  }
0x434: {  	[sflag:s3] =	ssyncset.done $0x0  }
0x435: {  	v57 =	vor.u32 v3, v31;
	[sflag:s3] =	ssyncadd.s32 $0xFFFFCE00  }
0x436: {  	v21 =	vmul.f32 v27, v21;
	v27 =	vld.idx.msk [tilespmem:v55+s25+$0x0], $0xffff  }
0x437: {  	v58 =	vor.u32 v4, v31;
	v32 =	vld.idx.msk [tilespmem:v55+s26+$0x0], $0xffff  }
0x438: {  	v59 =	vmul.f32 v21, v21;
	v60 =	vld.idx.msk [tilespmem:v56+s25+$0x0], $0xffff  }
0x439: {  	v61 =	vor.u32 v5, v31;
	v33 =	vld.idx.msk [tilespmem:v56+s26+$0x0], $0xffff  }
0x43a: {  	v62 =	vmul.f32 $1.428571490e-01, v59;
	v63 =	vld.idx.msk [tilespmem:v57+s25+$0x0], $0xffff  }
0x43b: {  	v48 =	vor.u32 v6, v31;
	v34 =	vld.idx.msk [tilespmem:v57+s26+$0x0], $0xffff  }
0x43c: {  	v39 =	vadd.f32 $2.000000030e-01, v62;
	v49 =	vld.idx.msk [tilespmem:v58+s25+$0x0], $0xffff  }
0x43d: {  	v50 =	vor.u32 v8, v31;
	v35 =	vld.idx.msk [tilespmem:v58+s26+$0x0], $0xffff  }
0x43e: {  	v39 =	vmul.f32 v39, v59;
	v51 =	vld.idx.msk [tilespmem:v61+s25+$0x0], $0xffff  }
0x43f: {  	v19 =	vmax.f32 v19, $0.0e+00;
	v52 =	vor.u32 v9, v31;
	v21 =	vadd.f32 v21, v21;
	v53 =	vld.idx.msk [tilespmem:v61+s26+$0x0], $0xffff  }
0x440: {  	v54 =	vadd.f32 $3.333333430e-01, v39;
	v26 =	vmul.f32 v26, v28;
	v28 =	vor.u32 v14, v31;
	v55 =	vld.idx.msk [tilespmem:v48+s25+$0x0], $0xffff  }
0x441: {  	v25 =	vmax.f32 v25, $0.0e+00;
	v56 =	vld.idx.msk [tilespmem:v48+s26+$0x0], $0xffff;
	v27 =	vsub.f32 v27, v32;
	v33 =	vsub.f32 v60, v33  }
0x442: {  	v36 =	vmul.f32 v54, v59;
	v54 =	vor.u32 v12, v31;
	v57 =	vor.u32 v7, v31;
	v58 =	vld.idx.msk [tilespmem:v50+s25+$0x0], $0xffff  }
0x443: {  	v59 =	vld.idx.msk [tilespmem:v50+s26+$0x0], $0xffff;
	v34 =	vsub.f32 v63, v34;
	v27 =	vmul.f32 v27, v27;
	v33 =	vmul.f32 v33, v33  }
0x444: {  	v29 =	vmul.f32 v30, v29;
	v61 =	vor.u32 v10, v31;
	v62 =	vld.idx.msk [tilespmem:v52+s25+$0x0], $0xffff;
	v48 =	vadd.f32 $1.000000000e+00, v36  }
0x445: {  	v42 =	vld.idx.msk [tilespmem:v28+s25+$0x0], $0xffff;
	v35 =	vsub.f32 v49, v35;
	v60 =	vmul.f32 v34, v34;
	v27 =	vadd.f32 v33, v27  }
0x446: {  	v36 =	vmul.f32 v26, v26;
	v28 =	vld.idx.msk [tilespmem:v28+s26+$0x0], $0xffff;
	v26 =	vadd.f32 v26, v26;
	v21 =	vmul.f32 v48, v21  }
0x447: {  	v37 =	vsub.f32 v51, v53;
	v32 =	vld.idx.msk [tilespmem:v52+s26+$0x0], $0xffff;
	v63 =	vmul.f32 v35, v35;
	v27 =	vadd.f32 v60, v27  }
0x448: {  	v21 =	vadd.f32 v21, v19;
	v49 =	vor.u32 v11, v31;
	v50 =	vld.idx.msk [tilespmem:v57+s25+$0x0], $0xffff;
	v52 =	vmul.f32 $1.428571490e-01, v36  }
0x449: {  	v39 =	vsub.f32 v55, v56;
	v53 =	vld.idx.msk [tilespmem:v57+s26+$0x0], $0xffff;
	v51 =	vmul.f32 v37, v37;
	v27 =	vadd.f32 v63, v27  }
0x44a: {  	v41 =	vsub.f32 v58, v59;
	v56 =	vld.idx.msk [tilespmem:v61+s25+$0x0], $0xffff;
	v57 =	vor.u32 v13, v31;
	v35 =	vadd.f32 $2.000000030e-01, v52  }
0x44b: {  	v21 =	vmul.f32 $1.000000010e-01, v21;
	v55 =	vmul.f32 v39, v39;
	v34 =	vld.idx.msk [tilespmem:v61+s26+$0x0], $0xffff;
	v27 =	vadd.f32 v51, v27  }
0x44c: {  	s10 =	simm.s32 $0x10;
	v47 =	vld.idx.msk [tilespmem:v54+s26+$0x0], $0xffff;
	v28 =	vsub.f32 v42, v28;
	v58 =	vmul.f32 v41, v41;
	v19 =	vmul.f32 v35, v36  }
0x44d: {  	v61 =	vmov s10;
	v32 =	vsub.f32 v62, v32;
	v59 =	vld.idx.msk [tilespmem:v49+s25+$0x0], $0xffff;
	v27 =	vadd.f32 v55, v27  }
0x44e: {  	v33 =	vshll.u32 v61, $0x4;
	v37 =	vsub.f32 v50, v53;
	v60 =	vld.idx.msk [tilespmem:v49+s26+$0x0], $0xffff;
	v19 =	vadd.f32 $3.333333430e-01, v19  }
0x44f: {  	v62 =	vld.idx.msk [tilespmem:v54+s25+$0x0], $0xffff;
	v32 =	vmul.f32 v32, v32;
	v63 =	vor.u32 v15, v31;
	v27 =	vadd.f32 v58, v27  }
0x450: {  	v48 =	vld.idx.msk [tilespmem:v57+s25+$0x0], $0xffff;
	v34 =	vsub.f32 v56, v34;
	v37 =	vmul.f32 v37, v37;
	v31 =	vor.u32 v16, v31  }
0x451: {  	v30 =	vld.idx.msk [tilespmem:v57+s26+$0x0], $0xffff;
	v36 =	vmul.f32 v19, v36;
	v19 =	vor.u32 v1, v33;
	v27 =	vadd.f32 v32, v27  }
0x452: {  	v49 =	vmul.f32 v34, v34;
	v53 =	vor.u32 v0, v19;
	v51 =	vmul.f32 v29, v29  }
0x453: {  	v61 =	vor.u32 v3, v19;
	v50 =	vsub.f32 v59, v60;
	v27 =	vadd.f32 v37, v27  }
0x454: {  	v56 =	vadd.f32 $1.000000000e+00, v36;
	v59 =	vor.u32 v2, v19;
	v57 =	vmul.f32 $1.428571490e-01, v51;
	v52 =	vld.idx.msk [tilespmem:v63+s25+$0x0], $0xffff  }
0x455: {  	v54 =	vld.idx.msk [tilespmem:v63+s26+$0x0], $0xffff;
	v55 =	vmul.f32 v50, v50;
	v32 =	vsub.f32 v62, v47;
	v27 =	vadd.f32 v49, v27  }
0x456: {  	v46 =	vor.u32 v5, v19;
	v30 =	vsub.f32 v48, v30;
	v58 =	vld.idx.msk [tilespmem:v31+s25+$0x0], $0xffff;
	v60 =	vadd.f32 $2.000000030e-01, v57  }
0x457: {  	v26 =	vmul.f32 v56, v26;
	v31 =	vld.idx.msk [tilespmem:v31+s26+$0x0], $0xffff;
	v32 =	vmul.f32 v32, v32;
	v27 =	vadd.f32 v55, v27  }
0x458: {  	v18 =	vadd.f32 v21, v18;
	v30 =	vmul.f32 v30, v30;
	v42 =	vld.idx.msk [tilespmem:v53+s26+$0x0], $0xffff;
	v33 =	vmul.f32 v60, v51  }
0x459: {  	v56 =	vor.u32 v10, v19;
	v21 =	vadd.f32 v26, v25;
	v26 =	vld.idx.msk [tilespmem:v61+s25+$0x0], $0xffff;
	v27 =	vadd.f32 v32, v27  }
0x45a: {  	v28 =	vmul.f32 v28, v28;
	v44 =	vld.idx.msk [tilespmem:v59+s25+$0x0], $0xffff;
	v33 =	vadd.f32 $3.333333430e-01, v33  }
0x45b: {  	v45 =	vld.idx.msk [tilespmem:v59+s26+$0x0], $0xffff;
	v63 =	vsub.f32 v52, v54;
	v27 =	vadd.f32 v30, v27;
	v30 =	vor.u32 v4, v19  }
0x45c: {  	v50 =	vor.u32 v9, v19;
	v36 =	vld.idx.msk [tilespmem:v46+s26+$0x0], $0xffff;
	v25 =	vmul.f32 v33, v51  }
0x45d: {  	v62 =	vld.idx.msk [tilespmem:v53+s25+$0x0], $0xffff;
	v31 =	vsub.f32 v58, v31;
	v27 =	vadd.f32 v28, v27;
	v28 =	vmul.f32 v63, v63  }
0x45e: {  	v29 =	vadd.f32 v29, v29;
	v21 =	vmul.f32 $1.000000010e-01, v21;
	v59 =	vld.idx.msk [tilespmem:v56+s25+$0x0], $0xffff;
	v25 =	vadd.f32 $1.000000000e+00, v25  }
0x45f: {  	v47 =	vor.u32 v6, v19;
	v27 =	vadd.f32 v28, v27;
	v28 =	vmul.f32 v31, v31;
	v31 =	vld.idx.msk [tilespmem:v61+s26+$0x0], $0xffff  }
0x460: {  	v18 =	vadd.f32 v21, v18;
	v21 =	vmul.f32 v25, v29;
	v25 =	vsub.f32 v44, v45;
	v48 =	vld.idx.msk [tilespmem:v30+s25+$0x0], $0xffff  }
0x461: {  	v49 =	vor.u32 v8, v19;
	v30 =	vld.idx.msk [tilespmem:v30+s26+$0x0], $0xffff;
	v27 =	vadd.f32 v28, v27  }
0x462: {  	v22 =	vmax.f32 v22, $0.0e+00;
	v57 =	vld.idx.msk [tilespmem:v50+s25+$0x0], $0xffff;
	v25 =	vmul.f32 v25, v25;
	v28 =	vsub.f32 v62, v42  }
0x463: {  	v29 =	vld.idx.msk [tilespmem:v46+s25+$0x0], $0xffff;
	v21 =	vadd.f32 v21, v22;
	v22 =	vor.u32 v11, v19;
	v27 =	vmax.f32 v27, $1.000000020e-24  }
0x464: {  	v52 =	vld.idx.msk [tilespmem:v47+s25+$0x0], $0xffff;
	v28 =	vmul.f32 v28, v28;
	v51 =	vshra.s32 v27, $0x1;
	v26 =	vsub.f32 v26, v31  }
0x465: {  	v32 =	vld.idx.msk [tilespmem:v47+s26+$0x0], $0xffff;
	v31 =	vor.u32 v7, v19;
	v53 =	vmul.f32 $5.000000000e-01, v27;
	v37 =	vsub.s32 $0x5F3759DF, v51  }
0x466: {  	v54 =	vld.idx.msk [tilespmem:v49+s25+$0x0], $0xffff;
	v30 =	vsub.f32 v48, v30;
	v25 =	vadd.f32 v25, v28;
	v26 =	vmul.f32 v26, v26  }
0x467: {  	v55 =	vld.idx.msk [tilespmem:v49+s26+$0x0], $0xffff;
	v28 =	vmul.f32 v37, v53  }
0x468: {  	v29 =	vsub.f32 v29, v36;
	v61 =	vld.idx.msk [tilespmem:v22+s25+$0x0], $0xffff;
	v25 =	vadd.f32 v26, v25;
	v26 =	vmul.f32 v30, v30  }
0x469: {  	v63 =	vor.u32 v14, v19;
	v28 =	vmul.f32 v37, v28;
	v30 =	vld.idx.msk [tilespmem:v50+s26+$0x0], $0xffff  }
0x46a: {  	v32 =	vsub.f32 v52, v32;
	v58 =	vld.idx.msk [tilespmem:v31+s25+$0x0], $0xffff;
	v25 =	vadd.f32 v26, v25;
	v26 =	vmul.f32 v29, v29  }
0x46b: {  	v28 =	vsub.f32 $1.500000000e+00, v28;
	v29 =	vld.idx.msk [tilespmem:v31+s26+$0x0], $0xffff;
	v31 =	vor.u32 v12, v19  }
0x46c: {  	v33 =	vsub.f32 v54, v55;
	v22 =	vld.idx.msk [tilespmem:v22+s26+$0x0], $0xffff;
	v25 =	vadd.f32 v26, v25;
	v26 =	vmul.f32 v32, v32  }
0x46d: {  	v23 =	vmul.f32 v24, v23;
	v60 =	vld.idx.msk [tilespmem:v56+s26+$0x0], $0xffff;
	v24 =	vmul.f32 v37, v28;
	v28 =	vor.u32 v13, v19  }
0x46e: {  	v49 =	vld.idx.msk [tilespmem:v63+s25+$0x0], $0xffff;
	v30 =	vsub.f32 v57, v30;
	v25 =	vadd.f32 v26, v25;
	v26 =	vmul.f32 v33, v33  }
0x46f: {  	v46 =	vor.u32 v15, v19;
	v50 =	vld.idx.msk [tilespmem:v63+s26+$0x0], $0xffff;
	v44 =	vmul.f32 v24, v53  }
0x470: {  	v29 =	vsub.f32 v58, v29;
	v45 =	vld.idx.msk [tilespmem:v31+s25+$0x0], $0xffff;
	v25 =	vadd.f32 v26, v25;
	v26 =	vmul.f32 v30, v30  }
0x471: {  	v22 =	vsub.f32 v61, v22;
	v19 =	vor.u32 v16, v19;
	v31 =	vld.idx.msk [tilespmem:v31+s26+$0x0], $0xffff;
	v38 =	vmul.f32 v44, v24  }
0x472: {  	v47 =	vld.idx.msk [tilespmem:v28+s25+$0x0], $0xffff;
	v25 =	vadd.f32 v26, v25;
	v26 =	vmul.f32 v29, v29;
	v29 =	vsub.f32 v59, v60  }
0x473: {  	v62 =	vmul.f32 v23, v23;
	v22 =	vmul.f32 v22, v22;
	v28 =	vld.idx.msk [tilespmem:v28+s26+$0x0], $0xffff;
	v48 =	vsub.f32 $1.500000000e+00, v38  }
0x474: {  	s11 =	simm.s32 $0x20;
	v32 =	vsub.f32 v49, v50;
	v25 =	vadd.f32 v26, v25;
	v26 =	vmul.f32 v29, v29  }
0x475: {  	v51 =	vld.idx.msk [tilespmem:v46+s25+$0x0], $0xffff;
	v30 =	vmov s11;
	v29 =	vmul.f32 $1.428571490e-01, v62;
	v24 =	vmul.f32 v48, v24  }
0x476: {  	v30 =	vshll.u32 v30, $0x4;
	v54 =	vld.idx.msk [tilespmem:v19+s25+$0x0], $0xffff;
	v25 =	vadd.f32 v26, v25;
	v26 =	vsub.f32 v45, v31  }
0x477: {  	v30 =	vor.u32 v1, v30;
	v29 =	vadd.f32 $2.000000030e-01, v29;
	v31 =	vmul.f32 v24, v53;
	v53 =	vld.idx.msk [tilespmem:v46+s26+$0x0], $0xffff  }
0x478: {  	v19 =	vld.idx.msk [tilespmem:v19+s26+$0x0], $0xffff;
	v22 =	vadd.f32 v22, v25;
	v25 =	vmul.f32 v26, v26;
	v26 =	vsub.f32 v47, v28  }
0x479: {  	v52 =	vor.u32 v0, v30;
	v28 =	vmul.f32 v29, v62;
	v29 =	vmul.f32 v31, v24  }
0x47a: {  	v55 =	vor.u32 v4, v30;
	v22 =	vadd.f32 v25, v22;
	v25 =	vmul.f32 v26, v26  }
0x47b: {  	v31 =	vor.u32 v2, v30;
	v26 =	vadd.f32 $3.333333430e-01, v28;
	v28 =	vsub.f32 $1.500000000e+00, v29  }
0x47c: {  	v35 =	vsub.f32 v51, v53;
	v22 =	vadd.f32 v25, v22;
	v25 =	vmul.f32 v32, v32  }
0x47d: {  	v19 =	vsub.f32 v54, v19;
	v29 =	vor.u32 v3, v30;
	v26 =	vmul.f32 v26, v62  }
0x47e: {  	v56 =	vld.idx.msk [tilespmem:v52+s26+$0x0], $0xffff;
	v24 =	vmul.f32 v28, v24;
	v22 =	vadd.f32 v25, v22;
	v25 =	vmul.f32 v35, v35  }
0x47f: {  	v21 =	vmul.f32 $1.000000010e-01, v21;
	v23 =	vadd.f32 v23, v23;
	v19 =	vmul.f32 v19, v19;
	v28 =	vld.idx.msk [tilespmem:v52+s25+$0x0], $0xffff  }
0x480: {  	v26 =	vadd.f32 $1.000000000e+00, v26;
	v24 =	vmul.f32 v24, v27;
	v27 =	vld.idx.msk [tilespmem:v31+s25+$0x0], $0xffff;
	v22 =	vadd.f32 v25, v22  }
0x481: {  	v57 =	vor.u32 v5, v30;
	v31 =	vld.idx.msk [tilespmem:v31+s26+$0x0], $0xffff  }
0x482: {  	v21 =	vadd.f32 v21, v18;
	v32 =	vld.idx.msk [tilespmem:v55+s26+$0x0], $0xffff;
	v18 =	vmul.f32 v26, v23;
	v19 =	vadd.f32 v19, v22  }
0x483: {  	v20 =	vmax.f32 v20, $0.0e+00;
	v23 =	vadd.f32 $9.999999930e-09, v24;
	v24 =	vld.idx.msk [tilespmem:v29+s25+$0x0], $0xffff  }
0x484: {  	v25 =	vld.idx.msk [tilespmem:v29+s26+$0x0], $0xffff;
	v22 =	vadd.f32 v18, v20;
	v20 =	vmax.f32 v19, $1.000000020e-24  }
0x485: {  	v18 =	vsub.f32 v17, v23;
	v23 =	vld.idx.msk [tilespmem:v55+s25+$0x0], $0xffff;
	v59 =	vshra.s32 v20, $0x1;
	v37 =	vmul.f32 $5.000000000e-01, v20  }
0x486: {  	v28 =	vsub.f32 v28, v56;
	v27 =	vsub.f32 v27, v31;
	v31 =	vld.idx.msk [tilespmem:v57+s26+$0x0], $0xffff;
	v60 =	vsub.s32 $0x5F3759DF, v59  }
0x487: {  	v58 =	vor.u32 v8, v30;
	v18 =	vmul.f32 $1.000000000e+01, v18;
	v19 =	vld.idx.msk [tilespmem:v57+s25+$0x0], $0xffff;
	v44 =	vmul.f32 v60, v37  }
0x488: {  	v26 =	vor.u32 v6, v30;
	v28 =	vmul.f32 v28, v28;
	v27 =	vmul.f32 v27, v27  }
0x489: {  	v24 =	vsub.f32 v24, v25;
	v62 =	vand.u32 $0x7FFFFFFF, v18;
	v39 =	vmul.f32 v60, v44  }
0x48a: {  	v61 =	vor.u32 v7, v30;
	v36 =	vsub.f32 $0.0e+00, v62;
	v23 =	vsub.f32 v23, v32  }
0x48b: {  	v27 =	vadd.f32 v27, v28;
	v24 =	vmul.f32 v24, v24;
	v39 =	vsub.f32 $1.500000000e+00, v39  }
0x48c: {  	v45 =	vld.idx.msk [tilespmem:v58+s25+$0x0], $0xffff;
	v29 =	vor.u32 v9, v30;
	v28 =	vmul.f32 $1.442695020e+00, v36;
	v19 =	vsub.f32 v19, v31  }
0x48d: {  	v46 =	vld.idx.msk [tilespmem:v58+s26+$0x0], $0xffff;
	v24 =	vadd.f32 v24, v27;
	v23 =	vmul.f32 v23, v23;
	v31 =	vmul.f32 v60, v39  }
0x48e: {  	v47 =	vor.u32 v10, v30;
	v22 =	vmul.f32 $1.000000010e-01, v22;
	v63 =	vld.idx.msk [tilespmem:v26+s25+$0x0], $0xffff;
	(erf) = vpow2.f32 v28  }
0x48f: {  	v25 =	vld.idx.msk [tilespmem:v26+s26+$0x0], $0xffff;
	v23 =	vadd.f32 v23, v24;
	v19 =	vmul.f32 v19, v19;
	v50 =	vmul.f32 v31, v37  }
0x490: {  	v34 =	vld.idx.msk [tilespmem:v61+s26+$0x0], $0xffff;
	v24 =	vor.u32 v12, v30  }
0x491: {  	v48 =	vld.idx.msk [tilespmem:v29+s25+$0x0], $0xffff;
	v23 =	vadd.f32 v19, v23;
	v19 =	vadd.f32 v22, v21;
	v22 =	vmul.f32 v50, v31  }
0x492: {  	v29 =	vld.idx.msk [tilespmem:v29+s26+$0x0], $0xffff  }
0x493: {  	v51 =	vld.idx.msk [tilespmem:v47+s25+$0x0], $0xffff;
	v27 =	vor.u32 v11, v30;
	v22 =	vsub.f32 $1.500000000e+00, v22  }
0x494: {  	v35 =	vld.idx.msk [tilespmem:v47+s26+$0x0], $0xffff;
	v49 =	vsub.f32 v63, v25  }
0x495: {  	v58 =	vor.u32 v16, v30;
	v55 =	vor.u32 v15, v30;
	v28 =	vld.idx.msk [tilespmem:v61+s25+$0x0], $0xffff  }
0x496: {  	v26 =	vor.u32 v14, v30;
	v32 =	vsub.f32 v45, v46;
	v33 =	vmul.f32 v49, v49;
	v54 =	vld.idx.msk [tilespmem:v24+s25+$0x0], $0xffff  }
0x497: {  	v29 =	vsub.f32 v48, v29;
	v21 =	vor.u32 v13, v30;
	v56 =	vld.idx.msk [tilespmem:v24+s26+$0x0], $0xffff;
	v24 =	vmul.f32 v22, v31;
	v22 =	vpop (erf)  }
0x498: {  	s15 =	simm.s32 $0x30;
	v32 =	vmul.f32 v32, v32;
	v52 =	vld.idx.msk [tilespmem:v27+s25+$0x0], $0xffff;
	v23 =	vadd.f32 v33, v23;
	v30 =	vadd.f32 $2.000000000e+00, v22  }
0x499: {  	v53 =	vmov s15;
	v29 =	vmul.f32 v29, v29;
	v27 =	vld.idx.msk [tilespmem:v27+s26+$0x0], $0xffff  }
0x49a: {  	v28 =	vsub.f32 v28, v34;
	v23 =	vadd.f32 v32, v23;
	(erf) = vrcp.f32 v30  }
0x49b: {  	v57 =	vshll.u32 v53, $0x4;
	v25 =	vld.idx.msk [tilespmem:v26+s25+$0x0], $0xffff  }
0x49c: {  	v59 =	vld.idx.msk [tilespmem:v21+s25+$0x0], $0xffff;
	v28 =	vmul.f32 v28, v28;
	v23 =	vadd.f32 v29, v23;
	v29 =	vsub.f32 v51, v35  }
0x49d: {  	v60 =	vld.idx.msk [tilespmem:v21+s26+$0x0], $0xffff;
	v21 =	vor.u32 v1, v57;
	v61 =	vmul.f32 v24, v37  }
0x49e: {  	v27 =	vsub.f32 v52, v27;
	v31 =	vld.idx.msk [tilespmem:v26+s26+$0x0], $0xffff;
	v23 =	vadd.f32 v28, v23;
	v26 =	vmul.f32 v29, v29  }
0x49f: {  	v32 =	vor.u32 v0, v21;
	v28 =	vld.idx.msk [tilespmem:v55+s25+$0x0], $0xffff;
	v29 =	vmul.f32 v61, v24  }
0x4a0: {  	v36 =	vmul.f32 v27, v27;
	v63 =	vsub.f32 v54, v56;
	v62 =	vadd.f32 v26, v23;
	v30 =	vld.idx.msk [tilespmem:v55+s26+$0x0], $0xffff  }
0x4a1: {  	v33 =	vor.u32 v2, v21;
	v27 =	vld.idx.msk [tilespmem:v58+s25+$0x0], $0xffff;
	v23 =	vor.u32 v14, v21;
	v26 =	vsub.f32 $1.500000000e+00, v29  }
0x4a2: {  	s8 =	simm.s32 $0x40;
	v35 =	vmul.f32 v63, v63;
	v34 =	vadd.f32 v36, v62;
	v36 =	vsub.f32 v59, v60;
	v29 =	vld.idx.msk [tilespmem:v58+s26+$0x0], $0xffff  }
.LBB2_12:
0x4a3: {  	p0 =	sne.s32 s8, $0x310;
	v37 =	vor.u32 v11, v21;
	v25 =	vsub.f32 v25, v31;
	v24 =	vmul.f32 v26, v24;
	v26 =	vpop (erf)  }
0x4a4: {  	v31 =	vld.idx.msk [tilespmem:v32+s25+$0x0], $0xffff;
	v34 =	vadd.f32 v35, v34;
	v35 =	vmul.f32 v36, v36;
	v22 =	vmul.f32 v26, v22  }
0x4a5: {  	v28 =	vsub.f32 v28, v30;
	v26 =	vld.idx.msk [tilespmem:v32+s26+$0x0], $0xffff;
	v32 =	vor.u32 v3, v21;
	v20 =	vmul.f32 v24, v20  }
0x4a6: {  	v25 =	vmul.f32 v25, v25;
	v24 =	vld.idx.msk [tilespmem:v33+s25+$0x0], $0xffff;
	v30 =	vadd.f32 v35, v34;
	v34 =	vmul.f32 v22, v22  }
0x4a7: {  	v35 =	vor.u32 v4, v21;
	v27 =	vsub.f32 v27, v29;
	v33 =	vld.idx.msk [tilespmem:v33+s26+$0x0], $0xffff;
	v20 =	vadd.f32 $9.999999930e-09, v20  }
0x4a8: {  	v28 =	vmul.f32 v28, v28;
	v25 =	vadd.f32 v25, v30;
	v29 =	vmul.f32 $1.428571490e-01, v34  }
0x4a9: {  	v36 =	vor.u32 v7, v21;
	v30 =	vor.u32 v5, v21;
	v20 =	vsub.f32 v17, v20  }
0x4aa: {  	v27 =	vmul.f32 v27, v27;
	v38 =	vld.idx.msk [tilespmem:v32+s25+$0x0], $0xffff;
	v25 =	vadd.f32 v28, v25;
	v28 =	vadd.f32 $2.000000030e-01, v29  }
0x4ab: {  	v39 =	vor.u32 v9, v21;
	v29 =	vld.idx.msk [tilespmem:v32+s26+$0x0], $0xffff;
	v32 =	vor.u32 v6, v21;
	v40 =	vmul.f32 $1.000000000e+01, v20  }
0x4ac: {  	v42 =	vor.u32 v8, v21;
	v41 =	vld.idx.msk [tilespmem:v35+s25+$0x0], $0xffff;
	v20 =	vadd.f32 v27, v25;
	v25 =	vmul.f32 v28, v34  }
0x4ad: {  	v26 =	vsub.f32 v31, v26;
	v24 =	vsub.f32 v24, v33;
	v27 =	vld.idx.msk [tilespmem:v35+s26+$0x0], $0xffff;
	v28 =	vand.u32 $0x7FFFFFFF, v40  }
0x4ae: {  	v31 =	vld.idx.msk [tilespmem:v30+s25+$0x0], $0xffff;
	v20 =	vmax.f32 v20, $1.000000020e-24;
	v28 =	vsub.f32 $0.0e+00, v28;
	v25 =	vadd.f32 $3.333333430e-01, v25  }
0x4af: {  	v26 =	vmul.f32 v26, v26;
	v30 =	vld.idx.msk [tilespmem:v30+s26+$0x0], $0xffff;
	v33 =	vshra.s32 v20, $0x1;
	v35 =	vmul.f32 $5.000000000e-01, v20  }
0x4b0: {  	v43 =	vld.idx.msk [tilespmem:v32+s25+$0x0], $0xffff;
	v33 =	vsub.s32 $0x5F3759DF, v33;
	v28 =	vmul.f32 $1.442695020e+00, v28;
	v25 =	vmul.f32 v25, v34  }
0x4b1: {  	v24 =	vmul.f32 v24, v24;
	v29 =	vsub.f32 v38, v29;
	v32 =	vld.idx.msk [tilespmem:v32+s26+$0x0], $0xffff;
	v34 =	vmul.f32 v33, v35  }
0x4b2: {  	v22 =	vadd.f32 v22, v22;
	v38 =	vld.idx.msk [tilespmem:v42+s25+$0x0], $0xffff;
	(erf) = vpow2.f32 v28;
	v25 =	vadd.f32 $1.000000000e+00, v25  }
0x4b3: {  	v27 =	vsub.f32 v41, v27;
	v41 =	vor.u32 v10, v21;
	v28 =	vld.idx.msk [tilespmem:v42+s26+$0x0], $0xffff;
	v34 =	vmul.f32 v33, v34  }
0x4b4: {  	v24 =	vadd.f32 v24, v26;
	v26 =	vmul.f32 v29, v29;
	v29 =	vld.idx.msk [tilespmem:v39+s25+$0x0], $0xffff;
	v22 =	vmul.f32 v25, v22  }
0x4b5: {  	v25 =	vsub.f32 v31, v30;
	v30 =	vld.idx.msk [tilespmem:v39+s26+$0x0], $0xffff;
	v31 =	vsub.f32 $1.500000000e+00, v34;
	v34 =	vmax.f32 v18, $0.0e+00;
	v18 =	vmovc v40  }
0x4b6: {  	v24 =	vadd.f32 v26, v24;
	v26 =	vmul.f32 v27, v27;
	v27 =	vld.idx.msk [tilespmem:v36+s25+$0x0], $0xffff;
	v22 =	vadd.f32 v22, v34  }
0x4b7: {  	v32 =	vsub.f32 v43, v32;
	v34 =	vld.idx.msk [tilespmem:v36+s26+$0x0], $0xffff;
	v36 =	vor.u32 v12, v21;
	v31 =	vmul.f32 v33, v31  }
0x4b8: {  	v24 =	vadd.f32 v26, v24;
	v26 =	vmul.f32 v25, v25;
	v25 =	vld.idx.msk [tilespmem:v23+s25+$0x0], $0xffff;
	v42 =	vmul.f32 $1.000000010e-01, v22  }
0x4b9: {  	v28 =	vsub.f32 v38, v28;
	v38 =	vor.u32 v13, v21;
	v33 =	vld.idx.msk [tilespmem:v41+s25+$0x0], $0xffff;
	v39 =	vmul.f32 v31, v35  }
0x4ba: {  	v24 =	vadd.f32 v26, v24;
	v26 =	vmul.f32 v32, v32;
	v32 =	vld.idx.msk [tilespmem:v41+s26+$0x0], $0xffff;
	v19 =	vadd.f32 v42, v19  }
0x4bb: {  	v40 =	vmov s8;
	v29 =	vsub.f32 v29, v30;
	v30 =	vld.idx.msk [tilespmem:v37+s25+$0x0], $0xffff;
	v39 =	vmul.f32 v39, v31;
	v22 =	vpop (erf)  }
0x4bc: {  	v24 =	vadd.f32 v26, v24;
	v26 =	vmul.f32 v28, v28;
	v28 =	vld.idx.msk [tilespmem:v37+s26+$0x0], $0xffff;
	v37 =	vadd.f32 $2.000000000e+00, v22  }
0x4bd: {  	v41 =	vor.u32 v15, v21;
	v27 =	vsub.f32 v27, v34;
	v34 =	vld.idx.msk [tilespmem:v36+s25+$0x0], $0xffff;
	v39 =	vsub.f32 $1.500000000e+00, v39  }
0x4be: {  	v26 =	vadd.f32 v26, v24;
	v29 =	vmul.f32 v29, v29;
	v36 =	vld.idx.msk [tilespmem:v36+s26+$0x0], $0xffff;
	(erf) = vrcp.f32 v37  }
0x4bf: {  	v42 =	vor.u32 v16, v21;
	v37 =	vshll.u32 v40, $0x4;
	v40 =	vld.idx.msk [tilespmem:v38+s25+$0x0], $0xffff;
	v24 =	vmul.f32 v39, v31  }
0x4c0: {  	v26 =	vadd.f32 v29, v26;
	v27 =	vmul.f32 v27, v27;
	v29 =	vsub.f32 v33, v32;
	v38 =	vld.idx.msk [tilespmem:v38+s26+$0x0], $0xffff  }
0x4c1: {  	v21 =	vor.u32 v1, v37;
	v31 =	vld.idx.msk [tilespmem:v23+s26+$0x0], $0xffff;
	v23 =	vmul.f32 v24, v35  }
.Ltmp5:
0x4c2: {  	v26 =	vadd.f32 v27, v26;
	v27 =	vmul.f32 v29, v29;
	v29 =	vsub.f32 v30, v28;
	v28 =	vld.idx.msk [tilespmem:v41+s25+$0x0], $0xffff;
	(pc) =	sbr.rel @p0 .LBB2_12-.Ltmp5, $4  }
0x4c3: {  	v32 =	vor.u32 v0, v21;
	v30 =	vld.idx.msk [tilespmem:v41+s26+$0x0], $0xffff;
	v35 =	vmul.f32 v23, v24  }
0x4c4: {  	v37 =	vadd.f32 v27, v26;
	v39 =	vmul.f32 v29, v29;
	v36 =	vsub.f32 v34, v36;
	v27 =	vld.idx.msk [tilespmem:v42+s25+$0x0], $0xffff  }
0x4c5: {  	v33 =	vor.u32 v2, v21;
	v23 =	vor.u32 v14, v21;
	v29 =	vld.idx.msk [tilespmem:v42+s26+$0x0], $0xffff;
	v26 =	vsub.f32 $1.500000000e+00, v35  }
0x4c6: {  	s8 =	sadd.s32 $0x10, s8;
	v34 =	vadd.f32 v39, v37;
	v35 =	vmul.f32 v36, v36;
	v36 =	vsub.f32 v40, v38  }
0x4c7: {  	_ =	sdelay $0x2  }
0x4c8: {  	v37 =	vor.u32 v3, v21  }
0x4c9: {  	v38 =	vld.idx.msk [tilespmem:v32+s25+$0x0], $0xffff  }
0x4ca: {  	v50 =	vld.idx.msk [tilespmem:v32+s26+$0x0], $0xffff;
	v39 =	vor.u32 v4, v21  }
0x4cb: {  	v40 =	vld.idx.msk [tilespmem:v33+s25+$0x0], $0xffff  }
0x4cc: {  	v51 =	vld.idx.msk [tilespmem:v33+s26+$0x0], $0xffff;
	v41 =	vor.u32 v5, v21  }
0x4cd: {  	v42 =	vld.idx.msk [tilespmem:v37+s25+$0x0], $0xffff  }
0x4ce: {  	v43 =	vor.u32 v6, v21;
	v37 =	vld.idx.msk [tilespmem:v37+s26+$0x0], $0xffff  }
0x4cf: {  	v44 =	vld.idx.msk [tilespmem:v39+s25+$0x0], $0xffff  }
0x4d0: {  	v45 =	vor.u32 v8, v21;
	v39 =	vld.idx.msk [tilespmem:v39+s26+$0x0], $0xffff  }
0x4d1: {  	v52 =	vld.idx.msk [tilespmem:v41+s25+$0x0], $0xffff  }
0x4d2: {  	v53 =	vor.u32 v9, v21;
	v32 =	vsub.f32 v38, v50;
	v33 =	vsub.f32 v40, v51;
	v41 =	vld.idx.msk [tilespmem:v41+s26+$0x0], $0xffff  }
0x4d3: {  	v55 =	vor.u32 v7, v21;
	v54 =	vld.idx.msk [tilespmem:v43+s25+$0x0], $0xffff  }
0x4d4: {  	v43 =	vld.idx.msk [tilespmem:v43+s26+$0x0], $0xffff;
	v32 =	vmul.f32 v32, v32;
	v33 =	vmul.f32 v33, v33;
	v37 =	vsub.f32 v42, v37  }
0x4d5: {  	v59 =	vor.u32 v10, v21;
	v56 =	vld.idx.msk [tilespmem:v45+s25+$0x0], $0xffff  }
0x4d6: {  	v58 =	vld.idx.msk [tilespmem:v45+s26+$0x0], $0xffff;
	v32 =	vadd.f32 v33, v32;
	v39 =	vsub.f32 v44, v39;
	v37 =	vmul.f32 v37, v37  }
0x4d7: {  	v25 =	vsub.f32 v25, v31;
	v61 =	vor.u32 v11, v21;
	v47 =	vor.u32 v12, v21;
	v60 =	vld.idx.msk [tilespmem:v53+s25+$0x0], $0xffff  }
0x4d8: {  	v62 =	vld.idx.msk [tilespmem:v53+s26+$0x0], $0xffff;
	v38 =	vsub.f32 v52, v41;
	v39 =	vmul.f32 v39, v39;
	v32 =	vadd.f32 v37, v32  }
0x4d9: {  	v34 =	vadd.f32 v35, v34;
	v57 =	vmul.f32 v36, v36;
	v28 =	vsub.f32 v28, v30;
	v63 =	vld.idx.msk [tilespmem:v55+s25+$0x0], $0xffff  }
0x4da: {  	v46 =	vld.idx.msk [tilespmem:v55+s26+$0x0], $0xffff;
	v45 =	vsub.f32 v54, v43;
	v38 =	vmul.f32 v38, v38;
	v32 =	vadd.f32 v39, v32  }
0x4db: {  	v25 =	vmul.f32 v25, v25;
	v34 =	vadd.f32 v57, v34;
	v48 =	vld.idx.msk [tilespmem:v59+s25+$0x0], $0xffff;
	v50 =	vor.u32 v13, v21  }
0x4dc: {  	v51 =	vld.idx.msk [tilespmem:v59+s26+$0x0], $0xffff;
	v33 =	vsub.f32 v56, v58;
	v49 =	vmul.f32 v45, v45;
	v32 =	vadd.f32 v38, v32  }
0x4dd: {  	v27 =	vsub.f32 v27, v29;
	v28 =	vmul.f32 v28, v28;
	v25 =	vadd.f32 v25, v34;
	v53 =	vld.idx.msk [tilespmem:v61+s26+$0x0], $0xffff  }
0x4de: {  	v31 =	vld.idx.msk [tilespmem:v47+s26+$0x0], $0xffff;
	v35 =	vsub.f32 v60, v62;
	v33 =	vmul.f32 v33, v33;
	v32 =	vadd.f32 v49, v32  }
0x4df: {  	v27 =	vmul.f32 v27, v27;
	v59 =	vor.u32 v16, v21;
	v25 =	vadd.f32 v28, v25;
	v52 =	vld.idx.msk [tilespmem:v61+s25+$0x0], $0xffff  }
0x4e0: {  	v29 =	vsub.f32 v63, v46;
	v54 =	vld.idx.msk [tilespmem:v47+s25+$0x0], $0xffff;
	v55 =	vmul.f32 v35, v35;
	v32 =	vadd.f32 v33, v32  }
0x4e1: {  	v25 =	vadd.f32 v27, v25;
	v56 =	vor.u32 v15, v21;
	v57 =	vld.idx.msk [tilespmem:v50+s25+$0x0], $0xffff  }
0x4e2: {  	v58 =	vsub.f32 v48, v51;
	v34 =	vld.idx.msk [tilespmem:v50+s26+$0x0], $0xffff;
	v29 =	vmul.f32 v29, v29;
	v32 =	vadd.f32 v55, v32  }
0x4e3: {  	v60 =	vld.idx.msk [tilespmem:v23+s25+$0x0], $0xffff;
	v25 =	vmax.f32 v25, $1.000000020e-24  }
0x4e4: {  	v63 =	vld.idx.msk [tilespmem:v23+s26+$0x0], $0xffff;
	v61 =	vmul.f32 v58, v58;
	v28 =	vsub.f32 v52, v53;
	v29 =	vadd.f32 v29, v32  }
0x4e5: {  	v43 =	vld.idx.msk [tilespmem:v59+s25+$0x0], $0xffff;
	v62 =	vshra.s32 v25, $0x1  }
0x4e6: {  	v40 =	vld.idx.msk [tilespmem:v56+s25+$0x0], $0xffff;
	v30 =	vsub.f32 v54, v31;
	v28 =	vmul.f32 v28, v28;
	v29 =	vadd.f32 v61, v29  }
0x4e7: {  	v41 =	vmul.f32 $5.000000000e-01, v25;
	v42 =	vsub.s32 $0x5F3759DF, v62;
	v27 =	vld.idx.msk [tilespmem:v56+s26+$0x0], $0xffff  }
0x4e8: {  	v21 =	vld.idx.msk [tilespmem:v59+s26+$0x0], $0xffff;
	v45 =	vsub.f32 v57, v34;
	v44 =	vmul.f32 v30, v30;
	v28 =	vadd.f32 v28, v29  }
0x4e9: {  	v46 =	vmul.f32 v42, v41  }
0x4ea: {  	v23 =	vsub.f32 v60, v63;
	v47 =	vmul.f32 v45, v45;
	v28 =	vadd.f32 v44, v28  }
0x4eb: {  	v48 =	vmul.f32 v42, v46  }
0x4ec: {  	v23 =	vmul.f32 v23, v23;
	v27 =	vsub.f32 v40, v27;
	v28 =	vadd.f32 v47, v28  }
0x4ed: {  	v21 =	vsub.f32 v43, v21  }
0x4ee: {  	v49 =	vsub.f32 $1.500000000e+00, v48;
	v27 =	vmul.f32 v27, v27;
	v23 =	vadd.f32 v23, v28;
	_ =	sdelay $0x1  }
0x4ef: {  	v21 =	vmul.f32 v21, v21;
	v50 =	vmul.f32 v42, v49;
	v23 =	vadd.f32 v27, v23;
	_ =	sdelay $0x1  }
0x4f0: {  	v51 =	vmul.f32 v50, v41;
	v21 =	vadd.f32 v21, v23  }
0x4f1: {  	v52 =	vmul.f32 v26, v24  }
0x4f2: {  	v53 =	vmul.f32 v51, v50;
	v21 =	vmax.f32 v21, $1.000000020e-24  }
0x4f3: {  	v20 =	vmul.f32 v52, v20;
	v54 =	vshra.s32 v21, $0x1;
	v55 =	vmul.f32 $5.000000000e-01, v21  }
0x4f4: {  	v24 =	vsub.f32 $1.500000000e+00, v53;
	v23 =	vsub.s32 $0x5F3759DF, v54  }
0x4f5: {  	v20 =	vadd.f32 $9.999999930e-09, v20;
	v56 =	vmul.f32 v23, v55  }
0x4f6: {  	v24 =	vmul.f32 v24, v50  }
0x4f7: {  	v20 =	vsub.f32 v17, v20;
	v27 =	vmul.f32 v23, v56  }
0x4f8: {  	v28 =	vmul.f32 v24, v41  }
0x4f9: {  	v20 =	vmul.f32 $1.000000000e+01, v20;
	v27 =	vsub.f32 $1.500000000e+00, v27  }
0x4fa: {  	v28 =	vmul.f32 v28, v24  }
0x4fb: {  	v57 =	vand.u32 $0x7FFFFFFF, v20;
	v23 =	vmul.f32 v23, v27  }
0x4fc: {  	v58 =	vsub.f32 $0.0e+00, v57;
	v28 =	vsub.f32 $1.500000000e+00, v28  }
0x4fd: {  	v59 =	vmul.f32 v23, v55  }
0x4fe: {  	v24 =	vmul.f32 v28, v24;
	v27 =	vmul.f32 $1.442695020e+00, v58  }
0x4ff: {  	v60 =	vmul.f32 v59, v23  }
0x500: {  	v24 =	vmul.f32 v24, v25;
	(erf) = vpow2.f32 v27  }
0x501: {  	v61 =	vsub.f32 $1.500000000e+00, v60  }
0x502: {  	v24 =	vadd.f32 $9.999999930e-09, v24  }
0x503: {  	v23 =	vmul.f32 v61, v23  }
0x504: {  	v24 =	vsub.f32 v17, v24  }
0x505: {  	v25 =	vmul.f32 v23, v55  }
0x506: {  	v24 =	vmul.f32 $1.000000000e+01, v24  }
0x507: {  	v25 =	vmul.f32 v25, v23  }
0x508: {  	v62 =	vpop (erf);
	v63 =	vand.u32 $0x7FFFFFFF, v24  }
0x509: {  	v27 =	vsub.f32 $0.0e+00, v63;
	v32 =	vpop (erf);
	v25 =	vsub.f32 $1.500000000e+00, v25  }
0x50a: {  	v33 =	vadd.f32 $2.000000000e+00, v32  }
0x50b: {  	v27 =	vmul.f32 $1.442695020e+00, v27;
	v23 =	vmul.f32 v25, v23  }
0x50c: {  	(erf) = vrcp.f32 v33  }
0x50d: {  	(erf) = vpow2.f32 v27;
	v21 =	vmul.f32 v23, v21;
	_ =	sdelay $0x1  }
0x50e: {  	v21 =	vadd.f32 $9.999999930e-09, v21;
	_ =	sdelay $0x1  }
0x50f: {  	v17 =	vsub.f32 v17, v21;
	_ =	sdelay $0x1  }
0x510: {  	v17 =	vmul.f32 $1.000000000e+01, v17;
	_ =	sdelay $0x1  }
0x511: {  	v34 =	vpop (erf);
	v35 =	vand.u32 $0x7FFFFFFF, v17  }
0x512: {  	v36 =	vpop (erf);
	v23 =	vsub.f32 $0.0e+00, v35  }
0x513: {  	v37 =	vadd.f32 $2.000000000e+00, v36  }
0x514: {  	v23 =	vmul.f32 $1.442695020e+00, v23  }
0x515: {  	(erf) = vrcp.f32 v37  }
0x516: {  	(erf) = vpow2.f32 v23;
	_ =	sdelay $0x7  }
0x517: {  	v38 =	vpop (erf)  }
0x518: {  	v39 =	vpop (erf)  }
0x519: {  	v40 =	vadd.f32 $2.000000000e+00, v39;
	_ =	sdelay $0x1  }
0x51a: {  	(erf) = vrcp.f32 v40;
	_ =	sdelay $0x2  }
0x51b: {  	v22 =	vmul.f32 v62, v22;
	_ =	sdelay $0x1  }
0x51c: {  	v26 =	vmul.f32 v22, v22;
	v21 =	vmul.f32 v34, v32;
	_ =	sdelay $0x1  }
0x51d: {  	v41 =	vmul.f32 $1.428571490e-01, v26;
	v42 =	vmul.f32 v21, v21  }
0x51e: {  	v23 =	vmul.f32 v38, v36  }
0x51f: {  	v43 =	vadd.f32 $2.000000030e-01, v41;
	v44 =	vmul.f32 $1.428571490e-01, v42;
	v45 =	vpop (erf)  }
0x520: {  	v46 =	vmul.f32 v23, v23;
	v27 =	vmul.f32 v45, v39  }
0x521: {  	v25 =	vmul.f32 v43, v26;
	v28 =	vadd.f32 $2.000000030e-01, v44  }
0x522: {  	v47 =	vmul.f32 $1.428571490e-01, v46;
	v48 =	vmul.f32 v27, v27  }
0x523: {  	v25 =	vadd.f32 $3.333333430e-01, v25;
	v28 =	vmul.f32 v28, v42  }
0x524: {  	v30 =	vadd.f32 $2.000000030e-01, v47;
	v49 =	vmul.f32 $1.428571490e-01, v48  }
0x525: {  	v25 =	vmul.f32 v25, v26;
	v50 =	vadd.f32 $3.333333430e-01, v28  }
0x526: {  	v51 =	vmul.f32 v30, v46;
	v52 =	vadd.f32 $2.000000030e-01, v49  }
0x527: {  	v22 =	vadd.f32 v22, v22;
	v25 =	vadd.f32 $1.000000000e+00, v25;
	v26 =	vmul.f32 v50, v42  }
0x528: {  	v28 =	vadd.f32 $3.333333430e-01, v51;
	v53 =	vmul.f32 v52, v48  }
0x529: {  	v22 =	vmul.f32 v25, v22;
	v21 =	vadd.f32 v21, v21;
	v54 =	vadd.f32 $1.000000000e+00, v26  }
0x52a: {  	v18 =	vmax.f32 v18, $0.0e+00;
	v55 =	vmul.f32 v28, v46;
	v56 =	vadd.f32 $3.333333430e-01, v53  }
0x52b: {  	v20 =	vmax.f32 v20, $0.0e+00;
	v18 =	vadd.f32 v22, v18;
	v21 =	vmul.f32 v54, v21  }
0x52c: {  	v57 =	vadd.f32 v23, v23;
	v58 =	vadd.f32 $1.000000000e+00, v55;
	v59 =	vmul.f32 v56, v48  }
0x52d: {  	v18 =	vmul.f32 $1.000000010e-01, v18;
	v20 =	vadd.f32 v21, v20  }
0x52e: {  	v60 =	vmul.f32 v58, v57;
	v61 =	vadd.f32 v27, v27;
	v62 =	vadd.f32 $1.000000000e+00, v59  }
0x52f: {  	v18 =	vadd.f32 v18, v19;
	v19 =	vmax.f32 v24, $0.0e+00  }
0x530: {  	v20 =	vmul.f32 $1.000000010e-01, v20;
	v19 =	vadd.f32 v60, v19;
	v63 =	vmul.f32 v62, v61  }
0x531: {  	v17 =	vmax.f32 v17, $0.0e+00  }
0x532: {  	v18 =	vadd.f32 v20, v18;
	v19 =	vmul.f32 $1.000000010e-01, v19;
	v17 =	vadd.f32 v63, v17;
	_ =	sdelay $0x1  }
0x533: {  	v18 =	vadd.f32 v19, v18;
	v17 =	vmul.f32 $1.000000010e-01, v17;
	_ =	sdelay $0x1  }
0x534: {  	s7 =	sadd.s32 $0x1, s7;
	v17 =	vadd.f32 v17, v18  }
0x535: {  	p0 =	sne.s32 s7, s16  }
.Ltmp6:
0x536: {  	s8 =	rddreg [dreg:$0x9];
	s9 =	simm.s32 $0x13EC0;
	[tilespmem:$0x13EC0] =	vst v17;
	(pc) =	sbr.rel @p0 .LBB2_1-.Ltmp6, $4  }
0x537: {  	[hbm4b:s8+s4] =	stream.linear.scatter [tilespmem:s9], [sflag:$0x5], $0x10, $0x38;
	[tilespmem:$0x13EE0] =	vst v63  }
0x538: {  	_ =	swait.ge [sflag:s18], $0x10  }
0x539: {  	[sflag:s18] =	ssyncset.done $0x0  }
0x53a: {  	[sflag:s18] =	ssyncadd.s32 $0xFFFFFFF0  }
0x53b: {  	_ =	sfence.sel $0x180000  }
0x53c: {  	[bflag:$0x0] =	sbarrier.arrive $0xFFFF  }
0x53d: {  	_ =	strace $0x90000047  }
0x53e: {  	s0 =	stileid.u32;
	[bflag:$0x2] =	sbarrier.arrive $0xFFFF  }
0x53f: {  	p0 =	sne.s32 s0, $0x0;
	s0 =	rddreg [dreg:$0x3]  }
0x540: {  	s0 =	sadd.s32 @!p0 $0x100000, s0  }
0x541: {  	[sflag:s0] =	ssyncadd.tile.s32 @!p0 $0x1;
	_ =	shalt  }
.Lfunc_end2:
_tile_overlayer_lowered:
.L_overlay_start_2:
0x542: {  	(tag) =	ssettag $0x2  }
0x543: {  	s0 =	rddreg [dreg:$0x0];
	s2 =	stileid.u32  }
0x544: {  	s1 =	rddreg [dreg:$0x1];
	p0 =	sne.s32 s2, $0x0  }
0x545: {  	s3 =	rddreg [dreg:$0x2];
	[bflag:$0x3] =	sbarrier.arrive $0xFFFF;
	s2 =	simm.s32 @!p0 $0x1C05  }
0x546: {  	[timem:s3], [sflag:s2] =	dma.local @!p0 [hbm:s0], s1  }
0x547: {  	s0 =	simm.s32 @!p0 $0x5  }
0x548: {  	_ =	swait.ge @!p0 [sflag:s0], s1  }
0x549: {  	s1 =	ssub.s32 @!p0 $0x0, s1;
	[sflag:s0] =	ssyncset.done @!p0 $0x0  }
0x54a: {  	[sflag:s0] =	ssyncadd.s32 @!p0 s1  }
0x54b: {  	[bflag:$0x3] =	sbarrier.arrive $0xFFFF  }
0x54c: {  	_ =	shalt  }

</sc_bundles>
